<compile_context>
chip_gen: v7x
topology: tpu7x:2x2x1
jax: 0.10.2.dev20260603
libtpu: 0.0.44.dev20260713+nightly
codegen_flags: <defaults>
</compile_context>

<pallas_src>
import functools

import jax
import jax.numpy as jnp
from jax import lax
from jax.experimental import pallas as pl
from jax.experimental.pallas import tpu as pltpu
from jax.experimental.pallas import tpu_sc as plsc

N = 10000
E = 320000
F = 128
H = 32
EMB = 16

NC = 2
NS = 16
NW = NC * NS
B = 128
G = 80
NBUF = 5

N_ACC = 10112
ZCHUNK = N_ACC // NS

_mesh = plsc.VectorSubcoreMesh(core_axis_name="c", subcore_axis_name="s")
_sc_params = pltpu.CompilerParams(use_tc_tiling_on_sc=False)


def _fill_vmem(ref, rows, width, value):
    vec = jnp.full((16,), value, jnp.float32)

    @pl.loop(0, rows)
    def _(r):
        for j in range(width // 16):
            ref[r, pl.ds(j * 16, 16)] = vec


def _zero_shared_start(shared, zsrc, s, psem):
    width = zsrc.shape[1]
    _fill_vmem(zsrc, B, width, 0.0)
    for i in range(ZCHUNK // B):
        pltpu.async_copy(zsrc, shared.at[pl.ds(s * ZCHUNK + i * B, B)],
                         psem.at[i])
    rem = ZCHUNK % B
    if rem:
        pltpu.async_copy(
            zsrc.at[pl.ds(0, rem)],
            shared.at[pl.ds(s * ZCHUNK + (ZCHUNK // B) * B, rem)],
            psem.at[ZCHUNK // B])


def _zero_shared_wait(shared, zsrc, s, psem):
    for i in range(ZCHUNK // B):
        pltpu.make_async_copy(zsrc, shared.at[pl.ds(s * ZCHUNK + i * B, B)],
                              psem.at[i]).wait()
    rem = ZCHUNK % B
    if rem:
        pltpu.make_async_copy(
            zsrc.at[pl.ds(0, rem)],
            shared.at[pl.ds(s * ZCHUNK + (ZCHUNK // B) * B, rem)],
            psem.at[ZCHUNK // B]).wait()


EPT = E // NW
FULLG = EPT // B


def _deg_body(ei_hbm, out_hbm, row_out, col_out,
              row1v, col1v, rowv, colv, onesv, zsrc, shared, ssems, psem):
    c = lax.axis_index("c")
    s = lax.axis_index("s")
    wid = c * NS + s
    era = pltpu.async_copy(ei_hbm.at[0, pl.ds(wid * EPT, EPT)], row1v,
                           psem.at[6])
    eca = pltpu.async_copy(ei_hbm.at[1, pl.ds(wid * EPT, EPT)], col1v,
                           psem.at[7])
    _zero_shared_start(shared, zsrc, s, psem)
    _fill_vmem(onesv, B, 16, 1.0)
    era.wait()
    eca.wait()

    @pl.loop(0, FULLG)
    def _(g):
        for k in range(B // 16):
            src = pl.ds(g * B + k * 16, 16)
            rowv[g, pl.ds(k * 16, 16)] = row1v[src]
            colv[g, pl.ds(k * 16, 16)] = col1v[src]

    zvec = jnp.zeros((16,), jnp.int32)
    nvec = jnp.full((16,), N, jnp.int32)
    tail = EPT - FULLG * B
    for k in range(B // 16):
        off = pl.ds(k * 16, 16)
        if k * 16 < tail:
            src = pl.ds(FULLG * B + k * 16, 16)
            rowv[FULLG, off] = row1v[src]
            colv[FULLG, off] = col1v[src]
        else:
            rowv[FULLG, off] = zvec
            colv[FULLG, off] = nvec
    for g in range(FULLG + 1, G):
        for k in range(B // 16):
            off = pl.ds(k * 16, 16)
            rowv[g, off] = zvec
            colv[g, off] = nvec

    ra = pltpu.async_copy(rowv, row_out.at[pl.ds(wid * G, G)], psem.at[6])
    ca = pltpu.async_copy(colv, col_out.at[pl.ds(wid * G, G)], psem.at[7])
    _zero_shared_wait(shared, zsrc, s, psem)
    ra.wait()
    ca.wait()
    plsc.subcore_barrier()

    @pl.loop(0, G, step=NBUF)
    def _(g0):
        for b in range(NBUF):
            g = g0 + b

            @pl.when(g >= NBUF)
            def _drain():
                pltpu.make_async_copy(onesv, shared.at[colv.at[g - NBUF]],
                                      ssems.at[b]).wait()

            pltpu.async_copy(onesv, shared.at[colv.at[g]], ssems.at[b],
                             add=True)

    for b in range(NBUF):
        pltpu.make_async_copy(onesv, shared.at[colv.at[G - NBUF + b]],
                              ssems.at[b]).wait()

    plsc.subcore_barrier()
    pltpu.sync_copy(shared.at[pl.ds(s * ZCHUNK, ZCHUNK)],
                    out_hbm.at[c, pl.ds(s * ZCHUNK, ZCHUNK)])


_deg_kernel = functools.partial(
    pl.kernel,
    out_type=[
        jax.ShapeDtypeStruct((NC, N_ACC, 16), jnp.float32),
        jax.ShapeDtypeStruct((NW * G, B), jnp.int32),
        jax.ShapeDtypeStruct((NW * G, B), jnp.int32),
    ],
    mesh=_mesh,
    compiler_params=_sc_params,
    scratch_types=[
        pltpu.VMEM((EPT,), jnp.int32),
        pltpu.VMEM((EPT,), jnp.int32),
        pltpu.VMEM((G, B), jnp.int32),
        pltpu.VMEM((G, B), jnp.int32),
        pltpu.VMEM((B, 16), jnp.float32),
        pltpu.VMEM((B, 16), jnp.float32),
        pltpu.VMEM_SHARED((N_ACC, 16), jnp.float32),
        pltpu.SemaphoreType.DMA((NBUF,)),
        pltpu.SemaphoreType.DMA((8,)),
    ],
)(_deg_body)


def _agg_body(row_hbm, col_hbm, hs_hbm, out_hbm,
              rowv, colv, bufs, shared, table, gsems, ssems, psem):
    c = lax.axis_index("c")
    s = lax.axis_index("s")
    wid = c * NS + s
    ra = pltpu.async_copy(row_hbm.at[pl.ds(wid * G, G)], rowv, psem.at[6])
    ca = pltpu.async_copy(col_hbm.at[pl.ds(wid * G, G)], colv, psem.at[7])
    ta = pltpu.async_copy(hs_hbm.at[pl.ds(s * (N // NS), N // NS)],
                          table.at[pl.ds(s * (N // NS), N // NS)],
                          psem.at[5])
    _zero_shared_start(shared, bufs.at[0], s, psem)
    src = table
    _zero_shared_wait(shared, bufs.at[0], s, psem)
    ta.wait()
    ra.wait()
    ca.wait()
    plsc.subcore_barrier()

    NB2 = 2 * NBUF
    for b in range(NBUF):
        pltpu.async_copy(src.at[rowv.at[b]], bufs.at[b], gsems.at[b])

    @pl.loop(0, G, step=NB2)
    def _(g0):
        for db in range(NB2):
            g = g0 + db
            b = db
            pltpu.make_async_copy(src.at[rowv.at[g]], bufs.at[b],
                                  gsems.at[b]).wait()
            pltpu.async_copy(bufs.at[b], shared.at[colv.at[g]], ssems.at[b],
                             add=True)
            gn = g + NBUF
            bn = (db + NBUF) % NB2

            @pl.when(gn < G)
            def _issue():
                @pl.when(gn >= NB2)
                def _free():
                    pltpu.make_async_copy(bufs.at[bn],
                                          shared.at[colv.at[gn - NB2]],
                                          ssems.at[bn]).wait()

                pltpu.async_copy(src.at[rowv.at[gn]], bufs.at[bn],
                                 gsems.at[bn])

    for b in range(NB2):
        g_last = G - NB2 + b
        pltpu.make_async_copy(bufs.at[b], shared.at[colv.at[g_last]],
                              ssems.at[b]).wait()

    plsc.subcore_barrier()
    pltpu.sync_copy(shared.at[pl.ds(s * ZCHUNK, ZCHUNK)],
                    out_hbm.at[c, pl.ds(s * ZCHUNK, ZCHUNK)])


def _make_agg(D):
    scratch = [
        pltpu.VMEM((G, B), jnp.int32),
        pltpu.VMEM((G, B), jnp.int32),
        pltpu.VMEM((2 * NBUF, B, D), jnp.float32),
        pltpu.VMEM_SHARED((N_ACC, D), jnp.float32),
        pltpu.VMEM_SHARED((N, D), jnp.float32),
        pltpu.SemaphoreType.DMA((2 * NBUF,)),
        pltpu.SemaphoreType.DMA((2 * NBUF,)),
        pltpu.SemaphoreType.DMA((8,)),
    ]
    return functools.partial(
        pl.kernel,
        out_type=jax.ShapeDtypeStruct((NC, N_ACC, D), jnp.float32),
        mesh=_mesh,
        compiler_params=_sc_params,
        scratch_types=scratch,
    )(_agg_body)


_agg32 = _make_agg(H)
_agg16 = _make_agg(EMB)


def _tc_a_body(x_ref, w_ref, deg_ref, hs_ref, dinv_ref):
    deg = deg_ref[0, :N, 0:1] + deg_ref[1, :N, 0:1] + 1.0
    dinv = lax.rsqrt(deg)
    h = jnp.dot(x_ref[...], w_ref[...], preferred_element_type=jnp.float32)
    hs_ref[...] = h * dinv
    dinv_ref[...] = dinv


def _tc_a(x, w1, deg2d):
    return pl.pallas_call(
        _tc_a_body,
        out_shape=[
            jax.ShapeDtypeStruct((N, H), jnp.float32),
            jax.ShapeDtypeStruct((N, 1), jnp.float32),
        ],
    )(x, w1, deg2d)


def _tc_b_body(agg_ref, hs_ref, dinv_ref, b1_ref, w2_ref, out_ref):
    dinv = dinv_ref[...]
    pre = (dinv * (agg_ref[0, :N] + agg_ref[1, :N] + hs_ref[...])
           + b1_ref[...])
    r = jnp.maximum(pre, 0.0)
    h2 = jnp.dot(r, w2_ref[...], preferred_element_type=jnp.float32)
    out_ref[...] = h2 * dinv


def _tc_b(agg, hs1, dinv, b1, w2):
    return pl.pallas_call(
        _tc_b_body,
        out_shape=jax.ShapeDtypeStruct((N, EMB), jnp.float32),
    )(agg, hs1, dinv, b1, w2)


def _tc_c_body(agg_ref, hs_ref, dinv_ref, b2_ref, out_ref):
    out_ref[...] = (dinv_ref[...] *
                    (agg_ref[0, :N] + agg_ref[1, :N] + hs_ref[...])
                    + b2_ref[...])


def _tc_c(agg, hs2, dinv, b2):
    return pl.pallas_call(
        _tc_c_body,
        out_shape=jax.ShapeDtypeStruct((N, EMB), jnp.float32),
    )(agg, hs2, dinv, b2)


def kernel(x, ei, W1, b1, W2, b2):
    ei = ei.astype(jnp.int32)
    deg2d, row_r, col_r = _deg_kernel(ei)
    hs1, dinv = _tc_a(x, W1, deg2d)

    agg1 = _agg32(row_r, col_r, hs1)
    hs2 = _tc_b(agg1, hs1, dinv, b1.reshape(1, H), W2)

    agg2 = _agg16(row_r, col_r, hs2)
    out = _tc_c(agg2, hs2, dinv, b2.reshape(1, EMB))
    return out

# --- scband reference (transcript-rebuilt; emitter-appended) ---
"""Pipeline reference for scband-gae-49581102465576 (READ-ONLY COPY).

The authoritative reference and input builder live on the scoring server;
editing this copy changes nothing except your own understanding.
"""

import jax, jax.numpy as jnp
import numpy as np

N_NODES = 10000
N_EDGES = 320000
FEAT_DIM = 128
HIDDEN_DIM = 32
EMBED_DIM = 16


def setup_inputs(seed: int = 0) -> dict:
    key = jax.random.key(seed)
    k1, k2, k3, k4, k5, k6 = jax.random.split(key, 6)
    x = jax.random.normal(k1, (N_NODES, FEAT_DIM), dtype=jnp.float32)
    ei = jax.random.randint(k2, (2, N_EDGES), 0, N_NODES, dtype=jnp.int64)
    # GCNConv parameters (glorot for weights, zeros for bias, matching PyG defaults)
    s1 = (6.0 / (FEAT_DIM + HIDDEN_DIM)) ** 0.5
    W1 = jax.random.uniform(k3, (FEAT_DIM, HIDDEN_DIM), dtype=jnp.float32, minval=-s1, maxval=s1)
    b1 = jnp.zeros((HIDDEN_DIM,), dtype=jnp.float32)
    s2 = (6.0 / (HIDDEN_DIM + EMBED_DIM)) ** 0.5
    W2 = jax.random.uniform(k4, (HIDDEN_DIM, EMBED_DIM), dtype=jnp.float32, minval=-s2, maxval=s2)
    b2 = jnp.zeros((EMBED_DIM,), dtype=jnp.float32)
    return {"x": x, "ei": ei, "W1": W1, "b1": b1, "W2": W2, "b2": b2}


def _gcn_conv(x, row, col, W, b, num_nodes):
    # GCNConv with add_self_loops=True, normalize=True (edge_weight=None -> ones)
    loop = jnp.arange(num_nodes, dtype=row.dtype)
    row_f = jnp.concatenate([row, loop])
    col_f = jnp.concatenate([col, loop])
    w = jnp.ones((row_f.shape[0],), dtype=x.dtype)
    deg = jnp.zeros((num_nodes,), dtype=x.dtype).at[col_f].add(w)
    dinv = jnp.where(deg > 0, deg ** -0.5, 0.0)
    norm = dinv[row_f] * w * dinv[col_f]
    h = x @ W
    msg = h[row_f] * norm[:, None]
    out = jnp.zeros((num_nodes, W.shape[1]), dtype=x.dtype).at[col_f].add(msg)
    return out + b


def reference(x, ei, W1, b1, W2, b2):
    # eval mode: DropEdge and Dropout are identity
    row, col = ei[0], ei[1]
    h = _gcn_conv(x, row, col, W1, b1, N_NODES)
    h = jax.nn.relu(h)
    out = _gcn_conv(h, row, col, W2, b2, N_NODES)
    return out

if __name__ == "__main__":
    import jax
    _d = setup_inputs()
    print(jax.jit(kernel)(*tuple(_d.values())))

</pallas_src>

<mosaic_0001>
#map = affine_map<(d0, d1) -> (0, 0)>
#map1 = affine_map<(d0, d1) -> (0, 0, 0)>
module attributes {stable_mosaic.version = 14 : i64} {
  func.func @_agg_body(%arg0: i32, %arg1: i32, %arg2: memref<2560x128xi32, #tpu.memory_space<hbm>>, %arg3: memref<2560x128xi32, #tpu.memory_space<hbm>>, %arg4: memref<10000x16xf32, #tpu.memory_space<hbm>>, %arg5: memref<2x10112x16xf32, #tpu.memory_space<hbm>>, %arg6: memref<80x128xi32, #tpu.memory_space<vmem>>, %arg7: memref<80x128xi32, #tpu.memory_space<vmem>>, %arg8: memref<10x128x16xf32, #tpu.memory_space<vmem>>, %arg9: memref<10112x16xf32, #tpu.memory_space<vmem_shared>>, %arg10: memref<10000x16xf32, #tpu.memory_space<vmem_shared>>, %arg11: memref<10x!tpu.dma_semaphore, #tpu.memory_space<semaphore_mem>>, %arg12: memref<10x!tpu.dma_semaphore, #tpu.memory_space<semaphore_mem>>, %arg13: memref<8x!tpu.dma_semaphore, #tpu.memory_space<semaphore_mem>>) attributes {dimension_semantics = [#tpu.dimension_semantics<core_parallel>, #tpu.dimension_semantics<subcore_parallel>], iteration_bounds = array<i64: 2, 16>, scalar_prefetch = 0 : i64, scratch_operands = 8 : i64, tpu.core_type = #tpu.core_type<sc_vector_subcore>, window_params = [{transform_indices = #map}, {transform_indices = #map}, {transform_indices = #map}, {transform_indices = #map1}]} {
    %mul3A = arith.constant 16 : i32
    %mul3A_0 = arith.muli %arg0, %mul3A : i32
    %add3A = arith.addi %mul3A_0, %arg1 : i32
    %mul3A_1 = arith.constant 80 : i32
    %mul3A_2 = arith.muli %add3A, %mul3A_1 : i32
    %dma_start3A = arith.constant 6 : i32
    %dma_start3A_3 = arith.constant 0 : i32
    %dma_start3A_4 = tpu.memref_slice %arg2[%mul3A_2, %dma_start3A_3] : memref<2560x128xi32, #tpu.memory_space<hbm>> -> memref<80x128xi32, #tpu.memory_space<hbm>>
    %dma_start3A_5 = tpu.memref_slice %arg13[%dma_start3A] : memref<8x!tpu.dma_semaphore, #tpu.memory_space<semaphore_mem>> -> memref<1x!tpu.dma_semaphore, #tpu.memory_space<semaphore_mem>>
    %dma_start3A_6 = tpu.memref_squeeze %dma_start3A_5 : memref<1x!tpu.dma_semaphore, #tpu.memory_space<semaphore_mem>> -> memref<!tpu.dma_semaphore, #tpu.memory_space<semaphore_mem>>
    %dma_start3A_7 = arith.constant 0 : i32
    %dma_start3A_8 = tpu.memref_slice %arg2[%mul3A_2, %dma_start3A_7] : memref<2560x128xi32, #tpu.memory_space<hbm>> -> memref<80x128xi32, #tpu.memory_space<hbm>>
    tpu.enqueue_dma source(%dma_start3A_8 : memref<80x128xi32, #tpu.memory_space<hbm>>) target(%arg6 : memref<80x128xi32, #tpu.memory_space<vmem>>) target_semaphore(%dma_start3A_6 : memref<!tpu.dma_semaphore, #tpu.memory_space<semaphore_mem>>)
    %mul3A_9 = arith.constant 80 : i32
    %mul3A_10 = arith.muli %add3A, %mul3A_9 : i32
    %dma_start3A_11 = arith.constant 7 : i32
    %dma_start3A_12 = arith.constant 0 : i32
    %dma_start3A_13 = tpu.memref_slice %arg3[%mul3A_10, %dma_start3A_12] : memref<2560x128xi32, #tpu.memory_space<hbm>> -> memref<80x128xi32, #tpu.memory_space<hbm>>
    %dma_start3A_14 = tpu.memref_slice %arg13[%dma_start3A_11] : memref<8x!tpu.dma_semaphore, #tpu.memory_space<semaphore_mem>> -> memref<1x!tpu.dma_semaphore, #tpu.memory_space<semaphore_mem>>
    %dma_start3A_15 = tpu.memref_squeeze %dma_start3A_14 : memref<1x!tpu.dma_semaphore, #tpu.memory_space<semaphore_mem>> -> memref<!tpu.dma_semaphore, #tpu.memory_space<semaphore_mem>>
    %dma_start3A_16 = arith.constant 0 : i32
    %dma_start3A_17 = tpu.memref_slice %arg3[%mul3A_10, %dma_start3A_16] : memref<2560x128xi32, #tpu.memory_space<hbm>> -> memref<80x128xi32, #tpu.memory_space<hbm>>
    tpu.enqueue_dma source(%dma_start3A_17 : memref<80x128xi32, #tpu.memory_space<hbm>>) target(%arg7 : memref<80x128xi32, #tpu.memory_space<vmem>>) target_semaphore(%dma_start3A_15 : memref<!tpu.dma_semaphore, #tpu.memory_space<semaphore_mem>>)
    %mul3A_18 = arith.constant 625 : i32
    %mul3A_19 = arith.muli %arg1, %mul3A_18 : i32
    %mul3A_20 = arith.constant 625 : i32
    %mul3A_21 = arith.muli %arg1, %mul3A_20 : i32
    %dma_start3A_22 = arith.constant 5 : i32
    %dma_start3A_23 = tpu.memref_slice %arg13[%dma_start3A_22] : memref<8x!tpu.dma_semaphore, #tpu.memory_space<semaphore_mem>> -> memref<1x!tpu.dma_semaphore, #tpu.memory_space<semaphore_mem>>
    %dma_start3A_24 = tpu.memref_squeeze %dma_start3A_23 : memref<1x!tpu.dma_semaphore, #tpu.memory_space<semaphore_mem>> -> memref<!tpu.dma_semaphore, #tpu.memory_space<semaphore_mem>>
    %dma_start3A_25 = arith.constant 0 : i32
    %dma_start3A_26 = tpu.memref_slice %arg10[%mul3A_21, %dma_start3A_25] : memref<10000x16xf32, #tpu.memory_space<vmem_shared>> -> memref<625x16xf32, #tpu.memory_space<vmem_shared>>
    %dma_start3A_27 = arith.constant 0 : i32
    %dma_start3A_28 = tpu.memref_slice %arg4[%mul3A_19, %dma_start3A_27] : memref<10000x16xf32, #tpu.memory_space<hbm>> -> memref<625x16xf32, #tpu.memory_space<hbm>>
    tpu.enqueue_dma source(%dma_start3A_28 : memref<625x16xf32, #tpu.memory_space<hbm>>) target(%dma_start3A_26 : memref<625x16xf32, #tpu.memory_space<vmem_shared>>) target_semaphore(%dma_start3A_24 : memref<!tpu.dma_semaphore, #tpu.memory_space<semaphore_mem>>)
    %broadcast_in_dim3A = arith.constant 0.000000e+00 : f32
    %broadcast_in_dim3A_29 = vector.broadcast %broadcast_in_dim3A : f32 to vector<16xf32>
    %scan3A = arith.constant 0 : i32
    %scan3A_30 = arith.constant 0 : i32
    %scan3A_31 = arith.constant 128 : i32
    %scan3A_32 = arith.addi %scan3A_30, %scan3A_31 : i32
    %scan3A_33 = arith.constant 1 : i32
    scf.for %scan3A_502 = %scan3A_30 to %scan3A_32 step %scan3A_33  : i32 {
      %mul3A_503 = arith.constant 1 : i32
      %mul3A_504 = arith.muli %scan3A_502, %mul3A_503 : i32
      %add3A_505 = arith.constant 0 : i32
      %add3A_506 = arith.addi %add3A_505, %mul3A_504 : i32
      %swap3A = arith.constant 0 : i32
      %swap3A_507 = arith.constant 0 : i32
      %swap3A_508 = tpu.memref_slice %arg8[%scan3A, %swap3A, %swap3A_507] : memref<10x128x16xf32, #tpu.memory_space<vmem>> -> memref<1x128x16xf32, #tpu.memory_space<vmem>>
      %swap3A_509 = tpu.memref_squeeze %swap3A_508 : memref<1x128x16xf32, #tpu.memory_space<vmem>> -> memref<128x16xf32, #tpu.memory_space<vmem>>
      %swap3A_510 = arith.index_cast %add3A_506 : i32 to index
      %swap3A_511 = arith.constant 0 : index
      %swap3A_512 = tpu.vector_load %swap3A_509[%swap3A_510, %swap3A_511] {strides = array<i32>} : memref<128x16xf32, #tpu.memory_space<vmem>>, vector<1x16xf32>,
      %swap3A_513 = vector.shape_cast %swap3A_512 : vector<1x16xf32> to vector<16xf32>
      %swap3A_514 = vector.shape_cast %broadcast_in_dim3A_29 : vector<16xf32> to vector<1x16xf32>
      tpu.vector_store %swap3A_509[%swap3A_510, %swap3A_511], %swap3A_514 {strides = array<i32>} : memref<128x16xf32, #tpu.memory_space<vmem>>, vector<1x16xf32>,
    }
    %scan3A_34 = arith.constant 128 : i32
    %mul3A_35 = arith.constant 632 : i32
    %mul3A_36 = arith.muli %arg1, %mul3A_35 : i32
    %add3A_37 = arith.constant 0 : i32
    %add3A_38 = arith.addi %mul3A_36, %add3A_37 : i32
    %dma_start3A_39 = arith.constant 0 : i32
    %dma_start3A_40 = arith.constant 0 : i32
    %dma_start3A_41 = arith.constant 0 : i32
    %dma_start3A_42 = arith.constant 0 : i32
    %dma_start3A_43 = tpu.memref_slice %arg8[%dma_start3A_39, %dma_start3A_41, %dma_start3A_42] : memref<10x128x16xf32, #tpu.memory_space<vmem>> -> memref<1x128x16xf32, #tpu.memory_space<vmem>>
    %dma_start3A_44 = tpu.memref_squeeze %dma_start3A_43 : memref<1x128x16xf32, #tpu.memory_space<vmem>> -> memref<128x16xf32, #tpu.memory_space<vmem>>
    %dma_start3A_45 = arith.constant 0 : i32
    %dma_start3A_46 = tpu.memref_slice %arg9[%add3A_38, %dma_start3A_45] : memref<10112x16xf32, #tpu.memory_space<vmem_shared>> -> memref<128x16xf32, #tpu.memory_space<vmem_shared>>
    %dma_start3A_47 = tpu.memref_slice %arg13[%dma_start3A_40] : memref<8x!tpu.dma_semaphore, #tpu.memory_space<semaphore_mem>> -> memref<1x!tpu.dma_semaphore, #tpu.memory_space<semaphore_mem>>
    %dma_start3A_48 = tpu.memref_squeeze %dma_start3A_47 : memref<1x!tpu.dma_semaphore, #tpu.memory_space<semaphore_mem>> -> memref<!tpu.dma_semaphore, #tpu.memory_space<semaphore_mem>>
    %dma_start3A_49 = arith.constant 0 : i32
    %dma_start3A_50 = tpu.memref_slice %arg9[%add3A_38, %dma_start3A_49] : memref<10112x16xf32, #tpu.memory_space<vmem_shared>> -> memref<128x16xf32, #tpu.memory_space<vmem_shared>>
    %dma_start3A_51 = arith.constant 0 : i32
    %dma_start3A_52 = arith.constant 0 : i32
    %dma_start3A_53 = tpu.memref_slice %arg8[%dma_start3A_39, %dma_start3A_51, %dma_start3A_52] : memref<10x128x16xf32, #tpu.memory_space<vmem>> -> memref<1x128x16xf32, #tpu.memory_space<vmem>>
    %dma_start3A_54 = tpu.memref_squeeze %dma_start3A_53 : memref<1x128x16xf32, #tpu.memory_space<vmem>> -> memref<128x16xf32, #tpu.memory_space<vmem>>
    tpu.enqueue_dma source(%dma_start3A_54 : memref<128x16xf32, #tpu.memory_space<vmem>>) target(%dma_start3A_50 : memref<128x16xf32, #tpu.memory_space<vmem_shared>>) target_semaphore(%dma_start3A_48 : memref<!tpu.dma_semaphore, #tpu.memory_space<semaphore_mem>>)
    %mul3A_55 = arith.constant 632 : i32
    %mul3A_56 = arith.muli %arg1, %mul3A_55 : i32
    %add3A_57 = arith.constant 128 : i32
    %add3A_58 = arith.addi %mul3A_56, %add3A_57 : i32
    %dma_start3A_59 = arith.constant 0 : i32
    %dma_start3A_60 = arith.constant 1 : i32
    %dma_start3A_61 = arith.constant 0 : i32
    %dma_start3A_62 = arith.constant 0 : i32
    %dma_start3A_63 = tpu.memref_slice %arg8[%dma_start3A_59, %dma_start3A_61, %dma_start3A_62] : memref<10x128x16xf32, #tpu.memory_space<vmem>> -> memref<1x128x16xf32, #tpu.memory_space<vmem>>
    %dma_start3A_64 = tpu.memref_squeeze %dma_start3A_63 : memref<1x128x16xf32, #tpu.memory_space<vmem>> -> memref<128x16xf32, #tpu.memory_space<vmem>>
    %dma_start3A_65 = arith.constant 0 : i32
    %dma_start3A_66 = tpu.memref_slice %arg9[%add3A_58, %dma_start3A_65] : memref<10112x16xf32, #tpu.memory_space<vmem_shared>> -> memref<128x16xf32, #tpu.memory_space<vmem_shared>>
    %dma_start3A_67 = tpu.memref_slice %arg13[%dma_start3A_60] : memref<8x!tpu.dma_semaphore, #tpu.memory_space<semaphore_mem>> -> memref<1x!tpu.dma_semaphore, #tpu.memory_space<semaphore_mem>>
    %dma_start3A_68 = tpu.memref_squeeze %dma_start3A_67 : memref<1x!tpu.dma_semaphore, #tpu.memory_space<semaphore_mem>> -> memref<!tpu.dma_semaphore, #tpu.memory_space<semaphore_mem>>
    %dma_start3A_69 = arith.constant 0 : i32
    %dma_start3A_70 = tpu.memref_slice %arg9[%add3A_58, %dma_start3A_69] : memref<10112x16xf32, #tpu.memory_space<vmem_shared>> -> memref<128x16xf32, #tpu.memory_space<vmem_shared>>
    %dma_start3A_71 = arith.constant 0 : i32
    %dma_start3A_72 = arith.constant 0 : i32
    %dma_start3A_73 = tpu.memref_slice %arg8[%dma_start3A_59, %dma_start3A_71, %dma_start3A_72] : memref<10x128x16xf32, #tpu.memory_space<vmem>> -> memref<1x128x16xf32, #tpu.memory_space<vmem>>
    %dma_start3A_74 = tpu.memref_squeeze %dma_start3A_73 : memref<1x128x16xf32, #tpu.memory_space<vmem>> -> memref<128x16xf32, #tpu.memory_space<vmem>>
    tpu.enqueue_dma source(%dma_start3A_74 : memref<128x16xf32, #tpu.memory_space<vmem>>) target(%dma_start3A_70 : memref<128x16xf32, #tpu.memory_space<vmem_shared>>) target_semaphore(%dma_start3A_68 : memref<!tpu.dma_semaphore, #tpu.memory_space<semaphore_mem>>)
    %mul3A_75 = arith.constant 632 : i32
    %mul3A_76 = arith.muli %arg1, %mul3A_75 : i32
    %add3A_77 = arith.constant 256 : i32
    %add3A_78 = arith.addi %mul3A_76, %add3A_77 : i32
    %dma_start3A_79 = arith.constant 0 : i32
    %dma_start3A_80 = arith.constant 2 : i32
    %dma_start3A_81 = arith.constant 0 : i32
    %dma_start3A_82 = arith.constant 0 : i32
    %dma_start3A_83 = tpu.memref_slice %arg8[%dma_start3A_79, %dma_start3A_81, %dma_start3A_82] : memref<10x128x16xf32, #tpu.memory_space<vmem>> -> memref<1x128x16xf32, #tpu.memory_space<vmem>>
    %dma_start3A_84 = tpu.memref_squeeze %dma_start3A_83 : memref<1x128x16xf32, #tpu.memory_space<vmem>> -> memref<128x16xf32, #tpu.memory_space<vmem>>
    %dma_start3A_85 = arith.constant 0 : i32
    %dma_start3A_86 = tpu.memref_slice %arg9[%add3A_78, %dma_start3A_85] : memref<10112x16xf32, #tpu.memory_space<vmem_shared>> -> memref<128x16xf32, #tpu.memory_space<vmem_shared>>
    %dma_start3A_87 = tpu.memref_slice %arg13[%dma_start3A_80] : memref<8x!tpu.dma_semaphore, #tpu.memory_space<semaphore_mem>> -> memref<1x!tpu.dma_semaphore, #tpu.memory_space<semaphore_mem>>
    %dma_start3A_88 = tpu.memref_squeeze %dma_start3A_87 : memref<1x!tpu.dma_semaphore, #tpu.memory_space<semaphore_mem>> -> memref<!tpu.dma_semaphore, #tpu.memory_space<semaphore_mem>>
    %dma_start3A_89 = arith.constant 0 : i32
    %dma_start3A_90 = tpu.memref_slice %arg9[%add3A_78, %dma_start3A_89] : memref<10112x16xf32, #tpu.memory_space<vmem_shared>> -> memref<128x16xf32, #tpu.memory_space<vmem_shared>>
    %dma_start3A_91 = arith.constant 0 : i32
    %dma_start3A_92 = arith.constant 0 : i32
    %dma_start3A_93 = tpu.memref_slice %arg8[%dma_start3A_79, %dma_start3A_91, %dma_start3A_92] : memref<10x128x16xf32, #tpu.memory_space<vmem>> -> memref<1x128x16xf32, #tpu.memory_space<vmem>>
    %dma_start3A_94 = tpu.memref_squeeze %dma_start3A_93 : memref<1x128x16xf32, #tpu.memory_space<vmem>> -> memref<128x16xf32, #tpu.memory_space<vmem>>
    tpu.enqueue_dma source(%dma_start3A_94 : memref<128x16xf32, #tpu.memory_space<vmem>>) target(%dma_start3A_90 : memref<128x16xf32, #tpu.memory_space<vmem_shared>>) target_semaphore(%dma_start3A_88 : memref<!tpu.dma_semaphore, #tpu.memory_space<semaphore_mem>>)
    %mul3A_95 = arith.constant 632 : i32
    %mul3A_96 = arith.muli %arg1, %mul3A_95 : i32
    %add3A_97 = arith.constant 384 : i32
    %add3A_98 = arith.addi %mul3A_96, %add3A_97 : i32
    %dma_start3A_99 = arith.constant 0 : i32
    %dma_start3A_100 = arith.constant 3 : i32
    %dma_start3A_101 = arith.constant 0 : i32
    %dma_start3A_102 = arith.constant 0 : i32
    %dma_start3A_103 = tpu.memref_slice %arg8[%dma_start3A_99, %dma_start3A_101, %dma_start3A_102] : memref<10x128x16xf32, #tpu.memory_space<vmem>> -> memref<1x128x16xf32, #tpu.memory_space<vmem>>
    %dma_start3A_104 = tpu.memref_squeeze %dma_start3A_103 : memref<1x128x16xf32, #tpu.memory_space<vmem>> -> memref<128x16xf32, #tpu.memory_space<vmem>>
    %dma_start3A_105 = arith.constant 0 : i32
    %dma_start3A_106 = tpu.memref_slice %arg9[%add3A_98, %dma_start3A_105] : memref<10112x16xf32, #tpu.memory_space<vmem_shared>> -> memref<128x16xf32, #tpu.memory_space<vmem_shared>>
    %dma_start3A_107 = tpu.memref_slice %arg13[%dma_start3A_100] : memref<8x!tpu.dma_semaphore, #tpu.memory_space<semaphore_mem>> -> memref<1x!tpu.dma_semaphore, #tpu.memory_space<semaphore_mem>>
    %dma_start3A_108 = tpu.memref_squeeze %dma_start3A_107 : memref<1x!tpu.dma_semaphore, #tpu.memory_space<semaphore_mem>> -> memref<!tpu.dma_semaphore, #tpu.memory_space<semaphore_mem>>
    %dma_start3A_109 = arith.constant 0 : i32
    %dma_start3A_110 = tpu.memref_slice %arg9[%add3A_98, %dma_start3A_109] : memref<10112x16xf32, #tpu.memory_space<vmem_shared>> -> memref<128x16xf32, #tpu.memory_space<vmem_shared>>
    %dma_start3A_111 = arith.constant 0 : i32
    %dma_start3A_112 = arith.constant 0 : i32
    %dma_start3A_113 = tpu.memref_slice %arg8[%dma_start3A_99, %dma_start3A_111, %dma_start3A_112] : memref<10x128x16xf32, #tpu.memory_space<vmem>> -> memref<1x128x16xf32, #tpu.memory_space<vmem>>
    %dma_start3A_114 = tpu.memref_squeeze %dma_start3A_113 : memref<1x128x16xf32, #tpu.memory_space<vmem>> -> memref<128x16xf32, #tpu.memory_space<vmem>>
    tpu.enqueue_dma source(%dma_start3A_114 : memref<128x16xf32, #tpu.memory_space<vmem>>) target(%dma_start3A_110 : memref<128x16xf32, #tpu.memory_space<vmem_shared>>) target_semaphore(%dma_start3A_108 : memref<!tpu.dma_semaphore, #tpu.memory_space<semaphore_mem>>)
    %mul3A_115 = arith.constant 632 : i32
    %mul3A_116 = arith.muli %arg1, %mul3A_115 : i32
    %add3A_117 = arith.constant 512 : i32
    %add3A_118 = arith.addi %mul3A_116, %add3A_117 : i32
    %dma_start3A_119 = arith.constant 0 : i32
    %dma_start3A_120 = arith.constant 4 : i32
    %dma_start3A_121 = arith.constant 0 : i32
    %dma_start3A_122 = arith.constant 0 : i32
    %dma_start3A_123 = tpu.memref_slice %arg8[%dma_start3A_119, %dma_start3A_121, %dma_start3A_122] : memref<10x128x16xf32, #tpu.memory_space<vmem>> -> memref<1x128x16xf32, #tpu.memory_space<vmem>>
    %dma_start3A_124 = tpu.memref_squeeze %dma_start3A_123 : memref<1x128x16xf32, #tpu.memory_space<vmem>> -> memref<128x16xf32, #tpu.memory_space<vmem>>
    %dma_start3A_125 = arith.constant 0 : i32
    %dma_start3A_126 = arith.constant 0 : i32
    %dma_start3A_127 = tpu.memref_slice %dma_start3A_124[%dma_start3A_125, %dma_start3A_126] : memref<128x16xf32, #tpu.memory_space<vmem>> -> memref<120x16xf32, #tpu.memory_space<vmem>>
    %dma_start3A_128 = arith.constant 0 : i32
    %dma_start3A_129 = tpu.memref_slice %arg9[%add3A_118, %dma_start3A_128] : memref<10112x16xf32, #tpu.memory_space<vmem_shared>> -> memref<120x16xf32, #tpu.memory_space<vmem_shared>>
    %dma_start3A_130 = tpu.memref_slice %arg13[%dma_start3A_120] : memref<8x!tpu.dma_semaphore, #tpu.memory_space<semaphore_mem>> -> memref<1x!tpu.dma_semaphore, #tpu.memory_space<semaphore_mem>>
    %dma_start3A_131 = tpu.memref_squeeze %dma_start3A_130 : memref<1x!tpu.dma_semaphore, #tpu.memory_space<semaphore_mem>> -> memref<!tpu.dma_semaphore, #tpu.memory_space<semaphore_mem>>
    %dma_start3A_132 = arith.constant 0 : i32
    %dma_start3A_133 = tpu.memref_slice %arg9[%add3A_118, %dma_start3A_132] : memref<10112x16xf32, #tpu.memory_space<vmem_shared>> -> memref<120x16xf32, #tpu.memory_space<vmem_shared>>
    %dma_start3A_134 = arith.constant 0 : i32
    %dma_start3A_135 = arith.constant 0 : i32
    %dma_start3A_136 = tpu.memref_slice %arg8[%dma_start3A_119, %dma_start3A_134, %dma_start3A_135] : memref<10x128x16xf32, #tpu.memory_space<vmem>> -> memref<1x128x16xf32, #tpu.memory_space<vmem>>
    %dma_start3A_137 = tpu.memref_squeeze %dma_start3A_136 : memref<1x128x16xf32, #tpu.memory_space<vmem>> -> memref<128x16xf32, #tpu.memory_space<vmem>>
    %dma_start3A_138 = arith.constant 0 : i32
    %dma_start3A_139 = arith.constant 0 : i32
    %dma_start3A_140 = tpu.memref_slice %dma_start3A_137[%dma_start3A_138, %dma_start3A_139] : memref<128x16xf32, #tpu.memory_space<vmem>> -> memref<120x16xf32, #tpu.memory_space<vmem>>
    tpu.enqueue_dma source(%dma_start3A_140 : memref<120x16xf32, #tpu.memory_space<vmem>>) target(%dma_start3A_133 : memref<120x16xf32, #tpu.memory_space<vmem_shared>>) target_semaphore(%dma_start3A_131 : memref<!tpu.dma_semaphore, #tpu.memory_space<semaphore_mem>>)
    %mul3A_141 = arith.constant 632 : i32
    %mul3A_142 = arith.muli %arg1, %mul3A_141 : i32
    %add3A_143 = arith.constant 0 : i32
    %add3A_144 = arith.addi %mul3A_142, %add3A_143 : i32
    %dma_wait3A = arith.constant 0 : i32
    %dma_wait3A_145 = arith.constant 0 : i32
    %dma_wait3A_146 = arith.constant 0 : i32
    %dma_wait3A_147 = arith.constant 0 : i32
    %dma_wait3A_148 = tpu.memref_slice %arg8[%dma_wait3A, %dma_wait3A_146, %dma_wait3A_147] : memref<10x128x16xf32, #tpu.memory_space<vmem>> -> memref<1x128x16xf32, #tpu.memory_space<vmem>>
    %dma_wait3A_149 = tpu.memref_squeeze %dma_wait3A_148 : memref<1x128x16xf32, #tpu.memory_space<vmem>> -> memref<128x16xf32, #tpu.memory_space<vmem>>
    %dma_wait3A_150 = arith.constant 0 : i32
    %dma_wait3A_151 = tpu.memref_slice %arg9[%add3A_144, %dma_wait3A_150] : memref<10112x16xf32, #tpu.memory_space<vmem_shared>> -> memref<128x16xf32, #tpu.memory_space<vmem_shared>>
    %dma_wait3A_152 = tpu.memref_slice %arg13[%dma_wait3A_145] : memref<8x!tpu.dma_semaphore, #tpu.memory_space<semaphore_mem>> -> memref<1x!tpu.dma_semaphore, #tpu.memory_space<semaphore_mem>>
    %dma_wait3A_153 = tpu.memref_squeeze %dma_wait3A_152 : memref<1x!tpu.dma_semaphore, #tpu.memory_space<semaphore_mem>> -> memref<!tpu.dma_semaphore, #tpu.memory_space<semaphore_mem>>
    %dma_wait3A_154 = arith.constant 0 : i32
    %dma_wait3A_155 = tpu.memref_slice %arg9[%add3A_144, %dma_wait3A_154] : memref<10112x16xf32, #tpu.memory_space<vmem_shared>> -> memref<128x16xf32, #tpu.memory_space<vmem_shared>>
    %dma_wait3A_156 = arith.constant 0 : i32
    %dma_wait3A_157 = arith.constant 0 : i32
    %dma_wait3A_158 = tpu.memref_slice %arg8[%dma_wait3A, %dma_wait3A_156, %dma_wait3A_157] : memref<10x128x16xf32, #tpu.memory_space<vmem>> -> memref<1x128x16xf32, #tpu.memory_space<vmem>>
    %dma_wait3A_159 = tpu.memref_squeeze %dma_wait3A_158 : memref<1x128x16xf32, #tpu.memory_space<vmem>> -> memref<128x16xf32, #tpu.memory_space<vmem>>
    tpu.wait_dma2 semaphore(%dma_wait3A_153 : memref<!tpu.dma_semaphore, #tpu.memory_space<semaphore_mem>>) src(%dma_wait3A_159 : memref<128x16xf32, #tpu.memory_space<vmem>>) dst(%dma_wait3A_155 : memref<128x16xf32, #tpu.memory_space<vmem_shared>>)
    %mul3A_160 = arith.constant 632 : i32
    %mul3A_161 = arith.muli %arg1, %mul3A_160 : i32
    %add3A_162 = arith.constant 128 : i32
    %add3A_163 = arith.addi %mul3A_161, %add3A_162 : i32
    %dma_wait3A_164 = arith.constant 0 : i32
    %dma_wait3A_165 = arith.constant 1 : i32
    %dma_wait3A_166 = arith.constant 0 : i32
    %dma_wait3A_167 = arith.constant 0 : i32
    %dma_wait3A_168 = tpu.memref_slice %arg8[%dma_wait3A_164, %dma_wait3A_166, %dma_wait3A_167] : memref<10x128x16xf32, #tpu.memory_space<vmem>> -> memref<1x128x16xf32, #tpu.memory_space<vmem>>
    %dma_wait3A_169 = tpu.memref_squeeze %dma_wait3A_168 : memref<1x128x16xf32, #tpu.memory_space<vmem>> -> memref<128x16xf32, #tpu.memory_space<vmem>>
    %dma_wait3A_170 = arith.constant 0 : i32
    %dma_wait3A_171 = tpu.memref_slice %arg9[%add3A_163, %dma_wait3A_170] : memref<10112x16xf32, #tpu.memory_space<vmem_shared>> -> memref<128x16xf32, #tpu.memory_space<vmem_shared>>
    %dma_wait3A_172 = tpu.memref_slice %arg13[%dma_wait3A_165] : memref<8x!tpu.dma_semaphore, #tpu.memory_space<semaphore_mem>> -> memref<1x!tpu.dma_semaphore, #tpu.memory_space<semaphore_mem>>
    %dma_wait3A_173 = tpu.memref_squeeze %dma_wait3A_172 : memref<1x!tpu.dma_semaphore, #tpu.memory_space<semaphore_mem>> -> memref<!tpu.dma_semaphore, #tpu.memory_space<semaphore_mem>>
    %dma_wait3A_174 = arith.constant 0 : i32
    %dma_wait3A_175 = tpu.memref_slice %arg9[%add3A_163, %dma_wait3A_174] : memref<10112x16xf32, #tpu.memory_space<vmem_shared>> -> memref<128x16xf32, #tpu.memory_space<vmem_shared>>
    %dma_wait3A_176 = arith.constant 0 : i32
    %dma_wait3A_177 = arith.constant 0 : i32
    %dma_wait3A_178 = tpu.memref_slice %arg8[%dma_wait3A_164, %dma_wait3A_176, %dma_wait3A_177] : memref<10x128x16xf32, #tpu.memory_space<vmem>> -> memref<1x128x16xf32, #tpu.memory_space<vmem>>
    %dma_wait3A_179 = tpu.memref_squeeze %dma_wait3A_178 : memref<1x128x16xf32, #tpu.memory_space<vmem>> -> memref<128x16xf32, #tpu.memory_space<vmem>>
    tpu.wait_dma2 semaphore(%dma_wait3A_173 : memref<!tpu.dma_semaphore, #tpu.memory_space<semaphore_mem>>) src(%dma_wait3A_179 : memref<128x16xf32, #tpu.memory_space<vmem>>) dst(%dma_wait3A_175 : memref<128x16xf32, #tpu.memory_space<vmem_shared>>)
    %mul3A_180 = arith.constant 632 : i32
    %mul3A_181 = arith.muli %arg1, %mul3A_180 : i32
    %add3A_182 = arith.constant 256 : i32
    %add3A_183 = arith.addi %mul3A_181, %add3A_182 : i32
    %dma_wait3A_184 = arith.constant 0 : i32
    %dma_wait3A_185 = arith.constant 2 : i32
    %dma_wait3A_186 = arith.constant 0 : i32
    %dma_wait3A_187 = arith.constant 0 : i32
    %dma_wait3A_188 = tpu.memref_slice %arg8[%dma_wait3A_184, %dma_wait3A_186, %dma_wait3A_187] : memref<10x128x16xf32, #tpu.memory_space<vmem>> -> memref<1x128x16xf32, #tpu.memory_space<vmem>>
    %dma_wait3A_189 = tpu.memref_squeeze %dma_wait3A_188 : memref<1x128x16xf32, #tpu.memory_space<vmem>> -> memref<128x16xf32, #tpu.memory_space<vmem>>
    %dma_wait3A_190 = arith.constant 0 : i32
    %dma_wait3A_191 = tpu.memref_slice %arg9[%add3A_183, %dma_wait3A_190] : memref<10112x16xf32, #tpu.memory_space<vmem_shared>> -> memref<128x16xf32, #tpu.memory_space<vmem_shared>>
    %dma_wait3A_192 = tpu.memref_slice %arg13[%dma_wait3A_185] : memref<8x!tpu.dma_semaphore, #tpu.memory_space<semaphore_mem>> -> memref<1x!tpu.dma_semaphore, #tpu.memory_space<semaphore_mem>>
    %dma_wait3A_193 = tpu.memref_squeeze %dma_wait3A_192 : memref<1x!tpu.dma_semaphore, #tpu.memory_space<semaphore_mem>> -> memref<!tpu.dma_semaphore, #tpu.memory_space<semaphore_mem>>
    %dma_wait3A_194 = arith.constant 0 : i32
    %dma_wait3A_195 = tpu.memref_slice %arg9[%add3A_183, %dma_wait3A_194] : memref<10112x16xf32, #tpu.memory_space<vmem_shared>> -> memref<128x16xf32, #tpu.memory_space<vmem_shared>>
    %dma_wait3A_196 = arith.constant 0 : i32
    %dma_wait3A_197 = arith.constant 0 : i32
    %dma_wait3A_198 = tpu.memref_slice %arg8[%dma_wait3A_184, %dma_wait3A_196, %dma_wait3A_197] : memref<10x128x16xf32, #tpu.memory_space<vmem>> -> memref<1x128x16xf32, #tpu.memory_space<vmem>>
    %dma_wait3A_199 = tpu.memref_squeeze %dma_wait3A_198 : memref<1x128x16xf32, #tpu.memory_space<vmem>> -> memref<128x16xf32, #tpu.memory_space<vmem>>
    tpu.wait_dma2 semaphore(%dma_wait3A_193 : memref<!tpu.dma_semaphore, #tpu.memory_space<semaphore_mem>>) src(%dma_wait3A_199 : memref<128x16xf32, #tpu.memory_space<vmem>>) dst(%dma_wait3A_195 : memref<128x16xf32, #tpu.memory_space<vmem_shared>>)
    %mul3A_200 = arith.constant 632 : i32
    %mul3A_201 = arith.muli %arg1, %mul3A_200 : i32
    %add3A_202 = arith.constant 384 : i32
    %add3A_203 = arith.addi %mul3A_201, %add3A_202 : i32
    %dma_wait3A_204 = arith.constant 0 : i32
    %dma_wait3A_205 = arith.constant 3 : i32
    %dma_wait3A_206 = arith.constant 0 : i32
    %dma_wait3A_207 = arith.constant 0 : i32
    %dma_wait3A_208 = tpu.memref_slice %arg8[%dma_wait3A_204, %dma_wait3A_206, %dma_wait3A_207] : memref<10x128x16xf32, #tpu.memory_space<vmem>> -> memref<1x128x16xf32, #tpu.memory_space<vmem>>
    %dma_wait3A_209 = tpu.memref_squeeze %dma_wait3A_208 : memref<1x128x16xf32, #tpu.memory_space<vmem>> -> memref<128x16xf32, #tpu.memory_space<vmem>>
    %dma_wait3A_210 = arith.constant 0 : i32
    %dma_wait3A_211 = tpu.memref_slice %arg9[%add3A_203, %dma_wait3A_210] : memref<10112x16xf32, #tpu.memory_space<vmem_shared>> -> memref<128x16xf32, #tpu.memory_space<vmem_shared>>
    %dma_wait3A_212 = tpu.memref_slice %arg13[%dma_wait3A_205] : memref<8x!tpu.dma_semaphore, #tpu.memory_space<semaphore_mem>> -> memref<1x!tpu.dma_semaphore, #tpu.memory_space<semaphore_mem>>
    %dma_wait3A_213 = tpu.memref_squeeze %dma_wait3A_212 : memref<1x!tpu.dma_semaphore, #tpu.memory_space<semaphore_mem>> -> memref<!tpu.dma_semaphore, #tpu.memory_space<semaphore_mem>>
    %dma_wait3A_214 = arith.constant 0 : i32
    %dma_wait3A_215 = tpu.memref_slice %arg9[%add3A_203, %dma_wait3A_214] : memref<10112x16xf32, #tpu.memory_space<vmem_shared>> -> memref<128x16xf32, #tpu.memory_space<vmem_shared>>
    %dma_wait3A_216 = arith.constant 0 : i32
    %dma_wait3A_217 = arith.constant 0 : i32
    %dma_wait3A_218 = tpu.memref_slice %arg8[%dma_wait3A_204, %dma_wait3A_216, %dma_wait3A_217] : memref<10x128x16xf32, #tpu.memory_space<vmem>> -> memref<1x128x16xf32, #tpu.memory_space<vmem>>
    %dma_wait3A_219 = tpu.memref_squeeze %dma_wait3A_218 : memref<1x128x16xf32, #tpu.memory_space<vmem>> -> memref<128x16xf32, #tpu.memory_space<vmem>>
    tpu.wait_dma2 semaphore(%dma_wait3A_213 : memref<!tpu.dma_semaphore, #tpu.memory_space<semaphore_mem>>) src(%dma_wait3A_219 : memref<128x16xf32, #tpu.memory_space<vmem>>) dst(%dma_wait3A_215 : memref<128x16xf32, #tpu.memory_space<vmem_shared>>)
    %mul3A_220 = arith.constant 632 : i32
    %mul3A_221 = arith.muli %arg1, %mul3A_220 : i32
    %add3A_222 = arith.constant 512 : i32
    %add3A_223 = arith.addi %mul3A_221, %add3A_222 : i32
    %dma_wait3A_224 = arith.constant 0 : i32
    %dma_wait3A_225 = arith.constant 4 : i32
    %dma_wait3A_226 = arith.constant 0 : i32
    %dma_wait3A_227 = arith.constant 0 : i32
    %dma_wait3A_228 = tpu.memref_slice %arg8[%dma_wait3A_224, %dma_wait3A_226, %dma_wait3A_227] : memref<10x128x16xf32, #tpu.memory_space<vmem>> -> memref<1x128x16xf32, #tpu.memory_space<vmem>>
    %dma_wait3A_229 = tpu.memref_squeeze %dma_wait3A_228 : memref<1x128x16xf32, #tpu.memory_space<vmem>> -> memref<128x16xf32, #tpu.memory_space<vmem>>
    %dma_wait3A_230 = arith.constant 0 : i32
    %dma_wait3A_231 = arith.constant 0 : i32
    %dma_wait3A_232 = tpu.memref_slice %dma_wait3A_229[%dma_wait3A_230, %dma_wait3A_231] : memref<128x16xf32, #tpu.memory_space<vmem>> -> memref<120x16xf32, #tpu.memory_space<vmem>>
    %dma_wait3A_233 = arith.constant 0 : i32
    %dma_wait3A_234 = tpu.memref_slice %arg9[%add3A_223, %dma_wait3A_233] : memref<10112x16xf32, #tpu.memory_space<vmem_shared>> -> memref<120x16xf32, #tpu.memory_space<vmem_shared>>
    %dma_wait3A_235 = tpu.memref_slice %arg13[%dma_wait3A_225] : memref<8x!tpu.dma_semaphore, #tpu.memory_space<semaphore_mem>> -> memref<1x!tpu.dma_semaphore, #tpu.memory_space<semaphore_mem>>
    %dma_wait3A_236 = tpu.memref_squeeze %dma_wait3A_235 : memref<1x!tpu.dma_semaphore, #tpu.memory_space<semaphore_mem>> -> memref<!tpu.dma_semaphore, #tpu.memory_space<semaphore_mem>>
    %dma_wait3A_237 = arith.constant 0 : i32
    %dma_wait3A_238 = tpu.memref_slice %arg9[%add3A_223, %dma_wait3A_237] : memref<10112x16xf32, #tpu.memory_space<vmem_shared>> -> memref<120x16xf32, #tpu.memory_space<vmem_shared>>
    %dma_wait3A_239 = arith.constant 0 : i32
    %dma_wait3A_240 = arith.constant 0 : i32
    %dma_wait3A_241 = tpu.memref_slice %arg8[%dma_wait3A_224, %dma_wait3A_239, %dma_wait3A_240] : memref<10x128x16xf32, #tpu.memory_space<vmem>> -> memref<1x128x16xf32, #tpu.memory_space<vmem>>
    %dma_wait3A_242 = tpu.memref_squeeze %dma_wait3A_241 : memref<1x128x16xf32, #tpu.memory_space<vmem>> -> memref<128x16xf32, #tpu.memory_space<vmem>>
    %dma_wait3A_243 = arith.constant 0 : i32
    %dma_wait3A_244 = arith.constant 0 : i32
    %dma_wait3A_245 = tpu.memref_slice %dma_wait3A_242[%dma_wait3A_243, %dma_wait3A_244] : memref<128x16xf32, #tpu.memory_space<vmem>> -> memref<120x16xf32, #tpu.memory_space<vmem>>
    tpu.wait_dma2 semaphore(%dma_wait3A_236 : memref<!tpu.dma_semaphore, #tpu.memory_space<semaphore_mem>>) src(%dma_wait3A_245 : memref<120x16xf32, #tpu.memory_space<vmem>>) dst(%dma_wait3A_238 : memref<120x16xf32, #tpu.memory_space<vmem_shared>>)
    %dma_wait3A_246 = arith.constant 5 : i32
    %dma_wait3A_247 = tpu.memref_slice %arg13[%dma_wait3A_246] : memref<8x!tpu.dma_semaphore, #tpu.memory_space<semaphore_mem>> -> memref<1x!tpu.dma_semaphore, #tpu.memory_space<semaphore_mem>>
    %dma_wait3A_248 = tpu.memref_squeeze %dma_wait3A_247 : memref<1x!tpu.dma_semaphore, #tpu.memory_space<semaphore_mem>> -> memref<!tpu.dma_semaphore, #tpu.memory_space<semaphore_mem>>
    %dma_wait3A_249 = arith.constant 0 : i32
    %dma_wait3A_250 = tpu.memref_slice %arg10[%mul3A_21, %dma_wait3A_249] : memref<10000x16xf32, #tpu.memory_space<vmem_shared>> -> memref<625x16xf32, #tpu.memory_space<vmem_shared>>
    %dma_wait3A_251 = arith.constant 0 : i32
    %dma_wait3A_252 = tpu.memref_slice %arg4[%mul3A_19, %dma_wait3A_251] : memref<10000x16xf32, #tpu.memory_space<hbm>> -> memref<625x16xf32, #tpu.memory_space<hbm>>
    tpu.wait_dma2 semaphore(%dma_wait3A_248 : memref<!tpu.dma_semaphore, #tpu.memory_space<semaphore_mem>>) src(%dma_wait3A_252 : memref<625x16xf32, #tpu.memory_space<hbm>>) dst(%dma_wait3A_250 : memref<625x16xf32, #tpu.memory_space<vmem_shared>>)
    %dma_wait3A_253 = arith.constant 6 : i32
    %dma_wait3A_254 = arith.constant 0 : i32
    %dma_wait3A_255 = tpu.memref_slice %arg2[%mul3A_2, %dma_wait3A_254] : memref<2560x128xi32, #tpu.memory_space<hbm>> -> memref<80x128xi32, #tpu.memory_space<hbm>>
    %dma_wait3A_256 = tpu.memref_slice %arg13[%dma_wait3A_253] : memref<8x!tpu.dma_semaphore, #tpu.memory_space<semaphore_mem>> -> memref<1x!tpu.dma_semaphore, #tpu.memory_space<semaphore_mem>>
    %dma_wait3A_257 = tpu.memref_squeeze %dma_wait3A_256 : memref<1x!tpu.dma_semaphore, #tpu.memory_space<semaphore_mem>> -> memref<!tpu.dma_semaphore, #tpu.memory_space<semaphore_mem>>
    %dma_wait3A_258 = arith.constant 0 : i32
    %dma_wait3A_259 = tpu.memref_slice %arg2[%mul3A_2, %dma_wait3A_258] : memref<2560x128xi32, #tpu.memory_space<hbm>> -> memref<80x128xi32, #tpu.memory_space<hbm>>
    tpu.wait_dma2 semaphore(%dma_wait3A_257 : memref<!tpu.dma_semaphore, #tpu.memory_space<semaphore_mem>>) src(%dma_wait3A_259 : memref<80x128xi32, #tpu.memory_space<hbm>>) dst(%arg6 : memref<80x128xi32, #tpu.memory_space<vmem>>)
    %dma_wait3A_260 = arith.constant 7 : i32
    %dma_wait3A_261 = arith.constant 0 : i32
    %dma_wait3A_262 = tpu.memref_slice %arg3[%mul3A_10, %dma_wait3A_261] : memref<2560x128xi32, #tpu.memory_space<hbm>> -> memref<80x128xi32, #tpu.memory_space<hbm>>
    %dma_wait3A_263 = tpu.memref_slice %arg13[%dma_wait3A_260] : memref<8x!tpu.dma_semaphore, #tpu.memory_space<semaphore_mem>> -> memref<1x!tpu.dma_semaphore, #tpu.memory_space<semaphore_mem>>
    %dma_wait3A_264 = tpu.memref_squeeze %dma_wait3A_263 : memref<1x!tpu.dma_semaphore, #tpu.memory_space<semaphore_mem>> -> memref<!tpu.dma_semaphore, #tpu.memory_space<semaphore_mem>>
    %dma_wait3A_265 = arith.constant 0 : i32
    %dma_wait3A_266 = tpu.memref_slice %arg3[%mul3A_10, %dma_wait3A_265] : memref<2560x128xi32, #tpu.memory_space<hbm>> -> memref<80x128xi32, #tpu.memory_space<hbm>>
    tpu.wait_dma2 semaphore(%dma_wait3A_264 : memref<!tpu.dma_semaphore, #tpu.memory_space<semaphore_mem>>) src(%dma_wait3A_266 : memref<80x128xi32, #tpu.memory_space<hbm>>) dst(%arg7 : memref<80x128xi32, #tpu.memory_space<vmem>>)
    %barrier3A = arith.constant 0 : index
    tpu.barrier barrier_id(%barrier3A)
    %dma_start3A_267 = arith.constant 0 : i32
    %dma_start3A_268 = arith.constant 0 : i32
    %dma_start3A_269 = arith.constant 0 : i32
    %dma_start3A_270 = arith.constant 0 : i32
    %dma_start3A_271 = arith.constant 0 : i32
    %dma_start3A_272 = tpu.memref_slice %arg8[%dma_start3A_268, %dma_start3A_270, %dma_start3A_271] : memref<10x128x16xf32, #tpu.memory_space<vmem>> -> memref<1x128x16xf32, #tpu.memory_space<vmem>>
    %dma_start3A_273 = tpu.memref_squeeze %dma_start3A_272 : memref<1x128x16xf32, #tpu.memory_space<vmem>> -> memref<128x16xf32, #tpu.memory_space<vmem>>
    %dma_start3A_274 = arith.constant 0 : i32
    %dma_start3A_275 = tpu.memref_slice %arg6[%dma_start3A_267, %dma_start3A_274] : memref<80x128xi32, #tpu.memory_space<vmem>> -> memref<1x128xi32, #tpu.memory_space<vmem>>
    %dma_start3A_276 = tpu.memref_squeeze %dma_start3A_275 : memref<1x128xi32, #tpu.memory_space<vmem>> -> memref<128xi32, #tpu.memory_space<vmem>>
    %dma_start3A_277 = arith.constant 0 : i32
    %dma_start3A_278 = arith.constant 0 : i32
    %dma_start3A_279 = tpu.memref_slice %arg10[%dma_start3A_277, %dma_start3A_278] : memref<10000x16xf32, #tpu.memory_space<vmem_shared>> -> memref<10000x16xf32, #tpu.memory_space<vmem_shared>>
    %dma_start3A_280 = tpu.memref_slice %arg11[%dma_start3A_269] : memref<10x!tpu.dma_semaphore, #tpu.memory_space<semaphore_mem>> -> memref<1x!tpu.dma_semaphore, #tpu.memory_space<semaphore_mem>>
    %dma_start3A_281 = tpu.memref_squeeze %dma_start3A_280 : memref<1x!tpu.dma_semaphore, #tpu.memory_space<semaphore_mem>> -> memref<!tpu.dma_semaphore, #tpu.memory_space<semaphore_mem>>
    tpu.enqueue_indirect_dma source(%dma_start3A_279 : memref<10000x16xf32, #tpu.memory_space<vmem_shared>>) target(%dma_start3A_273 : memref<128x16xf32, #tpu.memory_space<vmem>>) offsets(%dma_start3A_276 : memref<128xi32, #tpu.memory_space<vmem>>) semaphore(%dma_start3A_281 : memref<!tpu.dma_semaphore, #tpu.memory_space<semaphore_mem>>)
    %dma_start3A_282 = arith.constant 1 : i32
    %dma_start3A_283 = arith.constant 1 : i32
    %dma_start3A_284 = arith.constant 1 : i32
    %dma_start3A_285 = arith.constant 0 : i32
    %dma_start3A_286 = arith.constant 0 : i32
    %dma_start3A_287 = tpu.memref_slice %arg8[%dma_start3A_283, %dma_start3A_285, %dma_start3A_286] : memref<10x128x16xf32, #tpu.memory_space<vmem>> -> memref<1x128x16xf32, #tpu.memory_space<vmem>>
    %dma_start3A_288 = tpu.memref_squeeze %dma_start3A_287 : memref<1x128x16xf32, #tpu.memory_space<vmem>> -> memref<128x16xf32, #tpu.memory_space<vmem>>
    %dma_start3A_289 = arith.constant 0 : i32
    %dma_start3A_290 = tpu.memref_slice %arg6[%dma_start3A_282, %dma_start3A_289] : memref<80x128xi32, #tpu.memory_space<vmem>> -> memref<1x128xi32, #tpu.memory_space<vmem>>
    %dma_start3A_291 = tpu.memref_squeeze %dma_start3A_290 : memref<1x128xi32, #tpu.memory_space<vmem>> -> memref<128xi32, #tpu.memory_space<vmem>>
    %dma_start3A_292 = arith.constant 0 : i32
    %dma_start3A_293 = arith.constant 0 : i32
    %dma_start3A_294 = tpu.memref_slice %arg10[%dma_start3A_292, %dma_start3A_293] : memref<10000x16xf32, #tpu.memory_space<vmem_shared>> -> memref<10000x16xf32, #tpu.memory_space<vmem_shared>>
    %dma_start3A_295 = tpu.memref_slice %arg11[%dma_start3A_284] : memref<10x!tpu.dma_semaphore, #tpu.memory_space<semaphore_mem>> -> memref<1x!tpu.dma_semaphore, #tpu.memory_space<semaphore_mem>>
    %dma_start3A_296 = tpu.memref_squeeze %dma_start3A_295 : memref<1x!tpu.dma_semaphore, #tpu.memory_space<semaphore_mem>> -> memref<!tpu.dma_semaphore, #tpu.memory_space<semaphore_mem>>
    tpu.enqueue_indirect_dma source(%dma_start3A_294 : memref<10000x16xf32, #tpu.memory_space<vmem_shared>>) target(%dma_start3A_288 : memref<128x16xf32, #tpu.memory_space<vmem>>) offsets(%dma_start3A_291 : memref<128xi32, #tpu.memory_space<vmem>>) semaphore(%dma_start3A_296 : memref<!tpu.dma_semaphore, #tpu.memory_space<semaphore_mem>>)
    %dma_start3A_297 = arith.constant 2 : i32
    %dma_start3A_298 = arith.constant 2 : i32
    %dma_start3A_299 = arith.constant 2 : i32
    %dma_start3A_300 = arith.constant 0 : i32
    %dma_start3A_301 = arith.constant 0 : i32
    %dma_start3A_302 = tpu.memref_slice %arg8[%dma_start3A_298, %dma_start3A_300, %dma_start3A_301] : memref<10x128x16xf32, #tpu.memory_space<vmem>> -> memref<1x128x16xf32, #tpu.memory_space<vmem>>
    %dma_start3A_303 = tpu.memref_squeeze %dma_start3A_302 : memref<1x128x16xf32, #tpu.memory_space<vmem>> -> memref<128x16xf32, #tpu.memory_space<vmem>>
    %dma_start3A_304 = arith.constant 0 : i32
    %dma_start3A_305 = tpu.memref_slice %arg6[%dma_start3A_297, %dma_start3A_304] : memref<80x128xi32, #tpu.memory_space<vmem>> -> memref<1x128xi32, #tpu.memory_space<vmem>>
    %dma_start3A_306 = tpu.memref_squeeze %dma_start3A_305 : memref<1x128xi32, #tpu.memory_space<vmem>> -> memref<128xi32, #tpu.memory_space<vmem>>
    %dma_start3A_307 = arith.constant 0 : i32
    %dma_start3A_308 = arith.constant 0 : i32
    %dma_start3A_309 = tpu.memref_slice %arg10[%dma_start3A_307, %dma_start3A_308] : memref<10000x16xf32, #tpu.memory_space<vmem_shared>> -> memref<10000x16xf32, #tpu.memory_space<vmem_shared>>
    %dma_start3A_310 = tpu.memref_slice %arg11[%dma_start3A_299] : memref<10x!tpu.dma_semaphore, #tpu.memory_space<semaphore_mem>> -> memref<1x!tpu.dma_semaphore, #tpu.memory_space<semaphore_mem>>
    %dma_start3A_311 = tpu.memref_squeeze %dma_start3A_310 : memref<1x!tpu.dma_semaphore, #tpu.memory_space<semaphore_mem>> -> memref<!tpu.dma_semaphore, #tpu.memory_space<semaphore_mem>>
    tpu.enqueue_indirect_dma source(%dma_start3A_309 : memref<10000x16xf32, #tpu.memory_space<vmem_shared>>) target(%dma_start3A_303 : memref<128x16xf32, #tpu.memory_space<vmem>>) offsets(%dma_start3A_306 : memref<128xi32, #tpu.memory_space<vmem>>) semaphore(%dma_start3A_311 : memref<!tpu.dma_semaphore, #tpu.memory_space<semaphore_mem>>)
    %dma_start3A_312 = arith.constant 3 : i32
    %dma_start3A_313 = arith.constant 3 : i32
    %dma_start3A_314 = arith.constant 3 : i32
    %dma_start3A_315 = arith.constant 0 : i32
    %dma_start3A_316 = arith.constant 0 : i32
    %dma_start3A_317 = tpu.memref_slice %arg8[%dma_start3A_313, %dma_start3A_315, %dma_start3A_316] : memref<10x128x16xf32, #tpu.memory_space<vmem>> -> memref<1x128x16xf32, #tpu.memory_space<vmem>>
    %dma_start3A_318 = tpu.memref_squeeze %dma_start3A_317 : memref<1x128x16xf32, #tpu.memory_space<vmem>> -> memref<128x16xf32, #tpu.memory_space<vmem>>
    %dma_start3A_319 = arith.constant 0 : i32
    %dma_start3A_320 = tpu.memref_slice %arg6[%dma_start3A_312, %dma_start3A_319] : memref<80x128xi32, #tpu.memory_space<vmem>> -> memref<1x128xi32, #tpu.memory_space<vmem>>
    %dma_start3A_321 = tpu.memref_squeeze %dma_start3A_320 : memref<1x128xi32, #tpu.memory_space<vmem>> -> memref<128xi32, #tpu.memory_space<vmem>>
    %dma_start3A_322 = arith.constant 0 : i32
    %dma_start3A_323 = arith.constant 0 : i32
    %dma_start3A_324 = tpu.memref_slice %arg10[%dma_start3A_322, %dma_start3A_323] : memref<10000x16xf32, #tpu.memory_space<vmem_shared>> -> memref<10000x16xf32, #tpu.memory_space<vmem_shared>>
    %dma_start3A_325 = tpu.memref_slice %arg11[%dma_start3A_314] : memref<10x!tpu.dma_semaphore, #tpu.memory_space<semaphore_mem>> -> memref<1x!tpu.dma_semaphore, #tpu.memory_space<semaphore_mem>>
    %dma_start3A_326 = tpu.memref_squeeze %dma_start3A_325 : memref<1x!tpu.dma_semaphore, #tpu.memory_space<semaphore_mem>> -> memref<!tpu.dma_semaphore, #tpu.memory_space<semaphore_mem>>
    tpu.enqueue_indirect_dma source(%dma_start3A_324 : memref<10000x16xf32, #tpu.memory_space<vmem_shared>>) target(%dma_start3A_318 : memref<128x16xf32, #tpu.memory_space<vmem>>) offsets(%dma_start3A_321 : memref<128xi32, #tpu.memory_space<vmem>>) semaphore(%dma_start3A_326 : memref<!tpu.dma_semaphore, #tpu.memory_space<semaphore_mem>>)
    %dma_start3A_327 = arith.constant 4 : i32
    %dma_start3A_328 = arith.constant 4 : i32
    %dma_start3A_329 = arith.constant 4 : i32
    %dma_start3A_330 = arith.constant 0 : i32
    %dma_start3A_331 = arith.constant 0 : i32
    %dma_start3A_332 = tpu.memref_slice %arg8[%dma_start3A_328, %dma_start3A_330, %dma_start3A_331] : memref<10x128x16xf32, #tpu.memory_space<vmem>> -> memref<1x128x16xf32, #tpu.memory_space<vmem>>
    %dma_start3A_333 = tpu.memref_squeeze %dma_start3A_332 : memref<1x128x16xf32, #tpu.memory_space<vmem>> -> memref<128x16xf32, #tpu.memory_space<vmem>>
    %dma_start3A_334 = arith.constant 0 : i32
    %dma_start3A_335 = tpu.memref_slice %arg6[%dma_start3A_327, %dma_start3A_334] : memref<80x128xi32, #tpu.memory_space<vmem>> -> memref<1x128xi32, #tpu.memory_space<vmem>>
    %dma_start3A_336 = tpu.memref_squeeze %dma_start3A_335 : memref<1x128xi32, #tpu.memory_space<vmem>> -> memref<128xi32, #tpu.memory_space<vmem>>
    %dma_start3A_337 = arith.constant 0 : i32
    %dma_start3A_338 = arith.constant 0 : i32
    %dma_start3A_339 = tpu.memref_slice %arg10[%dma_start3A_337, %dma_start3A_338] : memref<10000x16xf32, #tpu.memory_space<vmem_shared>> -> memref<10000x16xf32, #tpu.memory_space<vmem_shared>>
    %dma_start3A_340 = tpu.memref_slice %arg11[%dma_start3A_329] : memref<10x!tpu.dma_semaphore, #tpu.memory_space<semaphore_mem>> -> memref<1x!tpu.dma_semaphore, #tpu.memory_space<semaphore_mem>>
    %dma_start3A_341 = tpu.memref_squeeze %dma_start3A_340 : memref<1x!tpu.dma_semaphore, #tpu.memory_space<semaphore_mem>> -> memref<!tpu.dma_semaphore, #tpu.memory_space<semaphore_mem>>
    tpu.enqueue_indirect_dma source(%dma_start3A_339 : memref<10000x16xf32, #tpu.memory_space<vmem_shared>>) target(%dma_start3A_333 : memref<128x16xf32, #tpu.memory_space<vmem>>) offsets(%dma_start3A_336 : memref<128xi32, #tpu.memory_space<vmem>>) semaphore(%dma_start3A_341 : memref<!tpu.dma_semaphore, #tpu.memory_space<semaphore_mem>>)
    %scan3A_342 = arith.constant 0 : i32
    %scan3A_343 = arith.constant 8 : i32
    %scan3A_344 = arith.addi %scan3A_342, %scan3A_343 : i32
    %scan3A_345 = arith.constant 1 : i32
    scf.for %scan3A_502 = %scan3A_342 to %scan3A_344 step %scan3A_345  : i32 {
      %mul3A_503 = arith.constant 10 : i32
      %mul3A_504 = arith.muli %scan3A_502, %mul3A_503 : i32
      %add3A_505 = arith.constant 0 : i32
      %add3A_506 = arith.addi %add3A_505, %mul3A_504 : i32
      %add3A_507 = arith.constant 0 : i32
      %add3A_508 = arith.addi %add3A_506, %add3A_507 : i32
      %dma_wait3A_509 = arith.constant 0 : i32
      %dma_wait3A_510 = arith.constant 0 : i32
      %dma_wait3A_511 = arith.constant 0 : i32
      %dma_wait3A_512 = arith.constant 0 : i32
      %dma_wait3A_513 = tpu.memref_slice %arg8[%dma_wait3A_509, %dma_wait3A_511, %dma_wait3A_512] : memref<10x128x16xf32, #tpu.memory_space<vmem>> -> memref<1x128x16xf32, #tpu.memory_space<vmem>>
      %dma_wait3A_514 = tpu.memref_squeeze %dma_wait3A_513 : memref<1x128x16xf32, #tpu.memory_space<vmem>> -> memref<128x16xf32, #tpu.memory_space<vmem>>
      %dma_wait3A_515 = arith.constant 0 : i32
      %dma_wait3A_516 = tpu.memref_slice %arg6[%add3A_508, %dma_wait3A_515] : memref<80x128xi32, #tpu.memory_space<vmem>> -> memref<1x128xi32, #tpu.memory_space<vmem>>
      %dma_wait3A_517 = tpu.memref_squeeze %dma_wait3A_516 : memref<1x128xi32, #tpu.memory_space<vmem>> -> memref<128xi32, #tpu.memory_space<vmem>>
      %dma_wait3A_518 = arith.constant 0 : i32
      %dma_wait3A_519 = arith.constant 0 : i32
      %dma_wait3A_520 = tpu.memref_slice %arg10[%dma_wait3A_518, %dma_wait3A_519] : memref<10000x16xf32, #tpu.memory_space<vmem_shared>> -> memref<10000x16xf32, #tpu.memory_space<vmem_shared>>
      %dma_wait3A_521 = tpu.memref_slice %arg11[%dma_wait3A_510] : memref<10x!tpu.dma_semaphore, #tpu.memory_space<semaphore_mem>> -> memref<1x!tpu.dma_semaphore, #tpu.memory_space<semaphore_mem>>
      %dma_wait3A_522 = tpu.memref_squeeze %dma_wait3A_521 : memref<1x!tpu.dma_semaphore, #tpu.memory_space<semaphore_mem>> -> memref<!tpu.dma_semaphore, #tpu.memory_space<semaphore_mem>>
      tpu.wait_indirect_dma semaphore(%dma_wait3A_522 : memref<!tpu.dma_semaphore, #tpu.memory_space<semaphore_mem>>) src(%dma_wait3A_520 : memref<10000x16xf32, #tpu.memory_space<vmem_shared>>) dst(%dma_wait3A_514 : memref<128x16xf32, #tpu.memory_space<vmem>>)
      %dma_start3A_523 = arith.constant 0 : i32
      %dma_start3A_524 = arith.constant 0 : i32
      %dma_start3A_525 = arith.constant 0 : i32
      %dma_start3A_526 = arith.constant 0 : i32
      %dma_start3A_527 = tpu.memref_slice %arg8[%dma_start3A_523, %dma_start3A_525, %dma_start3A_526] : memref<10x128x16xf32, #tpu.memory_space<vmem>> -> memref<1x128x16xf32, #tpu.memory_space<vmem>>
      %dma_start3A_528 = tpu.memref_squeeze %dma_start3A_527 : memref<1x128x16xf32, #tpu.memory_space<vmem>> -> memref<128x16xf32, #tpu.memory_space<vmem>>
      %dma_start3A_529 = arith.constant 0 : i32
      %dma_start3A_530 = tpu.memref_slice %arg7[%add3A_508, %dma_start3A_529] : memref<80x128xi32, #tpu.memory_space<vmem>> -> memref<1x128xi32, #tpu.memory_space<vmem>>
      %dma_start3A_531 = tpu.memref_squeeze %dma_start3A_530 : memref<1x128xi32, #tpu.memory_space<vmem>> -> memref<128xi32, #tpu.memory_space<vmem>>
      %dma_start3A_532 = arith.constant 0 : i32
      %dma_start3A_533 = arith.constant 0 : i32
      %dma_start3A_534 = tpu.memref_slice %arg9[%dma_start3A_532, %dma_start3A_533] : memref<10112x16xf32, #tpu.memory_space<vmem_shared>> -> memref<10112x16xf32, #tpu.memory_space<vmem_shared>>
      %dma_start3A_535 = tpu.memref_slice %arg12[%dma_start3A_524] : memref<10x!tpu.dma_semaphore, #tpu.memory_space<semaphore_mem>> -> memref<1x!tpu.dma_semaphore, #tpu.memory_space<semaphore_mem>>
      %dma_start3A_536 = tpu.memref_squeeze %dma_start3A_535 : memref<1x!tpu.dma_semaphore, #tpu.memory_space<semaphore_mem>> -> memref<!tpu.dma_semaphore, #tpu.memory_space<semaphore_mem>>
      tpu.enqueue_indirect_dma source(%dma_start3A_528 : memref<128x16xf32, #tpu.memory_space<vmem>>) target(%dma_start3A_534 : memref<10112x16xf32, #tpu.memory_space<vmem_shared>>) offsets(%dma_start3A_531 : memref<128xi32, #tpu.memory_space<vmem>>) semaphore(%dma_start3A_536 : memref<!tpu.dma_semaphore, #tpu.memory_space<semaphore_mem>>) {add = true}
      %add3A_537 = arith.constant 5 : i32
      %add3A_538 = arith.addi %add3A_508, %add3A_537 : i32
      %lt3A = arith.constant 80 : i32
      %lt3A_539 = arith.cmpi slt, %add3A_538, %lt3A : i32
      %convert_element_type3A = arith.extui %lt3A_539 : i1 to i32
      %cond3A = arith.constant 0 : i32
      %cond3A_540 = arith.cmpi ne, %convert_element_type3A, %cond3A : i32
      scf.if %cond3A_540 {
        %ge3A = arith.constant 10 : i32
        %ge3A_874 = arith.cmpi sge, %add3A_538, %ge3A : i32
        %convert_element_type3A_875 = arith.extui %ge3A_874 : i1 to i32
        %cond3A_876 = arith.constant 0 : i32
        %cond3A_877 = arith.cmpi ne, %convert_element_type3A_875, %cond3A_876 : i32
        scf.if %cond3A_877 {
          %sub3A = arith.constant 10 : i32
          %sub3A_892 = arith.subi %add3A_538, %sub3A : i32
          %dma_wait3A_893 = arith.constant 5 : i32
          %dma_wait3A_894 = arith.constant 5 : i32
          %dma_wait3A_895 = arith.constant 0 : i32
          %dma_wait3A_896 = arith.constant 0 : i32
          %dma_wait3A_897 = tpu.memref_slice %arg8[%dma_wait3A_893, %dma_wait3A_895, %dma_wait3A_896] : memref<10x128x16xf32, #tpu.memory_space<vmem>> -> memref<1x128x16xf32, #tpu.memory_space<vmem>>
          %dma_wait3A_898 = tpu.memref_squeeze %dma_wait3A_897 : memref<1x128x16xf32, #tpu.memory_space<vmem>> -> memref<128x16xf32, #tpu.memory_space<vmem>>
          %dma_wait3A_899 = arith.constant 0 : i32
          %dma_wait3A_900 = tpu.memref_slice %arg7[%sub3A_892, %dma_wait3A_899] : memref<80x128xi32, #tpu.memory_space<vmem>> -> memref<1x128xi32, #tpu.memory_space<vmem>>
          %dma_wait3A_901 = tpu.memref_squeeze %dma_wait3A_900 : memref<1x128xi32, #tpu.memory_space<vmem>> -> memref<128xi32, #tpu.memory_space<vmem>>
          %dma_wait3A_902 = arith.constant 0 : i32
          %dma_wait3A_903 = arith.constant 0 : i32
          %dma_wait3A_904 = tpu.memref_slice %arg9[%dma_wait3A_902, %dma_wait3A_903] : memref<10112x16xf32, #tpu.memory_space<vmem_shared>> -> memref<10112x16xf32, #tpu.memory_space<vmem_shared>>
          %dma_wait3A_905 = tpu.memref_slice %arg12[%dma_wait3A_894] : memref<10x!tpu.dma_semaphore, #tpu.memory_space<semaphore_mem>> -> memref<1x!tpu.dma_semaphore, #tpu.memory_space<semaphore_mem>>
          %dma_wait3A_906 = tpu.memref_squeeze %dma_wait3A_905 : memref<1x!tpu.dma_semaphore, #tpu.memory_space<semaphore_mem>> -> memref<!tpu.dma_semaphore, #tpu.memory_space<semaphore_mem>>
          tpu.wait_indirect_dma semaphore(%dma_wait3A_906 : memref<!tpu.dma_semaphore, #tpu.memory_space<semaphore_mem>>) src(%dma_wait3A_898 : memref<128x16xf32, #tpu.memory_space<vmem>>) dst(%dma_wait3A_904 : memref<10112x16xf32, #tpu.memory_space<vmem_shared>>)
        } else {
        }
        %dma_start3A_878 = arith.constant 5 : i32
        %dma_start3A_879 = arith.constant 5 : i32
        %dma_start3A_880 = arith.constant 0 : i32
        %dma_start3A_881 = arith.constant 0 : i32
        %dma_start3A_882 = tpu.memref_slice %arg8[%dma_start3A_878, %dma_start3A_880, %dma_start3A_881] : memref<10x128x16xf32, #tpu.memory_space<vmem>> -> memref<1x128x16xf32, #tpu.memory_space<vmem>>
        %dma_start3A_883 = tpu.memref_squeeze %dma_start3A_882 : memref<1x128x16xf32, #tpu.memory_space<vmem>> -> memref<128x16xf32, #tpu.memory_space<vmem>>
        %dma_start3A_884 = arith.constant 0 : i32
        %dma_start3A_885 = tpu.memref_slice %arg6[%add3A_538, %dma_start3A_884] : memref<80x128xi32, #tpu.memory_space<vmem>> -> memref<1x128xi32, #tpu.memory_space<vmem>>
        %dma_start3A_886 = tpu.memref_squeeze %dma_start3A_885 : memref<1x128xi32, #tpu.memory_space<vmem>> -> memref<128xi32, #tpu.memory_space<vmem>>
        %dma_start3A_887 = arith.constant 0 : i32
        %dma_start3A_888 = arith.constant 0 : i32
        %dma_start3A_889 = tpu.memref_slice %arg10[%dma_start3A_887, %dma_start3A_888] : memref<10000x16xf32, #tpu.memory_space<vmem_shared>> -> memref<10000x16xf32, #tpu.memory_space<vmem_shared>>
        %dma_start3A_890 = tpu.memref_slice %arg11[%dma_start3A_879] : memref<10x!tpu.dma_semaphore, #tpu.memory_space<semaphore_mem>> -> memref<1x!tpu.dma_semaphore, #tpu.memory_space<semaphore_mem>>
        %dma_start3A_891 = tpu.memref_squeeze %dma_start3A_890 : memref<1x!tpu.dma_semaphore, #tpu.memory_space<semaphore_mem>> -> memref<!tpu.dma_semaphore, #tpu.memory_space<semaphore_mem>>
        tpu.enqueue_indirect_dma source(%dma_start3A_889 : memref<10000x16xf32, #tpu.memory_space<vmem_shared>>) target(%dma_start3A_883 : memref<128x16xf32, #tpu.memory_space<vmem>>) offsets(%dma_start3A_886 : memref<128xi32, #tpu.memory_space<vmem>>) semaphore(%dma_start3A_891 : memref<!tpu.dma_semaphore, #tpu.memory_space<semaphore_mem>>)
      } else {
      }
      %add3A_541 = arith.constant 1 : i32
      %add3A_542 = arith.addi %add3A_506, %add3A_541 : i32
      %dma_wait3A_543 = arith.constant 1 : i32
      %dma_wait3A_544 = arith.constant 1 : i32
      %dma_wait3A_545 = arith.constant 0 : i32
      %dma_wait3A_546 = arith.constant 0 : i32
      %dma_wait3A_547 = tpu.memref_slice %arg8[%dma_wait3A_543, %dma_wait3A_545, %dma_wait3A_546] : memref<10x128x16xf32, #tpu.memory_space<vmem>> -> memref<1x128x16xf32, #tpu.memory_space<vmem>>
      %dma_wait3A_548 = tpu.memref_squeeze %dma_wait3A_547 : memref<1x128x16xf32, #tpu.memory_space<vmem>> -> memref<128x16xf32, #tpu.memory_space<vmem>>
      %dma_wait3A_549 = arith.constant 0 : i32
      %dma_wait3A_550 = tpu.memref_slice %arg6[%add3A_542, %dma_wait3A_549] : memref<80x128xi32, #tpu.memory_space<vmem>> -> memref<1x128xi32, #tpu.memory_space<vmem>>
      %dma_wait3A_551 = tpu.memref_squeeze %dma_wait3A_550 : memref<1x128xi32, #tpu.memory_space<vmem>> -> memref<128xi32, #tpu.memory_space<vmem>>
      %dma_wait3A_552 = arith.constant 0 : i32
      %dma_wait3A_553 = arith.constant 0 : i32
      %dma_wait3A_554 = tpu.memref_slice %arg10[%dma_wait3A_552, %dma_wait3A_553] : memref<10000x16xf32, #tpu.memory_space<vmem_shared>> -> memref<10000x16xf32, #tpu.memory_space<vmem_shared>>
      %dma_wait3A_555 = tpu.memref_slice %arg11[%dma_wait3A_544] : memref<10x!tpu.dma_semaphore, #tpu.memory_space<semaphore_mem>> -> memref<1x!tpu.dma_semaphore, #tpu.memory_space<semaphore_mem>>
      %dma_wait3A_556 = tpu.memref_squeeze %dma_wait3A_555 : memref<1x!tpu.dma_semaphore, #tpu.memory_space<semaphore_mem>> -> memref<!tpu.dma_semaphore, #tpu.memory_space<semaphore_mem>>
      tpu.wait_indirect_dma semaphore(%dma_wait3A_556 : memref<!tpu.dma_semaphore, #tpu.memory_space<semaphore_mem>>) src(%dma_wait3A_554 : memref<10000x16xf32, #tpu.memory_space<vmem_shared>>) dst(%dma_wait3A_548 : memref<128x16xf32, #tpu.memory_space<vmem>>)
      %dma_start3A_557 = arith.constant 1 : i32
      %dma_start3A_558 = arith.constant 1 : i32
      %dma_start3A_559 = arith.constant 0 : i32
      %dma_start3A_560 = arith.constant 0 : i32
      %dma_start3A_561 = tpu.memref_slice %arg8[%dma_start3A_557, %dma_start3A_559, %dma_start3A_560] : memref<10x128x16xf32, #tpu.memory_space<vmem>> -> memref<1x128x16xf32, #tpu.memory_space<vmem>>
      %dma_start3A_562 = tpu.memref_squeeze %dma_start3A_561 : memref<1x128x16xf32, #tpu.memory_space<vmem>> -> memref<128x16xf32, #tpu.memory_space<vmem>>
      %dma_start3A_563 = arith.constant 0 : i32
      %dma_start3A_564 = tpu.memref_slice %arg7[%add3A_542, %dma_start3A_563] : memref<80x128xi32, #tpu.memory_space<vmem>> -> memref<1x128xi32, #tpu.memory_space<vmem>>
      %dma_start3A_565 = tpu.memref_squeeze %dma_start3A_564 : memref<1x128xi32, #tpu.memory_space<vmem>> -> memref<128xi32, #tpu.memory_space<vmem>>
      %dma_start3A_566 = arith.constant 0 : i32
      %dma_start3A_567 = arith.constant 0 : i32
      %dma_start3A_568 = tpu.memref_slice %arg9[%dma_start3A_566, %dma_start3A_567] : memref<10112x16xf32, #tpu.memory_space<vmem_shared>> -> memref<10112x16xf32, #tpu.memory_space<vmem_shared>>
      %dma_start3A_569 = tpu.memref_slice %arg12[%dma_start3A_558] : memref<10x!tpu.dma_semaphore, #tpu.memory_space<semaphore_mem>> -> memref<1x!tpu.dma_semaphore, #tpu.memory_space<semaphore_mem>>
      %dma_start3A_570 = tpu.memref_squeeze %dma_start3A_569 : memref<1x!tpu.dma_semaphore, #tpu.memory_space<semaphore_mem>> -> memref<!tpu.dma_semaphore, #tpu.memory_space<semaphore_mem>>
      tpu.enqueue_indirect_dma source(%dma_start3A_562 : memref<128x16xf32, #tpu.memory_space<vmem>>) target(%dma_start3A_568 : memref<10112x16xf32, #tpu.memory_space<vmem_shared>>) offsets(%dma_start3A_565 : memref<128xi32, #tpu.memory_space<vmem>>) semaphore(%dma_start3A_570 : memref<!tpu.dma_semaphore, #tpu.memory_space<semaphore_mem>>) {add = true}
      %add3A_571 = arith.constant 5 : i32
      %add3A_572 = arith.addi %add3A_542, %add3A_571 : i32
      %lt3A_573 = arith.constant 80 : i32
      %lt3A_574 = arith.cmpi slt, %add3A_572, %lt3A_573 : i32
      %convert_element_type3A_575 = arith.extui %lt3A_574 : i1 to i32
      %cond3A_576 = arith.constant 0 : i32
      %cond3A_577 = arith.cmpi ne, %convert_element_type3A_575, %cond3A_576 : i32
      scf.if %cond3A_577 {
        %ge3A = arith.constant 10 : i32
        %ge3A_874 = arith.cmpi sge, %add3A_572, %ge3A : i32
        %convert_element_type3A_875 = arith.extui %ge3A_874 : i1 to i32
        %cond3A_876 = arith.constant 0 : i32
        %cond3A_877 = arith.cmpi ne, %convert_element_type3A_875, %cond3A_876 : i32
        scf.if %cond3A_877 {
          %sub3A = arith.constant 10 : i32
          %sub3A_892 = arith.subi %add3A_572, %sub3A : i32
          %dma_wait3A_893 = arith.constant 6 : i32
          %dma_wait3A_894 = arith.constant 6 : i32
          %dma_wait3A_895 = arith.constant 0 : i32
          %dma_wait3A_896 = arith.constant 0 : i32
          %dma_wait3A_897 = tpu.memref_slice %arg8[%dma_wait3A_893, %dma_wait3A_895, %dma_wait3A_896] : memref<10x128x16xf32, #tpu.memory_space<vmem>> -> memref<1x128x16xf32, #tpu.memory_space<vmem>>
          %dma_wait3A_898 = tpu.memref_squeeze %dma_wait3A_897 : memref<1x128x16xf32, #tpu.memory_space<vmem>> -> memref<128x16xf32, #tpu.memory_space<vmem>>
          %dma_wait3A_899 = arith.constant 0 : i32
          %dma_wait3A_900 = tpu.memref_slice %arg7[%sub3A_892, %dma_wait3A_899] : memref<80x128xi32, #tpu.memory_space<vmem>> -> memref<1x128xi32, #tpu.memory_space<vmem>>
          %dma_wait3A_901 = tpu.memref_squeeze %dma_wait3A_900 : memref<1x128xi32, #tpu.memory_space<vmem>> -> memref<128xi32, #tpu.memory_space<vmem>>
          %dma_wait3A_902 = arith.constant 0 : i32
          %dma_wait3A_903 = arith.constant 0 : i32
          %dma_wait3A_904 = tpu.memref_slice %arg9[%dma_wait3A_902, %dma_wait3A_903] : memref<10112x16xf32, #tpu.memory_space<vmem_shared>> -> memref<10112x16xf32, #tpu.memory_space<vmem_shared>>
          %dma_wait3A_905 = tpu.memref_slice %arg12[%dma_wait3A_894] : memref<10x!tpu.dma_semaphore, #tpu.memory_space<semaphore_mem>> -> memref<1x!tpu.dma_semaphore, #tpu.memory_space<semaphore_mem>>
          %dma_wait3A_906 = tpu.memref_squeeze %dma_wait3A_905 : memref<1x!tpu.dma_semaphore, #tpu.memory_space<semaphore_mem>> -> memref<!tpu.dma_semaphore, #tpu.memory_space<semaphore_mem>>
          tpu.wait_indirect_dma semaphore(%dma_wait3A_906 : memref<!tpu.dma_semaphore, #tpu.memory_space<semaphore_mem>>) src(%dma_wait3A_898 : memref<128x16xf32, #tpu.memory_space<vmem>>) dst(%dma_wait3A_904 : memref<10112x16xf32, #tpu.memory_space<vmem_shared>>)
        } else {
        }
        %dma_start3A_878 = arith.constant 6 : i32
        %dma_start3A_879 = arith.constant 6 : i32
        %dma_start3A_880 = arith.constant 0 : i32
        %dma_start3A_881 = arith.constant 0 : i32
        %dma_start3A_882 = tpu.memref_slice %arg8[%dma_start3A_878, %dma_start3A_880, %dma_start3A_881] : memref<10x128x16xf32, #tpu.memory_space<vmem>> -> memref<1x128x16xf32, #tpu.memory_space<vmem>>
        %dma_start3A_883 = tpu.memref_squeeze %dma_start3A_882 : memref<1x128x16xf32, #tpu.memory_space<vmem>> -> memref<128x16xf32, #tpu.memory_space<vmem>>
        %dma_start3A_884 = arith.constant 0 : i32
        %dma_start3A_885 = tpu.memref_slice %arg6[%add3A_572, %dma_start3A_884] : memref<80x128xi32, #tpu.memory_space<vmem>> -> memref<1x128xi32, #tpu.memory_space<vmem>>
        %dma_start3A_886 = tpu.memref_squeeze %dma_start3A_885 : memref<1x128xi32, #tpu.memory_space<vmem>> -> memref<128xi32, #tpu.memory_space<vmem>>
        %dma_start3A_887 = arith.constant 0 : i32
        %dma_start3A_888 = arith.constant 0 : i32
        %dma_start3A_889 = tpu.memref_slice %arg10[%dma_start3A_887, %dma_start3A_888] : memref<10000x16xf32, #tpu.memory_space<vmem_shared>> -> memref<10000x16xf32, #tpu.memory_space<vmem_shared>>
        %dma_start3A_890 = tpu.memref_slice %arg11[%dma_start3A_879] : memref<10x!tpu.dma_semaphore, #tpu.memory_space<semaphore_mem>> -> memref<1x!tpu.dma_semaphore, #tpu.memory_space<semaphore_mem>>
        %dma_start3A_891 = tpu.memref_squeeze %dma_start3A_890 : memref<1x!tpu.dma_semaphore, #tpu.memory_space<semaphore_mem>> -> memref<!tpu.dma_semaphore, #tpu.memory_space<semaphore_mem>>
        tpu.enqueue_indirect_dma source(%dma_start3A_889 : memref<10000x16xf32, #tpu.memory_space<vmem_shared>>) target(%dma_start3A_883 : memref<128x16xf32, #tpu.memory_space<vmem>>) offsets(%dma_start3A_886 : memref<128xi32, #tpu.memory_space<vmem>>) semaphore(%dma_start3A_891 : memref<!tpu.dma_semaphore, #tpu.memory_space<semaphore_mem>>)
      } else {
      }
      %add3A_578 = arith.constant 2 : i32
      %add3A_579 = arith.addi %add3A_506, %add3A_578 : i32
      %dma_wait3A_580 = arith.constant 2 : i32
      %dma_wait3A_581 = arith.constant 2 : i32
      %dma_wait3A_582 = arith.constant 0 : i32
      %dma_wait3A_583 = arith.constant 0 : i32
      %dma_wait3A_584 = tpu.memref_slice %arg8[%dma_wait3A_580, %dma_wait3A_582, %dma_wait3A_583] : memref<10x128x16xf32, #tpu.memory_space<vmem>> -> memref<1x128x16xf32, #tpu.memory_space<vmem>>
      %dma_wait3A_585 = tpu.memref_squeeze %dma_wait3A_584 : memref<1x128x16xf32, #tpu.memory_space<vmem>> -> memref<128x16xf32, #tpu.memory_space<vmem>>
      %dma_wait3A_586 = arith.constant 0 : i32
      %dma_wait3A_587 = tpu.memref_slice %arg6[%add3A_579, %dma_wait3A_586] : memref<80x128xi32, #tpu.memory_space<vmem>> -> memref<1x128xi32, #tpu.memory_space<vmem>>
      %dma_wait3A_588 = tpu.memref_squeeze %dma_wait3A_587 : memref<1x128xi32, #tpu.memory_space<vmem>> -> memref<128xi32, #tpu.memory_space<vmem>>
      %dma_wait3A_589 = arith.constant 0 : i32
      %dma_wait3A_590 = arith.constant 0 : i32
      %dma_wait3A_591 = tpu.memref_slice %arg10[%dma_wait3A_589, %dma_wait3A_590] : memref<10000x16xf32, #tpu.memory_space<vmem_shared>> -> memref<10000x16xf32, #tpu.memory_space<vmem_shared>>
      %dma_wait3A_592 = tpu.memref_slice %arg11[%dma_wait3A_581] : memref<10x!tpu.dma_semaphore, #tpu.memory_space<semaphore_mem>> -> memref<1x!tpu.dma_semaphore, #tpu.memory_space<semaphore_mem>>
      %dma_wait3A_593 = tpu.memref_squeeze %dma_wait3A_592 : memref<1x!tpu.dma_semaphore, #tpu.memory_space<semaphore_mem>> -> memref<!tpu.dma_semaphore, #tpu.memory_space<semaphore_mem>>
      tpu.wait_indirect_dma semaphore(%dma_wait3A_593 : memref<!tpu.dma_semaphore, #tpu.memory_space<semaphore_mem>>) src(%dma_wait3A_591 : memref<10000x16xf32, #tpu.memory_space<vmem_shared>>) dst(%dma_wait3A_585 : memref<128x16xf32, #tpu.memory_space<vmem>>)
      %dma_start3A_594 = arith.constant 2 : i32
      %dma_start3A_595 = arith.constant 2 : i32
      %dma_start3A_596 = arith.constant 0 : i32
      %dma_start3A_597 = arith.constant 0 : i32
      %dma_start3A_598 = tpu.memref_slice %arg8[%dma_start3A_594, %dma_start3A_596, %dma_start3A_597] : memref<10x128x16xf32, #tpu.memory_space<vmem>> -> memref<1x128x16xf32, #tpu.memory_space<vmem>>
      %dma_start3A_599 = tpu.memref_squeeze %dma_start3A_598 : memref<1x128x16xf32, #tpu.memory_space<vmem>> -> memref<128x16xf32, #tpu.memory_space<vmem>>
      %dma_start3A_600 = arith.constant 0 : i32
      %dma_start3A_601 = tpu.memref_slice %arg7[%add3A_579, %dma_start3A_600] : memref<80x128xi32, #tpu.memory_space<vmem>> -> memref<1x128xi32, #tpu.memory_space<vmem>>
      %dma_start3A_602 = tpu.memref_squeeze %dma_start3A_601 : memref<1x128xi32, #tpu.memory_space<vmem>> -> memref<128xi32, #tpu.memory_space<vmem>>
      %dma_start3A_603 = arith.constant 0 : i32
      %dma_start3A_604 = arith.constant 0 : i32
      %dma_start3A_605 = tpu.memref_slice %arg9[%dma_start3A_603, %dma_start3A_604] : memref<10112x16xf32, #tpu.memory_space<vmem_shared>> -> memref<10112x16xf32, #tpu.memory_space<vmem_shared>>
      %dma_start3A_606 = tpu.memref_slice %arg12[%dma_start3A_595] : memref<10x!tpu.dma_semaphore, #tpu.memory_space<semaphore_mem>> -> memref<1x!tpu.dma_semaphore, #tpu.memory_space<semaphore_mem>>
      %dma_start3A_607 = tpu.memref_squeeze %dma_start3A_606 : memref<1x!tpu.dma_semaphore, #tpu.memory_space<semaphore_mem>> -> memref<!tpu.dma_semaphore, #tpu.memory_space<semaphore_mem>>
      tpu.enqueue_indirect_dma source(%dma_start3A_599 : memref<128x16xf32, #tpu.memory_space<vmem>>) target(%dma_start3A_605 : memref<10112x16xf32, #tpu.memory_space<vmem_shared>>) offsets(%dma_start3A_602 : memref<128xi32, #tpu.memory_space<vmem>>) semaphore(%dma_start3A_607 : memref<!tpu.dma_semaphore, #tpu.memory_space<semaphore_mem>>) {add = true}
      %add3A_608 = arith.constant 5 : i32
      %add3A_609 = arith.addi %add3A_579, %add3A_608 : i32
      %lt3A_610 = arith.constant 80 : i32
      %lt3A_611 = arith.cmpi slt, %add3A_609, %lt3A_610 : i32
      %convert_element_type3A_612 = arith.extui %lt3A_611 : i1 to i32
      %cond3A_613 = arith.constant 0 : i32
      %cond3A_614 = arith.cmpi ne, %convert_element_type3A_612, %cond3A_613 : i32
      scf.if %cond3A_614 {
        %ge3A = arith.constant 10 : i32
        %ge3A_874 = arith.cmpi sge, %add3A_609, %ge3A : i32
        %convert_element_type3A_875 = arith.extui %ge3A_874 : i1 to i32
        %cond3A_876 = arith.constant 0 : i32
        %cond3A_877 = arith.cmpi ne, %convert_element_type3A_875, %cond3A_876 : i32
        scf.if %cond3A_877 {
          %sub3A = arith.constant 10 : i32
          %sub3A_892 = arith.subi %add3A_609, %sub3A : i32
          %dma_wait3A_893 = arith.constant 7 : i32
          %dma_wait3A_894 = arith.constant 7 : i32
          %dma_wait3A_895 = arith.constant 0 : i32
          %dma_wait3A_896 = arith.constant 0 : i32
          %dma_wait3A_897 = tpu.memref_slice %arg8[%dma_wait3A_893, %dma_wait3A_895, %dma_wait3A_896] : memref<10x128x16xf32, #tpu.memory_space<vmem>> -> memref<1x128x16xf32, #tpu.memory_space<vmem>>
          %dma_wait3A_898 = tpu.memref_squeeze %dma_wait3A_897 : memref<1x128x16xf32, #tpu.memory_space<vmem>> -> memref<128x16xf32, #tpu.memory_space<vmem>>
          %dma_wait3A_899 = arith.constant 0 : i32
          %dma_wait3A_900 = tpu.memref_slice %arg7[%sub3A_892, %dma_wait3A_899] : memref<80x128xi32, #tpu.memory_space<vmem>> -> memref<1x128xi32, #tpu.memory_space<vmem>>
          %dma_wait3A_901 = tpu.memref_squeeze %dma_wait3A_900 : memref<1x128xi32, #tpu.memory_space<vmem>> -> memref<128xi32, #tpu.memory_space<vmem>>
          %dma_wait3A_902 = arith.constant 0 : i32
          %dma_wait3A_903 = arith.constant 0 : i32
          %dma_wait3A_904 = tpu.memref_slice %arg9[%dma_wait3A_902, %dma_wait3A_903] : memref<10112x16xf32, #tpu.memory_space<vmem_shared>> -> memref<10112x16xf32, #tpu.memory_space<vmem_shared>>
          %dma_wait3A_905 = tpu.memref_slice %arg12[%dma_wait3A_894] : memref<10x!tpu.dma_semaphore, #tpu.memory_space<semaphore_mem>> -> memref<1x!tpu.dma_semaphore, #tpu.memory_space<semaphore_mem>>
          %dma_wait3A_906 = tpu.memref_squeeze %dma_wait3A_905 : memref<1x!tpu.dma_semaphore, #tpu.memory_space<semaphore_mem>> -> memref<!tpu.dma_semaphore, #tpu.memory_space<semaphore_mem>>
          tpu.wait_indirect_dma semaphore(%dma_wait3A_906 : memref<!tpu.dma_semaphore, #tpu.memory_space<semaphore_mem>>) src(%dma_wait3A_898 : memref<128x16xf32, #tpu.memory_space<vmem>>) dst(%dma_wait3A_904 : memref<10112x16xf32, #tpu.memory_space<vmem_shared>>)
        } else {
        }
        %dma_start3A_878 = arith.constant 7 : i32
        %dma_start3A_879 = arith.constant 7 : i32
        %dma_start3A_880 = arith.constant 0 : i32
        %dma_start3A_881 = arith.constant 0 : i32
        %dma_start3A_882 = tpu.memref_slice %arg8[%dma_start3A_878, %dma_start3A_880, %dma_start3A_881] : memref<10x128x16xf32, #tpu.memory_space<vmem>> -> memref<1x128x16xf32, #tpu.memory_space<vmem>>
        %dma_start3A_883 = tpu.memref_squeeze %dma_start3A_882 : memref<1x128x16xf32, #tpu.memory_space<vmem>> -> memref<128x16xf32, #tpu.memory_space<vmem>>
        %dma_start3A_884 = arith.constant 0 : i32
        %dma_start3A_885 = tpu.memref_slice %arg6[%add3A_609, %dma_start3A_884] : memref<80x128xi32, #tpu.memory_space<vmem>> -> memref<1x128xi32, #tpu.memory_space<vmem>>
        %dma_start3A_886 = tpu.memref_squeeze %dma_start3A_885 : memref<1x128xi32, #tpu.memory_space<vmem>> -> memref<128xi32, #tpu.memory_space<vmem>>
        %dma_start3A_887 = arith.constant 0 : i32
        %dma_start3A_888 = arith.constant 0 : i32
        %dma_start3A_889 = tpu.memref_slice %arg10[%dma_start3A_887, %dma_start3A_888] : memref<10000x16xf32, #tpu.memory_space<vmem_shared>> -> memref<10000x16xf32, #tpu.memory_space<vmem_shared>>
        %dma_start3A_890 = tpu.memref_slice %arg11[%dma_start3A_879] : memref<10x!tpu.dma_semaphore, #tpu.memory_space<semaphore_mem>> -> memref<1x!tpu.dma_semaphore, #tpu.memory_space<semaphore_mem>>
        %dma_start3A_891 = tpu.memref_squeeze %dma_start3A_890 : memref<1x!tpu.dma_semaphore, #tpu.memory_space<semaphore_mem>> -> memref<!tpu.dma_semaphore, #tpu.memory_space<semaphore_mem>>
        tpu.enqueue_indirect_dma source(%dma_start3A_889 : memref<10000x16xf32, #tpu.memory_space<vmem_shared>>) target(%dma_start3A_883 : memref<128x16xf32, #tpu.memory_space<vmem>>) offsets(%dma_start3A_886 : memref<128xi32, #tpu.memory_space<vmem>>) semaphore(%dma_start3A_891 : memref<!tpu.dma_semaphore, #tpu.memory_space<semaphore_mem>>)
      } else {
      }
      %add3A_615 = arith.constant 3 : i32
      %add3A_616 = arith.addi %add3A_506, %add3A_615 : i32
      %dma_wait3A_617 = arith.constant 3 : i32
      %dma_wait3A_618 = arith.constant 3 : i32
      %dma_wait3A_619 = arith.constant 0 : i32
      %dma_wait3A_620 = arith.constant 0 : i32
      %dma_wait3A_621 = tpu.memref_slice %arg8[%dma_wait3A_617, %dma_wait3A_619, %dma_wait3A_620] : memref<10x128x16xf32, #tpu.memory_space<vmem>> -> memref<1x128x16xf32, #tpu.memory_space<vmem>>
      %dma_wait3A_622 = tpu.memref_squeeze %dma_wait3A_621 : memref<1x128x16xf32, #tpu.memory_space<vmem>> -> memref<128x16xf32, #tpu.memory_space<vmem>>
      %dma_wait3A_623 = arith.constant 0 : i32
      %dma_wait3A_624 = tpu.memref_slice %arg6[%add3A_616, %dma_wait3A_623] : memref<80x128xi32, #tpu.memory_space<vmem>> -> memref<1x128xi32, #tpu.memory_space<vmem>>
      %dma_wait3A_625 = tpu.memref_squeeze %dma_wait3A_624 : memref<1x128xi32, #tpu.memory_space<vmem>> -> memref<128xi32, #tpu.memory_space<vmem>>
      %dma_wait3A_626 = arith.constant 0 : i32
      %dma_wait3A_627 = arith.constant 0 : i32
      %dma_wait3A_628 = tpu.memref_slice %arg10[%dma_wait3A_626, %dma_wait3A_627] : memref<10000x16xf32, #tpu.memory_space<vmem_shared>> -> memref<10000x16xf32, #tpu.memory_space<vmem_shared>>
      %dma_wait3A_629 = tpu.memref_slice %arg11[%dma_wait3A_618] : memref<10x!tpu.dma_semaphore, #tpu.memory_space<semaphore_mem>> -> memref<1x!tpu.dma_semaphore, #tpu.memory_space<semaphore_mem>>
      %dma_wait3A_630 = tpu.memref_squeeze %dma_wait3A_629 : memref<1x!tpu.dma_semaphore, #tpu.memory_space<semaphore_mem>> -> memref<!tpu.dma_semaphore, #tpu.memory_space<semaphore_mem>>
      tpu.wait_indirect_dma semaphore(%dma_wait3A_630 : memref<!tpu.dma_semaphore, #tpu.memory_space<semaphore_mem>>) src(%dma_wait3A_628 : memref<10000x16xf32, #tpu.memory_space<vmem_shared>>) dst(%dma_wait3A_622 : memref<128x16xf32, #tpu.memory_space<vmem>>)
      %dma_start3A_631 = arith.constant 3 : i32
      %dma_start3A_632 = arith.constant 3 : i32
      %dma_start3A_633 = arith.constant 0 : i32
      %dma_start3A_634 = arith.constant 0 : i32
      %dma_start3A_635 = tpu.memref_slice %arg8[%dma_start3A_631, %dma_start3A_633, %dma_start3A_634] : memref<10x128x16xf32, #tpu.memory_space<vmem>> -> memref<1x128x16xf32, #tpu.memory_space<vmem>>
      %dma_start3A_636 = tpu.memref_squeeze %dma_start3A_635 : memref<1x128x16xf32, #tpu.memory_space<vmem>> -> memref<128x16xf32, #tpu.memory_space<vmem>>
      %dma_start3A_637 = arith.constant 0 : i32
      %dma_start3A_638 = tpu.memref_slice %arg7[%add3A_616, %dma_start3A_637] : memref<80x128xi32, #tpu.memory_space<vmem>> -> memref<1x128xi32, #tpu.memory_space<vmem>>
      %dma_start3A_639 = tpu.memref_squeeze %dma_start3A_638 : memref<1x128xi32, #tpu.memory_space<vmem>> -> memref<128xi32, #tpu.memory_space<vmem>>
      %dma_start3A_640 = arith.constant 0 : i32
      %dma_start3A_641 = arith.constant 0 : i32
      %dma_start3A_642 = tpu.memref_slice %arg9[%dma_start3A_640, %dma_start3A_641] : memref<10112x16xf32, #tpu.memory_space<vmem_shared>> -> memref<10112x16xf32, #tpu.memory_space<vmem_shared>>
      %dma_start3A_643 = tpu.memref_slice %arg12[%dma_start3A_632] : memref<10x!tpu.dma_semaphore, #tpu.memory_space<semaphore_mem>> -> memref<1x!tpu.dma_semaphore, #tpu.memory_space<semaphore_mem>>
      %dma_start3A_644 = tpu.memref_squeeze %dma_start3A_643 : memref<1x!tpu.dma_semaphore, #tpu.memory_space<semaphore_mem>> -> memref<!tpu.dma_semaphore, #tpu.memory_space<semaphore_mem>>
      tpu.enqueue_indirect_dma source(%dma_start3A_636 : memref<128x16xf32, #tpu.memory_space<vmem>>) target(%dma_start3A_642 : memref<10112x16xf32, #tpu.memory_space<vmem_shared>>) offsets(%dma_start3A_639 : memref<128xi32, #tpu.memory_space<vmem>>) semaphore(%dma_start3A_644 : memref<!tpu.dma_semaphore, #tpu.memory_space<semaphore_mem>>) {add = true}
      %add3A_645 = arith.constant 5 : i32
      %add3A_646 = arith.addi %add3A_616, %add3A_645 : i32
      %lt3A_647 = arith.constant 80 : i32
      %lt3A_648 = arith.cmpi slt, %add3A_646, %lt3A_647 : i32
      %convert_element_type3A_649 = arith.extui %lt3A_648 : i1 to i32
      %cond3A_650 = arith.constant 0 : i32
      %cond3A_651 = arith.cmpi ne, %convert_element_type3A_649, %cond3A_650 : i32
      scf.if %cond3A_651 {
        %ge3A = arith.constant 10 : i32
        %ge3A_874 = arith.cmpi sge, %add3A_646, %ge3A : i32
        %convert_element_type3A_875 = arith.extui %ge3A_874 : i1 to i32
        %cond3A_876 = arith.constant 0 : i32
        %cond3A_877 = arith.cmpi ne, %convert_element_type3A_875, %cond3A_876 : i32
        scf.if %cond3A_877 {
          %sub3A = arith.constant 10 : i32
          %sub3A_892 = arith.subi %add3A_646, %sub3A : i32
          %dma_wait3A_893 = arith.constant 8 : i32
          %dma_wait3A_894 = arith.constant 8 : i32
          %dma_wait3A_895 = arith.constant 0 : i32
          %dma_wait3A_896 = arith.constant 0 : i32
          %dma_wait3A_897 = tpu.memref_slice %arg8[%dma_wait3A_893, %dma_wait3A_895, %dma_wait3A_896] : memref<10x128x16xf32, #tpu.memory_space<vmem>> -> memref<1x128x16xf32, #tpu.memory_space<vmem>>
          %dma_wait3A_898 = tpu.memref_squeeze %dma_wait3A_897 : memref<1x128x16xf32, #tpu.memory_space<vmem>> -> memref<128x16xf32, #tpu.memory_space<vmem>>
          %dma_wait3A_899 = arith.constant 0 : i32
          %dma_wait3A_900 = tpu.memref_slice %arg7[%sub3A_892, %dma_wait3A_899] : memref<80x128xi32, #tpu.memory_space<vmem>> -> memref<1x128xi32, #tpu.memory_space<vmem>>
          %dma_wait3A_901 = tpu.memref_squeeze %dma_wait3A_900 : memref<1x128xi32, #tpu.memory_space<vmem>> -> memref<128xi32, #tpu.memory_space<vmem>>
          %dma_wait3A_902 = arith.constant 0 : i32
          %dma_wait3A_903 = arith.constant 0 : i32
          %dma_wait3A_904 = tpu.memref_slice %arg9[%dma_wait3A_902, %dma_wait3A_903] : memref<10112x16xf32, #tpu.memory_space<vmem_shared>> -> memref<10112x16xf32, #tpu.memory_space<vmem_shared>>
          %dma_wait3A_905 = tpu.memref_slice %arg12[%dma_wait3A_894] : memref<10x!tpu.dma_semaphore, #tpu.memory_space<semaphore_mem>> -> memref<1x!tpu.dma_semaphore, #tpu.memory_space<semaphore_mem>>
          %dma_wait3A_906 = tpu.memref_squeeze %dma_wait3A_905 : memref<1x!tpu.dma_semaphore, #tpu.memory_space<semaphore_mem>> -> memref<!tpu.dma_semaphore, #tpu.memory_space<semaphore_mem>>
          tpu.wait_indirect_dma semaphore(%dma_wait3A_906 : memref<!tpu.dma_semaphore, #tpu.memory_space<semaphore_mem>>) src(%dma_wait3A_898 : memref<128x16xf32, #tpu.memory_space<vmem>>) dst(%dma_wait3A_904 : memref<10112x16xf32, #tpu.memory_space<vmem_shared>>)
        } else {
        }
        %dma_start3A_878 = arith.constant 8 : i32
        %dma_start3A_879 = arith.constant 8 : i32
        %dma_start3A_880 = arith.constant 0 : i32
        %dma_start3A_881 = arith.constant 0 : i32
        %dma_start3A_882 = tpu.memref_slice %arg8[%dma_start3A_878, %dma_start3A_880, %dma_start3A_881] : memref<10x128x16xf32, #tpu.memory_space<vmem>> -> memref<1x128x16xf32, #tpu.memory_space<vmem>>
        %dma_start3A_883 = tpu.memref_squeeze %dma_start3A_882 : memref<1x128x16xf32, #tpu.memory_space<vmem>> -> memref<128x16xf32, #tpu.memory_space<vmem>>
        %dma_start3A_884 = arith.constant 0 : i32
        %dma_start3A_885 = tpu.memref_slice %arg6[%add3A_646, %dma_start3A_884] : memref<80x128xi32, #tpu.memory_space<vmem>> -> memref<1x128xi32, #tpu.memory_space<vmem>>
        %dma_start3A_886 = tpu.memref_squeeze %dma_start3A_885 : memref<1x128xi32, #tpu.memory_space<vmem>> -> memref<128xi32, #tpu.memory_space<vmem>>
        %dma_start3A_887 = arith.constant 0 : i32
        %dma_start3A_888 = arith.constant 0 : i32
        %dma_start3A_889 = tpu.memref_slice %arg10[%dma_start3A_887, %dma_start3A_888] : memref<10000x16xf32, #tpu.memory_space<vmem_shared>> -> memref<10000x16xf32, #tpu.memory_space<vmem_shared>>
        %dma_start3A_890 = tpu.memref_slice %arg11[%dma_start3A_879] : memref<10x!tpu.dma_semaphore, #tpu.memory_space<semaphore_mem>> -> memref<1x!tpu.dma_semaphore, #tpu.memory_space<semaphore_mem>>
        %dma_start3A_891 = tpu.memref_squeeze %dma_start3A_890 : memref<1x!tpu.dma_semaphore, #tpu.memory_space<semaphore_mem>> -> memref<!tpu.dma_semaphore, #tpu.memory_space<semaphore_mem>>
        tpu.enqueue_indirect_dma source(%dma_start3A_889 : memref<10000x16xf32, #tpu.memory_space<vmem_shared>>) target(%dma_start3A_883 : memref<128x16xf32, #tpu.memory_space<vmem>>) offsets(%dma_start3A_886 : memref<128xi32, #tpu.memory_space<vmem>>) semaphore(%dma_start3A_891 : memref<!tpu.dma_semaphore, #tpu.memory_space<semaphore_mem>>)
      } else {
      }
      %add3A_652 = arith.constant 4 : i32
      %add3A_653 = arith.addi %add3A_506, %add3A_652 : i32
      %dma_wait3A_654 = arith.constant 4 : i32
      %dma_wait3A_655 = arith.constant 4 : i32
      %dma_wait3A_656 = arith.constant 0 : i32
      %dma_wait3A_657 = arith.constant 0 : i32
      %dma_wait3A_658 = tpu.memref_slice %arg8[%dma_wait3A_654, %dma_wait3A_656, %dma_wait3A_657] : memref<10x128x16xf32, #tpu.memory_space<vmem>> -> memref<1x128x16xf32, #tpu.memory_space<vmem>>
      %dma_wait3A_659 = tpu.memref_squeeze %dma_wait3A_658 : memref<1x128x16xf32, #tpu.memory_space<vmem>> -> memref<128x16xf32, #tpu.memory_space<vmem>>
      %dma_wait3A_660 = arith.constant 0 : i32
      %dma_wait3A_661 = tpu.memref_slice %arg6[%add3A_653, %dma_wait3A_660] : memref<80x128xi32, #tpu.memory_space<vmem>> -> memref<1x128xi32, #tpu.memory_space<vmem>>
      %dma_wait3A_662 = tpu.memref_squeeze %dma_wait3A_661 : memref<1x128xi32, #tpu.memory_space<vmem>> -> memref<128xi32, #tpu.memory_space<vmem>>
      %dma_wait3A_663 = arith.constant 0 : i32
      %dma_wait3A_664 = arith.constant 0 : i32
      %dma_wait3A_665 = tpu.memref_slice %arg10[%dma_wait3A_663, %dma_wait3A_664] : memref<10000x16xf32, #tpu.memory_space<vmem_shared>> -> memref<10000x16xf32, #tpu.memory_space<vmem_shared>>
      %dma_wait3A_666 = tpu.memref_slice %arg11[%dma_wait3A_655] : memref<10x!tpu.dma_semaphore, #tpu.memory_space<semaphore_mem>> -> memref<1x!tpu.dma_semaphore, #tpu.memory_space<semaphore_mem>>
      %dma_wait3A_667 = tpu.memref_squeeze %dma_wait3A_666 : memref<1x!tpu.dma_semaphore, #tpu.memory_space<semaphore_mem>> -> memref<!tpu.dma_semaphore, #tpu.memory_space<semaphore_mem>>
      tpu.wait_indirect_dma semaphore(%dma_wait3A_667 : memref<!tpu.dma_semaphore, #tpu.memory_space<semaphore_mem>>) src(%dma_wait3A_665 : memref<10000x16xf32, #tpu.memory_space<vmem_shared>>) dst(%dma_wait3A_659 : memref<128x16xf32, #tpu.memory_space<vmem>>)
      %dma_start3A_668 = arith.constant 4 : i32
      %dma_start3A_669 = arith.constant 4 : i32
      %dma_start3A_670 = arith.constant 0 : i32
      %dma_start3A_671 = arith.constant 0 : i32
      %dma_start3A_672 = tpu.memref_slice %arg8[%dma_start3A_668, %dma_start3A_670, %dma_start3A_671] : memref<10x128x16xf32, #tpu.memory_space<vmem>> -> memref<1x128x16xf32, #tpu.memory_space<vmem>>
      %dma_start3A_673 = tpu.memref_squeeze %dma_start3A_672 : memref<1x128x16xf32, #tpu.memory_space<vmem>> -> memref<128x16xf32, #tpu.memory_space<vmem>>
      %dma_start3A_674 = arith.constant 0 : i32
      %dma_start3A_675 = tpu.memref_slice %arg7[%add3A_653, %dma_start3A_674] : memref<80x128xi32, #tpu.memory_space<vmem>> -> memref<1x128xi32, #tpu.memory_space<vmem>>
      %dma_start3A_676 = tpu.memref_squeeze %dma_start3A_675 : memref<1x128xi32, #tpu.memory_space<vmem>> -> memref<128xi32, #tpu.memory_space<vmem>>
      %dma_start3A_677 = arith.constant 0 : i32
      %dma_start3A_678 = arith.constant 0 : i32
      %dma_start3A_679 = tpu.memref_slice %arg9[%dma_start3A_677, %dma_start3A_678] : memref<10112x16xf32, #tpu.memory_space<vmem_shared>> -> memref<10112x16xf32, #tpu.memory_space<vmem_shared>>
      %dma_start3A_680 = tpu.memref_slice %arg12[%dma_start3A_669] : memref<10x!tpu.dma_semaphore, #tpu.memory_space<semaphore_mem>> -> memref<1x!tpu.dma_semaphore, #tpu.memory_space<semaphore_mem>>
      %dma_start3A_681 = tpu.memref_squeeze %dma_start3A_680 : memref<1x!tpu.dma_semaphore, #tpu.memory_space<semaphore_mem>> -> memref<!tpu.dma_semaphore, #tpu.memory_space<semaphore_mem>>
      tpu.enqueue_indirect_dma source(%dma_start3A_673 : memref<128x16xf32, #tpu.memory_space<vmem>>) target(%dma_start3A_679 : memref<10112x16xf32, #tpu.memory_space<vmem_shared>>) offsets(%dma_start3A_676 : memref<128xi32, #tpu.memory_space<vmem>>) semaphore(%dma_start3A_681 : memref<!tpu.dma_semaphore, #tpu.memory_space<semaphore_mem>>) {add = true}
      %add3A_682 = arith.constant 5 : i32
      %add3A_683 = arith.addi %add3A_653, %add3A_682 : i32
      %lt3A_684 = arith.constant 80 : i32
      %lt3A_685 = arith.cmpi slt, %add3A_683, %lt3A_684 : i32
      %convert_element_type3A_686 = arith.extui %lt3A_685 : i1 to i32
      %cond3A_687 = arith.constant 0 : i32
      %cond3A_688 = arith.cmpi ne, %convert_element_type3A_686, %cond3A_687 : i32
      scf.if %cond3A_688 {
        %ge3A = arith.constant 10 : i32
        %ge3A_874 = arith.cmpi sge, %add3A_683, %ge3A : i32
        %convert_element_type3A_875 = arith.extui %ge3A_874 : i1 to i32
        %cond3A_876 = arith.constant 0 : i32
        %cond3A_877 = arith.cmpi ne, %convert_element_type3A_875, %cond3A_876 : i32
        scf.if %cond3A_877 {
          %sub3A = arith.constant 10 : i32
          %sub3A_892 = arith.subi %add3A_683, %sub3A : i32
          %dma_wait3A_893 = arith.constant 9 : i32
          %dma_wait3A_894 = arith.constant 9 : i32
          %dma_wait3A_895 = arith.constant 0 : i32
          %dma_wait3A_896 = arith.constant 0 : i32
          %dma_wait3A_897 = tpu.memref_slice %arg8[%dma_wait3A_893, %dma_wait3A_895, %dma_wait3A_896] : memref<10x128x16xf32, #tpu.memory_space<vmem>> -> memref<1x128x16xf32, #tpu.memory_space<vmem>>
          %dma_wait3A_898 = tpu.memref_squeeze %dma_wait3A_897 : memref<1x128x16xf32, #tpu.memory_space<vmem>> -> memref<128x16xf32, #tpu.memory_space<vmem>>
          %dma_wait3A_899 = arith.constant 0 : i32
          %dma_wait3A_900 = tpu.memref_slice %arg7[%sub3A_892, %dma_wait3A_899] : memref<80x128xi32, #tpu.memory_space<vmem>> -> memref<1x128xi32, #tpu.memory_space<vmem>>
          %dma_wait3A_901 = tpu.memref_squeeze %dma_wait3A_900 : memref<1x128xi32, #tpu.memory_space<vmem>> -> memref<128xi32, #tpu.memory_space<vmem>>
          %dma_wait3A_902 = arith.constant 0 : i32
          %dma_wait3A_903 = arith.constant 0 : i32
          %dma_wait3A_904 = tpu.memref_slice %arg9[%dma_wait3A_902, %dma_wait3A_903] : memref<10112x16xf32, #tpu.memory_space<vmem_shared>> -> memref<10112x16xf32, #tpu.memory_space<vmem_shared>>
          %dma_wait3A_905 = tpu.memref_slice %arg12[%dma_wait3A_894] : memref<10x!tpu.dma_semaphore, #tpu.memory_space<semaphore_mem>> -> memref<1x!tpu.dma_semaphore, #tpu.memory_space<semaphore_mem>>
          %dma_wait3A_906 = tpu.memref_squeeze %dma_wait3A_905 : memref<1x!tpu.dma_semaphore, #tpu.memory_space<semaphore_mem>> -> memref<!tpu.dma_semaphore, #tpu.memory_space<semaphore_mem>>
          tpu.wait_indirect_dma semaphore(%dma_wait3A_906 : memref<!tpu.dma_semaphore, #tpu.memory_space<semaphore_mem>>) src(%dma_wait3A_898 : memref<128x16xf32, #tpu.memory_space<vmem>>) dst(%dma_wait3A_904 : memref<10112x16xf32, #tpu.memory_space<vmem_shared>>)
        } else {
        }
        %dma_start3A_878 = arith.constant 9 : i32
        %dma_start3A_879 = arith.constant 9 : i32
        %dma_start3A_880 = arith.constant 0 : i32
        %dma_start3A_881 = arith.constant 0 : i32
        %dma_start3A_882 = tpu.memref_slice %arg8[%dma_start3A_878, %dma_start3A_880, %dma_start3A_881] : memref<10x128x16xf32, #tpu.memory_space<vmem>> -> memref<1x128x16xf32, #tpu.memory_space<vmem>>
        %dma_start3A_883 = tpu.memref_squeeze %dma_start3A_882 : memref<1x128x16xf32, #tpu.memory_space<vmem>> -> memref<128x16xf32, #tpu.memory_space<vmem>>
        %dma_start3A_884 = arith.constant 0 : i32
        %dma_start3A_885 = tpu.memref_slice %arg6[%add3A_683, %dma_start3A_884] : memref<80x128xi32, #tpu.memory_space<vmem>> -> memref<1x128xi32, #tpu.memory_space<vmem>>
        %dma_start3A_886 = tpu.memref_squeeze %dma_start3A_885 : memref<1x128xi32, #tpu.memory_space<vmem>> -> memref<128xi32, #tpu.memory_space<vmem>>
        %dma_start3A_887 = arith.constant 0 : i32
        %dma_start3A_888 = arith.constant 0 : i32
        %dma_start3A_889 = tpu.memref_slice %arg10[%dma_start3A_887, %dma_start3A_888] : memref<10000x16xf32, #tpu.memory_space<vmem_shared>> -> memref<10000x16xf32, #tpu.memory_space<vmem_shared>>
        %dma_start3A_890 = tpu.memref_slice %arg11[%dma_start3A_879] : memref<10x!tpu.dma_semaphore, #tpu.memory_space<semaphore_mem>> -> memref<1x!tpu.dma_semaphore, #tpu.memory_space<semaphore_mem>>
        %dma_start3A_891 = tpu.memref_squeeze %dma_start3A_890 : memref<1x!tpu.dma_semaphore, #tpu.memory_space<semaphore_mem>> -> memref<!tpu.dma_semaphore, #tpu.memory_space<semaphore_mem>>
        tpu.enqueue_indirect_dma source(%dma_start3A_889 : memref<10000x16xf32, #tpu.memory_space<vmem_shared>>) target(%dma_start3A_883 : memref<128x16xf32, #tpu.memory_space<vmem>>) offsets(%dma_start3A_886 : memref<128xi32, #tpu.memory_space<vmem>>) semaphore(%dma_start3A_891 : memref<!tpu.dma_semaphore, #tpu.memory_space<semaphore_mem>>)
      } else {
      }
      %add3A_689 = arith.constant 5 : i32
      %add3A_690 = arith.addi %add3A_506, %add3A_689 : i32
      %dma_wait3A_691 = arith.constant 5 : i32
      %dma_wait3A_692 = arith.constant 5 : i32
      %dma_wait3A_693 = arith.constant 0 : i32
      %dma_wait3A_694 = arith.constant 0 : i32
      %dma_wait3A_695 = tpu.memref_slice %arg8[%dma_wait3A_691, %dma_wait3A_693, %dma_wait3A_694] : memref<10x128x16xf32, #tpu.memory_space<vmem>> -> memref<1x128x16xf32, #tpu.memory_space<vmem>>
      %dma_wait3A_696 = tpu.memref_squeeze %dma_wait3A_695 : memref<1x128x16xf32, #tpu.memory_space<vmem>> -> memref<128x16xf32, #tpu.memory_space<vmem>>
      %dma_wait3A_697 = arith.constant 0 : i32
      %dma_wait3A_698 = tpu.memref_slice %arg6[%add3A_690, %dma_wait3A_697] : memref<80x128xi32, #tpu.memory_space<vmem>> -> memref<1x128xi32, #tpu.memory_space<vmem>>
      %dma_wait3A_699 = tpu.memref_squeeze %dma_wait3A_698 : memref<1x128xi32, #tpu.memory_space<vmem>> -> memref<128xi32, #tpu.memory_space<vmem>>
      %dma_wait3A_700 = arith.constant 0 : i32
      %dma_wait3A_701 = arith.constant 0 : i32
      %dma_wait3A_702 = tpu.memref_slice %arg10[%dma_wait3A_700, %dma_wait3A_701] : memref<10000x16xf32, #tpu.memory_space<vmem_shared>> -> memref<10000x16xf32, #tpu.memory_space<vmem_shared>>
      %dma_wait3A_703 = tpu.memref_slice %arg11[%dma_wait3A_692] : memref<10x!tpu.dma_semaphore, #tpu.memory_space<semaphore_mem>> -> memref<1x!tpu.dma_semaphore, #tpu.memory_space<semaphore_mem>>
      %dma_wait3A_704 = tpu.memref_squeeze %dma_wait3A_703 : memref<1x!tpu.dma_semaphore, #tpu.memory_space<semaphore_mem>> -> memref<!tpu.dma_semaphore, #tpu.memory_space<semaphore_mem>>
      tpu.wait_indirect_dma semaphore(%dma_wait3A_704 : memref<!tpu.dma_semaphore, #tpu.memory_space<semaphore_mem>>) src(%dma_wait3A_702 : memref<10000x16xf32, #tpu.memory_space<vmem_shared>>) dst(%dma_wait3A_696 : memref<128x16xf32, #tpu.memory_space<vmem>>)
      %dma_start3A_705 = arith.constant 5 : i32
      %dma_start3A_706 = arith.constant 5 : i32
      %dma_start3A_707 = arith.constant 0 : i32
      %dma_start3A_708 = arith.constant 0 : i32
      %dma_start3A_709 = tpu.memref_slice %arg8[%dma_start3A_705, %dma_start3A_707, %dma_start3A_708] : memref<10x128x16xf32, #tpu.memory_space<vmem>> -> memref<1x128x16xf32, #tpu.memory_space<vmem>>
      %dma_start3A_710 = tpu.memref_squeeze %dma_start3A_709 : memref<1x128x16xf32, #tpu.memory_space<vmem>> -> memref<128x16xf32, #tpu.memory_space<vmem>>
      %dma_start3A_711 = arith.constant 0 : i32
      %dma_start3A_712 = tpu.memref_slice %arg7[%add3A_690, %dma_start3A_711] : memref<80x128xi32, #tpu.memory_space<vmem>> -> memref<1x128xi32, #tpu.memory_space<vmem>>
      %dma_start3A_713 = tpu.memref_squeeze %dma_start3A_712 : memref<1x128xi32, #tpu.memory_space<vmem>> -> memref<128xi32, #tpu.memory_space<vmem>>
      %dma_start3A_714 = arith.constant 0 : i32
      %dma_start3A_715 = arith.constant 0 : i32
      %dma_start3A_716 = tpu.memref_slice %arg9[%dma_start3A_714, %dma_start3A_715] : memref<10112x16xf32, #tpu.memory_space<vmem_shared>> -> memref<10112x16xf32, #tpu.memory_space<vmem_shared>>
      %dma_start3A_717 = tpu.memref_slice %arg12[%dma_start3A_706] : memref<10x!tpu.dma_semaphore, #tpu.memory_space<semaphore_mem>> -> memref<1x!tpu.dma_semaphore, #tpu.memory_space<semaphore_mem>>
      %dma_start3A_718 = tpu.memref_squeeze %dma_start3A_717 : memref<1x!tpu.dma_semaphore, #tpu.memory_space<semaphore_mem>> -> memref<!tpu.dma_semaphore, #tpu.memory_space<semaphore_mem>>
      tpu.enqueue_indirect_dma source(%dma_start3A_710 : memref<128x16xf32, #tpu.memory_space<vmem>>) target(%dma_start3A_716 : memref<10112x16xf32, #tpu.memory_space<vmem_shared>>) offsets(%dma_start3A_713 : memref<128xi32, #tpu.memory_space<vmem>>) semaphore(%dma_start3A_718 : memref<!tpu.dma_semaphore, #tpu.memory_space<semaphore_mem>>) {add = true}
      %add3A_719 = arith.constant 5 : i32
      %add3A_720 = arith.addi %add3A_690, %add3A_719 : i32
      %lt3A_721 = arith.constant 80 : i32
      %lt3A_722 = arith.cmpi slt, %add3A_720, %lt3A_721 : i32
      %convert_element_type3A_723 = arith.extui %lt3A_722 : i1 to i32
      %cond3A_724 = arith.constant 0 : i32
      %cond3A_725 = arith.cmpi ne, %convert_element_type3A_723, %cond3A_724 : i32
      scf.if %cond3A_725 {
        %ge3A = arith.constant 10 : i32
        %ge3A_874 = arith.cmpi sge, %add3A_720, %ge3A : i32
        %convert_element_type3A_875 = arith.extui %ge3A_874 : i1 to i32
        %cond3A_876 = arith.constant 0 : i32
        %cond3A_877 = arith.cmpi ne, %convert_element_type3A_875, %cond3A_876 : i32
        scf.if %cond3A_877 {
          %sub3A = arith.constant 10 : i32
          %sub3A_892 = arith.subi %add3A_720, %sub3A : i32
          %dma_wait3A_893 = arith.constant 0 : i32
          %dma_wait3A_894 = arith.constant 0 : i32
          %dma_wait3A_895 = arith.constant 0 : i32
          %dma_wait3A_896 = arith.constant 0 : i32
          %dma_wait3A_897 = tpu.memref_slice %arg8[%dma_wait3A_893, %dma_wait3A_895, %dma_wait3A_896] : memref<10x128x16xf32, #tpu.memory_space<vmem>> -> memref<1x128x16xf32, #tpu.memory_space<vmem>>
          %dma_wait3A_898 = tpu.memref_squeeze %dma_wait3A_897 : memref<1x128x16xf32, #tpu.memory_space<vmem>> -> memref<128x16xf32, #tpu.memory_space<vmem>>
          %dma_wait3A_899 = arith.constant 0 : i32
          %dma_wait3A_900 = tpu.memref_slice %arg7[%sub3A_892, %dma_wait3A_899] : memref<80x128xi32, #tpu.memory_space<vmem>> -> memref<1x128xi32, #tpu.memory_space<vmem>>
          %dma_wait3A_901 = tpu.memref_squeeze %dma_wait3A_900 : memref<1x128xi32, #tpu.memory_space<vmem>> -> memref<128xi32, #tpu.memory_space<vmem>>
          %dma_wait3A_902 = arith.constant 0 : i32
          %dma_wait3A_903 = arith.constant 0 : i32
          %dma_wait3A_904 = tpu.memref_slice %arg9[%dma_wait3A_902, %dma_wait3A_903] : memref<10112x16xf32, #tpu.memory_space<vmem_shared>> -> memref<10112x16xf32, #tpu.memory_space<vmem_shared>>
          %dma_wait3A_905 = tpu.memref_slice %arg12[%dma_wait3A_894] : memref<10x!tpu.dma_semaphore, #tpu.memory_space<semaphore_mem>> -> memref<1x!tpu.dma_semaphore, #tpu.memory_space<semaphore_mem>>
          %dma_wait3A_906 = tpu.memref_squeeze %dma_wait3A_905 : memref<1x!tpu.dma_semaphore, #tpu.memory_space<semaphore_mem>> -> memref<!tpu.dma_semaphore, #tpu.memory_space<semaphore_mem>>
          tpu.wait_indirect_dma semaphore(%dma_wait3A_906 : memref<!tpu.dma_semaphore, #tpu.memory_space<semaphore_mem>>) src(%dma_wait3A_898 : memref<128x16xf32, #tpu.memory_space<vmem>>) dst(%dma_wait3A_904 : memref<10112x16xf32, #tpu.memory_space<vmem_shared>>)
        } else {
        }
        %dma_start3A_878 = arith.constant 0 : i32
        %dma_start3A_879 = arith.constant 0 : i32
        %dma_start3A_880 = arith.constant 0 : i32
        %dma_start3A_881 = arith.constant 0 : i32
        %dma_start3A_882 = tpu.memref_slice %arg8[%dma_start3A_878, %dma_start3A_880, %dma_start3A_881] : memref<10x128x16xf32, #tpu.memory_space<vmem>> -> memref<1x128x16xf32, #tpu.memory_space<vmem>>
        %dma_start3A_883 = tpu.memref_squeeze %dma_start3A_882 : memref<1x128x16xf32, #tpu.memory_space<vmem>> -> memref<128x16xf32, #tpu.memory_space<vmem>>
        %dma_start3A_884 = arith.constant 0 : i32
        %dma_start3A_885 = tpu.memref_slice %arg6[%add3A_720, %dma_start3A_884] : memref<80x128xi32, #tpu.memory_space<vmem>> -> memref<1x128xi32, #tpu.memory_space<vmem>>
        %dma_start3A_886 = tpu.memref_squeeze %dma_start3A_885 : memref<1x128xi32, #tpu.memory_space<vmem>> -> memref<128xi32, #tpu.memory_space<vmem>>
        %dma_start3A_887 = arith.constant 0 : i32
        %dma_start3A_888 = arith.constant 0 : i32
        %dma_start3A_889 = tpu.memref_slice %arg10[%dma_start3A_887, %dma_start3A_888] : memref<10000x16xf32, #tpu.memory_space<vmem_shared>> -> memref<10000x16xf32, #tpu.memory_space<vmem_shared>>
        %dma_start3A_890 = tpu.memref_slice %arg11[%dma_start3A_879] : memref<10x!tpu.dma_semaphore, #tpu.memory_space<semaphore_mem>> -> memref<1x!tpu.dma_semaphore, #tpu.memory_space<semaphore_mem>>
        %dma_start3A_891 = tpu.memref_squeeze %dma_start3A_890 : memref<1x!tpu.dma_semaphore, #tpu.memory_space<semaphore_mem>> -> memref<!tpu.dma_semaphore, #tpu.memory_space<semaphore_mem>>
        tpu.enqueue_indirect_dma source(%dma_start3A_889 : memref<10000x16xf32, #tpu.memory_space<vmem_shared>>) target(%dma_start3A_883 : memref<128x16xf32, #tpu.memory_space<vmem>>) offsets(%dma_start3A_886 : memref<128xi32, #tpu.memory_space<vmem>>) semaphore(%dma_start3A_891 : memref<!tpu.dma_semaphore, #tpu.memory_space<semaphore_mem>>)
      } else {
      }
      %add3A_726 = arith.constant 6 : i32
      %add3A_727 = arith.addi %add3A_506, %add3A_726 : i32
      %dma_wait3A_728 = arith.constant 6 : i32
      %dma_wait3A_729 = arith.constant 6 : i32
      %dma_wait3A_730 = arith.constant 0 : i32
      %dma_wait3A_731 = arith.constant 0 : i32
      %dma_wait3A_732 = tpu.memref_slice %arg8[%dma_wait3A_728, %dma_wait3A_730, %dma_wait3A_731] : memref<10x128x16xf32, #tpu.memory_space<vmem>> -> memref<1x128x16xf32, #tpu.memory_space<vmem>>
      %dma_wait3A_733 = tpu.memref_squeeze %dma_wait3A_732 : memref<1x128x16xf32, #tpu.memory_space<vmem>> -> memref<128x16xf32, #tpu.memory_space<vmem>>
      %dma_wait3A_734 = arith.constant 0 : i32
      %dma_wait3A_735 = tpu.memref_slice %arg6[%add3A_727, %dma_wait3A_734] : memref<80x128xi32, #tpu.memory_space<vmem>> -> memref<1x128xi32, #tpu.memory_space<vmem>>
      %dma_wait3A_736 = tpu.memref_squeeze %dma_wait3A_735 : memref<1x128xi32, #tpu.memory_space<vmem>> -> memref<128xi32, #tpu.memory_space<vmem>>
      %dma_wait3A_737 = arith.constant 0 : i32
      %dma_wait3A_738 = arith.constant 0 : i32
      %dma_wait3A_739 = tpu.memref_slice %arg10[%dma_wait3A_737, %dma_wait3A_738] : memref<10000x16xf32, #tpu.memory_space<vmem_shared>> -> memref<10000x16xf32, #tpu.memory_space<vmem_shared>>
      %dma_wait3A_740 = tpu.memref_slice %arg11[%dma_wait3A_729] : memref<10x!tpu.dma_semaphore, #tpu.memory_space<semaphore_mem>> -> memref<1x!tpu.dma_semaphore, #tpu.memory_space<semaphore_mem>>
      %dma_wait3A_741 = tpu.memref_squeeze %dma_wait3A_740 : memref<1x!tpu.dma_semaphore, #tpu.memory_space<semaphore_mem>> -> memref<!tpu.dma_semaphore, #tpu.memory_space<semaphore_mem>>
      tpu.wait_indirect_dma semaphore(%dma_wait3A_741 : memref<!tpu.dma_semaphore, #tpu.memory_space<semaphore_mem>>) src(%dma_wait3A_739 : memref<10000x16xf32, #tpu.memory_space<vmem_shared>>) dst(%dma_wait3A_733 : memref<128x16xf32, #tpu.memory_space<vmem>>)
      %dma_start3A_742 = arith.constant 6 : i32
      %dma_start3A_743 = arith.constant 6 : i32
      %dma_start3A_744 = arith.constant 0 : i32
      %dma_start3A_745 = arith.constant 0 : i32
      %dma_start3A_746 = tpu.memref_slice %arg8[%dma_start3A_742, %dma_start3A_744, %dma_start3A_745] : memref<10x128x16xf32, #tpu.memory_space<vmem>> -> memref<1x128x16xf32, #tpu.memory_space<vmem>>
      %dma_start3A_747 = tpu.memref_squeeze %dma_start3A_746 : memref<1x128x16xf32, #tpu.memory_space<vmem>> -> memref<128x16xf32, #tpu.memory_space<vmem>>
      %dma_start3A_748 = arith.constant 0 : i32
      %dma_start3A_749 = tpu.memref_slice %arg7[%add3A_727, %dma_start3A_748] : memref<80x128xi32, #tpu.memory_space<vmem>> -> memref<1x128xi32, #tpu.memory_space<vmem>>
      %dma_start3A_750 = tpu.memref_squeeze %dma_start3A_749 : memref<1x128xi32, #tpu.memory_space<vmem>> -> memref<128xi32, #tpu.memory_space<vmem>>
      %dma_start3A_751 = arith.constant 0 : i32
      %dma_start3A_752 = arith.constant 0 : i32
      %dma_start3A_753 = tpu.memref_slice %arg9[%dma_start3A_751, %dma_start3A_752] : memref<10112x16xf32, #tpu.memory_space<vmem_shared>> -> memref<10112x16xf32, #tpu.memory_space<vmem_shared>>
      %dma_start3A_754 = tpu.memref_slice %arg12[%dma_start3A_743] : memref<10x!tpu.dma_semaphore, #tpu.memory_space<semaphore_mem>> -> memref<1x!tpu.dma_semaphore, #tpu.memory_space<semaphore_mem>>
      %dma_start3A_755 = tpu.memref_squeeze %dma_start3A_754 : memref<1x!tpu.dma_semaphore, #tpu.memory_space<semaphore_mem>> -> memref<!tpu.dma_semaphore, #tpu.memory_space<semaphore_mem>>
      tpu.enqueue_indirect_dma source(%dma_start3A_747 : memref<128x16xf32, #tpu.memory_space<vmem>>) target(%dma_start3A_753 : memref<10112x16xf32, #tpu.memory_space<vmem_shared>>) offsets(%dma_start3A_750 : memref<128xi32, #tpu.memory_space<vmem>>) semaphore(%dma_start3A_755 : memref<!tpu.dma_semaphore, #tpu.memory_space<semaphore_mem>>) {add = true}
      %add3A_756 = arith.constant 5 : i32
      %add3A_757 = arith.addi %add3A_727, %add3A_756 : i32
      %lt3A_758 = arith.constant 80 : i32
      %lt3A_759 = arith.cmpi slt, %add3A_757, %lt3A_758 : i32
      %convert_element_type3A_760 = arith.extui %lt3A_759 : i1 to i32
      %cond3A_761 = arith.constant 0 : i32
      %cond3A_762 = arith.cmpi ne, %convert_element_type3A_760, %cond3A_761 : i32
      scf.if %cond3A_762 {
        %ge3A = arith.constant 10 : i32
        %ge3A_874 = arith.cmpi sge, %add3A_757, %ge3A : i32
        %convert_element_type3A_875 = arith.extui %ge3A_874 : i1 to i32
        %cond3A_876 = arith.constant 0 : i32
        %cond3A_877 = arith.cmpi ne, %convert_element_type3A_875, %cond3A_876 : i32
        scf.if %cond3A_877 {
          %sub3A = arith.constant 10 : i32
          %sub3A_892 = arith.subi %add3A_757, %sub3A : i32
          %dma_wait3A_893 = arith.constant 1 : i32
          %dma_wait3A_894 = arith.constant 1 : i32
          %dma_wait3A_895 = arith.constant 0 : i32
          %dma_wait3A_896 = arith.constant 0 : i32
          %dma_wait3A_897 = tpu.memref_slice %arg8[%dma_wait3A_893, %dma_wait3A_895, %dma_wait3A_896] : memref<10x128x16xf32, #tpu.memory_space<vmem>> -> memref<1x128x16xf32, #tpu.memory_space<vmem>>
          %dma_wait3A_898 = tpu.memref_squeeze %dma_wait3A_897 : memref<1x128x16xf32, #tpu.memory_space<vmem>> -> memref<128x16xf32, #tpu.memory_space<vmem>>
          %dma_wait3A_899 = arith.constant 0 : i32
          %dma_wait3A_900 = tpu.memref_slice %arg7[%sub3A_892, %dma_wait3A_899] : memref<80x128xi32, #tpu.memory_space<vmem>> -> memref<1x128xi32, #tpu.memory_space<vmem>>
          %dma_wait3A_901 = tpu.memref_squeeze %dma_wait3A_900 : memref<1x128xi32, #tpu.memory_space<vmem>> -> memref<128xi32, #tpu.memory_space<vmem>>
          %dma_wait3A_902 = arith.constant 0 : i32
          %dma_wait3A_903 = arith.constant 0 : i32
          %dma_wait3A_904 = tpu.memref_slice %arg9[%dma_wait3A_902, %dma_wait3A_903] : memref<10112x16xf32, #tpu.memory_space<vmem_shared>> -> memref<10112x16xf32, #tpu.memory_space<vmem_shared>>
          %dma_wait3A_905 = tpu.memref_slice %arg12[%dma_wait3A_894] : memref<10x!tpu.dma_semaphore, #tpu.memory_space<semaphore_mem>> -> memref<1x!tpu.dma_semaphore, #tpu.memory_space<semaphore_mem>>
          %dma_wait3A_906 = tpu.memref_squeeze %dma_wait3A_905 : memref<1x!tpu.dma_semaphore, #tpu.memory_space<semaphore_mem>> -> memref<!tpu.dma_semaphore, #tpu.memory_space<semaphore_mem>>
          tpu.wait_indirect_dma semaphore(%dma_wait3A_906 : memref<!tpu.dma_semaphore, #tpu.memory_space<semaphore_mem>>) src(%dma_wait3A_898 : memref<128x16xf32, #tpu.memory_space<vmem>>) dst(%dma_wait3A_904 : memref<10112x16xf32, #tpu.memory_space<vmem_shared>>)
        } else {
        }
        %dma_start3A_878 = arith.constant 1 : i32
        %dma_start3A_879 = arith.constant 1 : i32
        %dma_start3A_880 = arith.constant 0 : i32
        %dma_start3A_881 = arith.constant 0 : i32
        %dma_start3A_882 = tpu.memref_slice %arg8[%dma_start3A_878, %dma_start3A_880, %dma_start3A_881] : memref<10x128x16xf32, #tpu.memory_space<vmem>> -> memref<1x128x16xf32, #tpu.memory_space<vmem>>
        %dma_start3A_883 = tpu.memref_squeeze %dma_start3A_882 : memref<1x128x16xf32, #tpu.memory_space<vmem>> -> memref<128x16xf32, #tpu.memory_space<vmem>>
        %dma_start3A_884 = arith.constant 0 : i32
        %dma_start3A_885 = tpu.memref_slice %arg6[%add3A_757, %dma_start3A_884] : memref<80x128xi32, #tpu.memory_space<vmem>> -> memref<1x128xi32, #tpu.memory_space<vmem>>
        %dma_start3A_886 = tpu.memref_squeeze %dma_start3A_885 : memref<1x128xi32, #tpu.memory_space<vmem>> -> memref<128xi32, #tpu.memory_space<vmem>>
        %dma_start3A_887 = arith.constant 0 : i32
        %dma_start3A_888 = arith.constant 0 : i32
        %dma_start3A_889 = tpu.memref_slice %arg10[%dma_start3A_887, %dma_start3A_888] : memref<10000x16xf32, #tpu.memory_space<vmem_shared>> -> memref<10000x16xf32, #tpu.memory_space<vmem_shared>>
        %dma_start3A_890 = tpu.memref_slice %arg11[%dma_start3A_879] : memref<10x!tpu.dma_semaphore, #tpu.memory_space<semaphore_mem>> -> memref<1x!tpu.dma_semaphore, #tpu.memory_space<semaphore_mem>>
        %dma_start3A_891 = tpu.memref_squeeze %dma_start3A_890 : memref<1x!tpu.dma_semaphore, #tpu.memory_space<semaphore_mem>> -> memref<!tpu.dma_semaphore, #tpu.memory_space<semaphore_mem>>
        tpu.enqueue_indirect_dma source(%dma_start3A_889 : memref<10000x16xf32, #tpu.memory_space<vmem_shared>>) target(%dma_start3A_883 : memref<128x16xf32, #tpu.memory_space<vmem>>) offsets(%dma_start3A_886 : memref<128xi32, #tpu.memory_space<vmem>>) semaphore(%dma_start3A_891 : memref<!tpu.dma_semaphore, #tpu.memory_space<semaphore_mem>>)
      } else {
      }
      %add3A_763 = arith.constant 7 : i32
      %add3A_764 = arith.addi %add3A_506, %add3A_763 : i32
      %dma_wait3A_765 = arith.constant 7 : i32
      %dma_wait3A_766 = arith.constant 7 : i32
      %dma_wait3A_767 = arith.constant 0 : i32
      %dma_wait3A_768 = arith.constant 0 : i32
      %dma_wait3A_769 = tpu.memref_slice %arg8[%dma_wait3A_765, %dma_wait3A_767, %dma_wait3A_768] : memref<10x128x16xf32, #tpu.memory_space<vmem>> -> memref<1x128x16xf32, #tpu.memory_space<vmem>>
      %dma_wait3A_770 = tpu.memref_squeeze %dma_wait3A_769 : memref<1x128x16xf32, #tpu.memory_space<vmem>> -> memref<128x16xf32, #tpu.memory_space<vmem>>
      %dma_wait3A_771 = arith.constant 0 : i32
      %dma_wait3A_772 = tpu.memref_slice %arg6[%add3A_764, %dma_wait3A_771] : memref<80x128xi32, #tpu.memory_space<vmem>> -> memref<1x128xi32, #tpu.memory_space<vmem>>
      %dma_wait3A_773 = tpu.memref_squeeze %dma_wait3A_772 : memref<1x128xi32, #tpu.memory_space<vmem>> -> memref<128xi32, #tpu.memory_space<vmem>>
      %dma_wait3A_774 = arith.constant 0 : i32
      %dma_wait3A_775 = arith.constant 0 : i32
      %dma_wait3A_776 = tpu.memref_slice %arg10[%dma_wait3A_774, %dma_wait3A_775] : memref<10000x16xf32, #tpu.memory_space<vmem_shared>> -> memref<10000x16xf32, #tpu.memory_space<vmem_shared>>
      %dma_wait3A_777 = tpu.memref_slice %arg11[%dma_wait3A_766] : memref<10x!tpu.dma_semaphore, #tpu.memory_space<semaphore_mem>> -> memref<1x!tpu.dma_semaphore, #tpu.memory_space<semaphore_mem>>
      %dma_wait3A_778 = tpu.memref_squeeze %dma_wait3A_777 : memref<1x!tpu.dma_semaphore, #tpu.memory_space<semaphore_mem>> -> memref<!tpu.dma_semaphore, #tpu.memory_space<semaphore_mem>>
      tpu.wait_indirect_dma semaphore(%dma_wait3A_778 : memref<!tpu.dma_semaphore, #tpu.memory_space<semaphore_mem>>) src(%dma_wait3A_776 : memref<10000x16xf32, #tpu.memory_space<vmem_shared>>) dst(%dma_wait3A_770 : memref<128x16xf32, #tpu.memory_space<vmem>>)
      %dma_start3A_779 = arith.constant 7 : i32
      %dma_start3A_780 = arith.constant 7 : i32
      %dma_start3A_781 = arith.constant 0 : i32
      %dma_start3A_782 = arith.constant 0 : i32
      %dma_start3A_783 = tpu.memref_slice %arg8[%dma_start3A_779, %dma_start3A_781, %dma_start3A_782] : memref<10x128x16xf32, #tpu.memory_space<vmem>> -> memref<1x128x16xf32, #tpu.memory_space<vmem>>
      %dma_start3A_784 = tpu.memref_squeeze %dma_start3A_783 : memref<1x128x16xf32, #tpu.memory_space<vmem>> -> memref<128x16xf32, #tpu.memory_space<vmem>>
      %dma_start3A_785 = arith.constant 0 : i32
      %dma_start3A_786 = tpu.memref_slice %arg7[%add3A_764, %dma_start3A_785] : memref<80x128xi32, #tpu.memory_space<vmem>> -> memref<1x128xi32, #tpu.memory_space<vmem>>
      %dma_start3A_787 = tpu.memref_squeeze %dma_start3A_786 : memref<1x128xi32, #tpu.memory_space<vmem>> -> memref<128xi32, #tpu.memory_space<vmem>>
      %dma_start3A_788 = arith.constant 0 : i32
      %dma_start3A_789 = arith.constant 0 : i32
      %dma_start3A_790 = tpu.memref_slice %arg9[%dma_start3A_788, %dma_start3A_789] : memref<10112x16xf32, #tpu.memory_space<vmem_shared>> -> memref<10112x16xf32, #tpu.memory_space<vmem_shared>>
      %dma_start3A_791 = tpu.memref_slice %arg12[%dma_start3A_780] : memref<10x!tpu.dma_semaphore, #tpu.memory_space<semaphore_mem>> -> memref<1x!tpu.dma_semaphore, #tpu.memory_space<semaphore_mem>>
      %dma_start3A_792 = tpu.memref_squeeze %dma_start3A_791 : memref<1x!tpu.dma_semaphore, #tpu.memory_space<semaphore_mem>> -> memref<!tpu.dma_semaphore, #tpu.memory_space<semaphore_mem>>
      tpu.enqueue_indirect_dma source(%dma_start3A_784 : memref<128x16xf32, #tpu.memory_space<vmem>>) target(%dma_start3A_790 : memref<10112x16xf32, #tpu.memory_space<vmem_shared>>) offsets(%dma_start3A_787 : memref<128xi32, #tpu.memory_space<vmem>>) semaphore(%dma_start3A_792 : memref<!tpu.dma_semaphore, #tpu.memory_space<semaphore_mem>>) {add = true}
      %add3A_793 = arith.constant 5 : i32
      %add3A_794 = arith.addi %add3A_764, %add3A_793 : i32
      %lt3A_795 = arith.constant 80 : i32
      %lt3A_796 = arith.cmpi slt, %add3A_794, %lt3A_795 : i32
      %convert_element_type3A_797 = arith.extui %lt3A_796 : i1 to i32
      %cond3A_798 = arith.constant 0 : i32
      %cond3A_799 = arith.cmpi ne, %convert_element_type3A_797, %cond3A_798 : i32
      scf.if %cond3A_799 {
        %ge3A = arith.constant 10 : i32
        %ge3A_874 = arith.cmpi sge, %add3A_794, %ge3A : i32
        %convert_element_type3A_875 = arith.extui %ge3A_874 : i1 to i32
        %cond3A_876 = arith.constant 0 : i32
        %cond3A_877 = arith.cmpi ne, %convert_element_type3A_875, %cond3A_876 : i32
        scf.if %cond3A_877 {
          %sub3A = arith.constant 10 : i32
          %sub3A_892 = arith.subi %add3A_794, %sub3A : i32
          %dma_wait3A_893 = arith.constant 2 : i32
          %dma_wait3A_894 = arith.constant 2 : i32
          %dma_wait3A_895 = arith.constant 0 : i32
          %dma_wait3A_896 = arith.constant 0 : i32
          %dma_wait3A_897 = tpu.memref_slice %arg8[%dma_wait3A_893, %dma_wait3A_895, %dma_wait3A_896] : memref<10x128x16xf32, #tpu.memory_space<vmem>> -> memref<1x128x16xf32, #tpu.memory_space<vmem>>
          %dma_wait3A_898 = tpu.memref_squeeze %dma_wait3A_897 : memref<1x128x16xf32, #tpu.memory_space<vmem>> -> memref<128x16xf32, #tpu.memory_space<vmem>>
          %dma_wait3A_899 = arith.constant 0 : i32
          %dma_wait3A_900 = tpu.memref_slice %arg7[%sub3A_892, %dma_wait3A_899] : memref<80x128xi32, #tpu.memory_space<vmem>> -> memref<1x128xi32, #tpu.memory_space<vmem>>
          %dma_wait3A_901 = tpu.memref_squeeze %dma_wait3A_900 : memref<1x128xi32, #tpu.memory_space<vmem>> -> memref<128xi32, #tpu.memory_space<vmem>>
          %dma_wait3A_902 = arith.constant 0 : i32
          %dma_wait3A_903 = arith.constant 0 : i32
          %dma_wait3A_904 = tpu.memref_slice %arg9[%dma_wait3A_902, %dma_wait3A_903] : memref<10112x16xf32, #tpu.memory_space<vmem_shared>> -> memref<10112x16xf32, #tpu.memory_space<vmem_shared>>
          %dma_wait3A_905 = tpu.memref_slice %arg12[%dma_wait3A_894] : memref<10x!tpu.dma_semaphore, #tpu.memory_space<semaphore_mem>> -> memref<1x!tpu.dma_semaphore, #tpu.memory_space<semaphore_mem>>
          %dma_wait3A_906 = tpu.memref_squeeze %dma_wait3A_905 : memref<1x!tpu.dma_semaphore, #tpu.memory_space<semaphore_mem>> -> memref<!tpu.dma_semaphore, #tpu.memory_space<semaphore_mem>>
          tpu.wait_indirect_dma semaphore(%dma_wait3A_906 : memref<!tpu.dma_semaphore, #tpu.memory_space<semaphore_mem>>) src(%dma_wait3A_898 : memref<128x16xf32, #tpu.memory_space<vmem>>) dst(%dma_wait3A_904 : memref<10112x16xf32, #tpu.memory_space<vmem_shared>>)
        } else {
        }
        %dma_start3A_878 = arith.constant 2 : i32
        %dma_start3A_879 = arith.constant 2 : i32
        %dma_start3A_880 = arith.constant 0 : i32
        %dma_start3A_881 = arith.constant 0 : i32
        %dma_start3A_882 = tpu.memref_slice %arg8[%dma_start3A_878, %dma_start3A_880, %dma_start3A_881] : memref<10x128x16xf32, #tpu.memory_space<vmem>> -> memref<1x128x16xf32, #tpu.memory_space<vmem>>
        %dma_start3A_883 = tpu.memref_squeeze %dma_start3A_882 : memref<1x128x16xf32, #tpu.memory_space<vmem>> -> memref<128x16xf32, #tpu.memory_space<vmem>>
        %dma_start3A_884 = arith.constant 0 : i32
        %dma_start3A_885 = tpu.memref_slice %arg6[%add3A_794, %dma_start3A_884] : memref<80x128xi32, #tpu.memory_space<vmem>> -> memref<1x128xi32, #tpu.memory_space<vmem>>
        %dma_start3A_886 = tpu.memref_squeeze %dma_start3A_885 : memref<1x128xi32, #tpu.memory_space<vmem>> -> memref<128xi32, #tpu.memory_space<vmem>>
        %dma_start3A_887 = arith.constant 0 : i32
        %dma_start3A_888 = arith.constant 0 : i32
        %dma_start3A_889 = tpu.memref_slice %arg10[%dma_start3A_887, %dma_start3A_888] : memref<10000x16xf32, #tpu.memory_space<vmem_shared>> -> memref<10000x16xf32, #tpu.memory_space<vmem_shared>>
        %dma_start3A_890 = tpu.memref_slice %arg11[%dma_start3A_879] : memref<10x!tpu.dma_semaphore, #tpu.memory_space<semaphore_mem>> -> memref<1x!tpu.dma_semaphore, #tpu.memory_space<semaphore_mem>>
        %dma_start3A_891 = tpu.memref_squeeze %dma_start3A_890 : memref<1x!tpu.dma_semaphore, #tpu.memory_space<semaphore_mem>> -> memref<!tpu.dma_semaphore, #tpu.memory_space<semaphore_mem>>
        tpu.enqueue_indirect_dma source(%dma_start3A_889 : memref<10000x16xf32, #tpu.memory_space<vmem_shared>>) target(%dma_start3A_883 : memref<128x16xf32, #tpu.memory_space<vmem>>) offsets(%dma_start3A_886 : memref<128xi32, #tpu.memory_space<vmem>>) semaphore(%dma_start3A_891 : memref<!tpu.dma_semaphore, #tpu.memory_space<semaphore_mem>>)
      } else {
      }
      %add3A_800 = arith.constant 8 : i32
      %add3A_801 = arith.addi %add3A_506, %add3A_800 : i32
      %dma_wait3A_802 = arith.constant 8 : i32
      %dma_wait3A_803 = arith.constant 8 : i32
      %dma_wait3A_804 = arith.constant 0 : i32
      %dma_wait3A_805 = arith.constant 0 : i32
      %dma_wait3A_806 = tpu.memref_slice %arg8[%dma_wait3A_802, %dma_wait3A_804, %dma_wait3A_805] : memref<10x128x16xf32, #tpu.memory_space<vmem>> -> memref<1x128x16xf32, #tpu.memory_space<vmem>>
      %dma_wait3A_807 = tpu.memref_squeeze %dma_wait3A_806 : memref<1x128x16xf32, #tpu.memory_space<vmem>> -> memref<128x16xf32, #tpu.memory_space<vmem>>
      %dma_wait3A_808 = arith.constant 0 : i32
      %dma_wait3A_809 = tpu.memref_slice %arg6[%add3A_801, %dma_wait3A_808] : memref<80x128xi32, #tpu.memory_space<vmem>> -> memref<1x128xi32, #tpu.memory_space<vmem>>
      %dma_wait3A_810 = tpu.memref_squeeze %dma_wait3A_809 : memref<1x128xi32, #tpu.memory_space<vmem>> -> memref<128xi32, #tpu.memory_space<vmem>>
      %dma_wait3A_811 = arith.constant 0 : i32
      %dma_wait3A_812 = arith.constant 0 : i32
      %dma_wait3A_813 = tpu.memref_slice %arg10[%dma_wait3A_811, %dma_wait3A_812] : memref<10000x16xf32, #tpu.memory_space<vmem_shared>> -> memref<10000x16xf32, #tpu.memory_space<vmem_shared>>
      %dma_wait3A_814 = tpu.memref_slice %arg11[%dma_wait3A_803] : memref<10x!tpu.dma_semaphore, #tpu.memory_space<semaphore_mem>> -> memref<1x!tpu.dma_semaphore, #tpu.memory_space<semaphore_mem>>
      %dma_wait3A_815 = tpu.memref_squeeze %dma_wait3A_814 : memref<1x!tpu.dma_semaphore, #tpu.memory_space<semaphore_mem>> -> memref<!tpu.dma_semaphore, #tpu.memory_space<semaphore_mem>>
      tpu.wait_indirect_dma semaphore(%dma_wait3A_815 : memref<!tpu.dma_semaphore, #tpu.memory_space<semaphore_mem>>) src(%dma_wait3A_813 : memref<10000x16xf32, #tpu.memory_space<vmem_shared>>) dst(%dma_wait3A_807 : memref<128x16xf32, #tpu.memory_space<vmem>>)
      %dma_start3A_816 = arith.constant 8 : i32
      %dma_start3A_817 = arith.constant 8 : i32
      %dma_start3A_818 = arith.constant 0 : i32
      %dma_start3A_819 = arith.constant 0 : i32
      %dma_start3A_820 = tpu.memref_slice %arg8[%dma_start3A_816, %dma_start3A_818, %dma_start3A_819] : memref<10x128x16xf32, #tpu.memory_space<vmem>> -> memref<1x128x16xf32, #tpu.memory_space<vmem>>
      %dma_start3A_821 = tpu.memref_squeeze %dma_start3A_820 : memref<1x128x16xf32, #tpu.memory_space<vmem>> -> memref<128x16xf32, #tpu.memory_space<vmem>>
      %dma_start3A_822 = arith.constant 0 : i32
      %dma_start3A_823 = tpu.memref_slice %arg7[%add3A_801, %dma_start3A_822] : memref<80x128xi32, #tpu.memory_space<vmem>> -> memref<1x128xi32, #tpu.memory_space<vmem>>
      %dma_start3A_824 = tpu.memref_squeeze %dma_start3A_823 : memref<1x128xi32, #tpu.memory_space<vmem>> -> memref<128xi32, #tpu.memory_space<vmem>>
      %dma_start3A_825 = arith.constant 0 : i32
      %dma_start3A_826 = arith.constant 0 : i32
      %dma_start3A_827 = tpu.memref_slice %arg9[%dma_start3A_825, %dma_start3A_826] : memref<10112x16xf32, #tpu.memory_space<vmem_shared>> -> memref<10112x16xf32, #tpu.memory_space<vmem_shared>>
      %dma_start3A_828 = tpu.memref_slice %arg12[%dma_start3A_817] : memref<10x!tpu.dma_semaphore, #tpu.memory_space<semaphore_mem>> -> memref<1x!tpu.dma_semaphore, #tpu.memory_space<semaphore_mem>>
      %dma_start3A_829 = tpu.memref_squeeze %dma_start3A_828 : memref<1x!tpu.dma_semaphore, #tpu.memory_space<semaphore_mem>> -> memref<!tpu.dma_semaphore, #tpu.memory_space<semaphore_mem>>
      tpu.enqueue_indirect_dma source(%dma_start3A_821 : memref<128x16xf32, #tpu.memory_space<vmem>>) target(%dma_start3A_827 : memref<10112x16xf32, #tpu.memory_space<vmem_shared>>) offsets(%dma_start3A_824 : memref<128xi32, #tpu.memory_space<vmem>>) semaphore(%dma_start3A_829 : memref<!tpu.dma_semaphore, #tpu.memory_space<semaphore_mem>>) {add = true}
      %add3A_830 = arith.constant 5 : i32
      %add3A_831 = arith.addi %add3A_801, %add3A_830 : i32
      %lt3A_832 = arith.constant 80 : i32
      %lt3A_833 = arith.cmpi slt, %add3A_831, %lt3A_832 : i32
      %convert_element_type3A_834 = arith.extui %lt3A_833 : i1 to i32
      %cond3A_835 = arith.constant 0 : i32
      %cond3A_836 = arith.cmpi ne, %convert_element_type3A_834, %cond3A_835 : i32
      scf.if %cond3A_836 {
        %ge3A = arith.constant 10 : i32
        %ge3A_874 = arith.cmpi sge, %add3A_831, %ge3A : i32
        %convert_element_type3A_875 = arith.extui %ge3A_874 : i1 to i32
        %cond3A_876 = arith.constant 0 : i32
        %cond3A_877 = arith.cmpi ne, %convert_element_type3A_875, %cond3A_876 : i32
        scf.if %cond3A_877 {
          %sub3A = arith.constant 10 : i32
          %sub3A_892 = arith.subi %add3A_831, %sub3A : i32
          %dma_wait3A_893 = arith.constant 3 : i32
          %dma_wait3A_894 = arith.constant 3 : i32
          %dma_wait3A_895 = arith.constant 0 : i32
          %dma_wait3A_896 = arith.constant 0 : i32
          %dma_wait3A_897 = tpu.memref_slice %arg8[%dma_wait3A_893, %dma_wait3A_895, %dma_wait3A_896] : memref<10x128x16xf32, #tpu.memory_space<vmem>> -> memref<1x128x16xf32, #tpu.memory_space<vmem>>
          %dma_wait3A_898 = tpu.memref_squeeze %dma_wait3A_897 : memref<1x128x16xf32, #tpu.memory_space<vmem>> -> memref<128x16xf32, #tpu.memory_space<vmem>>
          %dma_wait3A_899 = arith.constant 0 : i32
          %dma_wait3A_900 = tpu.memref_slice %arg7[%sub3A_892, %dma_wait3A_899] : memref<80x128xi32, #tpu.memory_space<vmem>> -> memref<1x128xi32, #tpu.memory_space<vmem>>
          %dma_wait3A_901 = tpu.memref_squeeze %dma_wait3A_900 : memref<1x128xi32, #tpu.memory_space<vmem>> -> memref<128xi32, #tpu.memory_space<vmem>>
          %dma_wait3A_902 = arith.constant 0 : i32
          %dma_wait3A_903 = arith.constant 0 : i32
          %dma_wait3A_904 = tpu.memref_slice %arg9[%dma_wait3A_902, %dma_wait3A_903] : memref<10112x16xf32, #tpu.memory_space<vmem_shared>> -> memref<10112x16xf32, #tpu.memory_space<vmem_shared>>
          %dma_wait3A_905 = tpu.memref_slice %arg12[%dma_wait3A_894] : memref<10x!tpu.dma_semaphore, #tpu.memory_space<semaphore_mem>> -> memref<1x!tpu.dma_semaphore, #tpu.memory_space<semaphore_mem>>
          %dma_wait3A_906 = tpu.memref_squeeze %dma_wait3A_905 : memref<1x!tpu.dma_semaphore, #tpu.memory_space<semaphore_mem>> -> memref<!tpu.dma_semaphore, #tpu.memory_space<semaphore_mem>>
          tpu.wait_indirect_dma semaphore(%dma_wait3A_906 : memref<!tpu.dma_semaphore, #tpu.memory_space<semaphore_mem>>) src(%dma_wait3A_898 : memref<128x16xf32, #tpu.memory_space<vmem>>) dst(%dma_wait3A_904 : memref<10112x16xf32, #tpu.memory_space<vmem_shared>>)
        } else {
        }
        %dma_start3A_878 = arith.constant 3 : i32
        %dma_start3A_879 = arith.constant 3 : i32
        %dma_start3A_880 = arith.constant 0 : i32
        %dma_start3A_881 = arith.constant 0 : i32
        %dma_start3A_882 = tpu.memref_slice %arg8[%dma_start3A_878, %dma_start3A_880, %dma_start3A_881] : memref<10x128x16xf32, #tpu.memory_space<vmem>> -> memref<1x128x16xf32, #tpu.memory_space<vmem>>
        %dma_start3A_883 = tpu.memref_squeeze %dma_start3A_882 : memref<1x128x16xf32, #tpu.memory_space<vmem>> -> memref<128x16xf32, #tpu.memory_space<vmem>>
        %dma_start3A_884 = arith.constant 0 : i32
        %dma_start3A_885 = tpu.memref_slice %arg6[%add3A_831, %dma_start3A_884] : memref<80x128xi32, #tpu.memory_space<vmem>> -> memref<1x128xi32, #tpu.memory_space<vmem>>
        %dma_start3A_886 = tpu.memref_squeeze %dma_start3A_885 : memref<1x128xi32, #tpu.memory_space<vmem>> -> memref<128xi32, #tpu.memory_space<vmem>>
        %dma_start3A_887 = arith.constant 0 : i32
        %dma_start3A_888 = arith.constant 0 : i32
        %dma_start3A_889 = tpu.memref_slice %arg10[%dma_start3A_887, %dma_start3A_888] : memref<10000x16xf32, #tpu.memory_space<vmem_shared>> -> memref<10000x16xf32, #tpu.memory_space<vmem_shared>>
        %dma_start3A_890 = tpu.memref_slice %arg11[%dma_start3A_879] : memref<10x!tpu.dma_semaphore, #tpu.memory_space<semaphore_mem>> -> memref<1x!tpu.dma_semaphore, #tpu.memory_space<semaphore_mem>>
        %dma_start3A_891 = tpu.memref_squeeze %dma_start3A_890 : memref<1x!tpu.dma_semaphore, #tpu.memory_space<semaphore_mem>> -> memref<!tpu.dma_semaphore, #tpu.memory_space<semaphore_mem>>
        tpu.enqueue_indirect_dma source(%dma_start3A_889 : memref<10000x16xf32, #tpu.memory_space<vmem_shared>>) target(%dma_start3A_883 : memref<128x16xf32, #tpu.memory_space<vmem>>) offsets(%dma_start3A_886 : memref<128xi32, #tpu.memory_space<vmem>>) semaphore(%dma_start3A_891 : memref<!tpu.dma_semaphore, #tpu.memory_space<semaphore_mem>>)
      } else {
      }
      %add3A_837 = arith.constant 9 : i32
      %add3A_838 = arith.addi %add3A_506, %add3A_837 : i32
      %dma_wait3A_839 = arith.constant 9 : i32
      %dma_wait3A_840 = arith.constant 9 : i32
      %dma_wait3A_841 = arith.constant 0 : i32
      %dma_wait3A_842 = arith.constant 0 : i32
      %dma_wait3A_843 = tpu.memref_slice %arg8[%dma_wait3A_839, %dma_wait3A_841, %dma_wait3A_842] : memref<10x128x16xf32, #tpu.memory_space<vmem>> -> memref<1x128x16xf32, #tpu.memory_space<vmem>>
      %dma_wait3A_844 = tpu.memref_squeeze %dma_wait3A_843 : memref<1x128x16xf32, #tpu.memory_space<vmem>> -> memref<128x16xf32, #tpu.memory_space<vmem>>
      %dma_wait3A_845 = arith.constant 0 : i32
      %dma_wait3A_846 = tpu.memref_slice %arg6[%add3A_838, %dma_wait3A_845] : memref<80x128xi32, #tpu.memory_space<vmem>> -> memref<1x128xi32, #tpu.memory_space<vmem>>
      %dma_wait3A_847 = tpu.memref_squeeze %dma_wait3A_846 : memref<1x128xi32, #tpu.memory_space<vmem>> -> memref<128xi32, #tpu.memory_space<vmem>>
      %dma_wait3A_848 = arith.constant 0 : i32
      %dma_wait3A_849 = arith.constant 0 : i32
      %dma_wait3A_850 = tpu.memref_slice %arg10[%dma_wait3A_848, %dma_wait3A_849] : memref<10000x16xf32, #tpu.memory_space<vmem_shared>> -> memref<10000x16xf32, #tpu.memory_space<vmem_shared>>
      %dma_wait3A_851 = tpu.memref_slice %arg11[%dma_wait3A_840] : memref<10x!tpu.dma_semaphore, #tpu.memory_space<semaphore_mem>> -> memref<1x!tpu.dma_semaphore, #tpu.memory_space<semaphore_mem>>
      %dma_wait3A_852 = tpu.memref_squeeze %dma_wait3A_851 : memref<1x!tpu.dma_semaphore, #tpu.memory_space<semaphore_mem>> -> memref<!tpu.dma_semaphore, #tpu.memory_space<semaphore_mem>>
      tpu.wait_indirect_dma semaphore(%dma_wait3A_852 : memref<!tpu.dma_semaphore, #tpu.memory_space<semaphore_mem>>) src(%dma_wait3A_850 : memref<10000x16xf32, #tpu.memory_space<vmem_shared>>) dst(%dma_wait3A_844 : memref<128x16xf32, #tpu.memory_space<vmem>>)
      %dma_start3A_853 = arith.constant 9 : i32
      %dma_start3A_854 = arith.constant 9 : i32
      %dma_start3A_855 = arith.constant 0 : i32
      %dma_start3A_856 = arith.constant 0 : i32
      %dma_start3A_857 = tpu.memref_slice %arg8[%dma_start3A_853, %dma_start3A_855, %dma_start3A_856] : memref<10x128x16xf32, #tpu.memory_space<vmem>> -> memref<1x128x16xf32, #tpu.memory_space<vmem>>
      %dma_start3A_858 = tpu.memref_squeeze %dma_start3A_857 : memref<1x128x16xf32, #tpu.memory_space<vmem>> -> memref<128x16xf32, #tpu.memory_space<vmem>>
      %dma_start3A_859 = arith.constant 0 : i32
      %dma_start3A_860 = tpu.memref_slice %arg7[%add3A_838, %dma_start3A_859] : memref<80x128xi32, #tpu.memory_space<vmem>> -> memref<1x128xi32, #tpu.memory_space<vmem>>
      %dma_start3A_861 = tpu.memref_squeeze %dma_start3A_860 : memref<1x128xi32, #tpu.memory_space<vmem>> -> memref<128xi32, #tpu.memory_space<vmem>>
      %dma_start3A_862 = arith.constant 0 : i32
      %dma_start3A_863 = arith.constant 0 : i32
      %dma_start3A_864 = tpu.memref_slice %arg9[%dma_start3A_862, %dma_start3A_863] : memref<10112x16xf32, #tpu.memory_space<vmem_shared>> -> memref<10112x16xf32, #tpu.memory_space<vmem_shared>>
      %dma_start3A_865 = tpu.memref_slice %arg12[%dma_start3A_854] : memref<10x!tpu.dma_semaphore, #tpu.memory_space<semaphore_mem>> -> memref<1x!tpu.dma_semaphore, #tpu.memory_space<semaphore_mem>>
      %dma_start3A_866 = tpu.memref_squeeze %dma_start3A_865 : memref<1x!tpu.dma_semaphore, #tpu.memory_space<semaphore_mem>> -> memref<!tpu.dma_semaphore, #tpu.memory_space<semaphore_mem>>
      tpu.enqueue_indirect_dma source(%dma_start3A_858 : memref<128x16xf32, #tpu.memory_space<vmem>>) target(%dma_start3A_864 : memref<10112x16xf32, #tpu.memory_space<vmem_shared>>) offsets(%dma_start3A_861 : memref<128xi32, #tpu.memory_space<vmem>>) semaphore(%dma_start3A_866 : memref<!tpu.dma_semaphore, #tpu.memory_space<semaphore_mem>>) {add = true}
      %add3A_867 = arith.constant 5 : i32
      %add3A_868 = arith.addi %add3A_838, %add3A_867 : i32
      %lt3A_869 = arith.constant 80 : i32
      %lt3A_870 = arith.cmpi slt, %add3A_868, %lt3A_869 : i32
      %convert_element_type3A_871 = arith.extui %lt3A_870 : i1 to i32
      %cond3A_872 = arith.constant 0 : i32
      %cond3A_873 = arith.cmpi ne, %convert_element_type3A_871, %cond3A_872 : i32
      scf.if %cond3A_873 {
        %ge3A = arith.constant 10 : i32
        %ge3A_874 = arith.cmpi sge, %add3A_868, %ge3A : i32
        %convert_element_type3A_875 = arith.extui %ge3A_874 : i1 to i32
        %cond3A_876 = arith.constant 0 : i32
        %cond3A_877 = arith.cmpi ne, %convert_element_type3A_875, %cond3A_876 : i32
        scf.if %cond3A_877 {
          %sub3A = arith.constant 10 : i32
          %sub3A_892 = arith.subi %add3A_868, %sub3A : i32
          %dma_wait3A_893 = arith.constant 4 : i32
          %dma_wait3A_894 = arith.constant 4 : i32
          %dma_wait3A_895 = arith.constant 0 : i32
          %dma_wait3A_896 = arith.constant 0 : i32
          %dma_wait3A_897 = tpu.memref_slice %arg8[%dma_wait3A_893, %dma_wait3A_895, %dma_wait3A_896] : memref<10x128x16xf32, #tpu.memory_space<vmem>> -> memref<1x128x16xf32, #tpu.memory_space<vmem>>
          %dma_wait3A_898 = tpu.memref_squeeze %dma_wait3A_897 : memref<1x128x16xf32, #tpu.memory_space<vmem>> -> memref<128x16xf32, #tpu.memory_space<vmem>>
          %dma_wait3A_899 = arith.constant 0 : i32
          %dma_wait3A_900 = tpu.memref_slice %arg7[%sub3A_892, %dma_wait3A_899] : memref<80x128xi32, #tpu.memory_space<vmem>> -> memref<1x128xi32, #tpu.memory_space<vmem>>
          %dma_wait3A_901 = tpu.memref_squeeze %dma_wait3A_900 : memref<1x128xi32, #tpu.memory_space<vmem>> -> memref<128xi32, #tpu.memory_space<vmem>>
          %dma_wait3A_902 = arith.constant 0 : i32
          %dma_wait3A_903 = arith.constant 0 : i32
          %dma_wait3A_904 = tpu.memref_slice %arg9[%dma_wait3A_902, %dma_wait3A_903] : memref<10112x16xf32, #tpu.memory_space<vmem_shared>> -> memref<10112x16xf32, #tpu.memory_space<vmem_shared>>
          %dma_wait3A_905 = tpu.memref_slice %arg12[%dma_wait3A_894] : memref<10x!tpu.dma_semaphore, #tpu.memory_space<semaphore_mem>> -> memref<1x!tpu.dma_semaphore, #tpu.memory_space<semaphore_mem>>
          %dma_wait3A_906 = tpu.memref_squeeze %dma_wait3A_905 : memref<1x!tpu.dma_semaphore, #tpu.memory_space<semaphore_mem>> -> memref<!tpu.dma_semaphore, #tpu.memory_space<semaphore_mem>>
          tpu.wait_indirect_dma semaphore(%dma_wait3A_906 : memref<!tpu.dma_semaphore, #tpu.memory_space<semaphore_mem>>) src(%dma_wait3A_898 : memref<128x16xf32, #tpu.memory_space<vmem>>) dst(%dma_wait3A_904 : memref<10112x16xf32, #tpu.memory_space<vmem_shared>>)
        } else {
        }
        %dma_start3A_878 = arith.constant 4 : i32
        %dma_start3A_879 = arith.constant 4 : i32
        %dma_start3A_880 = arith.constant 0 : i32
        %dma_start3A_881 = arith.constant 0 : i32
        %dma_start3A_882 = tpu.memref_slice %arg8[%dma_start3A_878, %dma_start3A_880, %dma_start3A_881] : memref<10x128x16xf32, #tpu.memory_space<vmem>> -> memref<1x128x16xf32, #tpu.memory_space<vmem>>
        %dma_start3A_883 = tpu.memref_squeeze %dma_start3A_882 : memref<1x128x16xf32, #tpu.memory_space<vmem>> -> memref<128x16xf32, #tpu.memory_space<vmem>>
        %dma_start3A_884 = arith.constant 0 : i32
        %dma_start3A_885 = tpu.memref_slice %arg6[%add3A_868, %dma_start3A_884] : memref<80x128xi32, #tpu.memory_space<vmem>> -> memref<1x128xi32, #tpu.memory_space<vmem>>
        %dma_start3A_886 = tpu.memref_squeeze %dma_start3A_885 : memref<1x128xi32, #tpu.memory_space<vmem>> -> memref<128xi32, #tpu.memory_space<vmem>>
        %dma_start3A_887 = arith.constant 0 : i32
        %dma_start3A_888 = arith.constant 0 : i32
        %dma_start3A_889 = tpu.memref_slice %arg10[%dma_start3A_887, %dma_start3A_888] : memref<10000x16xf32, #tpu.memory_space<vmem_shared>> -> memref<10000x16xf32, #tpu.memory_space<vmem_shared>>
        %dma_start3A_890 = tpu.memref_slice %arg11[%dma_start3A_879] : memref<10x!tpu.dma_semaphore, #tpu.memory_space<semaphore_mem>> -> memref<1x!tpu.dma_semaphore, #tpu.memory_space<semaphore_mem>>
        %dma_start3A_891 = tpu.memref_squeeze %dma_start3A_890 : memref<1x!tpu.dma_semaphore, #tpu.memory_space<semaphore_mem>> -> memref<!tpu.dma_semaphore, #tpu.memory_space<semaphore_mem>>
        tpu.enqueue_indirect_dma source(%dma_start3A_889 : memref<10000x16xf32, #tpu.memory_space<vmem_shared>>) target(%dma_start3A_883 : memref<128x16xf32, #tpu.memory_space<vmem>>) offsets(%dma_start3A_886 : memref<128xi32, #tpu.memory_space<vmem>>) semaphore(%dma_start3A_891 : memref<!tpu.dma_semaphore, #tpu.memory_space<semaphore_mem>>)
      } else {
      }
    }
    %scan3A_346 = arith.constant 8 : i32
    %dma_wait3A_347 = arith.constant 0 : i32
    %dma_wait3A_348 = arith.constant 70 : i32
    %dma_wait3A_349 = arith.constant 0 : i32
    %dma_wait3A_350 = arith.constant 0 : i32
    %dma_wait3A_351 = arith.constant 0 : i32
    %dma_wait3A_352 = tpu.memref_slice %arg8[%dma_wait3A_347, %dma_wait3A_350, %dma_wait3A_351] : memref<10x128x16xf32, #tpu.memory_space<vmem>> -> memref<1x128x16xf32, #tpu.memory_space<vmem>>
    %dma_wait3A_353 = tpu.memref_squeeze %dma_wait3A_352 : memref<1x128x16xf32, #tpu.memory_space<vmem>> -> memref<128x16xf32, #tpu.memory_space<vmem>>
    %dma_wait3A_354 = arith.constant 0 : i32
    %dma_wait3A_355 = tpu.memref_slice %arg7[%dma_wait3A_348, %dma_wait3A_354] : memref<80x128xi32, #tpu.memory_space<vmem>> -> memref<1x128xi32, #tpu.memory_space<vmem>>
    %dma_wait3A_356 = tpu.memref_squeeze %dma_wait3A_355 : memref<1x128xi32, #tpu.memory_space<vmem>> -> memref<128xi32, #tpu.memory_space<vmem>>
    %dma_wait3A_357 = arith.constant 0 : i32
    %dma_wait3A_358 = arith.constant 0 : i32
    %dma_wait3A_359 = tpu.memref_slice %arg9[%dma_wait3A_357, %dma_wait3A_358] : memref<10112x16xf32, #tpu.memory_space<vmem_shared>> -> memref<10112x16xf32, #tpu.memory_space<vmem_shared>>
    %dma_wait3A_360 = tpu.memref_slice %arg12[%dma_wait3A_349] : memref<10x!tpu.dma_semaphore, #tpu.memory_space<semaphore_mem>> -> memref<1x!tpu.dma_semaphore, #tpu.memory_space<semaphore_mem>>
    %dma_wait3A_361 = tpu.memref_squeeze %dma_wait3A_360 : memref<1x!tpu.dma_semaphore, #tpu.memory_space<semaphore_mem>> -> memref<!tpu.dma_semaphore, #tpu.memory_space<semaphore_mem>>
    tpu.wait_indirect_dma semaphore(%dma_wait3A_361 : memref<!tpu.dma_semaphore, #tpu.memory_space<semaphore_mem>>) src(%dma_wait3A_353 : memref<128x16xf32, #tpu.memory_space<vmem>>) dst(%dma_wait3A_359 : memref<10112x16xf32, #tpu.memory_space<vmem_shared>>)
    %dma_wait3A_362 = arith.constant 1 : i32
    %dma_wait3A_363 = arith.constant 71 : i32
    %dma_wait3A_364 = arith.constant 1 : i32
    %dma_wait3A_365 = arith.constant 0 : i32
    %dma_wait3A_366 = arith.constant 0 : i32
    %dma_wait3A_367 = tpu.memref_slice %arg8[%dma_wait3A_362, %dma_wait3A_365, %dma_wait3A_366] : memref<10x128x16xf32, #tpu.memory_space<vmem>> -> memref<1x128x16xf32, #tpu.memory_space<vmem>>
    %dma_wait3A_368 = tpu.memref_squeeze %dma_wait3A_367 : memref<1x128x16xf32, #tpu.memory_space<vmem>> -> memref<128x16xf32, #tpu.memory_space<vmem>>
    %dma_wait3A_369 = arith.constant 0 : i32
    %dma_wait3A_370 = tpu.memref_slice %arg7[%dma_wait3A_363, %dma_wait3A_369] : memref<80x128xi32, #tpu.memory_space<vmem>> -> memref<1x128xi32, #tpu.memory_space<vmem>>
    %dma_wait3A_371 = tpu.memref_squeeze %dma_wait3A_370 : memref<1x128xi32, #tpu.memory_space<vmem>> -> memref<128xi32, #tpu.memory_space<vmem>>
    %dma_wait3A_372 = arith.constant 0 : i32
    %dma_wait3A_373 = arith.constant 0 : i32
    %dma_wait3A_374 = tpu.memref_slice %arg9[%dma_wait3A_372, %dma_wait3A_373] : memref<10112x16xf32, #tpu.memory_space<vmem_shared>> -> memref<10112x16xf32, #tpu.memory_space<vmem_shared>>
    %dma_wait3A_375 = tpu.memref_slice %arg12[%dma_wait3A_364] : memref<10x!tpu.dma_semaphore, #tpu.memory_space<semaphore_mem>> -> memref<1x!tpu.dma_semaphore, #tpu.memory_space<semaphore_mem>>
    %dma_wait3A_376 = tpu.memref_squeeze %dma_wait3A_375 : memref<1x!tpu.dma_semaphore, #tpu.memory_space<semaphore_mem>> -> memref<!tpu.dma_semaphore, #tpu.memory_space<semaphore_mem>>
    tpu.wait_indirect_dma semaphore(%dma_wait3A_376 : memref<!tpu.dma_semaphore, #tpu.memory_space<semaphore_mem>>) src(%dma_wait3A_368 : memref<128x16xf32, #tpu.memory_space<vmem>>) dst(%dma_wait3A_374 : memref<10112x16xf32, #tpu.memory_space<vmem_shared>>)
    %dma_wait3A_377 = arith.constant 2 : i32
    %dma_wait3A_378 = arith.constant 72 : i32
    %dma_wait3A_379 = arith.constant 2 : i32
    %dma_wait3A_380 = arith.constant 0 : i32
    %dma_wait3A_381 = arith.constant 0 : i32
    %dma_wait3A_382 = tpu.memref_slice %arg8[%dma_wait3A_377, %dma_wait3A_380, %dma_wait3A_381] : memref<10x128x16xf32, #tpu.memory_space<vmem>> -> memref<1x128x16xf32, #tpu.memory_space<vmem>>
    %dma_wait3A_383 = tpu.memref_squeeze %dma_wait3A_382 : memref<1x128x16xf32, #tpu.memory_space<vmem>> -> memref<128x16xf32, #tpu.memory_space<vmem>>
    %dma_wait3A_384 = arith.constant 0 : i32
    %dma_wait3A_385 = tpu.memref_slice %arg7[%dma_wait3A_378, %dma_wait3A_384] : memref<80x128xi32, #tpu.memory_space<vmem>> -> memref<1x128xi32, #tpu.memory_space<vmem>>
    %dma_wait3A_386 = tpu.memref_squeeze %dma_wait3A_385 : memref<1x128xi32, #tpu.memory_space<vmem>> -> memref<128xi32, #tpu.memory_space<vmem>>
    %dma_wait3A_387 = arith.constant 0 : i32
    %dma_wait3A_388 = arith.constant 0 : i32
    %dma_wait3A_389 = tpu.memref_slice %arg9[%dma_wait3A_387, %dma_wait3A_388] : memref<10112x16xf32, #tpu.memory_space<vmem_shared>> -> memref<10112x16xf32, #tpu.memory_space<vmem_shared>>
    %dma_wait3A_390 = tpu.memref_slice %arg12[%dma_wait3A_379] : memref<10x!tpu.dma_semaphore, #tpu.memory_space<semaphore_mem>> -> memref<1x!tpu.dma_semaphore, #tpu.memory_space<semaphore_mem>>
    %dma_wait3A_391 = tpu.memref_squeeze %dma_wait3A_390 : memref<1x!tpu.dma_semaphore, #tpu.memory_space<semaphore_mem>> -> memref<!tpu.dma_semaphore, #tpu.memory_space<semaphore_mem>>
    tpu.wait_indirect_dma semaphore(%dma_wait3A_391 : memref<!tpu.dma_semaphore, #tpu.memory_space<semaphore_mem>>) src(%dma_wait3A_383 : memref<128x16xf32, #tpu.memory_space<vmem>>) dst(%dma_wait3A_389 : memref<10112x16xf32, #tpu.memory_space<vmem_shared>>)
    %dma_wait3A_392 = arith.constant 3 : i32
    %dma_wait3A_393 = arith.constant 73 : i32
    %dma_wait3A_394 = arith.constant 3 : i32
    %dma_wait3A_395 = arith.constant 0 : i32
    %dma_wait3A_396 = arith.constant 0 : i32
    %dma_wait3A_397 = tpu.memref_slice %arg8[%dma_wait3A_392, %dma_wait3A_395, %dma_wait3A_396] : memref<10x128x16xf32, #tpu.memory_space<vmem>> -> memref<1x128x16xf32, #tpu.memory_space<vmem>>
    %dma_wait3A_398 = tpu.memref_squeeze %dma_wait3A_397 : memref<1x128x16xf32, #tpu.memory_space<vmem>> -> memref<128x16xf32, #tpu.memory_space<vmem>>
    %dma_wait3A_399 = arith.constant 0 : i32
    %dma_wait3A_400 = tpu.memref_slice %arg7[%dma_wait3A_393, %dma_wait3A_399] : memref<80x128xi32, #tpu.memory_space<vmem>> -> memref<1x128xi32, #tpu.memory_space<vmem>>
    %dma_wait3A_401 = tpu.memref_squeeze %dma_wait3A_400 : memref<1x128xi32, #tpu.memory_space<vmem>> -> memref<128xi32, #tpu.memory_space<vmem>>
    %dma_wait3A_402 = arith.constant 0 : i32
    %dma_wait3A_403 = arith.constant 0 : i32
    %dma_wait3A_404 = tpu.memref_slice %arg9[%dma_wait3A_402, %dma_wait3A_403] : memref<10112x16xf32, #tpu.memory_space<vmem_shared>> -> memref<10112x16xf32, #tpu.memory_space<vmem_shared>>
    %dma_wait3A_405 = tpu.memref_slice %arg12[%dma_wait3A_394] : memref<10x!tpu.dma_semaphore, #tpu.memory_space<semaphore_mem>> -> memref<1x!tpu.dma_semaphore, #tpu.memory_space<semaphore_mem>>
    %dma_wait3A_406 = tpu.memref_squeeze %dma_wait3A_405 : memref<1x!tpu.dma_semaphore, #tpu.memory_space<semaphore_mem>> -> memref<!tpu.dma_semaphore, #tpu.memory_space<semaphore_mem>>
    tpu.wait_indirect_dma semaphore(%dma_wait3A_406 : memref<!tpu.dma_semaphore, #tpu.memory_space<semaphore_mem>>) src(%dma_wait3A_398 : memref<128x16xf32, #tpu.memory_space<vmem>>) dst(%dma_wait3A_404 : memref<10112x16xf32, #tpu.memory_space<vmem_shared>>)
    %dma_wait3A_407 = arith.constant 4 : i32
    %dma_wait3A_408 = arith.constant 74 : i32
    %dma_wait3A_409 = arith.constant 4 : i32
    %dma_wait3A_410 = arith.constant 0 : i32
    %dma_wait3A_411 = arith.constant 0 : i32
    %dma_wait3A_412 = tpu.memref_slice %arg8[%dma_wait3A_407, %dma_wait3A_410, %dma_wait3A_411] : memref<10x128x16xf32, #tpu.memory_space<vmem>> -> memref<1x128x16xf32, #tpu.memory_space<vmem>>
    %dma_wait3A_413 = tpu.memref_squeeze %dma_wait3A_412 : memref<1x128x16xf32, #tpu.memory_space<vmem>> -> memref<128x16xf32, #tpu.memory_space<vmem>>
    %dma_wait3A_414 = arith.constant 0 : i32
    %dma_wait3A_415 = tpu.memref_slice %arg7[%dma_wait3A_408, %dma_wait3A_414] : memref<80x128xi32, #tpu.memory_space<vmem>> -> memref<1x128xi32, #tpu.memory_space<vmem>>
    %dma_wait3A_416 = tpu.memref_squeeze %dma_wait3A_415 : memref<1x128xi32, #tpu.memory_space<vmem>> -> memref<128xi32, #tpu.memory_space<vmem>>
    %dma_wait3A_417 = arith.constant 0 : i32
    %dma_wait3A_418 = arith.constant 0 : i32
    %dma_wait3A_419 = tpu.memref_slice %arg9[%dma_wait3A_417, %dma_wait3A_418] : memref<10112x16xf32, #tpu.memory_space<vmem_shared>> -> memref<10112x16xf32, #tpu.memory_space<vmem_shared>>
    %dma_wait3A_420 = tpu.memref_slice %arg12[%dma_wait3A_409] : memref<10x!tpu.dma_semaphore, #tpu.memory_space<semaphore_mem>> -> memref<1x!tpu.dma_semaphore, #tpu.memory_space<semaphore_mem>>
    %dma_wait3A_421 = tpu.memref_squeeze %dma_wait3A_420 : memref<1x!tpu.dma_semaphore, #tpu.memory_space<semaphore_mem>> -> memref<!tpu.dma_semaphore, #tpu.memory_space<semaphore_mem>>
    tpu.wait_indirect_dma semaphore(%dma_wait3A_421 : memref<!tpu.dma_semaphore, #tpu.memory_space<semaphore_mem>>) src(%dma_wait3A_413 : memref<128x16xf32, #tpu.memory_space<vmem>>) dst(%dma_wait3A_419 : memref<10112x16xf32, #tpu.memory_space<vmem_shared>>)
    %dma_wait3A_422 = arith.constant 5 : i32
    %dma_wait3A_423 = arith.constant 75 : i32
    %dma_wait3A_424 = arith.constant 5 : i32
    %dma_wait3A_425 = arith.constant 0 : i32
    %dma_wait3A_426 = arith.constant 0 : i32
    %dma_wait3A_427 = tpu.memref_slice %arg8[%dma_wait3A_422, %dma_wait3A_425, %dma_wait3A_426] : memref<10x128x16xf32, #tpu.memory_space<vmem>> -> memref<1x128x16xf32, #tpu.memory_space<vmem>>
    %dma_wait3A_428 = tpu.memref_squeeze %dma_wait3A_427 : memref<1x128x16xf32, #tpu.memory_space<vmem>> -> memref<128x16xf32, #tpu.memory_space<vmem>>
    %dma_wait3A_429 = arith.constant 0 : i32
    %dma_wait3A_430 = tpu.memref_slice %arg7[%dma_wait3A_423, %dma_wait3A_429] : memref<80x128xi32, #tpu.memory_space<vmem>> -> memref<1x128xi32, #tpu.memory_space<vmem>>
    %dma_wait3A_431 = tpu.memref_squeeze %dma_wait3A_430 : memref<1x128xi32, #tpu.memory_space<vmem>> -> memref<128xi32, #tpu.memory_space<vmem>>
    %dma_wait3A_432 = arith.constant 0 : i32
    %dma_wait3A_433 = arith.constant 0 : i32
    %dma_wait3A_434 = tpu.memref_slice %arg9[%dma_wait3A_432, %dma_wait3A_433] : memref<10112x16xf32, #tpu.memory_space<vmem_shared>> -> memref<10112x16xf32, #tpu.memory_space<vmem_shared>>
    %dma_wait3A_435 = tpu.memref_slice %arg12[%dma_wait3A_424] : memref<10x!tpu.dma_semaphore, #tpu.memory_space<semaphore_mem>> -> memref<1x!tpu.dma_semaphore, #tpu.memory_space<semaphore_mem>>
    %dma_wait3A_436 = tpu.memref_squeeze %dma_wait3A_435 : memref<1x!tpu.dma_semaphore, #tpu.memory_space<semaphore_mem>> -> memref<!tpu.dma_semaphore, #tpu.memory_space<semaphore_mem>>
    tpu.wait_indirect_dma semaphore(%dma_wait3A_436 : memref<!tpu.dma_semaphore, #tpu.memory_space<semaphore_mem>>) src(%dma_wait3A_428 : memref<128x16xf32, #tpu.memory_space<vmem>>) dst(%dma_wait3A_434 : memref<10112x16xf32, #tpu.memory_space<vmem_shared>>)
    %dma_wait3A_437 = arith.constant 6 : i32
    %dma_wait3A_438 = arith.constant 76 : i32
    %dma_wait3A_439 = arith.constant 6 : i32
    %dma_wait3A_440 = arith.constant 0 : i32
    %dma_wait3A_441 = arith.constant 0 : i32
    %dma_wait3A_442 = tpu.memref_slice %arg8[%dma_wait3A_437, %dma_wait3A_440, %dma_wait3A_441] : memref<10x128x16xf32, #tpu.memory_space<vmem>> -> memref<1x128x16xf32, #tpu.memory_space<vmem>>
    %dma_wait3A_443 = tpu.memref_squeeze %dma_wait3A_442 : memref<1x128x16xf32, #tpu.memory_space<vmem>> -> memref<128x16xf32, #tpu.memory_space<vmem>>
    %dma_wait3A_444 = arith.constant 0 : i32
    %dma_wait3A_445 = tpu.memref_slice %arg7[%dma_wait3A_438, %dma_wait3A_444] : memref<80x128xi32, #tpu.memory_space<vmem>> -> memref<1x128xi32, #tpu.memory_space<vmem>>
    %dma_wait3A_446 = tpu.memref_squeeze %dma_wait3A_445 : memref<1x128xi32, #tpu.memory_space<vmem>> -> memref<128xi32, #tpu.memory_space<vmem>>
    %dma_wait3A_447 = arith.constant 0 : i32
    %dma_wait3A_448 = arith.constant 0 : i32
    %dma_wait3A_449 = tpu.memref_slice %arg9[%dma_wait3A_447, %dma_wait3A_448] : memref<10112x16xf32, #tpu.memory_space<vmem_shared>> -> memref<10112x16xf32, #tpu.memory_space<vmem_shared>>
    %dma_wait3A_450 = tpu.memref_slice %arg12[%dma_wait3A_439] : memref<10x!tpu.dma_semaphore, #tpu.memory_space<semaphore_mem>> -> memref<1x!tpu.dma_semaphore, #tpu.memory_space<semaphore_mem>>
    %dma_wait3A_451 = tpu.memref_squeeze %dma_wait3A_450 : memref<1x!tpu.dma_semaphore, #tpu.memory_space<semaphore_mem>> -> memref<!tpu.dma_semaphore, #tpu.memory_space<semaphore_mem>>
    tpu.wait_indirect_dma semaphore(%dma_wait3A_451 : memref<!tpu.dma_semaphore, #tpu.memory_space<semaphore_mem>>) src(%dma_wait3A_443 : memref<128x16xf32, #tpu.memory_space<vmem>>) dst(%dma_wait3A_449 : memref<10112x16xf32, #tpu.memory_space<vmem_shared>>)
    %dma_wait3A_452 = arith.constant 7 : i32
    %dma_wait3A_453 = arith.constant 77 : i32
    %dma_wait3A_454 = arith.constant 7 : i32
    %dma_wait3A_455 = arith.constant 0 : i32
    %dma_wait3A_456 = arith.constant 0 : i32
    %dma_wait3A_457 = tpu.memref_slice %arg8[%dma_wait3A_452, %dma_wait3A_455, %dma_wait3A_456] : memref<10x128x16xf32, #tpu.memory_space<vmem>> -> memref<1x128x16xf32, #tpu.memory_space<vmem>>
    %dma_wait3A_458 = tpu.memref_squeeze %dma_wait3A_457 : memref<1x128x16xf32, #tpu.memory_space<vmem>> -> memref<128x16xf32, #tpu.memory_space<vmem>>
    %dma_wait3A_459 = arith.constant 0 : i32
    %dma_wait3A_460 = tpu.memref_slice %arg7[%dma_wait3A_453, %dma_wait3A_459] : memref<80x128xi32, #tpu.memory_space<vmem>> -> memref<1x128xi32, #tpu.memory_space<vmem>>
    %dma_wait3A_461 = tpu.memref_squeeze %dma_wait3A_460 : memref<1x128xi32, #tpu.memory_space<vmem>> -> memref<128xi32, #tpu.memory_space<vmem>>
    %dma_wait3A_462 = arith.constant 0 : i32
    %dma_wait3A_463 = arith.constant 0 : i32
    %dma_wait3A_464 = tpu.memref_slice %arg9[%dma_wait3A_462, %dma_wait3A_463] : memref<10112x16xf32, #tpu.memory_space<vmem_shared>> -> memref<10112x16xf32, #tpu.memory_space<vmem_shared>>
    %dma_wait3A_465 = tpu.memref_slice %arg12[%dma_wait3A_454] : memref<10x!tpu.dma_semaphore, #tpu.memory_space<semaphore_mem>> -> memref<1x!tpu.dma_semaphore, #tpu.memory_space<semaphore_mem>>
    %dma_wait3A_466 = tpu.memref_squeeze %dma_wait3A_465 : memref<1x!tpu.dma_semaphore, #tpu.memory_space<semaphore_mem>> -> memref<!tpu.dma_semaphore, #tpu.memory_space<semaphore_mem>>
    tpu.wait_indirect_dma semaphore(%dma_wait3A_466 : memref<!tpu.dma_semaphore, #tpu.memory_space<semaphore_mem>>) src(%dma_wait3A_458 : memref<128x16xf32, #tpu.memory_space<vmem>>) dst(%dma_wait3A_464 : memref<10112x16xf32, #tpu.memory_space<vmem_shared>>)
    %dma_wait3A_467 = arith.constant 8 : i32
    %dma_wait3A_468 = arith.constant 78 : i32
    %dma_wait3A_469 = arith.constant 8 : i32
    %dma_wait3A_470 = arith.constant 0 : i32
    %dma_wait3A_471 = arith.constant 0 : i32
    %dma_wait3A_472 = tpu.memref_slice %arg8[%dma_wait3A_467, %dma_wait3A_470, %dma_wait3A_471] : memref<10x128x16xf32, #tpu.memory_space<vmem>> -> memref<1x128x16xf32, #tpu.memory_space<vmem>>
    %dma_wait3A_473 = tpu.memref_squeeze %dma_wait3A_472 : memref<1x128x16xf32, #tpu.memory_space<vmem>> -> memref<128x16xf32, #tpu.memory_space<vmem>>
    %dma_wait3A_474 = arith.constant 0 : i32
    %dma_wait3A_475 = tpu.memref_slice %arg7[%dma_wait3A_468, %dma_wait3A_474] : memref<80x128xi32, #tpu.memory_space<vmem>> -> memref<1x128xi32, #tpu.memory_space<vmem>>
    %dma_wait3A_476 = tpu.memref_squeeze %dma_wait3A_475 : memref<1x128xi32, #tpu.memory_space<vmem>> -> memref<128xi32, #tpu.memory_space<vmem>>
    %dma_wait3A_477 = arith.constant 0 : i32
    %dma_wait3A_478 = arith.constant 0 : i32
    %dma_wait3A_479 = tpu.memref_slice %arg9[%dma_wait3A_477, %dma_wait3A_478] : memref<10112x16xf32, #tpu.memory_space<vmem_shared>> -> memref<10112x16xf32, #tpu.memory_space<vmem_shared>>
    %dma_wait3A_480 = tpu.memref_slice %arg12[%dma_wait3A_469] : memref<10x!tpu.dma_semaphore, #tpu.memory_space<semaphore_mem>> -> memref<1x!tpu.dma_semaphore, #tpu.memory_space<semaphore_mem>>
    %dma_wait3A_481 = tpu.memref_squeeze %dma_wait3A_480 : memref<1x!tpu.dma_semaphore, #tpu.memory_space<semaphore_mem>> -> memref<!tpu.dma_semaphore, #tpu.memory_space<semaphore_mem>>
    tpu.wait_indirect_dma semaphore(%dma_wait3A_481 : memref<!tpu.dma_semaphore, #tpu.memory_space<semaphore_mem>>) src(%dma_wait3A_473 : memref<128x16xf32, #tpu.memory_space<vmem>>) dst(%dma_wait3A_479 : memref<10112x16xf32, #tpu.memory_space<vmem_shared>>)
    %dma_wait3A_482 = arith.constant 9 : i32
    %dma_wait3A_483 = arith.constant 79 : i32
    %dma_wait3A_484 = arith.constant 9 : i32
    %dma_wait3A_485 = arith.constant 0 : i32
    %dma_wait3A_486 = arith.constant 0 : i32
    %dma_wait3A_487 = tpu.memref_slice %arg8[%dma_wait3A_482, %dma_wait3A_485, %dma_wait3A_486] : memref<10x128x16xf32, #tpu.memory_space<vmem>> -> memref<1x128x16xf32, #tpu.memory_space<vmem>>
    %dma_wait3A_488 = tpu.memref_squeeze %dma_wait3A_487 : memref<1x128x16xf32, #tpu.memory_space<vmem>> -> memref<128x16xf32, #tpu.memory_space<vmem>>
    %dma_wait3A_489 = arith.constant 0 : i32
    %dma_wait3A_490 = tpu.memref_slice %arg7[%dma_wait3A_483, %dma_wait3A_489] : memref<80x128xi32, #tpu.memory_space<vmem>> -> memref<1x128xi32, #tpu.memory_space<vmem>>
    %dma_wait3A_491 = tpu.memref_squeeze %dma_wait3A_490 : memref<1x128xi32, #tpu.memory_space<vmem>> -> memref<128xi32, #tpu.memory_space<vmem>>
    %dma_wait3A_492 = arith.constant 0 : i32
    %dma_wait3A_493 = arith.constant 0 : i32
    %dma_wait3A_494 = tpu.memref_slice %arg9[%dma_wait3A_492, %dma_wait3A_493] : memref<10112x16xf32, #tpu.memory_space<vmem_shared>> -> memref<10112x16xf32, #tpu.memory_space<vmem_shared>>
    %dma_wait3A_495 = tpu.memref_slice %arg12[%dma_wait3A_484] : memref<10x!tpu.dma_semaphore, #tpu.memory_space<semaphore_mem>> -> memref<1x!tpu.dma_semaphore, #tpu.memory_space<semaphore_mem>>
    %dma_wait3A_496 = tpu.memref_squeeze %dma_wait3A_495 : memref<1x!tpu.dma_semaphore, #tpu.memory_space<semaphore_mem>> -> memref<!tpu.dma_semaphore, #tpu.memory_space<semaphore_mem>>
    tpu.wait_indirect_dma semaphore(%dma_wait3A_496 : memref<!tpu.dma_semaphore, #tpu.memory_space<semaphore_mem>>) src(%dma_wait3A_488 : memref<128x16xf32, #tpu.memory_space<vmem>>) dst(%dma_wait3A_494 : memref<10112x16xf32, #tpu.memory_space<vmem_shared>>)
    %barrier3A_497 = arith.constant 0 : index
    tpu.barrier barrier_id(%barrier3A_497)
    %mul3A_498 = arith.constant 632 : i32
    %mul3A_499 = arith.muli %arg1, %mul3A_498 : i32
    %mul3A_500 = arith.constant 632 : i32
    %mul3A_501 = arith.muli %arg1, %mul3A_500 : i32
    "tpu.region"() ({
      %run_scoped3A = tpu.sem_alloc : memref<!tpu.dma_semaphore, #tpu.memory_space<semaphore_mem>>
      %dma_start3A_502 = arith.constant 0 : i32
      %dma_start3A_503 = tpu.memref_slice %arg5[%arg0, %mul3A_501, %dma_start3A_502] : memref<2x10112x16xf32, #tpu.memory_space<hbm>> -> memref<1x632x16xf32, #tpu.memory_space<hbm>>
      %dma_start3A_504 = tpu.memref_squeeze %dma_start3A_503 : memref<1x632x16xf32, #tpu.memory_space<hbm>> -> memref<632x16xf32, #tpu.memory_space<hbm>>
      %dma_start3A_505 = arith.constant 0 : i32
      %dma_start3A_506 = tpu.memref_slice %arg9[%mul3A_499, %dma_start3A_505] : memref<10112x16xf32, #tpu.memory_space<vmem_shared>> -> memref<632x16xf32, #tpu.memory_space<vmem_shared>>
      tpu.enqueue_dma source(%dma_start3A_506 : memref<632x16xf32, #tpu.memory_space<vmem_shared>>) target(%dma_start3A_504 : memref<632x16xf32, #tpu.memory_space<hbm>>) target_semaphore(%run_scoped3A : memref<!tpu.dma_semaphore, #tpu.memory_space<semaphore_mem>>)
      %dma_wait3A_507 = arith.constant 0 : i32
      %dma_wait3A_508 = tpu.memref_slice %arg5[%arg0, %mul3A_501, %dma_wait3A_507] : memref<2x10112x16xf32, #tpu.memory_space<hbm>> -> memref<1x632x16xf32, #tpu.memory_space<hbm>>
      %dma_wait3A_509 = tpu.memref_squeeze %dma_wait3A_508 : memref<1x632x16xf32, #tpu.memory_space<hbm>> -> memref<632x16xf32, #tpu.memory_space<hbm>>
      %dma_wait3A_510 = arith.constant 0 : i32
      %dma_wait3A_511 = tpu.memref_slice %arg9[%mul3A_499, %dma_wait3A_510] : memref<10112x16xf32, #tpu.memory_space<vmem_shared>> -> memref<632x16xf32, #tpu.memory_space<vmem_shared>>
      tpu.wait_dma2 semaphore(%run_scoped3A : memref<!tpu.dma_semaphore, #tpu.memory_space<semaphore_mem>>) src(%dma_wait3A_511 : memref<632x16xf32, #tpu.memory_space<vmem_shared>>) dst(%dma_wait3A_509 : memref<632x16xf32, #tpu.memory_space<hbm>>)
      tpu.yield
    }) : () -> ()
    return
  }
}

#map = affine_map<(d0, d1) -> (0, 0)>
#map1 = affine_map<(d0, d1) -> (0, 0, 0)>
module attributes {stable_mosaic.version = 14 : i64} {
  func.func @_deg_body(%arg0: i32, %arg1: i32, %arg2: memref<2x320000xi32, #tpu.memory_space<hbm>>, %arg3: memref<2x10112x16xf32, #tpu.memory_space<hbm>>, %arg4: memref<2560x128xi32, #tpu.memory_space<hbm>>, %arg5: memref<2560x128xi32, #tpu.memory_space<hbm>>, %arg6: memref<10000xi32, #tpu.memory_space<vmem>>, %arg7: memref<10000xi32, #tpu.memory_space<vmem>>, %arg8: memref<80x128xi32, #tpu.memory_space<vmem>>, %arg9: memref<80x128xi32, #tpu.memory_space<vmem>>, %arg10: memref<128x16xf32, #tpu.memory_space<vmem>>, %arg11: memref<128x16xf32, #tpu.memory_space<vmem>>, %arg12: memref<10112x16xf32, #tpu.memory_space<vmem_shared>>, %arg13: memref<5x!tpu.dma_semaphore, #tpu.memory_space<semaphore_mem>>, %arg14: memref<8x!tpu.dma_semaphore, #tpu.memory_space<semaphore_mem>>) attributes {dimension_semantics = [#tpu.dimension_semantics<core_parallel>, #tpu.dimension_semantics<subcore_parallel>], iteration_bounds = array<i64: 2, 16>, scalar_prefetch = 0 : i64, scratch_operands = 9 : i64, tpu.core_type = #tpu.core_type<sc_vector_subcore>, window_params = [{transform_indices = #map}, {transform_indices = #map1}, {transform_indices = #map}, {transform_indices = #map}]} {
    %mul3A = arith.constant 16 : i32
    %mul3A_0 = arith.muli %arg0, %mul3A : i32
    %add3A = arith.addi %mul3A_0, %arg1 : i32
    %mul3A_1 = arith.constant 10000 : i32
    %mul3A_2 = arith.muli %add3A, %mul3A_1 : i32
    %dma_start3A = arith.constant 0 : i32
    %dma_start3A_3 = arith.constant 6 : i32
    %dma_start3A_4 = tpu.memref_slice %arg2[%dma_start3A, %mul3A_2] : memref<2x320000xi32, #tpu.memory_space<hbm>> -> memref<1x10000xi32, #tpu.memory_space<hbm>>
    %dma_start3A_5 = tpu.memref_squeeze %dma_start3A_4 : memref<1x10000xi32, #tpu.memory_space<hbm>> -> memref<10000xi32, #tpu.memory_space<hbm>>
    %dma_start3A_6 = tpu.memref_slice %arg14[%dma_start3A_3] : memref<8x!tpu.dma_semaphore, #tpu.memory_space<semaphore_mem>> -> memref<1x!tpu.dma_semaphore, #tpu.memory_space<semaphore_mem>>
    %dma_start3A_7 = tpu.memref_squeeze %dma_start3A_6 : memref<1x!tpu.dma_semaphore, #tpu.memory_space<semaphore_mem>> -> memref<!tpu.dma_semaphore, #tpu.memory_space<semaphore_mem>>
    %dma_start3A_8 = tpu.memref_slice %arg2[%dma_start3A, %mul3A_2] : memref<2x320000xi32, #tpu.memory_space<hbm>> -> memref<1x10000xi32, #tpu.memory_space<hbm>>
    %dma_start3A_9 = tpu.memref_squeeze %dma_start3A_8 : memref<1x10000xi32, #tpu.memory_space<hbm>> -> memref<10000xi32, #tpu.memory_space<hbm>>
    tpu.enqueue_dma source(%dma_start3A_9 : memref<10000xi32, #tpu.memory_space<hbm>>) target(%arg6 : memref<10000xi32, #tpu.memory_space<vmem>>) target_semaphore(%dma_start3A_7 : memref<!tpu.dma_semaphore, #tpu.memory_space<semaphore_mem>>)
    %mul3A_10 = arith.constant 10000 : i32
    %mul3A_11 = arith.muli %add3A, %mul3A_10 : i32
    %dma_start3A_12 = arith.constant 1 : i32
    %dma_start3A_13 = arith.constant 7 : i32
    %dma_start3A_14 = tpu.memref_slice %arg2[%dma_start3A_12, %mul3A_11] : memref<2x320000xi32, #tpu.memory_space<hbm>> -> memref<1x10000xi32, #tpu.memory_space<hbm>>
    %dma_start3A_15 = tpu.memref_squeeze %dma_start3A_14 : memref<1x10000xi32, #tpu.memory_space<hbm>> -> memref<10000xi32, #tpu.memory_space<hbm>>
    %dma_start3A_16 = tpu.memref_slice %arg14[%dma_start3A_13] : memref<8x!tpu.dma_semaphore, #tpu.memory_space<semaphore_mem>> -> memref<1x!tpu.dma_semaphore, #tpu.memory_space<semaphore_mem>>
    %dma_start3A_17 = tpu.memref_squeeze %dma_start3A_16 : memref<1x!tpu.dma_semaphore, #tpu.memory_space<semaphore_mem>> -> memref<!tpu.dma_semaphore, #tpu.memory_space<semaphore_mem>>
    %dma_start3A_18 = tpu.memref_slice %arg2[%dma_start3A_12, %mul3A_11] : memref<2x320000xi32, #tpu.memory_space<hbm>> -> memref<1x10000xi32, #tpu.memory_space<hbm>>
    %dma_start3A_19 = tpu.memref_squeeze %dma_start3A_18 : memref<1x10000xi32, #tpu.memory_space<hbm>> -> memref<10000xi32, #tpu.memory_space<hbm>>
    tpu.enqueue_dma source(%dma_start3A_19 : memref<10000xi32, #tpu.memory_space<hbm>>) target(%arg7 : memref<10000xi32, #tpu.memory_space<vmem>>) target_semaphore(%dma_start3A_17 : memref<!tpu.dma_semaphore, #tpu.memory_space<semaphore_mem>>)
    %broadcast_in_dim3A = arith.constant 0.000000e+00 : f32
    %broadcast_in_dim3A_20 = vector.broadcast %broadcast_in_dim3A : f32 to vector<16xf32>
    %scan3A = arith.constant 0 : i32
    %scan3A_21 = arith.constant 128 : i32
    %scan3A_22 = arith.addi %scan3A, %scan3A_21 : i32
    %scan3A_23 = arith.constant 1 : i32
    scf.for %scan3A_466 = %scan3A to %scan3A_22 step %scan3A_23  : i32 {
      %mul3A_467 = arith.constant 1 : i32
      %mul3A_468 = arith.muli %scan3A_466, %mul3A_467 : i32
      %add3A_469 = arith.constant 0 : i32
      %add3A_470 = arith.addi %add3A_469, %mul3A_468 : i32
      %swap3A_471 = arith.index_cast %add3A_470 : i32 to index
      %swap3A_472 = arith.constant 0 : index
      %swap3A_473 = tpu.vector_load %arg11[%swap3A_471, %swap3A_472] {strides = array<i32>} : memref<128x16xf32, #tpu.memory_space<vmem>>, vector<1x16xf32>,
      %swap3A_474 = vector.shape_cast %swap3A_473 : vector<1x16xf32> to vector<16xf32>
      %swap3A_475 = vector.shape_cast %broadcast_in_dim3A_20 : vector<16xf32> to vector<1x16xf32>
      tpu.vector_store %arg11[%swap3A_471, %swap3A_472], %swap3A_475 {strides = array<i32>} : memref<128x16xf32, #tpu.memory_space<vmem>>, vector<1x16xf32>,
    }
    %scan3A_24 = arith.constant 128 : i32
    %mul3A_25 = arith.constant 632 : i32
    %mul3A_26 = arith.muli %arg1, %mul3A_25 : i32
    %add3A_27 = arith.constant 0 : i32
    %add3A_28 = arith.addi %mul3A_26, %add3A_27 : i32
    %dma_start3A_29 = arith.constant 0 : i32
    %dma_start3A_30 = arith.constant 0 : i32
    %dma_start3A_31 = tpu.memref_slice %arg12[%add3A_28, %dma_start3A_30] : memref<10112x16xf32, #tpu.memory_space<vmem_shared>> -> memref<128x16xf32, #tpu.memory_space<vmem_shared>>
    %dma_start3A_32 = tpu.memref_slice %arg14[%dma_start3A_29] : memref<8x!tpu.dma_semaphore, #tpu.memory_space<semaphore_mem>> -> memref<1x!tpu.dma_semaphore, #tpu.memory_space<semaphore_mem>>
    %dma_start3A_33 = tpu.memref_squeeze %dma_start3A_32 : memref<1x!tpu.dma_semaphore, #tpu.memory_space<semaphore_mem>> -> memref<!tpu.dma_semaphore, #tpu.memory_space<semaphore_mem>>
    %dma_start3A_34 = arith.constant 0 : i32
    %dma_start3A_35 = tpu.memref_slice %arg12[%add3A_28, %dma_start3A_34] : memref<10112x16xf32, #tpu.memory_space<vmem_shared>> -> memref<128x16xf32, #tpu.memory_space<vmem_shared>>
    tpu.enqueue_dma source(%arg11 : memref<128x16xf32, #tpu.memory_space<vmem>>) target(%dma_start3A_35 : memref<128x16xf32, #tpu.memory_space<vmem_shared>>) target_semaphore(%dma_start3A_33 : memref<!tpu.dma_semaphore, #tpu.memory_space<semaphore_mem>>)
    %mul3A_36 = arith.constant 632 : i32
    %mul3A_37 = arith.muli %arg1, %mul3A_36 : i32
    %add3A_38 = arith.constant 128 : i32
    %add3A_39 = arith.addi %mul3A_37, %add3A_38 : i32
    %dma_start3A_40 = arith.constant 1 : i32
    %dma_start3A_41 = arith.constant 0 : i32
    %dma_start3A_42 = tpu.memref_slice %arg12[%add3A_39, %dma_start3A_41] : memref<10112x16xf32, #tpu.memory_space<vmem_shared>> -> memref<128x16xf32, #tpu.memory_space<vmem_shared>>
    %dma_start3A_43 = tpu.memref_slice %arg14[%dma_start3A_40] : memref<8x!tpu.dma_semaphore, #tpu.memory_space<semaphore_mem>> -> memref<1x!tpu.dma_semaphore, #tpu.memory_space<semaphore_mem>>
    %dma_start3A_44 = tpu.memref_squeeze %dma_start3A_43 : memref<1x!tpu.dma_semaphore, #tpu.memory_space<semaphore_mem>> -> memref<!tpu.dma_semaphore, #tpu.memory_space<semaphore_mem>>
    %dma_start3A_45 = arith.constant 0 : i32
    %dma_start3A_46 = tpu.memref_slice %arg12[%add3A_39, %dma_start3A_45] : memref<10112x16xf32, #tpu.memory_space<vmem_shared>> -> memref<128x16xf32, #tpu.memory_space<vmem_shared>>
    tpu.enqueue_dma source(%arg11 : memref<128x16xf32, #tpu.memory_space<vmem>>) target(%dma_start3A_46 : memref<128x16xf32, #tpu.memory_space<vmem_shared>>) target_semaphore(%dma_start3A_44 : memref<!tpu.dma_semaphore, #tpu.memory_space<semaphore_mem>>)
    %mul3A_47 = arith.constant 632 : i32
    %mul3A_48 = arith.muli %arg1, %mul3A_47 : i32
    %add3A_49 = arith.constant 256 : i32
    %add3A_50 = arith.addi %mul3A_48, %add3A_49 : i32
    %dma_start3A_51 = arith.constant 2 : i32
    %dma_start3A_52 = arith.constant 0 : i32
    %dma_start3A_53 = tpu.memref_slice %arg12[%add3A_50, %dma_start3A_52] : memref<10112x16xf32, #tpu.memory_space<vmem_shared>> -> memref<128x16xf32, #tpu.memory_space<vmem_shared>>
    %dma_start3A_54 = tpu.memref_slice %arg14[%dma_start3A_51] : memref<8x!tpu.dma_semaphore, #tpu.memory_space<semaphore_mem>> -> memref<1x!tpu.dma_semaphore, #tpu.memory_space<semaphore_mem>>
    %dma_start3A_55 = tpu.memref_squeeze %dma_start3A_54 : memref<1x!tpu.dma_semaphore, #tpu.memory_space<semaphore_mem>> -> memref<!tpu.dma_semaphore, #tpu.memory_space<semaphore_mem>>
    %dma_start3A_56 = arith.constant 0 : i32
    %dma_start3A_57 = tpu.memref_slice %arg12[%add3A_50, %dma_start3A_56] : memref<10112x16xf32, #tpu.memory_space<vmem_shared>> -> memref<128x16xf32, #tpu.memory_space<vmem_shared>>
    tpu.enqueue_dma source(%arg11 : memref<128x16xf32, #tpu.memory_space<vmem>>) target(%dma_start3A_57 : memref<128x16xf32, #tpu.memory_space<vmem_shared>>) target_semaphore(%dma_start3A_55 : memref<!tpu.dma_semaphore, #tpu.memory_space<semaphore_mem>>)
    %mul3A_58 = arith.constant 632 : i32
    %mul3A_59 = arith.muli %arg1, %mul3A_58 : i32
    %add3A_60 = arith.constant 384 : i32
    %add3A_61 = arith.addi %mul3A_59, %add3A_60 : i32
    %dma_start3A_62 = arith.constant 3 : i32
    %dma_start3A_63 = arith.constant 0 : i32
    %dma_start3A_64 = tpu.memref_slice %arg12[%add3A_61, %dma_start3A_63] : memref<10112x16xf32, #tpu.memory_space<vmem_shared>> -> memref<128x16xf32, #tpu.memory_space<vmem_shared>>
    %dma_start3A_65 = tpu.memref_slice %arg14[%dma_start3A_62] : memref<8x!tpu.dma_semaphore, #tpu.memory_space<semaphore_mem>> -> memref<1x!tpu.dma_semaphore, #tpu.memory_space<semaphore_mem>>
    %dma_start3A_66 = tpu.memref_squeeze %dma_start3A_65 : memref<1x!tpu.dma_semaphore, #tpu.memory_space<semaphore_mem>> -> memref<!tpu.dma_semaphore, #tpu.memory_space<semaphore_mem>>
    %dma_start3A_67 = arith.constant 0 : i32
    %dma_start3A_68 = tpu.memref_slice %arg12[%add3A_61, %dma_start3A_67] : memref<10112x16xf32, #tpu.memory_space<vmem_shared>> -> memref<128x16xf32, #tpu.memory_space<vmem_shared>>
    tpu.enqueue_dma source(%arg11 : memref<128x16xf32, #tpu.memory_space<vmem>>) target(%dma_start3A_68 : memref<128x16xf32, #tpu.memory_space<vmem_shared>>) target_semaphore(%dma_start3A_66 : memref<!tpu.dma_semaphore, #tpu.memory_space<semaphore_mem>>)
    %mul3A_69 = arith.constant 632 : i32
    %mul3A_70 = arith.muli %arg1, %mul3A_69 : i32
    %add3A_71 = arith.constant 512 : i32
    %add3A_72 = arith.addi %mul3A_70, %add3A_71 : i32
    %dma_start3A_73 = arith.constant 4 : i32
    %dma_start3A_74 = arith.constant 0 : i32
    %dma_start3A_75 = arith.constant 0 : i32
    %dma_start3A_76 = tpu.memref_slice %arg11[%dma_start3A_74, %dma_start3A_75] : memref<128x16xf32, #tpu.memory_space<vmem>> -> memref<120x16xf32, #tpu.memory_space<vmem>>
    %dma_start3A_77 = arith.constant 0 : i32
    %dma_start3A_78 = tpu.memref_slice %arg12[%add3A_72, %dma_start3A_77] : memref<10112x16xf32, #tpu.memory_space<vmem_shared>> -> memref<120x16xf32, #tpu.memory_space<vmem_shared>>
    %dma_start3A_79 = tpu.memref_slice %arg14[%dma_start3A_73] : memref<8x!tpu.dma_semaphore, #tpu.memory_space<semaphore_mem>> -> memref<1x!tpu.dma_semaphore, #tpu.memory_space<semaphore_mem>>
    %dma_start3A_80 = tpu.memref_squeeze %dma_start3A_79 : memref<1x!tpu.dma_semaphore, #tpu.memory_space<semaphore_mem>> -> memref<!tpu.dma_semaphore, #tpu.memory_space<semaphore_mem>>
    %dma_start3A_81 = arith.constant 0 : i32
    %dma_start3A_82 = tpu.memref_slice %arg12[%add3A_72, %dma_start3A_81] : memref<10112x16xf32, #tpu.memory_space<vmem_shared>> -> memref<120x16xf32, #tpu.memory_space<vmem_shared>>
    %dma_start3A_83 = arith.constant 0 : i32
    %dma_start3A_84 = arith.constant 0 : i32
    %dma_start3A_85 = tpu.memref_slice %arg11[%dma_start3A_83, %dma_start3A_84] : memref<128x16xf32, #tpu.memory_space<vmem>> -> memref<120x16xf32, #tpu.memory_space<vmem>>
    tpu.enqueue_dma source(%dma_start3A_85 : memref<120x16xf32, #tpu.memory_space<vmem>>) target(%dma_start3A_82 : memref<120x16xf32, #tpu.memory_space<vmem_shared>>) target_semaphore(%dma_start3A_80 : memref<!tpu.dma_semaphore, #tpu.memory_space<semaphore_mem>>)
    %broadcast_in_dim3A_86 = arith.constant 1.000000e+00 : f32
    %broadcast_in_dim3A_87 = vector.broadcast %broadcast_in_dim3A_86 : f32 to vector<16xf32>
    %scan3A_88 = arith.constant 0 : i32
    %scan3A_89 = arith.constant 128 : i32
    %scan3A_90 = arith.addi %scan3A_88, %scan3A_89 : i32
    %scan3A_91 = arith.constant 1 : i32
    scf.for %scan3A_466 = %scan3A_88 to %scan3A_90 step %scan3A_91  : i32 {
      %mul3A_467 = arith.constant 1 : i32
      %mul3A_468 = arith.muli %scan3A_466, %mul3A_467 : i32
      %add3A_469 = arith.constant 0 : i32
      %add3A_470 = arith.addi %add3A_469, %mul3A_468 : i32
      %swap3A_471 = arith.index_cast %add3A_470 : i32 to index
      %swap3A_472 = arith.constant 0 : index
      %swap3A_473 = tpu.vector_load %arg10[%swap3A_471, %swap3A_472] {strides = array<i32>} : memref<128x16xf32, #tpu.memory_space<vmem>>, vector<1x16xf32>,
      %swap3A_474 = vector.shape_cast %swap3A_473 : vector<1x16xf32> to vector<16xf32>
      %swap3A_475 = vector.shape_cast %broadcast_in_dim3A_87 : vector<16xf32> to vector<1x16xf32>
      tpu.vector_store %arg10[%swap3A_471, %swap3A_472], %swap3A_475 {strides = array<i32>} : memref<128x16xf32, #tpu.memory_space<vmem>>, vector<1x16xf32>,
    }
    %scan3A_92 = arith.constant 128 : i32
    %dma_wait3A = arith.constant 0 : i32
    %dma_wait3A_93 = arith.constant 6 : i32
    %dma_wait3A_94 = tpu.memref_slice %arg2[%dma_wait3A, %mul3A_2] : memref<2x320000xi32, #tpu.memory_space<hbm>> -> memref<1x10000xi32, #tpu.memory_space<hbm>>
    %dma_wait3A_95 = tpu.memref_squeeze %dma_wait3A_94 : memref<1x10000xi32, #tpu.memory_space<hbm>> -> memref<10000xi32, #tpu.memory_space<hbm>>
    %dma_wait3A_96 = tpu.memref_slice %arg14[%dma_wait3A_93] : memref<8x!tpu.dma_semaphore, #tpu.memory_space<semaphore_mem>> -> memref<1x!tpu.dma_semaphore, #tpu.memory_space<semaphore_mem>>
    %dma_wait3A_97 = tpu.memref_squeeze %dma_wait3A_96 : memref<1x!tpu.dma_semaphore, #tpu.memory_space<semaphore_mem>> -> memref<!tpu.dma_semaphore, #tpu.memory_space<semaphore_mem>>
    %dma_wait3A_98 = tpu.memref_slice %arg2[%dma_wait3A, %mul3A_2] : memref<2x320000xi32, #tpu.memory_space<hbm>> -> memref<1x10000xi32, #tpu.memory_space<hbm>>
    %dma_wait3A_99 = tpu.memref_squeeze %dma_wait3A_98 : memref<1x10000xi32, #tpu.memory_space<hbm>> -> memref<10000xi32, #tpu.memory_space<hbm>>
    tpu.wait_dma2 semaphore(%dma_wait3A_97 : memref<!tpu.dma_semaphore, #tpu.memory_space<semaphore_mem>>) src(%dma_wait3A_99 : memref<10000xi32, #tpu.memory_space<hbm>>) dst(%arg6 : memref<10000xi32, #tpu.memory_space<vmem>>)
    %dma_wait3A_100 = arith.constant 1 : i32
    %dma_wait3A_101 = arith.constant 7 : i32
    %dma_wait3A_102 = tpu.memref_slice %arg2[%dma_wait3A_100, %mul3A_11] : memref<2x320000xi32, #tpu.memory_space<hbm>> -> memref<1x10000xi32, #tpu.memory_space<hbm>>
    %dma_wait3A_103 = tpu.memref_squeeze %dma_wait3A_102 : memref<1x10000xi32, #tpu.memory_space<hbm>> -> memref<10000xi32, #tpu.memory_space<hbm>>
    %dma_wait3A_104 = tpu.memref_slice %arg14[%dma_wait3A_101] : memref<8x!tpu.dma_semaphore, #tpu.memory_space<semaphore_mem>> -> memref<1x!tpu.dma_semaphore, #tpu.memory_space<semaphore_mem>>
    %dma_wait3A_105 = tpu.memref_squeeze %dma_wait3A_104 : memref<1x!tpu.dma_semaphore, #tpu.memory_space<semaphore_mem>> -> memref<!tpu.dma_semaphore, #tpu.memory_space<semaphore_mem>>
    %dma_wait3A_106 = tpu.memref_slice %arg2[%dma_wait3A_100, %mul3A_11] : memref<2x320000xi32, #tpu.memory_space<hbm>> -> memref<1x10000xi32, #tpu.memory_space<hbm>>
    %dma_wait3A_107 = tpu.memref_squeeze %dma_wait3A_106 : memref<1x10000xi32, #tpu.memory_space<hbm>> -> memref<10000xi32, #tpu.memory_space<hbm>>
    tpu.wait_dma2 semaphore(%dma_wait3A_105 : memref<!tpu.dma_semaphore, #tpu.memory_space<semaphore_mem>>) src(%dma_wait3A_107 : memref<10000xi32, #tpu.memory_space<hbm>>) dst(%arg7 : memref<10000xi32, #tpu.memory_space<vmem>>)
    %scan3A_108 = arith.constant 0 : i32
    %scan3A_109 = arith.constant 78 : i32
    %scan3A_110 = arith.addi %scan3A_108, %scan3A_109 : i32
    %scan3A_111 = arith.constant 1 : i32
    scf.for %scan3A_466 = %scan3A_108 to %scan3A_110 step %scan3A_111  : i32 {
      %mul3A_467 = arith.constant 1 : i32
      %mul3A_468 = arith.muli %scan3A_466, %mul3A_467 : i32
      %add3A_469 = arith.constant 0 : i32
      %add3A_470 = arith.addi %add3A_469, %mul3A_468 : i32
      %mul3A_471 = arith.constant 128 : i32
      %mul3A_472 = arith.muli %add3A_470, %mul3A_471 : i32
      %add3A_473 = arith.constant 0 : i32
      %add3A_474 = arith.addi %mul3A_472, %add3A_473 : i32
      %get3A_475 = arith.index_cast %add3A_474 : i32 to index
      %get3A_476 = tpu.vector_load %arg6[%get3A_475] {strides = array<i32>} : memref<10000xi32, #tpu.memory_space<vmem>>, vector<16xi32>,
      %get3A_477 = vector.shape_cast %get3A_476 : vector<16xi32> to vector<16xi32>
      %swap3A_478 = arith.index_cast %add3A_470 : i32 to index
      %swap3A_479 = arith.constant 0 : index
      %swap3A_480 = tpu.vector_load %arg8[%swap3A_478, %swap3A_479] {strides = array<i32>} : memref<80x128xi32, #tpu.memory_space<vmem>>, vector<1x16xi32>,
      %swap3A_481 = vector.shape_cast %swap3A_480 : vector<1x16xi32> to vector<16xi32>
      %swap3A_482 = vector.shape_cast %get3A_477 : vector<16xi32> to vector<1x16xi32>
      tpu.vector_store %arg8[%swap3A_478, %swap3A_479], %swap3A_482 {strides = array<i32>} : memref<80x128xi32, #tpu.memory_space<vmem>>, vector<1x16xi32>,
      %get3A_483 = arith.index_cast %add3A_474 : i32 to index
      %get3A_484 = tpu.vector_load %arg7[%get3A_483] {strides = array<i32>} : memref<10000xi32, #tpu.memory_space<vmem>>, vector<16xi32>,
      %get3A_485 = vector.shape_cast %get3A_484 : vector<16xi32> to vector<16xi32>
      %swap3A_486 = arith.index_cast %add3A_470 : i32 to index
      %swap3A_487 = arith.constant 0 : index
      %swap3A_488 = tpu.vector_load %arg9[%swap3A_486, %swap3A_487] {strides = array<i32>} : memref<80x128xi32, #tpu.memory_space<vmem>>, vector<1x16xi32>,
      %swap3A_489 = vector.shape_cast %swap3A_488 : vector<1x16xi32> to vector<16xi32>
      %swap3A_490 = vector.shape_cast %get3A_485 : vector<16xi32> to vector<1x16xi32>
      tpu.vector_store %arg9[%swap3A_486, %swap3A_487], %swap3A_490 {strides = array<i32>} : memref<80x128xi32, #tpu.memory_space<vmem>>, vector<1x16xi32>,
      %mul3A_491 = arith.constant 128 : i32
      %mul3A_492 = arith.muli %add3A_470, %mul3A_491 : i32
      %add3A_493 = arith.constant 16 : i32
      %add3A_494 = arith.addi %mul3A_492, %add3A_493 : i32
      %get3A_495 = arith.index_cast %add3A_494 : i32 to index
      %get3A_496 = tpu.vector_load %arg6[%get3A_495] {strides = array<i32>} : memref<10000xi32, #tpu.memory_space<vmem>>, vector<16xi32>,
      %get3A_497 = vector.shape_cast %get3A_496 : vector<16xi32> to vector<16xi32>
      %swap3A_498 = arith.index_cast %add3A_470 : i32 to index
      %swap3A_499 = arith.constant 16 : index
      %swap3A_500 = tpu.vector_load %arg8[%swap3A_498, %swap3A_499] {strides = array<i32>} : memref<80x128xi32, #tpu.memory_space<vmem>>, vector<1x16xi32>,
      %swap3A_501 = vector.shape_cast %swap3A_500 : vector<1x16xi32> to vector<16xi32>
      %swap3A_502 = vector.shape_cast %get3A_497 : vector<16xi32> to vector<1x16xi32>
      tpu.vector_store %arg8[%swap3A_498, %swap3A_499], %swap3A_502 {strides = array<i32>} : memref<80x128xi32, #tpu.memory_space<vmem>>, vector<1x16xi32>,
      %get3A_503 = arith.index_cast %add3A_494 : i32 to index
      %get3A_504 = tpu.vector_load %arg7[%get3A_503] {strides = array<i32>} : memref<10000xi32, #tpu.memory_space<vmem>>, vector<16xi32>,
      %get3A_505 = vector.shape_cast %get3A_504 : vector<16xi32> to vector<16xi32>
      %swap3A_506 = arith.index_cast %add3A_470 : i32 to index
      %swap3A_507 = arith.constant 16 : index
      %swap3A_508 = tpu.vector_load %arg9[%swap3A_506, %swap3A_507] {strides = array<i32>} : memref<80x128xi32, #tpu.memory_space<vmem>>, vector<1x16xi32>,
      %swap3A_509 = vector.shape_cast %swap3A_508 : vector<1x16xi32> to vector<16xi32>
      %swap3A_510 = vector.shape_cast %get3A_505 : vector<16xi32> to vector<1x16xi32>
      tpu.vector_store %arg9[%swap3A_506, %swap3A_507], %swap3A_510 {strides = array<i32>} : memref<80x128xi32, #tpu.memory_space<vmem>>, vector<1x16xi32>,
      %mul3A_511 = arith.constant 128 : i32
      %mul3A_512 = arith.muli %add3A_470, %mul3A_511 : i32
      %add3A_513 = arith.constant 32 : i32
      %add3A_514 = arith.addi %mul3A_512, %add3A_513 : i32
      %get3A_515 = arith.index_cast %add3A_514 : i32 to index
      %get3A_516 = tpu.vector_load %arg6[%get3A_515] {strides = array<i32>} : memref<10000xi32, #tpu.memory_space<vmem>>, vector<16xi32>,
      %get3A_517 = vector.shape_cast %get3A_516 : vector<16xi32> to vector<16xi32>
      %swap3A_518 = arith.index_cast %add3A_470 : i32 to index
      %swap3A_519 = arith.constant 32 : index
      %swap3A_520 = tpu.vector_load %arg8[%swap3A_518, %swap3A_519] {strides = array<i32>} : memref<80x128xi32, #tpu.memory_space<vmem>>, vector<1x16xi32>,
      %swap3A_521 = vector.shape_cast %swap3A_520 : vector<1x16xi32> to vector<16xi32>
      %swap3A_522 = vector.shape_cast %get3A_517 : vector<16xi32> to vector<1x16xi32>
      tpu.vector_store %arg8[%swap3A_518, %swap3A_519], %swap3A_522 {strides = array<i32>} : memref<80x128xi32, #tpu.memory_space<vmem>>, vector<1x16xi32>,
      %get3A_523 = arith.index_cast %add3A_514 : i32 to index
      %get3A_524 = tpu.vector_load %arg7[%get3A_523] {strides = array<i32>} : memref<10000xi32, #tpu.memory_space<vmem>>, vector<16xi32>,
      %get3A_525 = vector.shape_cast %get3A_524 : vector<16xi32> to vector<16xi32>
      %swap3A_526 = arith.index_cast %add3A_470 : i32 to index
      %swap3A_527 = arith.constant 32 : index
      %swap3A_528 = tpu.vector_load %arg9[%swap3A_526, %swap3A_527] {strides = array<i32>} : memref<80x128xi32, #tpu.memory_space<vmem>>, vector<1x16xi32>,
      %swap3A_529 = vector.shape_cast %swap3A_528 : vector<1x16xi32> to vector<16xi32>
      %swap3A_530 = vector.shape_cast %get3A_525 : vector<16xi32> to vector<1x16xi32>
      tpu.vector_store %arg9[%swap3A_526, %swap3A_527], %swap3A_530 {strides = array<i32>} : memref<80x128xi32, #tpu.memory_space<vmem>>, vector<1x16xi32>,
      %mul3A_531 = arith.constant 128 : i32
      %mul3A_532 = arith.muli %add3A_470, %mul3A_531 : i32
      %add3A_533 = arith.constant 48 : i32
      %add3A_534 = arith.addi %mul3A_532, %add3A_533 : i32
      %get3A_535 = arith.index_cast %add3A_534 : i32 to index
      %get3A_536 = tpu.vector_load %arg6[%get3A_535] {strides = array<i32>} : memref<10000xi32, #tpu.memory_space<vmem>>, vector<16xi32>,
      %get3A_537 = vector.shape_cast %get3A_536 : vector<16xi32> to vector<16xi32>
      %swap3A_538 = arith.index_cast %add3A_470 : i32 to index
      %swap3A_539 = arith.constant 48 : index
      %swap3A_540 = tpu.vector_load %arg8[%swap3A_538, %swap3A_539] {strides = array<i32>} : memref<80x128xi32, #tpu.memory_space<vmem>>, vector<1x16xi32>,
      %swap3A_541 = vector.shape_cast %swap3A_540 : vector<1x16xi32> to vector<16xi32>
      %swap3A_542 = vector.shape_cast %get3A_537 : vector<16xi32> to vector<1x16xi32>
      tpu.vector_store %arg8[%swap3A_538, %swap3A_539], %swap3A_542 {strides = array<i32>} : memref<80x128xi32, #tpu.memory_space<vmem>>, vector<1x16xi32>,
      %get3A_543 = arith.index_cast %add3A_534 : i32 to index
      %get3A_544 = tpu.vector_load %arg7[%get3A_543] {strides = array<i32>} : memref<10000xi32, #tpu.memory_space<vmem>>, vector<16xi32>,
      %get3A_545 = vector.shape_cast %get3A_544 : vector<16xi32> to vector<16xi32>
      %swap3A_546 = arith.index_cast %add3A_470 : i32 to index
      %swap3A_547 = arith.constant 48 : index
      %swap3A_548 = tpu.vector_load %arg9[%swap3A_546, %swap3A_547] {strides = array<i32>} : memref<80x128xi32, #tpu.memory_space<vmem>>, vector<1x16xi32>,
      %swap3A_549 = vector.shape_cast %swap3A_548 : vector<1x16xi32> to vector<16xi32>
      %swap3A_550 = vector.shape_cast %get3A_545 : vector<16xi32> to vector<1x16xi32>
      tpu.vector_store %arg9[%swap3A_546, %swap3A_547], %swap3A_550 {strides = array<i32>} : memref<80x128xi32, #tpu.memory_space<vmem>>, vector<1x16xi32>,
      %mul3A_551 = arith.constant 128 : i32
      %mul3A_552 = arith.muli %add3A_470, %mul3A_551 : i32
      %add3A_553 = arith.constant 64 : i32
      %add3A_554 = arith.addi %mul3A_552, %add3A_553 : i32
      %get3A_555 = arith.index_cast %add3A_554 : i32 to index
      %get3A_556 = tpu.vector_load %arg6[%get3A_555] {strides = array<i32>} : memref<10000xi32, #tpu.memory_space<vmem>>, vector<16xi32>,
      %get3A_557 = vector.shape_cast %get3A_556 : vector<16xi32> to vector<16xi32>
      %swap3A_558 = arith.index_cast %add3A_470 : i32 to index
      %swap3A_559 = arith.constant 64 : index
      %swap3A_560 = tpu.vector_load %arg8[%swap3A_558, %swap3A_559] {strides = array<i32>} : memref<80x128xi32, #tpu.memory_space<vmem>>, vector<1x16xi32>,
      %swap3A_561 = vector.shape_cast %swap3A_560 : vector<1x16xi32> to vector<16xi32>
      %swap3A_562 = vector.shape_cast %get3A_557 : vector<16xi32> to vector<1x16xi32>
      tpu.vector_store %arg8[%swap3A_558, %swap3A_559], %swap3A_562 {strides = array<i32>} : memref<80x128xi32, #tpu.memory_space<vmem>>, vector<1x16xi32>,
      %get3A_563 = arith.index_cast %add3A_554 : i32 to index
      %get3A_564 = tpu.vector_load %arg7[%get3A_563] {strides = array<i32>} : memref<10000xi32, #tpu.memory_space<vmem>>, vector<16xi32>,
      %get3A_565 = vector.shape_cast %get3A_564 : vector<16xi32> to vector<16xi32>
      %swap3A_566 = arith.index_cast %add3A_470 : i32 to index
      %swap3A_567 = arith.constant 64 : index
      %swap3A_568 = tpu.vector_load %arg9[%swap3A_566, %swap3A_567] {strides = array<i32>} : memref<80x128xi32, #tpu.memory_space<vmem>>, vector<1x16xi32>,
      %swap3A_569 = vector.shape_cast %swap3A_568 : vector<1x16xi32> to vector<16xi32>
      %swap3A_570 = vector.shape_cast %get3A_565 : vector<16xi32> to vector<1x16xi32>
      tpu.vector_store %arg9[%swap3A_566, %swap3A_567], %swap3A_570 {strides = array<i32>} : memref<80x128xi32, #tpu.memory_space<vmem>>, vector<1x16xi32>,
      %mul3A_571 = arith.constant 128 : i32
      %mul3A_572 = arith.muli %add3A_470, %mul3A_571 : i32
      %add3A_573 = arith.constant 80 : i32
      %add3A_574 = arith.addi %mul3A_572, %add3A_573 : i32
      %get3A_575 = arith.index_cast %add3A_574 : i32 to index
      %get3A_576 = tpu.vector_load %arg6[%get3A_575] {strides = array<i32>} : memref<10000xi32, #tpu.memory_space<vmem>>, vector<16xi32>,
      %get3A_577 = vector.shape_cast %get3A_576 : vector<16xi32> to vector<16xi32>
      %swap3A_578 = arith.index_cast %add3A_470 : i32 to index
      %swap3A_579 = arith.constant 80 : index
      %swap3A_580 = tpu.vector_load %arg8[%swap3A_578, %swap3A_579] {strides = array<i32>} : memref<80x128xi32, #tpu.memory_space<vmem>>, vector<1x16xi32>,
      %swap3A_581 = vector.shape_cast %swap3A_580 : vector<1x16xi32> to vector<16xi32>
      %swap3A_582 = vector.shape_cast %get3A_577 : vector<16xi32> to vector<1x16xi32>
      tpu.vector_store %arg8[%swap3A_578, %swap3A_579], %swap3A_582 {strides = array<i32>} : memref<80x128xi32, #tpu.memory_space<vmem>>, vector<1x16xi32>,
      %get3A_583 = arith.index_cast %add3A_574 : i32 to index
      %get3A_584 = tpu.vector_load %arg7[%get3A_583] {strides = array<i32>} : memref<10000xi32, #tpu.memory_space<vmem>>, vector<16xi32>,
      %get3A_585 = vector.shape_cast %get3A_584 : vector<16xi32> to vector<16xi32>
      %swap3A_586 = arith.index_cast %add3A_470 : i32 to index
      %swap3A_587 = arith.constant 80 : index
      %swap3A_588 = tpu.vector_load %arg9[%swap3A_586, %swap3A_587] {strides = array<i32>} : memref<80x128xi32, #tpu.memory_space<vmem>>, vector<1x16xi32>,
      %swap3A_589 = vector.shape_cast %swap3A_588 : vector<1x16xi32> to vector<16xi32>
      %swap3A_590 = vector.shape_cast %get3A_585 : vector<16xi32> to vector<1x16xi32>
      tpu.vector_store %arg9[%swap3A_586, %swap3A_587], %swap3A_590 {strides = array<i32>} : memref<80x128xi32, #tpu.memory_space<vmem>>, vector<1x16xi32>,
      %mul3A_591 = arith.constant 128 : i32
      %mul3A_592 = arith.muli %add3A_470, %mul3A_591 : i32
      %add3A_593 = arith.constant 96 : i32
      %add3A_594 = arith.addi %mul3A_592, %add3A_593 : i32
      %get3A_595 = arith.index_cast %add3A_594 : i32 to index
      %get3A_596 = tpu.vector_load %arg6[%get3A_595] {strides = array<i32>} : memref<10000xi32, #tpu.memory_space<vmem>>, vector<16xi32>,
      %get3A_597 = vector.shape_cast %get3A_596 : vector<16xi32> to vector<16xi32>
      %swap3A_598 = arith.index_cast %add3A_470 : i32 to index
      %swap3A_599 = arith.constant 96 : index
      %swap3A_600 = tpu.vector_load %arg8[%swap3A_598, %swap3A_599] {strides = array<i32>} : memref<80x128xi32, #tpu.memory_space<vmem>>, vector<1x16xi32>,
      %swap3A_601 = vector.shape_cast %swap3A_600 : vector<1x16xi32> to vector<16xi32>
      %swap3A_602 = vector.shape_cast %get3A_597 : vector<16xi32> to vector<1x16xi32>
      tpu.vector_store %arg8[%swap3A_598, %swap3A_599], %swap3A_602 {strides = array<i32>} : memref<80x128xi32, #tpu.memory_space<vmem>>, vector<1x16xi32>,
      %get3A_603 = arith.index_cast %add3A_594 : i32 to index
      %get3A_604 = tpu.vector_load %arg7[%get3A_603] {strides = array<i32>} : memref<10000xi32, #tpu.memory_space<vmem>>, vector<16xi32>,
      %get3A_605 = vector.shape_cast %get3A_604 : vector<16xi32> to vector<16xi32>
      %swap3A_606 = arith.index_cast %add3A_470 : i32 to index
      %swap3A_607 = arith.constant 96 : index
      %swap3A_608 = tpu.vector_load %arg9[%swap3A_606, %swap3A_607] {strides = array<i32>} : memref<80x128xi32, #tpu.memory_space<vmem>>, vector<1x16xi32>,
      %swap3A_609 = vector.shape_cast %swap3A_608 : vector<1x16xi32> to vector<16xi32>
      %swap3A_610 = vector.shape_cast %get3A_605 : vector<16xi32> to vector<1x16xi32>
      tpu.vector_store %arg9[%swap3A_606, %swap3A_607], %swap3A_610 {strides = array<i32>} : memref<80x128xi32, #tpu.memory_space<vmem>>, vector<1x16xi32>,
      %mul3A_611 = arith.constant 128 : i32
      %mul3A_612 = arith.muli %add3A_470, %mul3A_611 : i32
      %add3A_613 = arith.constant 112 : i32
      %add3A_614 = arith.addi %mul3A_612, %add3A_613 : i32
      %get3A_615 = arith.index_cast %add3A_614 : i32 to index
      %get3A_616 = tpu.vector_load %arg6[%get3A_615] {strides = array<i32>} : memref<10000xi32, #tpu.memory_space<vmem>>, vector<16xi32>,
      %get3A_617 = vector.shape_cast %get3A_616 : vector<16xi32> to vector<16xi32>
      %swap3A_618 = arith.index_cast %add3A_470 : i32 to index
      %swap3A_619 = arith.constant 112 : index
      %swap3A_620 = tpu.vector_load %arg8[%swap3A_618, %swap3A_619] {strides = array<i32>} : memref<80x128xi32, #tpu.memory_space<vmem>>, vector<1x16xi32>,
      %swap3A_621 = vector.shape_cast %swap3A_620 : vector<1x16xi32> to vector<16xi32>
      %swap3A_622 = vector.shape_cast %get3A_617 : vector<16xi32> to vector<1x16xi32>
      tpu.vector_store %arg8[%swap3A_618, %swap3A_619], %swap3A_622 {strides = array<i32>} : memref<80x128xi32, #tpu.memory_space<vmem>>, vector<1x16xi32>,
      %get3A_623 = arith.index_cast %add3A_614 : i32 to index
      %get3A_624 = tpu.vector_load %arg7[%get3A_623] {strides = array<i32>} : memref<10000xi32, #tpu.memory_space<vmem>>, vector<16xi32>,
      %get3A_625 = vector.shape_cast %get3A_624 : vector<16xi32> to vector<16xi32>
      %swap3A_626 = arith.index_cast %add3A_470 : i32 to index
      %swap3A_627 = arith.constant 112 : index
      %swap3A_628 = tpu.vector_load %arg9[%swap3A_626, %swap3A_627] {strides = array<i32>} : memref<80x128xi32, #tpu.memory_space<vmem>>, vector<1x16xi32>,
      %swap3A_629 = vector.shape_cast %swap3A_628 : vector<1x16xi32> to vector<16xi32>
      %swap3A_630 = vector.shape_cast %get3A_625 : vector<16xi32> to vector<1x16xi32>
      tpu.vector_store %arg9[%swap3A_626, %swap3A_627], %swap3A_630 {strides = array<i32>} : memref<80x128xi32, #tpu.memory_space<vmem>>, vector<1x16xi32>,
    }
    %scan3A_112 = arith.constant 78 : i32
    %broadcast_in_dim3A_113 = arith.constant 0 : i32
    %broadcast_in_dim3A_114 = vector.broadcast %broadcast_in_dim3A_113 : i32 to vector<16xi32>
    %broadcast_in_dim3A_115 = arith.constant 10000 : i32
    %broadcast_in_dim3A_116 = vector.broadcast %broadcast_in_dim3A_115 : i32 to vector<16xi32>
    %get3A = arith.constant 9984 : index
    %get3A_117 = tpu.vector_load %arg6[%get3A] {strides = array<i32>} : memref<10000xi32, #tpu.memory_space<vmem>>, vector<16xi32>,
    %get3A_118 = vector.shape_cast %get3A_117 : vector<16xi32> to vector<16xi32>
    %swap3A = arith.constant 78 : i32
    %swap3A_119 = arith.index_cast %swap3A : i32 to index
    %swap3A_120 = arith.constant 0 : index
    %swap3A_121 = tpu.vector_load %arg8[%swap3A_119, %swap3A_120] {strides = array<i32>} : memref<80x128xi32, #tpu.memory_space<vmem>>, vector<1x16xi32>,
    %swap3A_122 = vector.shape_cast %swap3A_121 : vector<1x16xi32> to vector<16xi32>
    %swap3A_123 = vector.shape_cast %get3A_118 : vector<16xi32> to vector<1x16xi32>
    tpu.vector_store %arg8[%swap3A_119, %swap3A_120], %swap3A_123 {strides = array<i32>} : memref<80x128xi32, #tpu.memory_space<vmem>>, vector<1x16xi32>,
    %get3A_124 = arith.constant 9984 : index
    %get3A_125 = tpu.vector_load %arg7[%get3A_124] {strides = array<i32>} : memref<10000xi32, #tpu.memory_space<vmem>>, vector<16xi32>,
    %get3A_126 = vector.shape_cast %get3A_125 : vector<16xi32> to vector<16xi32>
    %swap3A_127 = arith.constant 78 : i32
    %swap3A_128 = arith.index_cast %swap3A_127 : i32 to index
    %swap3A_129 = arith.constant 0 : index
    %swap3A_130 = tpu.vector_load %arg9[%swap3A_128, %swap3A_129] {strides = array<i32>} : memref<80x128xi32, #tpu.memory_space<vmem>>, vector<1x16xi32>,
    %swap3A_131 = vector.shape_cast %swap3A_130 : vector<1x16xi32> to vector<16xi32>
    %swap3A_132 = vector.shape_cast %get3A_126 : vector<16xi32> to vector<1x16xi32>
    tpu.vector_store %arg9[%swap3A_128, %swap3A_129], %swap3A_132 {strides = array<i32>} : memref<80x128xi32, #tpu.memory_space<vmem>>, vector<1x16xi32>,
    %swap3A_133 = arith.constant 78 : i32
    %swap3A_134 = arith.index_cast %swap3A_133 : i32 to index
    %swap3A_135 = arith.constant 16 : index
    %swap3A_136 = tpu.vector_load %arg8[%swap3A_134, %swap3A_135] {strides = array<i32>} : memref<80x128xi32, #tpu.memory_space<vmem>>, vector<1x16xi32>,
    %swap3A_137 = vector.shape_cast %swap3A_136 : vector<1x16xi32> to vector<16xi32>
    %swap3A_138 = vector.shape_cast %broadcast_in_dim3A_114 : vector<16xi32> to vector<1x16xi32>
    tpu.vector_store %arg8[%swap3A_134, %swap3A_135], %swap3A_138 {strides = array<i32>} : memref<80x128xi32, #tpu.memory_space<vmem>>, vector<1x16xi32>,
    %swap3A_139 = arith.constant 78 : i32
    %swap3A_140 = arith.index_cast %swap3A_139 : i32 to index
    %swap3A_141 = arith.constant 16 : index
    %swap3A_142 = tpu.vector_load %arg9[%swap3A_140, %swap3A_141] {strides = array<i32>} : memref<80x128xi32, #tpu.memory_space<vmem>>, vector<1x16xi32>,
    %swap3A_143 = vector.shape_cast %swap3A_142 : vector<1x16xi32> to vector<16xi32>
    %swap3A_144 = vector.shape_cast %broadcast_in_dim3A_116 : vector<16xi32> to vector<1x16xi32>
    tpu.vector_store %arg9[%swap3A_140, %swap3A_141], %swap3A_144 {strides = array<i32>} : memref<80x128xi32, #tpu.memory_space<vmem>>, vector<1x16xi32>,
    %swap3A_145 = arith.constant 78 : i32
    %swap3A_146 = arith.index_cast %swap3A_145 : i32 to index
    %swap3A_147 = arith.constant 32 : index
    %swap3A_148 = tpu.vector_load %arg8[%swap3A_146, %swap3A_147] {strides = array<i32>} : memref<80x128xi32, #tpu.memory_space<vmem>>, vector<1x16xi32>,
    %swap3A_149 = vector.shape_cast %swap3A_148 : vector<1x16xi32> to vector<16xi32>
    %swap3A_150 = vector.shape_cast %broadcast_in_dim3A_114 : vector<16xi32> to vector<1x16xi32>
    tpu.vector_store %arg8[%swap3A_146, %swap3A_147], %swap3A_150 {strides = array<i32>} : memref<80x128xi32, #tpu.memory_space<vmem>>, vector<1x16xi32>,
    %swap3A_151 = arith.constant 78 : i32
    %swap3A_152 = arith.index_cast %swap3A_151 : i32 to index
    %swap3A_153 = arith.constant 32 : index
    %swap3A_154 = tpu.vector_load %arg9[%swap3A_152, %swap3A_153] {strides = array<i32>} : memref<80x128xi32, #tpu.memory_space<vmem>>, vector<1x16xi32>,
    %swap3A_155 = vector.shape_cast %swap3A_154 : vector<1x16xi32> to vector<16xi32>
    %swap3A_156 = vector.shape_cast %broadcast_in_dim3A_116 : vector<16xi32> to vector<1x16xi32>
    tpu.vector_store %arg9[%swap3A_152, %swap3A_153], %swap3A_156 {strides = array<i32>} : memref<80x128xi32, #tpu.memory_space<vmem>>, vector<1x16xi32>,
    %swap3A_157 = arith.constant 78 : i32
    %swap3A_158 = arith.index_cast %swap3A_157 : i32 to index
    %swap3A_159 = arith.constant 48 : index
    %swap3A_160 = tpu.vector_load %arg8[%swap3A_158, %swap3A_159] {strides = array<i32>} : memref<80x128xi32, #tpu.memory_space<vmem>>, vector<1x16xi32>,
    %swap3A_161 = vector.shape_cast %swap3A_160 : vector<1x16xi32> to vector<16xi32>
    %swap3A_162 = vector.shape_cast %broadcast_in_dim3A_114 : vector<16xi32> to vector<1x16xi32>
    tpu.vector_store %arg8[%swap3A_158, %swap3A_159], %swap3A_162 {strides = array<i32>} : memref<80x128xi32, #tpu.memory_space<vmem>>, vector<1x16xi32>,
    %swap3A_163 = arith.constant 78 : i32
    %swap3A_164 = arith.index_cast %swap3A_163 : i32 to index
    %swap3A_165 = arith.constant 48 : index
    %swap3A_166 = tpu.vector_load %arg9[%swap3A_164, %swap3A_165] {strides = array<i32>} : memref<80x128xi32, #tpu.memory_space<vmem>>, vector<1x16xi32>,
    %swap3A_167 = vector.shape_cast %swap3A_166 : vector<1x16xi32> to vector<16xi32>
    %swap3A_168 = vector.shape_cast %broadcast_in_dim3A_116 : vector<16xi32> to vector<1x16xi32>
    tpu.vector_store %arg9[%swap3A_164, %swap3A_165], %swap3A_168 {strides = array<i32>} : memref<80x128xi32, #tpu.memory_space<vmem>>, vector<1x16xi32>,
    %swap3A_169 = arith.constant 78 : i32
    %swap3A_170 = arith.index_cast %swap3A_169 : i32 to index
    %swap3A_171 = arith.constant 64 : index
    %swap3A_172 = tpu.vector_load %arg8[%swap3A_170, %swap3A_171] {strides = array<i32>} : memref<80x128xi32, #tpu.memory_space<vmem>>, vector<1x16xi32>,
    %swap3A_173 = vector.shape_cast %swap3A_172 : vector<1x16xi32> to vector<16xi32>
    %swap3A_174 = vector.shape_cast %broadcast_in_dim3A_114 : vector<16xi32> to vector<1x16xi32>
    tpu.vector_store %arg8[%swap3A_170, %swap3A_171], %swap3A_174 {strides = array<i32>} : memref<80x128xi32, #tpu.memory_space<vmem>>, vector<1x16xi32>,
    %swap3A_175 = arith.constant 78 : i32
    %swap3A_176 = arith.index_cast %swap3A_175 : i32 to index
    %swap3A_177 = arith.constant 64 : index
    %swap3A_178 = tpu.vector_load %arg9[%swap3A_176, %swap3A_177] {strides = array<i32>} : memref<80x128xi32, #tpu.memory_space<vmem>>, vector<1x16xi32>,
    %swap3A_179 = vector.shape_cast %swap3A_178 : vector<1x16xi32> to vector<16xi32>
    %swap3A_180 = vector.shape_cast %broadcast_in_dim3A_116 : vector<16xi32> to vector<1x16xi32>
    tpu.vector_store %arg9[%swap3A_176, %swap3A_177], %swap3A_180 {strides = array<i32>} : memref<80x128xi32, #tpu.memory_space<vmem>>, vector<1x16xi32>,
    %swap3A_181 = arith.constant 78 : i32
    %swap3A_182 = arith.index_cast %swap3A_181 : i32 to index
    %swap3A_183 = arith.constant 80 : index
    %swap3A_184 = tpu.vector_load %arg8[%swap3A_182, %swap3A_183] {strides = array<i32>} : memref<80x128xi32, #tpu.memory_space<vmem>>, vector<1x16xi32>,
    %swap3A_185 = vector.shape_cast %swap3A_184 : vector<1x16xi32> to vector<16xi32>
    %swap3A_186 = vector.shape_cast %broadcast_in_dim3A_114 : vector<16xi32> to vector<1x16xi32>
    tpu.vector_store %arg8[%swap3A_182, %swap3A_183], %swap3A_186 {strides = array<i32>} : memref<80x128xi32, #tpu.memory_space<vmem>>, vector<1x16xi32>,
    %swap3A_187 = arith.constant 78 : i32
    %swap3A_188 = arith.index_cast %swap3A_187 : i32 to index
    %swap3A_189 = arith.constant 80 : index
    %swap3A_190 = tpu.vector_load %arg9[%swap3A_188, %swap3A_189] {strides = array<i32>} : memref<80x128xi32, #tpu.memory_space<vmem>>, vector<1x16xi32>,
    %swap3A_191 = vector.shape_cast %swap3A_190 : vector<1x16xi32> to vector<16xi32>
    %swap3A_192 = vector.shape_cast %broadcast_in_dim3A_116 : vector<16xi32> to vector<1x16xi32>
    tpu.vector_store %arg9[%swap3A_188, %swap3A_189], %swap3A_192 {strides = array<i32>} : memref<80x128xi32, #tpu.memory_space<vmem>>, vector<1x16xi32>,
    %swap3A_193 = arith.constant 78 : i32
    %swap3A_194 = arith.index_cast %swap3A_193 : i32 to index
    %swap3A_195 = arith.constant 96 : index
    %swap3A_196 = tpu.vector_load %arg8[%swap3A_194, %swap3A_195] {strides = array<i32>} : memref<80x128xi32, #tpu.memory_space<vmem>>, vector<1x16xi32>,
    %swap3A_197 = vector.shape_cast %swap3A_196 : vector<1x16xi32> to vector<16xi32>
    %swap3A_198 = vector.shape_cast %broadcast_in_dim3A_114 : vector<16xi32> to vector<1x16xi32>
    tpu.vector_store %arg8[%swap3A_194, %swap3A_195], %swap3A_198 {strides = array<i32>} : memref<80x128xi32, #tpu.memory_space<vmem>>, vector<1x16xi32>,
    %swap3A_199 = arith.constant 78 : i32
    %swap3A_200 = arith.index_cast %swap3A_199 : i32 to index
    %swap3A_201 = arith.constant 96 : index
    %swap3A_202 = tpu.vector_load %arg9[%swap3A_200, %swap3A_201] {strides = array<i32>} : memref<80x128xi32, #tpu.memory_space<vmem>>, vector<1x16xi32>,
    %swap3A_203 = vector.shape_cast %swap3A_202 : vector<1x16xi32> to vector<16xi32>
    %swap3A_204 = vector.shape_cast %broadcast_in_dim3A_116 : vector<16xi32> to vector<1x16xi32>
    tpu.vector_store %arg9[%swap3A_200, %swap3A_201], %swap3A_204 {strides = array<i32>} : memref<80x128xi32, #tpu.memory_space<vmem>>, vector<1x16xi32>,
    %swap3A_205 = arith.constant 78 : i32
    %swap3A_206 = arith.index_cast %swap3A_205 : i32 to index
    %swap3A_207 = arith.constant 112 : index
    %swap3A_208 = tpu.vector_load %arg8[%swap3A_206, %swap3A_207] {strides = array<i32>} : memref<80x128xi32, #tpu.memory_space<vmem>>, vector<1x16xi32>,
    %swap3A_209 = vector.shape_cast %swap3A_208 : vector<1x16xi32> to vector<16xi32>
    %swap3A_210 = vector.shape_cast %broadcast_in_dim3A_114 : vector<16xi32> to vector<1x16xi32>
    tpu.vector_store %arg8[%swap3A_206, %swap3A_207], %swap3A_210 {strides = array<i32>} : memref<80x128xi32, #tpu.memory_space<vmem>>, vector<1x16xi32>,
    %swap3A_211 = arith.constant 78 : i32
    %swap3A_212 = arith.index_cast %swap3A_211 : i32 to index
    %swap3A_213 = arith.constant 112 : index
    %swap3A_214 = tpu.vector_load %arg9[%swap3A_212, %swap3A_213] {strides = array<i32>} : memref<80x128xi32, #tpu.memory_space<vmem>>, vector<1x16xi32>,
    %swap3A_215 = vector.shape_cast %swap3A_214 : vector<1x16xi32> to vector<16xi32>
    %swap3A_216 = vector.shape_cast %broadcast_in_dim3A_116 : vector<16xi32> to vector<1x16xi32>
    tpu.vector_store %arg9[%swap3A_212, %swap3A_213], %swap3A_216 {strides = array<i32>} : memref<80x128xi32, #tpu.memory_space<vmem>>, vector<1x16xi32>,
    %swap3A_217 = arith.constant 79 : i32
    %swap3A_218 = arith.index_cast %swap3A_217 : i32 to index
    %swap3A_219 = arith.constant 0 : index
    %swap3A_220 = tpu.vector_load %arg8[%swap3A_218, %swap3A_219] {strides = array<i32>} : memref<80x128xi32, #tpu.memory_space<vmem>>, vector<1x16xi32>,
    %swap3A_221 = vector.shape_cast %swap3A_220 : vector<1x16xi32> to vector<16xi32>
    %swap3A_222 = vector.shape_cast %broadcast_in_dim3A_114 : vector<16xi32> to vector<1x16xi32>
    tpu.vector_store %arg8[%swap3A_218, %swap3A_219], %swap3A_222 {strides = array<i32>} : memref<80x128xi32, #tpu.memory_space<vmem>>, vector<1x16xi32>,
    %swap3A_223 = arith.constant 79 : i32
    %swap3A_224 = arith.index_cast %swap3A_223 : i32 to index
    %swap3A_225 = arith.constant 0 : index
    %swap3A_226 = tpu.vector_load %arg9[%swap3A_224, %swap3A_225] {strides = array<i32>} : memref<80x128xi32, #tpu.memory_space<vmem>>, vector<1x16xi32>,
    %swap3A_227 = vector.shape_cast %swap3A_226 : vector<1x16xi32> to vector<16xi32>
    %swap3A_228 = vector.shape_cast %broadcast_in_dim3A_116 : vector<16xi32> to vector<1x16xi32>
    tpu.vector_store %arg9[%swap3A_224, %swap3A_225], %swap3A_228 {strides = array<i32>} : memref<80x128xi32, #tpu.memory_space<vmem>>, vector<1x16xi32>,
    %swap3A_229 = arith.constant 79 : i32
    %swap3A_230 = arith.index_cast %swap3A_229 : i32 to index
    %swap3A_231 = arith.constant 16 : index
    %swap3A_232 = tpu.vector_load %arg8[%swap3A_230, %swap3A_231] {strides = array<i32>} : memref<80x128xi32, #tpu.memory_space<vmem>>, vector<1x16xi32>,
    %swap3A_233 = vector.shape_cast %swap3A_232 : vector<1x16xi32> to vector<16xi32>
    %swap3A_234 = vector.shape_cast %broadcast_in_dim3A_114 : vector<16xi32> to vector<1x16xi32>
    tpu.vector_store %arg8[%swap3A_230, %swap3A_231], %swap3A_234 {strides = array<i32>} : memref<80x128xi32, #tpu.memory_space<vmem>>, vector<1x16xi32>,
    %swap3A_235 = arith.constant 79 : i32
    %swap3A_236 = arith.index_cast %swap3A_235 : i32 to index
    %swap3A_237 = arith.constant 16 : index
    %swap3A_238 = tpu.vector_load %arg9[%swap3A_236, %swap3A_237] {strides = array<i32>} : memref<80x128xi32, #tpu.memory_space<vmem>>, vector<1x16xi32>,
    %swap3A_239 = vector.shape_cast %swap3A_238 : vector<1x16xi32> to vector<16xi32>
    %swap3A_240 = vector.shape_cast %broadcast_in_dim3A_116 : vector<16xi32> to vector<1x16xi32>
    tpu.vector_store %arg9[%swap3A_236, %swap3A_237], %swap3A_240 {strides = array<i32>} : memref<80x128xi32, #tpu.memory_space<vmem>>, vector<1x16xi32>,
    %swap3A_241 = arith.constant 79 : i32
    %swap3A_242 = arith.index_cast %swap3A_241 : i32 to index
    %swap3A_243 = arith.constant 32 : index
    %swap3A_244 = tpu.vector_load %arg8[%swap3A_242, %swap3A_243] {strides = array<i32>} : memref<80x128xi32, #tpu.memory_space<vmem>>, vector<1x16xi32>,
    %swap3A_245 = vector.shape_cast %swap3A_244 : vector<1x16xi32> to vector<16xi32>
    %swap3A_246 = vector.shape_cast %broadcast_in_dim3A_114 : vector<16xi32> to vector<1x16xi32>
    tpu.vector_store %arg8[%swap3A_242, %swap3A_243], %swap3A_246 {strides = array<i32>} : memref<80x128xi32, #tpu.memory_space<vmem>>, vector<1x16xi32>,
    %swap3A_247 = arith.constant 79 : i32
    %swap3A_248 = arith.index_cast %swap3A_247 : i32 to index
    %swap3A_249 = arith.constant 32 : index
    %swap3A_250 = tpu.vector_load %arg9[%swap3A_248, %swap3A_249] {strides = array<i32>} : memref<80x128xi32, #tpu.memory_space<vmem>>, vector<1x16xi32>,
    %swap3A_251 = vector.shape_cast %swap3A_250 : vector<1x16xi32> to vector<16xi32>
    %swap3A_252 = vector.shape_cast %broadcast_in_dim3A_116 : vector<16xi32> to vector<1x16xi32>
    tpu.vector_store %arg9[%swap3A_248, %swap3A_249], %swap3A_252 {strides = array<i32>} : memref<80x128xi32, #tpu.memory_space<vmem>>, vector<1x16xi32>,
    %swap3A_253 = arith.constant 79 : i32
    %swap3A_254 = arith.index_cast %swap3A_253 : i32 to index
    %swap3A_255 = arith.constant 48 : index
    %swap3A_256 = tpu.vector_load %arg8[%swap3A_254, %swap3A_255] {strides = array<i32>} : memref<80x128xi32, #tpu.memory_space<vmem>>, vector<1x16xi32>,
    %swap3A_257 = vector.shape_cast %swap3A_256 : vector<1x16xi32> to vector<16xi32>
    %swap3A_258 = vector.shape_cast %broadcast_in_dim3A_114 : vector<16xi32> to vector<1x16xi32>
    tpu.vector_store %arg8[%swap3A_254, %swap3A_255], %swap3A_258 {strides = array<i32>} : memref<80x128xi32, #tpu.memory_space<vmem>>, vector<1x16xi32>,
    %swap3A_259 = arith.constant 79 : i32
    %swap3A_260 = arith.index_cast %swap3A_259 : i32 to index
    %swap3A_261 = arith.constant 48 : index
    %swap3A_262 = tpu.vector_load %arg9[%swap3A_260, %swap3A_261] {strides = array<i32>} : memref<80x128xi32, #tpu.memory_space<vmem>>, vector<1x16xi32>,
    %swap3A_263 = vector.shape_cast %swap3A_262 : vector<1x16xi32> to vector<16xi32>
    %swap3A_264 = vector.shape_cast %broadcast_in_dim3A_116 : vector<16xi32> to vector<1x16xi32>
    tpu.vector_store %arg9[%swap3A_260, %swap3A_261], %swap3A_264 {strides = array<i32>} : memref<80x128xi32, #tpu.memory_space<vmem>>, vector<1x16xi32>,
    %swap3A_265 = arith.constant 79 : i32
    %swap3A_266 = arith.index_cast %swap3A_265 : i32 to index
    %swap3A_267 = arith.constant 64 : index
    %swap3A_268 = tpu.vector_load %arg8[%swap3A_266, %swap3A_267] {strides = array<i32>} : memref<80x128xi32, #tpu.memory_space<vmem>>, vector<1x16xi32>,
    %swap3A_269 = vector.shape_cast %swap3A_268 : vector<1x16xi32> to vector<16xi32>
    %swap3A_270 = vector.shape_cast %broadcast_in_dim3A_114 : vector<16xi32> to vector<1x16xi32>
    tpu.vector_store %arg8[%swap3A_266, %swap3A_267], %swap3A_270 {strides = array<i32>} : memref<80x128xi32, #tpu.memory_space<vmem>>, vector<1x16xi32>,
    %swap3A_271 = arith.constant 79 : i32
    %swap3A_272 = arith.index_cast %swap3A_271 : i32 to index
    %swap3A_273 = arith.constant 64 : index
    %swap3A_274 = tpu.vector_load %arg9[%swap3A_272, %swap3A_273] {strides = array<i32>} : memref<80x128xi32, #tpu.memory_space<vmem>>, vector<1x16xi32>,
    %swap3A_275 = vector.shape_cast %swap3A_274 : vector<1x16xi32> to vector<16xi32>
    %swap3A_276 = vector.shape_cast %broadcast_in_dim3A_116 : vector<16xi32> to vector<1x16xi32>
    tpu.vector_store %arg9[%swap3A_272, %swap3A_273], %swap3A_276 {strides = array<i32>} : memref<80x128xi32, #tpu.memory_space<vmem>>, vector<1x16xi32>,
    %swap3A_277 = arith.constant 79 : i32
    %swap3A_278 = arith.index_cast %swap3A_277 : i32 to index
    %swap3A_279 = arith.constant 80 : index
    %swap3A_280 = tpu.vector_load %arg8[%swap3A_278, %swap3A_279] {strides = array<i32>} : memref<80x128xi32, #tpu.memory_space<vmem>>, vector<1x16xi32>,
    %swap3A_281 = vector.shape_cast %swap3A_280 : vector<1x16xi32> to vector<16xi32>
    %swap3A_282 = vector.shape_cast %broadcast_in_dim3A_114 : vector<16xi32> to vector<1x16xi32>
    tpu.vector_store %arg8[%swap3A_278, %swap3A_279], %swap3A_282 {strides = array<i32>} : memref<80x128xi32, #tpu.memory_space<vmem>>, vector<1x16xi32>,
    %swap3A_283 = arith.constant 79 : i32
    %swap3A_284 = arith.index_cast %swap3A_283 : i32 to index
    %swap3A_285 = arith.constant 80 : index
    %swap3A_286 = tpu.vector_load %arg9[%swap3A_284, %swap3A_285] {strides = array<i32>} : memref<80x128xi32, #tpu.memory_space<vmem>>, vector<1x16xi32>,
    %swap3A_287 = vector.shape_cast %swap3A_286 : vector<1x16xi32> to vector<16xi32>
    %swap3A_288 = vector.shape_cast %broadcast_in_dim3A_116 : vector<16xi32> to vector<1x16xi32>
    tpu.vector_store %arg9[%swap3A_284, %swap3A_285], %swap3A_288 {strides = array<i32>} : memref<80x128xi32, #tpu.memory_space<vmem>>, vector<1x16xi32>,
    %swap3A_289 = arith.constant 79 : i32
    %swap3A_290 = arith.index_cast %swap3A_289 : i32 to index
    %swap3A_291 = arith.constant 96 : index
    %swap3A_292 = tpu.vector_load %arg8[%swap3A_290, %swap3A_291] {strides = array<i32>} : memref<80x128xi32, #tpu.memory_space<vmem>>, vector<1x16xi32>,
    %swap3A_293 = vector.shape_cast %swap3A_292 : vector<1x16xi32> to vector<16xi32>
    %swap3A_294 = vector.shape_cast %broadcast_in_dim3A_114 : vector<16xi32> to vector<1x16xi32>
    tpu.vector_store %arg8[%swap3A_290, %swap3A_291], %swap3A_294 {strides = array<i32>} : memref<80x128xi32, #tpu.memory_space<vmem>>, vector<1x16xi32>,
    %swap3A_295 = arith.constant 79 : i32
    %swap3A_296 = arith.index_cast %swap3A_295 : i32 to index
    %swap3A_297 = arith.constant 96 : index
    %swap3A_298 = tpu.vector_load %arg9[%swap3A_296, %swap3A_297] {strides = array<i32>} : memref<80x128xi32, #tpu.memory_space<vmem>>, vector<1x16xi32>,
    %swap3A_299 = vector.shape_cast %swap3A_298 : vector<1x16xi32> to vector<16xi32>
    %swap3A_300 = vector.shape_cast %broadcast_in_dim3A_116 : vector<16xi32> to vector<1x16xi32>
    tpu.vector_store %arg9[%swap3A_296, %swap3A_297], %swap3A_300 {strides = array<i32>} : memref<80x128xi32, #tpu.memory_space<vmem>>, vector<1x16xi32>,
    %swap3A_301 = arith.constant 79 : i32
    %swap3A_302 = arith.index_cast %swap3A_301 : i32 to index
    %swap3A_303 = arith.constant 112 : index
    %swap3A_304 = tpu.vector_load %arg8[%swap3A_302, %swap3A_303] {strides = array<i32>} : memref<80x128xi32, #tpu.memory_space<vmem>>, vector<1x16xi32>,
    %swap3A_305 = vector.shape_cast %swap3A_304 : vector<1x16xi32> to vector<16xi32>
    %swap3A_306 = vector.shape_cast %broadcast_in_dim3A_114 : vector<16xi32> to vector<1x16xi32>
    tpu.vector_store %arg8[%swap3A_302, %swap3A_303], %swap3A_306 {strides = array<i32>} : memref<80x128xi32, #tpu.memory_space<vmem>>, vector<1x16xi32>,
    %swap3A_307 = arith.constant 79 : i32
    %swap3A_308 = arith.index_cast %swap3A_307 : i32 to index
    %swap3A_309 = arith.constant 112 : index
    %swap3A_310 = tpu.vector_load %arg9[%swap3A_308, %swap3A_309] {strides = array<i32>} : memref<80x128xi32, #tpu.memory_space<vmem>>, vector<1x16xi32>,
    %swap3A_311 = vector.shape_cast %swap3A_310 : vector<1x16xi32> to vector<16xi32>
    %swap3A_312 = vector.shape_cast %broadcast_in_dim3A_116 : vector<16xi32> to vector<1x16xi32>
    tpu.vector_store %arg9[%swap3A_308, %swap3A_309], %swap3A_312 {strides = array<i32>} : memref<80x128xi32, #tpu.memory_space<vmem>>, vector<1x16xi32>,
    %mul3A_313 = arith.constant 80 : i32
    %mul3A_314 = arith.muli %add3A, %mul3A_313 : i32
    %dma_start3A_315 = arith.constant 6 : i32
    %dma_start3A_316 = arith.constant 0 : i32
    %dma_start3A_317 = tpu.memref_slice %arg4[%mul3A_314, %dma_start3A_316] : memref<2560x128xi32, #tpu.memory_space<hbm>> -> memref<80x128xi32, #tpu.memory_space<hbm>>
    %dma_start3A_318 = tpu.memref_slice %arg14[%dma_start3A_315] : memref<8x!tpu.dma_semaphore, #tpu.memory_space<semaphore_mem>> -> memref<1x!tpu.dma_semaphore, #tpu.memory_space<semaphore_mem>>
    %dma_start3A_319 = tpu.memref_squeeze %dma_start3A_318 : memref<1x!tpu.dma_semaphore, #tpu.memory_space<semaphore_mem>> -> memref<!tpu.dma_semaphore, #tpu.memory_space<semaphore_mem>>
    %dma_start3A_320 = arith.constant 0 : i32
    %dma_start3A_321 = tpu.memref_slice %arg4[%mul3A_314, %dma_start3A_320] : memref<2560x128xi32, #tpu.memory_space<hbm>> -> memref<80x128xi32, #tpu.memory_space<hbm>>
    tpu.enqueue_dma source(%arg8 : memref<80x128xi32, #tpu.memory_space<vmem>>) target(%dma_start3A_321 : memref<80x128xi32, #tpu.memory_space<hbm>>) target_semaphore(%dma_start3A_319 : memref<!tpu.dma_semaphore, #tpu.memory_space<semaphore_mem>>)
    %mul3A_322 = arith.constant 80 : i32
    %mul3A_323 = arith.muli %add3A, %mul3A_322 : i32
    %dma_start3A_324 = arith.constant 7 : i32
    %dma_start3A_325 = arith.constant 0 : i32
    %dma_start3A_326 = tpu.memref_slice %arg5[%mul3A_323, %dma_start3A_325] : memref<2560x128xi32, #tpu.memory_space<hbm>> -> memref<80x128xi32, #tpu.memory_space<hbm>>
    %dma_start3A_327 = tpu.memref_slice %arg14[%dma_start3A_324] : memref<8x!tpu.dma_semaphore, #tpu.memory_space<semaphore_mem>> -> memref<1x!tpu.dma_semaphore, #tpu.memory_space<semaphore_mem>>
    %dma_start3A_328 = tpu.memref_squeeze %dma_start3A_327 : memref<1x!tpu.dma_semaphore, #tpu.memory_space<semaphore_mem>> -> memref<!tpu.dma_semaphore, #tpu.memory_space<semaphore_mem>>
    %dma_start3A_329 = arith.constant 0 : i32
    %dma_start3A_330 = tpu.memref_slice %arg5[%mul3A_323, %dma_start3A_329] : memref<2560x128xi32, #tpu.memory_space<hbm>> -> memref<80x128xi32, #tpu.memory_space<hbm>>
    tpu.enqueue_dma source(%arg9 : memref<80x128xi32, #tpu.memory_space<vmem>>) target(%dma_start3A_330 : memref<80x128xi32, #tpu.memory_space<hbm>>) target_semaphore(%dma_start3A_328 : memref<!tpu.dma_semaphore, #tpu.memory_space<semaphore_mem>>)
    %mul3A_331 = arith.constant 632 : i32
    %mul3A_332 = arith.muli %arg1, %mul3A_331 : i32
    %add3A_333 = arith.constant 0 : i32
    %add3A_334 = arith.addi %mul3A_332, %add3A_333 : i32
    %dma_wait3A_335 = arith.constant 0 : i32
    %dma_wait3A_336 = arith.constant 0 : i32
    %dma_wait3A_337 = tpu.memref_slice %arg12[%add3A_334, %dma_wait3A_336] : memref<10112x16xf32, #tpu.memory_space<vmem_shared>> -> memref<128x16xf32, #tpu.memory_space<vmem_shared>>
    %dma_wait3A_338 = tpu.memref_slice %arg14[%dma_wait3A_335] : memref<8x!tpu.dma_semaphore, #tpu.memory_space<semaphore_mem>> -> memref<1x!tpu.dma_semaphore, #tpu.memory_space<semaphore_mem>>
    %dma_wait3A_339 = tpu.memref_squeeze %dma_wait3A_338 : memref<1x!tpu.dma_semaphore, #tpu.memory_space<semaphore_mem>> -> memref<!tpu.dma_semaphore, #tpu.memory_space<semaphore_mem>>
    %dma_wait3A_340 = arith.constant 0 : i32
    %dma_wait3A_341 = tpu.memref_slice %arg12[%add3A_334, %dma_wait3A_340] : memref<10112x16xf32, #tpu.memory_space<vmem_shared>> -> memref<128x16xf32, #tpu.memory_space<vmem_shared>>
    tpu.wait_dma2 semaphore(%dma_wait3A_339 : memref<!tpu.dma_semaphore, #tpu.memory_space<semaphore_mem>>) src(%arg11 : memref<128x16xf32, #tpu.memory_space<vmem>>) dst(%dma_wait3A_341 : memref<128x16xf32, #tpu.memory_space<vmem_shared>>)
    %mul3A_342 = arith.constant 632 : i32
    %mul3A_343 = arith.muli %arg1, %mul3A_342 : i32
    %add3A_344 = arith.constant 128 : i32
    %add3A_345 = arith.addi %mul3A_343, %add3A_344 : i32
    %dma_wait3A_346 = arith.constant 1 : i32
    %dma_wait3A_347 = arith.constant 0 : i32
    %dma_wait3A_348 = tpu.memref_slice %arg12[%add3A_345, %dma_wait3A_347] : memref<10112x16xf32, #tpu.memory_space<vmem_shared>> -> memref<128x16xf32, #tpu.memory_space<vmem_shared>>
    %dma_wait3A_349 = tpu.memref_slice %arg14[%dma_wait3A_346] : memref<8x!tpu.dma_semaphore, #tpu.memory_space<semaphore_mem>> -> memref<1x!tpu.dma_semaphore, #tpu.memory_space<semaphore_mem>>
    %dma_wait3A_350 = tpu.memref_squeeze %dma_wait3A_349 : memref<1x!tpu.dma_semaphore, #tpu.memory_space<semaphore_mem>> -> memref<!tpu.dma_semaphore, #tpu.memory_space<semaphore_mem>>
    %dma_wait3A_351 = arith.constant 0 : i32
    %dma_wait3A_352 = tpu.memref_slice %arg12[%add3A_345, %dma_wait3A_351] : memref<10112x16xf32, #tpu.memory_space<vmem_shared>> -> memref<128x16xf32, #tpu.memory_space<vmem_shared>>
    tpu.wait_dma2 semaphore(%dma_wait3A_350 : memref<!tpu.dma_semaphore, #tpu.memory_space<semaphore_mem>>) src(%arg11 : memref<128x16xf32, #tpu.memory_space<vmem>>) dst(%dma_wait3A_352 : memref<128x16xf32, #tpu.memory_space<vmem_shared>>)
    %mul3A_353 = arith.constant 632 : i32
    %mul3A_354 = arith.muli %arg1, %mul3A_353 : i32
    %add3A_355 = arith.constant 256 : i32
    %add3A_356 = arith.addi %mul3A_354, %add3A_355 : i32
    %dma_wait3A_357 = arith.constant 2 : i32
    %dma_wait3A_358 = arith.constant 0 : i32
    %dma_wait3A_359 = tpu.memref_slice %arg12[%add3A_356, %dma_wait3A_358] : memref<10112x16xf32, #tpu.memory_space<vmem_shared>> -> memref<128x16xf32, #tpu.memory_space<vmem_shared>>
    %dma_wait3A_360 = tpu.memref_slice %arg14[%dma_wait3A_357] : memref<8x!tpu.dma_semaphore, #tpu.memory_space<semaphore_mem>> -> memref<1x!tpu.dma_semaphore, #tpu.memory_space<semaphore_mem>>
    %dma_wait3A_361 = tpu.memref_squeeze %dma_wait3A_360 : memref<1x!tpu.dma_semaphore, #tpu.memory_space<semaphore_mem>> -> memref<!tpu.dma_semaphore, #tpu.memory_space<semaphore_mem>>
    %dma_wait3A_362 = arith.constant 0 : i32
    %dma_wait3A_363 = tpu.memref_slice %arg12[%add3A_356, %dma_wait3A_362] : memref<10112x16xf32, #tpu.memory_space<vmem_shared>> -> memref<128x16xf32, #tpu.memory_space<vmem_shared>>
    tpu.wait_dma2 semaphore(%dma_wait3A_361 : memref<!tpu.dma_semaphore, #tpu.memory_space<semaphore_mem>>) src(%arg11 : memref<128x16xf32, #tpu.memory_space<vmem>>) dst(%dma_wait3A_363 : memref<128x16xf32, #tpu.memory_space<vmem_shared>>)
    %mul3A_364 = arith.constant 632 : i32
    %mul3A_365 = arith.muli %arg1, %mul3A_364 : i32
    %add3A_366 = arith.constant 384 : i32
    %add3A_367 = arith.addi %mul3A_365, %add3A_366 : i32
    %dma_wait3A_368 = arith.constant 3 : i32
    %dma_wait3A_369 = arith.constant 0 : i32
    %dma_wait3A_370 = tpu.memref_slice %arg12[%add3A_367, %dma_wait3A_369] : memref<10112x16xf32, #tpu.memory_space<vmem_shared>> -> memref<128x16xf32, #tpu.memory_space<vmem_shared>>
    %dma_wait3A_371 = tpu.memref_slice %arg14[%dma_wait3A_368] : memref<8x!tpu.dma_semaphore, #tpu.memory_space<semaphore_mem>> -> memref<1x!tpu.dma_semaphore, #tpu.memory_space<semaphore_mem>>
    %dma_wait3A_372 = tpu.memref_squeeze %dma_wait3A_371 : memref<1x!tpu.dma_semaphore, #tpu.memory_space<semaphore_mem>> -> memref<!tpu.dma_semaphore, #tpu.memory_space<semaphore_mem>>
    %dma_wait3A_373 = arith.constant 0 : i32
    %dma_wait3A_374 = tpu.memref_slice %arg12[%add3A_367, %dma_wait3A_373] : memref<10112x16xf32, #tpu.memory_space<vmem_shared>> -> memref<128x16xf32, #tpu.memory_space<vmem_shared>>
    tpu.wait_dma2 semaphore(%dma_wait3A_372 : memref<!tpu.dma_semaphore, #tpu.memory_space<semaphore_mem>>) src(%arg11 : memref<128x16xf32, #tpu.memory_space<vmem>>) dst(%dma_wait3A_374 : memref<128x16xf32, #tpu.memory_space<vmem_shared>>)
    %mul3A_375 = arith.constant 632 : i32
    %mul3A_376 = arith.muli %arg1, %mul3A_375 : i32
    %add3A_377 = arith.constant 512 : i32
    %add3A_378 = arith.addi %mul3A_376, %add3A_377 : i32
    %dma_wait3A_379 = arith.constant 4 : i32
    %dma_wait3A_380 = arith.constant 0 : i32
    %dma_wait3A_381 = arith.constant 0 : i32
    %dma_wait3A_382 = tpu.memref_slice %arg11[%dma_wait3A_380, %dma_wait3A_381] : memref<128x16xf32, #tpu.memory_space<vmem>> -> memref<120x16xf32, #tpu.memory_space<vmem>>
    %dma_wait3A_383 = arith.constant 0 : i32
    %dma_wait3A_384 = tpu.memref_slice %arg12[%add3A_378, %dma_wait3A_383] : memref<10112x16xf32, #tpu.memory_space<vmem_shared>> -> memref<120x16xf32, #tpu.memory_space<vmem_shared>>
    %dma_wait3A_385 = tpu.memref_slice %arg14[%dma_wait3A_379] : memref<8x!tpu.dma_semaphore, #tpu.memory_space<semaphore_mem>> -> memref<1x!tpu.dma_semaphore, #tpu.memory_space<semaphore_mem>>
    %dma_wait3A_386 = tpu.memref_squeeze %dma_wait3A_385 : memref<1x!tpu.dma_semaphore, #tpu.memory_space<semaphore_mem>> -> memref<!tpu.dma_semaphore, #tpu.memory_space<semaphore_mem>>
    %dma_wait3A_387 = arith.constant 0 : i32
    %dma_wait3A_388 = tpu.memref_slice %arg12[%add3A_378, %dma_wait3A_387] : memref<10112x16xf32, #tpu.memory_space<vmem_shared>> -> memref<120x16xf32, #tpu.memory_space<vmem_shared>>
    %dma_wait3A_389 = arith.constant 0 : i32
    %dma_wait3A_390 = arith.constant 0 : i32
    %dma_wait3A_391 = tpu.memref_slice %arg11[%dma_wait3A_389, %dma_wait3A_390] : memref<128x16xf32, #tpu.memory_space<vmem>> -> memref<120x16xf32, #tpu.memory_space<vmem>>
    tpu.wait_dma2 semaphore(%dma_wait3A_386 : memref<!tpu.dma_semaphore, #tpu.memory_space<semaphore_mem>>) src(%dma_wait3A_391 : memref<120x16xf32, #tpu.memory_space<vmem>>) dst(%dma_wait3A_388 : memref<120x16xf32, #tpu.memory_space<vmem_shared>>)
    %dma_wait3A_392 = arith.constant 6 : i32
    %dma_wait3A_393 = arith.constant 0 : i32
    %dma_wait3A_394 = tpu.memref_slice %arg4[%mul3A_314, %dma_wait3A_393] : memref<2560x128xi32, #tpu.memory_space<hbm>> -> memref<80x128xi32, #tpu.memory_space<hbm>>
    %dma_wait3A_395 = tpu.memref_slice %arg14[%dma_wait3A_392] : memref<8x!tpu.dma_semaphore, #tpu.memory_space<semaphore_mem>> -> memref<1x!tpu.dma_semaphore, #tpu.memory_space<semaphore_mem>>
    %dma_wait3A_396 = tpu.memref_squeeze %dma_wait3A_395 : memref<1x!tpu.dma_semaphore, #tpu.memory_space<semaphore_mem>> -> memref<!tpu.dma_semaphore, #tpu.memory_space<semaphore_mem>>
    %dma_wait3A_397 = arith.constant 0 : i32
    %dma_wait3A_398 = tpu.memref_slice %arg4[%mul3A_314, %dma_wait3A_397] : memref<2560x128xi32, #tpu.memory_space<hbm>> -> memref<80x128xi32, #tpu.memory_space<hbm>>
    tpu.wait_dma2 semaphore(%dma_wait3A_396 : memref<!tpu.dma_semaphore, #tpu.memory_space<semaphore_mem>>) src(%arg8 : memref<80x128xi32, #tpu.memory_space<vmem>>) dst(%dma_wait3A_398 : memref<80x128xi32, #tpu.memory_space<hbm>>)
    %dma_wait3A_399 = arith.constant 7 : i32
    %dma_wait3A_400 = arith.constant 0 : i32
    %dma_wait3A_401 = tpu.memref_slice %arg5[%mul3A_323, %dma_wait3A_400] : memref<2560x128xi32, #tpu.memory_space<hbm>> -> memref<80x128xi32, #tpu.memory_space<hbm>>
    %dma_wait3A_402 = tpu.memref_slice %arg14[%dma_wait3A_399] : memref<8x!tpu.dma_semaphore, #tpu.memory_space<semaphore_mem>> -> memref<1x!tpu.dma_semaphore, #tpu.memory_space<semaphore_mem>>
    %dma_wait3A_403 = tpu.memref_squeeze %dma_wait3A_402 : memref<1x!tpu.dma_semaphore, #tpu.memory_space<semaphore_mem>> -> memref<!tpu.dma_semaphore, #tpu.memory_space<semaphore_mem>>
    %dma_wait3A_404 = arith.constant 0 : i32
    %dma_wait3A_405 = tpu.memref_slice %arg5[%mul3A_323, %dma_wait3A_404] : memref<2560x128xi32, #tpu.memory_space<hbm>> -> memref<80x128xi32, #tpu.memory_space<hbm>>
    tpu.wait_dma2 semaphore(%dma_wait3A_403 : memref<!tpu.dma_semaphore, #tpu.memory_space<semaphore_mem>>) src(%arg9 : memref<80x128xi32, #tpu.memory_space<vmem>>) dst(%dma_wait3A_405 : memref<80x128xi32, #tpu.memory_space<hbm>>)
    %barrier3A = arith.constant 0 : index
    tpu.barrier barrier_id(%barrier3A)
    %scan3A_406 = arith.constant 0 : i32
    %scan3A_407 = arith.constant 16 : i32
    %scan3A_408 = arith.addi %scan3A_406, %scan3A_407 : i32
    %scan3A_409 = arith.constant 1 : i32
    scf.for %scan3A_466 = %scan3A_406 to %scan3A_408 step %scan3A_409  : i32 {
      %mul3A_467 = arith.constant 5 : i32
      %mul3A_468 = arith.muli %scan3A_466, %mul3A_467 : i32
      %add3A_469 = arith.constant 0 : i32
      %add3A_470 = arith.addi %add3A_469, %mul3A_468 : i32
      %add3A_471 = arith.constant 0 : i32
      %add3A_472 = arith.addi %add3A_470, %add3A_471 : i32
      %ge3A = arith.constant 5 : i32
      %ge3A_473 = arith.cmpi sge, %add3A_472, %ge3A : i32
      %convert_element_type3A = arith.extui %ge3A_473 : i1 to i32
      %cond3A = arith.constant 0 : i32
      %cond3A_474 = arith.cmpi ne, %convert_element_type3A, %cond3A : i32
      scf.if %cond3A_474 {
        %sub3A = arith.constant 5 : i32
        %sub3A_548 = arith.subi %add3A_472, %sub3A : i32
        %dma_wait3A_549 = arith.constant 0 : i32
        %dma_wait3A_550 = arith.constant 0 : i32
        %dma_wait3A_551 = tpu.memref_slice %arg9[%sub3A_548, %dma_wait3A_550] : memref<80x128xi32, #tpu.memory_space<vmem>> -> memref<1x128xi32, #tpu.memory_space<vmem>>
        %dma_wait3A_552 = tpu.memref_squeeze %dma_wait3A_551 : memref<1x128xi32, #tpu.memory_space<vmem>> -> memref<128xi32, #tpu.memory_space<vmem>>
        %dma_wait3A_553 = arith.constant 0 : i32
        %dma_wait3A_554 = arith.constant 0 : i32
        %dma_wait3A_555 = tpu.memref_slice %arg12[%dma_wait3A_553, %dma_wait3A_554] : memref<10112x16xf32, #tpu.memory_space<vmem_shared>> -> memref<10112x16xf32, #tpu.memory_space<vmem_shared>>
        %dma_wait3A_556 = tpu.memref_slice %arg13[%dma_wait3A_549] : memref<5x!tpu.dma_semaphore, #tpu.memory_space<semaphore_mem>> -> memref<1x!tpu.dma_semaphore, #tpu.memory_space<semaphore_mem>>
        %dma_wait3A_557 = tpu.memref_squeeze %dma_wait3A_556 : memref<1x!tpu.dma_semaphore, #tpu.memory_space<semaphore_mem>> -> memref<!tpu.dma_semaphore, #tpu.memory_space<semaphore_mem>>
        tpu.wait_indirect_dma semaphore(%dma_wait3A_557 : memref<!tpu.dma_semaphore, #tpu.memory_space<semaphore_mem>>) src(%arg10 : memref<128x16xf32, #tpu.memory_space<vmem>>) dst(%dma_wait3A_555 : memref<10112x16xf32, #tpu.memory_space<vmem_shared>>)
      } else {
      }
      %dma_start3A_475 = arith.constant 0 : i32
      %dma_start3A_476 = arith.constant 0 : i32
      %dma_start3A_477 = tpu.memref_slice %arg9[%add3A_472, %dma_start3A_476] : memref<80x128xi32, #tpu.memory_space<vmem>> -> memref<1x128xi32, #tpu.memory_space<vmem>>
      %dma_start3A_478 = tpu.memref_squeeze %dma_start3A_477 : memref<1x128xi32, #tpu.memory_space<vmem>> -> memref<128xi32, #tpu.memory_space<vmem>>
      %dma_start3A_479 = arith.constant 0 : i32
      %dma_start3A_480 = arith.constant 0 : i32
      %dma_start3A_481 = tpu.memref_slice %arg12[%dma_start3A_479, %dma_start3A_480] : memref<10112x16xf32, #tpu.memory_space<vmem_shared>> -> memref<10112x16xf32, #tpu.memory_space<vmem_shared>>
      %dma_start3A_482 = tpu.memref_slice %arg13[%dma_start3A_475] : memref<5x!tpu.dma_semaphore, #tpu.memory_space<semaphore_mem>> -> memref<1x!tpu.dma_semaphore, #tpu.memory_space<semaphore_mem>>
      %dma_start3A_483 = tpu.memref_squeeze %dma_start3A_482 : memref<1x!tpu.dma_semaphore, #tpu.memory_space<semaphore_mem>> -> memref<!tpu.dma_semaphore, #tpu.memory_space<semaphore_mem>>
      tpu.enqueue_indirect_dma source(%arg10 : memref<128x16xf32, #tpu.memory_space<vmem>>) target(%dma_start3A_481 : memref<10112x16xf32, #tpu.memory_space<vmem_shared>>) offsets(%dma_start3A_478 : memref<128xi32, #tpu.memory_space<vmem>>) semaphore(%dma_start3A_483 : memref<!tpu.dma_semaphore, #tpu.memory_space<semaphore_mem>>) {add = true}
      %add3A_484 = arith.constant 1 : i32
      %add3A_485 = arith.addi %add3A_470, %add3A_484 : i32
      %ge3A_486 = arith.constant 5 : i32
      %ge3A_487 = arith.cmpi sge, %add3A_485, %ge3A_486 : i32
      %convert_element_type3A_488 = arith.extui %ge3A_487 : i1 to i32
      %cond3A_489 = arith.constant 0 : i32
      %cond3A_490 = arith.cmpi ne, %convert_element_type3A_488, %cond3A_489 : i32
      scf.if %cond3A_490 {
        %sub3A = arith.constant 5 : i32
        %sub3A_548 = arith.subi %add3A_485, %sub3A : i32
        %dma_wait3A_549 = arith.constant 1 : i32
        %dma_wait3A_550 = arith.constant 0 : i32
        %dma_wait3A_551 = tpu.memref_slice %arg9[%sub3A_548, %dma_wait3A_550] : memref<80x128xi32, #tpu.memory_space<vmem>> -> memref<1x128xi32, #tpu.memory_space<vmem>>
        %dma_wait3A_552 = tpu.memref_squeeze %dma_wait3A_551 : memref<1x128xi32, #tpu.memory_space<vmem>> -> memref<128xi32, #tpu.memory_space<vmem>>
        %dma_wait3A_553 = arith.constant 0 : i32
        %dma_wait3A_554 = arith.constant 0 : i32
        %dma_wait3A_555 = tpu.memref_slice %arg12[%dma_wait3A_553, %dma_wait3A_554] : memref<10112x16xf32, #tpu.memory_space<vmem_shared>> -> memref<10112x16xf32, #tpu.memory_space<vmem_shared>>
        %dma_wait3A_556 = tpu.memref_slice %arg13[%dma_wait3A_549] : memref<5x!tpu.dma_semaphore, #tpu.memory_space<semaphore_mem>> -> memref<1x!tpu.dma_semaphore, #tpu.memory_space<semaphore_mem>>
        %dma_wait3A_557 = tpu.memref_squeeze %dma_wait3A_556 : memref<1x!tpu.dma_semaphore, #tpu.memory_space<semaphore_mem>> -> memref<!tpu.dma_semaphore, #tpu.memory_space<semaphore_mem>>
        tpu.wait_indirect_dma semaphore(%dma_wait3A_557 : memref<!tpu.dma_semaphore, #tpu.memory_space<semaphore_mem>>) src(%arg10 : memref<128x16xf32, #tpu.memory_space<vmem>>) dst(%dma_wait3A_555 : memref<10112x16xf32, #tpu.memory_space<vmem_shared>>)
      } else {
      }
      %dma_start3A_491 = arith.constant 1 : i32
      %dma_start3A_492 = arith.constant 0 : i32
      %dma_start3A_493 = tpu.memref_slice %arg9[%add3A_485, %dma_start3A_492] : memref<80x128xi32, #tpu.memory_space<vmem>> -> memref<1x128xi32, #tpu.memory_space<vmem>>
      %dma_start3A_494 = tpu.memref_squeeze %dma_start3A_493 : memref<1x128xi32, #tpu.memory_space<vmem>> -> memref<128xi32, #tpu.memory_space<vmem>>
      %dma_start3A_495 = arith.constant 0 : i32
      %dma_start3A_496 = arith.constant 0 : i32
      %dma_start3A_497 = tpu.memref_slice %arg12[%dma_start3A_495, %dma_start3A_496] : memref<10112x16xf32, #tpu.memory_space<vmem_shared>> -> memref<10112x16xf32, #tpu.memory_space<vmem_shared>>
      %dma_start3A_498 = tpu.memref_slice %arg13[%dma_start3A_491] : memref<5x!tpu.dma_semaphore, #tpu.memory_space<semaphore_mem>> -> memref<1x!tpu.dma_semaphore, #tpu.memory_space<semaphore_mem>>
      %dma_start3A_499 = tpu.memref_squeeze %dma_start3A_498 : memref<1x!tpu.dma_semaphore, #tpu.memory_space<semaphore_mem>> -> memref<!tpu.dma_semaphore, #tpu.memory_space<semaphore_mem>>
      tpu.enqueue_indirect_dma source(%arg10 : memref<128x16xf32, #tpu.memory_space<vmem>>) target(%dma_start3A_497 : memref<10112x16xf32, #tpu.memory_space<vmem_shared>>) offsets(%dma_start3A_494 : memref<128xi32, #tpu.memory_space<vmem>>) semaphore(%dma_start3A_499 : memref<!tpu.dma_semaphore, #tpu.memory_space<semaphore_mem>>) {add = true}
      %add3A_500 = arith.constant 2 : i32
      %add3A_501 = arith.addi %add3A_470, %add3A_500 : i32
      %ge3A_502 = arith.constant 5 : i32
      %ge3A_503 = arith.cmpi sge, %add3A_501, %ge3A_502 : i32
      %convert_element_type3A_504 = arith.extui %ge3A_503 : i1 to i32
      %cond3A_505 = arith.constant 0 : i32
      %cond3A_506 = arith.cmpi ne, %convert_element_type3A_504, %cond3A_505 : i32
      scf.if %cond3A_506 {
        %sub3A = arith.constant 5 : i32
        %sub3A_548 = arith.subi %add3A_501, %sub3A : i32
        %dma_wait3A_549 = arith.constant 2 : i32
        %dma_wait3A_550 = arith.constant 0 : i32
        %dma_wait3A_551 = tpu.memref_slice %arg9[%sub3A_548, %dma_wait3A_550] : memref<80x128xi32, #tpu.memory_space<vmem>> -> memref<1x128xi32, #tpu.memory_space<vmem>>
        %dma_wait3A_552 = tpu.memref_squeeze %dma_wait3A_551 : memref<1x128xi32, #tpu.memory_space<vmem>> -> memref<128xi32, #tpu.memory_space<vmem>>
        %dma_wait3A_553 = arith.constant 0 : i32
        %dma_wait3A_554 = arith.constant 0 : i32
        %dma_wait3A_555 = tpu.memref_slice %arg12[%dma_wait3A_553, %dma_wait3A_554] : memref<10112x16xf32, #tpu.memory_space<vmem_shared>> -> memref<10112x16xf32, #tpu.memory_space<vmem_shared>>
        %dma_wait3A_556 = tpu.memref_slice %arg13[%dma_wait3A_549] : memref<5x!tpu.dma_semaphore, #tpu.memory_space<semaphore_mem>> -> memref<1x!tpu.dma_semaphore, #tpu.memory_space<semaphore_mem>>
        %dma_wait3A_557 = tpu.memref_squeeze %dma_wait3A_556 : memref<1x!tpu.dma_semaphore, #tpu.memory_space<semaphore_mem>> -> memref<!tpu.dma_semaphore, #tpu.memory_space<semaphore_mem>>
        tpu.wait_indirect_dma semaphore(%dma_wait3A_557 : memref<!tpu.dma_semaphore, #tpu.memory_space<semaphore_mem>>) src(%arg10 : memref<128x16xf32, #tpu.memory_space<vmem>>) dst(%dma_wait3A_555 : memref<10112x16xf32, #tpu.memory_space<vmem_shared>>)
      } else {
      }
      %dma_start3A_507 = arith.constant 2 : i32
      %dma_start3A_508 = arith.constant 0 : i32
      %dma_start3A_509 = tpu.memref_slice %arg9[%add3A_501, %dma_start3A_508] : memref<80x128xi32, #tpu.memory_space<vmem>> -> memref<1x128xi32, #tpu.memory_space<vmem>>
      %dma_start3A_510 = tpu.memref_squeeze %dma_start3A_509 : memref<1x128xi32, #tpu.memory_space<vmem>> -> memref<128xi32, #tpu.memory_space<vmem>>
      %dma_start3A_511 = arith.constant 0 : i32
      %dma_start3A_512 = arith.constant 0 : i32
      %dma_start3A_513 = tpu.memref_slice %arg12[%dma_start3A_511, %dma_start3A_512] : memref<10112x16xf32, #tpu.memory_space<vmem_shared>> -> memref<10112x16xf32, #tpu.memory_space<vmem_shared>>
      %dma_start3A_514 = tpu.memref_slice %arg13[%dma_start3A_507] : memref<5x!tpu.dma_semaphore, #tpu.memory_space<semaphore_mem>> -> memref<1x!tpu.dma_semaphore, #tpu.memory_space<semaphore_mem>>
      %dma_start3A_515 = tpu.memref_squeeze %dma_start3A_514 : memref<1x!tpu.dma_semaphore, #tpu.memory_space<semaphore_mem>> -> memref<!tpu.dma_semaphore, #tpu.memory_space<semaphore_mem>>
      tpu.enqueue_indirect_dma source(%arg10 : memref<128x16xf32, #tpu.memory_space<vmem>>) target(%dma_start3A_513 : memref<10112x16xf32, #tpu.memory_space<vmem_shared>>) offsets(%dma_start3A_510 : memref<128xi32, #tpu.memory_space<vmem>>) semaphore(%dma_start3A_515 : memref<!tpu.dma_semaphore, #tpu.memory_space<semaphore_mem>>) {add = true}
      %add3A_516 = arith.constant 3 : i32
      %add3A_517 = arith.addi %add3A_470, %add3A_516 : i32
      %ge3A_518 = arith.constant 5 : i32
      %ge3A_519 = arith.cmpi sge, %add3A_517, %ge3A_518 : i32
      %convert_element_type3A_520 = arith.extui %ge3A_519 : i1 to i32
      %cond3A_521 = arith.constant 0 : i32
      %cond3A_522 = arith.cmpi ne, %convert_element_type3A_520, %cond3A_521 : i32
      scf.if %cond3A_522 {
        %sub3A = arith.constant 5 : i32
        %sub3A_548 = arith.subi %add3A_517, %sub3A : i32
        %dma_wait3A_549 = arith.constant 3 : i32
        %dma_wait3A_550 = arith.constant 0 : i32
        %dma_wait3A_551 = tpu.memref_slice %arg9[%sub3A_548, %dma_wait3A_550] : memref<80x128xi32, #tpu.memory_space<vmem>> -> memref<1x128xi32, #tpu.memory_space<vmem>>
        %dma_wait3A_552 = tpu.memref_squeeze %dma_wait3A_551 : memref<1x128xi32, #tpu.memory_space<vmem>> -> memref<128xi32, #tpu.memory_space<vmem>>
        %dma_wait3A_553 = arith.constant 0 : i32
        %dma_wait3A_554 = arith.constant 0 : i32
        %dma_wait3A_555 = tpu.memref_slice %arg12[%dma_wait3A_553, %dma_wait3A_554] : memref<10112x16xf32, #tpu.memory_space<vmem_shared>> -> memref<10112x16xf32, #tpu.memory_space<vmem_shared>>
        %dma_wait3A_556 = tpu.memref_slice %arg13[%dma_wait3A_549] : memref<5x!tpu.dma_semaphore, #tpu.memory_space<semaphore_mem>> -> memref<1x!tpu.dma_semaphore, #tpu.memory_space<semaphore_mem>>
        %dma_wait3A_557 = tpu.memref_squeeze %dma_wait3A_556 : memref<1x!tpu.dma_semaphore, #tpu.memory_space<semaphore_mem>> -> memref<!tpu.dma_semaphore, #tpu.memory_space<semaphore_mem>>
        tpu.wait_indirect_dma semaphore(%dma_wait3A_557 : memref<!tpu.dma_semaphore, #tpu.memory_space<semaphore_mem>>) src(%arg10 : memref<128x16xf32, #tpu.memory_space<vmem>>) dst(%dma_wait3A_555 : memref<10112x16xf32, #tpu.memory_space<vmem_shared>>)
      } else {
      }
      %dma_start3A_523 = arith.constant 3 : i32
      %dma_start3A_524 = arith.constant 0 : i32
      %dma_start3A_525 = tpu.memref_slice %arg9[%add3A_517, %dma_start3A_524] : memref<80x128xi32, #tpu.memory_space<vmem>> -> memref<1x128xi32, #tpu.memory_space<vmem>>
      %dma_start3A_526 = tpu.memref_squeeze %dma_start3A_525 : memref<1x128xi32, #tpu.memory_space<vmem>> -> memref<128xi32, #tpu.memory_space<vmem>>
      %dma_start3A_527 = arith.constant 0 : i32
      %dma_start3A_528 = arith.constant 0 : i32
      %dma_start3A_529 = tpu.memref_slice %arg12[%dma_start3A_527, %dma_start3A_528] : memref<10112x16xf32, #tpu.memory_space<vmem_shared>> -> memref<10112x16xf32, #tpu.memory_space<vmem_shared>>
      %dma_start3A_530 = tpu.memref_slice %arg13[%dma_start3A_523] : memref<5x!tpu.dma_semaphore, #tpu.memory_space<semaphore_mem>> -> memref<1x!tpu.dma_semaphore, #tpu.memory_space<semaphore_mem>>
      %dma_start3A_531 = tpu.memref_squeeze %dma_start3A_530 : memref<1x!tpu.dma_semaphore, #tpu.memory_space<semaphore_mem>> -> memref<!tpu.dma_semaphore, #tpu.memory_space<semaphore_mem>>
      tpu.enqueue_indirect_dma source(%arg10 : memref<128x16xf32, #tpu.memory_space<vmem>>) target(%dma_start3A_529 : memref<10112x16xf32, #tpu.memory_space<vmem_shared>>) offsets(%dma_start3A_526 : memref<128xi32, #tpu.memory_space<vmem>>) semaphore(%dma_start3A_531 : memref<!tpu.dma_semaphore, #tpu.memory_space<semaphore_mem>>) {add = true}
      %add3A_532 = arith.constant 4 : i32
      %add3A_533 = arith.addi %add3A_470, %add3A_532 : i32
      %ge3A_534 = arith.constant 5 : i32
      %ge3A_535 = arith.cmpi sge, %add3A_533, %ge3A_534 : i32
      %convert_element_type3A_536 = arith.extui %ge3A_535 : i1 to i32
      %cond3A_537 = arith.constant 0 : i32
      %cond3A_538 = arith.cmpi ne, %convert_element_type3A_536, %cond3A_537 : i32
      scf.if %cond3A_538 {
        %sub3A = arith.constant 5 : i32
        %sub3A_548 = arith.subi %add3A_533, %sub3A : i32
        %dma_wait3A_549 = arith.constant 4 : i32
        %dma_wait3A_550 = arith.constant 0 : i32
        %dma_wait3A_551 = tpu.memref_slice %arg9[%sub3A_548, %dma_wait3A_550] : memref<80x128xi32, #tpu.memory_space<vmem>> -> memref<1x128xi32, #tpu.memory_space<vmem>>
        %dma_wait3A_552 = tpu.memref_squeeze %dma_wait3A_551 : memref<1x128xi32, #tpu.memory_space<vmem>> -> memref<128xi32, #tpu.memory_space<vmem>>
        %dma_wait3A_553 = arith.constant 0 : i32
        %dma_wait3A_554 = arith.constant 0 : i32
        %dma_wait3A_555 = tpu.memref_slice %arg12[%dma_wait3A_553, %dma_wait3A_554] : memref<10112x16xf32, #tpu.memory_space<vmem_shared>> -> memref<10112x16xf32, #tpu.memory_space<vmem_shared>>
        %dma_wait3A_556 = tpu.memref_slice %arg13[%dma_wait3A_549] : memref<5x!tpu.dma_semaphore, #tpu.memory_space<semaphore_mem>> -> memref<1x!tpu.dma_semaphore, #tpu.memory_space<semaphore_mem>>
        %dma_wait3A_557 = tpu.memref_squeeze %dma_wait3A_556 : memref<1x!tpu.dma_semaphore, #tpu.memory_space<semaphore_mem>> -> memref<!tpu.dma_semaphore, #tpu.memory_space<semaphore_mem>>
        tpu.wait_indirect_dma semaphore(%dma_wait3A_557 : memref<!tpu.dma_semaphore, #tpu.memory_space<semaphore_mem>>) src(%arg10 : memref<128x16xf32, #tpu.memory_space<vmem>>) dst(%dma_wait3A_555 : memref<10112x16xf32, #tpu.memory_space<vmem_shared>>)
      } else {
      }
      %dma_start3A_539 = arith.constant 4 : i32
      %dma_start3A_540 = arith.constant 0 : i32
      %dma_start3A_541 = tpu.memref_slice %arg9[%add3A_533, %dma_start3A_540] : memref<80x128xi32, #tpu.memory_space<vmem>> -> memref<1x128xi32, #tpu.memory_space<vmem>>
      %dma_start3A_542 = tpu.memref_squeeze %dma_start3A_541 : memref<1x128xi32, #tpu.memory_space<vmem>> -> memref<128xi32, #tpu.memory_space<vmem>>
      %dma_start3A_543 = arith.constant 0 : i32
      %dma_start3A_544 = arith.constant 0 : i32
      %dma_start3A_545 = tpu.memref_slice %arg12[%dma_start3A_543, %dma_start3A_544] : memref<10112x16xf32, #tpu.memory_space<vmem_shared>> -> memref<10112x16xf32, #tpu.memory_space<vmem_shared>>
      %dma_start3A_546 = tpu.memref_slice %arg13[%dma_start3A_539] : memref<5x!tpu.dma_semaphore, #tpu.memory_space<semaphore_mem>> -> memref<1x!tpu.dma_semaphore, #tpu.memory_space<semaphore_mem>>
      %dma_start3A_547 = tpu.memref_squeeze %dma_start3A_546 : memref<1x!tpu.dma_semaphore, #tpu.memory_space<semaphore_mem>> -> memref<!tpu.dma_semaphore, #tpu.memory_space<semaphore_mem>>
      tpu.enqueue_indirect_dma source(%arg10 : memref<128x16xf32, #tpu.memory_space<vmem>>) target(%dma_start3A_545 : memref<10112x16xf32, #tpu.memory_space<vmem_shared>>) offsets(%dma_start3A_542 : memref<128xi32, #tpu.memory_space<vmem>>) semaphore(%dma_start3A_547 : memref<!tpu.dma_semaphore, #tpu.memory_space<semaphore_mem>>) {add = true}
    }
    %scan3A_410 = arith.constant 16 : i32
    %dma_wait3A_411 = arith.constant 75 : i32
    %dma_wait3A_412 = arith.constant 0 : i32
    %dma_wait3A_413 = arith.constant 0 : i32
    %dma_wait3A_414 = tpu.memref_slice %arg9[%dma_wait3A_411, %dma_wait3A_413] : memref<80x128xi32, #tpu.memory_space<vmem>> -> memref<1x128xi32, #tpu.memory_space<vmem>>
    %dma_wait3A_415 = tpu.memref_squeeze %dma_wait3A_414 : memref<1x128xi32, #tpu.memory_space<vmem>> -> memref<128xi32, #tpu.memory_space<vmem>>
    %dma_wait3A_416 = arith.constant 0 : i32
    %dma_wait3A_417 = arith.constant 0 : i32
    %dma_wait3A_418 = tpu.memref_slice %arg12[%dma_wait3A_416, %dma_wait3A_417] : memref<10112x16xf32, #tpu.memory_space<vmem_shared>> -> memref<10112x16xf32, #tpu.memory_space<vmem_shared>>
    %dma_wait3A_419 = tpu.memref_slice %arg13[%dma_wait3A_412] : memref<5x!tpu.dma_semaphore, #tpu.memory_space<semaphore_mem>> -> memref<1x!tpu.dma_semaphore, #tpu.memory_space<semaphore_mem>>
    %dma_wait3A_420 = tpu.memref_squeeze %dma_wait3A_419 : memref<1x!tpu.dma_semaphore, #tpu.memory_space<semaphore_mem>> -> memref<!tpu.dma_semaphore, #tpu.memory_space<semaphore_mem>>
    tpu.wait_indirect_dma semaphore(%dma_wait3A_420 : memref<!tpu.dma_semaphore, #tpu.memory_space<semaphore_mem>>) src(%arg10 : memref<128x16xf32, #tpu.memory_space<vmem>>) dst(%dma_wait3A_418 : memref<10112x16xf32, #tpu.memory_space<vmem_shared>>)
    %dma_wait3A_421 = arith.constant 76 : i32
    %dma_wait3A_422 = arith.constant 1 : i32
    %dma_wait3A_423 = arith.constant 0 : i32
    %dma_wait3A_424 = tpu.memref_slice %arg9[%dma_wait3A_421, %dma_wait3A_423] : memref<80x128xi32, #tpu.memory_space<vmem>> -> memref<1x128xi32, #tpu.memory_space<vmem>>
    %dma_wait3A_425 = tpu.memref_squeeze %dma_wait3A_424 : memref<1x128xi32, #tpu.memory_space<vmem>> -> memref<128xi32, #tpu.memory_space<vmem>>
    %dma_wait3A_426 = arith.constant 0 : i32
    %dma_wait3A_427 = arith.constant 0 : i32
    %dma_wait3A_428 = tpu.memref_slice %arg12[%dma_wait3A_426, %dma_wait3A_427] : memref<10112x16xf32, #tpu.memory_space<vmem_shared>> -> memref<10112x16xf32, #tpu.memory_space<vmem_shared>>
    %dma_wait3A_429 = tpu.memref_slice %arg13[%dma_wait3A_422] : memref<5x!tpu.dma_semaphore, #tpu.memory_space<semaphore_mem>> -> memref<1x!tpu.dma_semaphore, #tpu.memory_space<semaphore_mem>>
    %dma_wait3A_430 = tpu.memref_squeeze %dma_wait3A_429 : memref<1x!tpu.dma_semaphore, #tpu.memory_space<semaphore_mem>> -> memref<!tpu.dma_semaphore, #tpu.memory_space<semaphore_mem>>
    tpu.wait_indirect_dma semaphore(%dma_wait3A_430 : memref<!tpu.dma_semaphore, #tpu.memory_space<semaphore_mem>>) src(%arg10 : memref<128x16xf32, #tpu.memory_space<vmem>>) dst(%dma_wait3A_428 : memref<10112x16xf32, #tpu.memory_space<vmem_shared>>)
    %dma_wait3A_431 = arith.constant 77 : i32
    %dma_wait3A_432 = arith.constant 2 : i32
    %dma_wait3A_433 = arith.constant 0 : i32
    %dma_wait3A_434 = tpu.memref_slice %arg9[%dma_wait3A_431, %dma_wait3A_433] : memref<80x128xi32, #tpu.memory_space<vmem>> -> memref<1x128xi32, #tpu.memory_space<vmem>>
    %dma_wait3A_435 = tpu.memref_squeeze %dma_wait3A_434 : memref<1x128xi32, #tpu.memory_space<vmem>> -> memref<128xi32, #tpu.memory_space<vmem>>
    %dma_wait3A_436 = arith.constant 0 : i32
    %dma_wait3A_437 = arith.constant 0 : i32
    %dma_wait3A_438 = tpu.memref_slice %arg12[%dma_wait3A_436, %dma_wait3A_437] : memref<10112x16xf32, #tpu.memory_space<vmem_shared>> -> memref<10112x16xf32, #tpu.memory_space<vmem_shared>>
    %dma_wait3A_439 = tpu.memref_slice %arg13[%dma_wait3A_432] : memref<5x!tpu.dma_semaphore, #tpu.memory_space<semaphore_mem>> -> memref<1x!tpu.dma_semaphore, #tpu.memory_space<semaphore_mem>>
    %dma_wait3A_440 = tpu.memref_squeeze %dma_wait3A_439 : memref<1x!tpu.dma_semaphore, #tpu.memory_space<semaphore_mem>> -> memref<!tpu.dma_semaphore, #tpu.memory_space<semaphore_mem>>
    tpu.wait_indirect_dma semaphore(%dma_wait3A_440 : memref<!tpu.dma_semaphore, #tpu.memory_space<semaphore_mem>>) src(%arg10 : memref<128x16xf32, #tpu.memory_space<vmem>>) dst(%dma_wait3A_438 : memref<10112x16xf32, #tpu.memory_space<vmem_shared>>)
    %dma_wait3A_441 = arith.constant 78 : i32
    %dma_wait3A_442 = arith.constant 3 : i32
    %dma_wait3A_443 = arith.constant 0 : i32
    %dma_wait3A_444 = tpu.memref_slice %arg9[%dma_wait3A_441, %dma_wait3A_443] : memref<80x128xi32, #tpu.memory_space<vmem>> -> memref<1x128xi32, #tpu.memory_space<vmem>>
    %dma_wait3A_445 = tpu.memref_squeeze %dma_wait3A_444 : memref<1x128xi32, #tpu.memory_space<vmem>> -> memref<128xi32, #tpu.memory_space<vmem>>
    %dma_wait3A_446 = arith.constant 0 : i32
    %dma_wait3A_447 = arith.constant 0 : i32
    %dma_wait3A_448 = tpu.memref_slice %arg12[%dma_wait3A_446, %dma_wait3A_447] : memref<10112x16xf32, #tpu.memory_space<vmem_shared>> -> memref<10112x16xf32, #tpu.memory_space<vmem_shared>>
    %dma_wait3A_449 = tpu.memref_slice %arg13[%dma_wait3A_442] : memref<5x!tpu.dma_semaphore, #tpu.memory_space<semaphore_mem>> -> memref<1x!tpu.dma_semaphore, #tpu.memory_space<semaphore_mem>>
    %dma_wait3A_450 = tpu.memref_squeeze %dma_wait3A_449 : memref<1x!tpu.dma_semaphore, #tpu.memory_space<semaphore_mem>> -> memref<!tpu.dma_semaphore, #tpu.memory_space<semaphore_mem>>
    tpu.wait_indirect_dma semaphore(%dma_wait3A_450 : memref<!tpu.dma_semaphore, #tpu.memory_space<semaphore_mem>>) src(%arg10 : memref<128x16xf32, #tpu.memory_space<vmem>>) dst(%dma_wait3A_448 : memref<10112x16xf32, #tpu.memory_space<vmem_shared>>)
    %dma_wait3A_451 = arith.constant 79 : i32
    %dma_wait3A_452 = arith.constant 4 : i32
    %dma_wait3A_453 = arith.constant 0 : i32
    %dma_wait3A_454 = tpu.memref_slice %arg9[%dma_wait3A_451, %dma_wait3A_453] : memref<80x128xi32, #tpu.memory_space<vmem>> -> memref<1x128xi32, #tpu.memory_space<vmem>>
    %dma_wait3A_455 = tpu.memref_squeeze %dma_wait3A_454 : memref<1x128xi32, #tpu.memory_space<vmem>> -> memref<128xi32, #tpu.memory_space<vmem>>
    %dma_wait3A_456 = arith.constant 0 : i32
    %dma_wait3A_457 = arith.constant 0 : i32
    %dma_wait3A_458 = tpu.memref_slice %arg12[%dma_wait3A_456, %dma_wait3A_457] : memref<10112x16xf32, #tpu.memory_space<vmem_shared>> -> memref<10112x16xf32, #tpu.memory_space<vmem_shared>>
    %dma_wait3A_459 = tpu.memref_slice %arg13[%dma_wait3A_452] : memref<5x!tpu.dma_semaphore, #tpu.memory_space<semaphore_mem>> -> memref<1x!tpu.dma_semaphore, #tpu.memory_space<semaphore_mem>>
    %dma_wait3A_460 = tpu.memref_squeeze %dma_wait3A_459 : memref<1x!tpu.dma_semaphore, #tpu.memory_space<semaphore_mem>> -> memref<!tpu.dma_semaphore, #tpu.memory_space<semaphore_mem>>
    tpu.wait_indirect_dma semaphore(%dma_wait3A_460 : memref<!tpu.dma_semaphore, #tpu.memory_space<semaphore_mem>>) src(%arg10 : memref<128x16xf32, #tpu.memory_space<vmem>>) dst(%dma_wait3A_458 : memref<10112x16xf32, #tpu.memory_space<vmem_shared>>)
    %barrier3A_461 = arith.constant 0 : index
    tpu.barrier barrier_id(%barrier3A_461)
    %mul3A_462 = arith.constant 632 : i32
    %mul3A_463 = arith.muli %arg1, %mul3A_462 : i32
    %mul3A_464 = arith.constant 632 : i32
    %mul3A_465 = arith.muli %arg1, %mul3A_464 : i32
    "tpu.region"() ({
      %run_scoped3A = tpu.sem_alloc : memref<!tpu.dma_semaphore, #tpu.memory_space<semaphore_mem>>
      %dma_start3A_466 = arith.constant 0 : i32
      %dma_start3A_467 = tpu.memref_slice %arg3[%arg0, %mul3A_465, %dma_start3A_466] : memref<2x10112x16xf32, #tpu.memory_space<hbm>> -> memref<1x632x16xf32, #tpu.memory_space<hbm>>
      %dma_start3A_468 = tpu.memref_squeeze %dma_start3A_467 : memref<1x632x16xf32, #tpu.memory_space<hbm>> -> memref<632x16xf32, #tpu.memory_space<hbm>>
      %dma_start3A_469 = arith.constant 0 : i32
      %dma_start3A_470 = tpu.memref_slice %arg12[%mul3A_463, %dma_start3A_469] : memref<10112x16xf32, #tpu.memory_space<vmem_shared>> -> memref<632x16xf32, #tpu.memory_space<vmem_shared>>
      tpu.enqueue_dma source(%dma_start3A_470 : memref<632x16xf32, #tpu.memory_space<vmem_shared>>) target(%dma_start3A_468 : memref<632x16xf32, #tpu.memory_space<hbm>>) target_semaphore(%run_scoped3A : memref<!tpu.dma_semaphore, #tpu.memory_space<semaphore_mem>>)
      %dma_wait3A_471 = arith.constant 0 : i32
      %dma_wait3A_472 = tpu.memref_slice %arg3[%arg0, %mul3A_465, %dma_wait3A_471] : memref<2x10112x16xf32, #tpu.memory_space<hbm>> -> memref<1x632x16xf32, #tpu.memory_space<hbm>>
      %dma_wait3A_473 = tpu.memref_squeeze %dma_wait3A_472 : memref<1x632x16xf32, #tpu.memory_space<hbm>> -> memref<632x16xf32, #tpu.memory_space<hbm>>
      %dma_wait3A_474 = arith.constant 0 : i32
      %dma_wait3A_475 = tpu.memref_slice %arg12[%mul3A_463, %dma_wait3A_474] : memref<10112x16xf32, #tpu.memory_space<vmem_shared>> -> memref<632x16xf32, #tpu.memory_space<vmem_shared>>
      tpu.wait_dma2 semaphore(%run_scoped3A : memref<!tpu.dma_semaphore, #tpu.memory_space<semaphore_mem>>) src(%dma_wait3A_475 : memref<632x16xf32, #tpu.memory_space<vmem_shared>>) dst(%dma_wait3A_473 : memref<632x16xf32, #tpu.memory_space<hbm>>)
      tpu.yield
    }) : () -> ()
    return
  }
}

#map = affine_map<(d0, d1) -> (0, 0)>
#map1 = affine_map<(d0, d1) -> (0, 0, 0)>
module attributes {stable_mosaic.version = 14 : i64} {
  func.func @_agg_body(%arg0: i32, %arg1: i32, %arg2: memref<2560x128xi32, #tpu.memory_space<hbm>>, %arg3: memref<2560x128xi32, #tpu.memory_space<hbm>>, %arg4: memref<10000x32xf32, #tpu.memory_space<hbm>>, %arg5: memref<2x10112x32xf32, #tpu.memory_space<hbm>>, %arg6: memref<80x128xi32, #tpu.memory_space<vmem>>, %arg7: memref<80x128xi32, #tpu.memory_space<vmem>>, %arg8: memref<10x128x32xf32, #tpu.memory_space<vmem>>, %arg9: memref<10112x32xf32, #tpu.memory_space<vmem_shared>>, %arg10: memref<10000x32xf32, #tpu.memory_space<vmem_shared>>, %arg11: memref<10x!tpu.dma_semaphore, #tpu.memory_space<semaphore_mem>>, %arg12: memref<10x!tpu.dma_semaphore, #tpu.memory_space<semaphore_mem>>, %arg13: memref<8x!tpu.dma_semaphore, #tpu.memory_space<semaphore_mem>>) attributes {dimension_semantics = [#tpu.dimension_semantics<core_parallel>, #tpu.dimension_semantics<subcore_parallel>], iteration_bounds = array<i64: 2, 16>, scalar_prefetch = 0 : i64, scratch_operands = 8 : i64, tpu.core_type = #tpu.core_type<sc_vector_subcore>, window_params = [{transform_indices = #map}, {transform_indices = #map}, {transform_indices = #map}, {transform_indices = #map1}]} {
    %mul3A = arith.constant 16 : i32
    %mul3A_0 = arith.muli %arg0, %mul3A : i32
    %add3A = arith.addi %mul3A_0, %arg1 : i32
    %mul3A_1 = arith.constant 80 : i32
    %mul3A_2 = arith.muli %add3A, %mul3A_1 : i32
    %dma_start3A = arith.constant 6 : i32
    %dma_start3A_3 = arith.constant 0 : i32
    %dma_start3A_4 = tpu.memref_slice %arg2[%mul3A_2, %dma_start3A_3] : memref<2560x128xi32, #tpu.memory_space<hbm>> -> memref<80x128xi32, #tpu.memory_space<hbm>>
    %dma_start3A_5 = tpu.memref_slice %arg13[%dma_start3A] : memref<8x!tpu.dma_semaphore, #tpu.memory_space<semaphore_mem>> -> memref<1x!tpu.dma_semaphore, #tpu.memory_space<semaphore_mem>>
    %dma_start3A_6 = tpu.memref_squeeze %dma_start3A_5 : memref<1x!tpu.dma_semaphore, #tpu.memory_space<semaphore_mem>> -> memref<!tpu.dma_semaphore, #tpu.memory_space<semaphore_mem>>
    %dma_start3A_7 = arith.constant 0 : i32
    %dma_start3A_8 = tpu.memref_slice %arg2[%mul3A_2, %dma_start3A_7] : memref<2560x128xi32, #tpu.memory_space<hbm>> -> memref<80x128xi32, #tpu.memory_space<hbm>>
    tpu.enqueue_dma source(%dma_start3A_8 : memref<80x128xi32, #tpu.memory_space<hbm>>) target(%arg6 : memref<80x128xi32, #tpu.memory_space<vmem>>) target_semaphore(%dma_start3A_6 : memref<!tpu.dma_semaphore, #tpu.memory_space<semaphore_mem>>)
    %mul3A_9 = arith.constant 80 : i32
    %mul3A_10 = arith.muli %add3A, %mul3A_9 : i32
    %dma_start3A_11 = arith.constant 7 : i32
    %dma_start3A_12 = arith.constant 0 : i32
    %dma_start3A_13 = tpu.memref_slice %arg3[%mul3A_10, %dma_start3A_12] : memref<2560x128xi32, #tpu.memory_space<hbm>> -> memref<80x128xi32, #tpu.memory_space<hbm>>
    %dma_start3A_14 = tpu.memref_slice %arg13[%dma_start3A_11] : memref<8x!tpu.dma_semaphore, #tpu.memory_space<semaphore_mem>> -> memref<1x!tpu.dma_semaphore, #tpu.memory_space<semaphore_mem>>
    %dma_start3A_15 = tpu.memref_squeeze %dma_start3A_14 : memref<1x!tpu.dma_semaphore, #tpu.memory_space<semaphore_mem>> -> memref<!tpu.dma_semaphore, #tpu.memory_space<semaphore_mem>>
    %dma_start3A_16 = arith.constant 0 : i32
    %dma_start3A_17 = tpu.memref_slice %arg3[%mul3A_10, %dma_start3A_16] : memref<2560x128xi32, #tpu.memory_space<hbm>> -> memref<80x128xi32, #tpu.memory_space<hbm>>
    tpu.enqueue_dma source(%dma_start3A_17 : memref<80x128xi32, #tpu.memory_space<hbm>>) target(%arg7 : memref<80x128xi32, #tpu.memory_space<vmem>>) target_semaphore(%dma_start3A_15 : memref<!tpu.dma_semaphore, #tpu.memory_space<semaphore_mem>>)
    %mul3A_18 = arith.constant 625 : i32
    %mul3A_19 = arith.muli %arg1, %mul3A_18 : i32
    %mul3A_20 = arith.constant 625 : i32
    %mul3A_21 = arith.muli %arg1, %mul3A_20 : i32
    %dma_start3A_22 = arith.constant 5 : i32
    %dma_start3A_23 = tpu.memref_slice %arg13[%dma_start3A_22] : memref<8x!tpu.dma_semaphore, #tpu.memory_space<semaphore_mem>> -> memref<1x!tpu.dma_semaphore, #tpu.memory_space<semaphore_mem>>
    %dma_start3A_24 = tpu.memref_squeeze %dma_start3A_23 : memref<1x!tpu.dma_semaphore, #tpu.memory_space<semaphore_mem>> -> memref<!tpu.dma_semaphore, #tpu.memory_space<semaphore_mem>>
    %dma_start3A_25 = arith.constant 0 : i32
    %dma_start3A_26 = tpu.memref_slice %arg10[%mul3A_21, %dma_start3A_25] : memref<10000x32xf32, #tpu.memory_space<vmem_shared>> -> memref<625x32xf32, #tpu.memory_space<vmem_shared>>
    %dma_start3A_27 = arith.constant 0 : i32
    %dma_start3A_28 = tpu.memref_slice %arg4[%mul3A_19, %dma_start3A_27] : memref<10000x32xf32, #tpu.memory_space<hbm>> -> memref<625x32xf32, #tpu.memory_space<hbm>>
    tpu.enqueue_dma source(%dma_start3A_28 : memref<625x32xf32, #tpu.memory_space<hbm>>) target(%dma_start3A_26 : memref<625x32xf32, #tpu.memory_space<vmem_shared>>) target_semaphore(%dma_start3A_24 : memref<!tpu.dma_semaphore, #tpu.memory_space<semaphore_mem>>)
    %broadcast_in_dim3A = arith.constant 0.000000e+00 : f32
    %broadcast_in_dim3A_29 = vector.broadcast %broadcast_in_dim3A : f32 to vector<16xf32>
    %scan3A = arith.constant 0 : i32
    %scan3A_30 = arith.constant 0 : i32
    %scan3A_31 = arith.constant 128 : i32
    %scan3A_32 = arith.addi %scan3A_30, %scan3A_31 : i32
    %scan3A_33 = arith.constant 1 : i32
    scf.for %scan3A_502 = %scan3A_30 to %scan3A_32 step %scan3A_33  : i32 {
      %mul3A_503 = arith.constant 1 : i32
      %mul3A_504 = arith.muli %scan3A_502, %mul3A_503 : i32
      %add3A_505 = arith.constant 0 : i32
      %add3A_506 = arith.addi %add3A_505, %mul3A_504 : i32
      %swap3A = arith.constant 0 : i32
      %swap3A_507 = arith.constant 0 : i32
      %swap3A_508 = tpu.memref_slice %arg8[%scan3A, %swap3A, %swap3A_507] : memref<10x128x32xf32, #tpu.memory_space<vmem>> -> memref<1x128x32xf32, #tpu.memory_space<vmem>>
      %swap3A_509 = tpu.memref_squeeze %swap3A_508 : memref<1x128x32xf32, #tpu.memory_space<vmem>> -> memref<128x32xf32, #tpu.memory_space<vmem>>
      %swap3A_510 = arith.index_cast %add3A_506 : i32 to index
      %swap3A_511 = arith.constant 0 : index
      %swap3A_512 = tpu.vector_load %swap3A_509[%swap3A_510, %swap3A_511] {strides = array<i32>} : memref<128x32xf32, #tpu.memory_space<vmem>>, vector<1x16xf32>,
      %swap3A_513 = vector.shape_cast %swap3A_512 : vector<1x16xf32> to vector<16xf32>
      %swap3A_514 = vector.shape_cast %broadcast_in_dim3A_29 : vector<16xf32> to vector<1x16xf32>
      tpu.vector_store %swap3A_509[%swap3A_510, %swap3A_511], %swap3A_514 {strides = array<i32>} : memref<128x32xf32, #tpu.memory_space<vmem>>, vector<1x16xf32>,
      %swap3A_515 = arith.constant 0 : i32
      %swap3A_516 = arith.constant 0 : i32
      %swap3A_517 = tpu.memref_slice %arg8[%scan3A, %swap3A_515, %swap3A_516] : memref<10x128x32xf32, #tpu.memory_space<vmem>> -> memref<1x128x32xf32, #tpu.memory_space<vmem>>
      %swap3A_518 = tpu.memref_squeeze %swap3A_517 : memref<1x128x32xf32, #tpu.memory_space<vmem>> -> memref<128x32xf32, #tpu.memory_space<vmem>>
      %swap3A_519 = arith.index_cast %add3A_506 : i32 to index
      %swap3A_520 = arith.constant 16 : index
      %swap3A_521 = tpu.vector_load %swap3A_518[%swap3A_519, %swap3A_520] {strides = array<i32>} : memref<128x32xf32, #tpu.memory_space<vmem>>, vector<1x16xf32>,
      %swap3A_522 = vector.shape_cast %swap3A_521 : vector<1x16xf32> to vector<16xf32>
      %swap3A_523 = vector.shape_cast %broadcast_in_dim3A_29 : vector<16xf32> to vector<1x16xf32>
      tpu.vector_store %swap3A_518[%swap3A_519, %swap3A_520], %swap3A_523 {strides = array<i32>} : memref<128x32xf32, #tpu.memory_space<vmem>>, vector<1x16xf32>,
    }
    %scan3A_34 = arith.constant 128 : i32
    %mul3A_35 = arith.constant 632 : i32
    %mul3A_36 = arith.muli %arg1, %mul3A_35 : i32
    %add3A_37 = arith.constant 0 : i32
    %add3A_38 = arith.addi %mul3A_36, %add3A_37 : i32
    %dma_start3A_39 = arith.constant 0 : i32
    %dma_start3A_40 = arith.constant 0 : i32
    %dma_start3A_41 = arith.constant 0 : i32
    %dma_start3A_42 = arith.constant 0 : i32
    %dma_start3A_43 = tpu.memref_slice %arg8[%dma_start3A_39, %dma_start3A_41, %dma_start3A_42] : memref<10x128x32xf32, #tpu.memory_space<vmem>> -> memref<1x128x32xf32, #tpu.memory_space<vmem>>
    %dma_start3A_44 = tpu.memref_squeeze %dma_start3A_43 : memref<1x128x32xf32, #tpu.memory_space<vmem>> -> memref<128x32xf32, #tpu.memory_space<vmem>>
    %dma_start3A_45 = arith.constant 0 : i32
    %dma_start3A_46 = tpu.memref_slice %arg9[%add3A_38, %dma_start3A_45] : memref<10112x32xf32, #tpu.memory_space<vmem_shared>> -> memref<128x32xf32, #tpu.memory_space<vmem_shared>>
    %dma_start3A_47 = tpu.memref_slice %arg13[%dma_start3A_40] : memref<8x!tpu.dma_semaphore, #tpu.memory_space<semaphore_mem>> -> memref<1x!tpu.dma_semaphore, #tpu.memory_space<semaphore_mem>>
    %dma_start3A_48 = tpu.memref_squeeze %dma_start3A_47 : memref<1x!tpu.dma_semaphore, #tpu.memory_space<semaphore_mem>> -> memref<!tpu.dma_semaphore, #tpu.memory_space<semaphore_mem>>
    %dma_start3A_49 = arith.constant 0 : i32
    %dma_start3A_50 = tpu.memref_slice %arg9[%add3A_38, %dma_start3A_49] : memref<10112x32xf32, #tpu.memory_space<vmem_shared>> -> memref<128x32xf32, #tpu.memory_space<vmem_shared>>
    %dma_start3A_51 = arith.constant 0 : i32
    %dma_start3A_52 = arith.constant 0 : i32
    %dma_start3A_53 = tpu.memref_slice %arg8[%dma_start3A_39, %dma_start3A_51, %dma_start3A_52] : memref<10x128x32xf32, #tpu.memory_space<vmem>> -> memref<1x128x32xf32, #tpu.memory_space<vmem>>
    %dma_start3A_54 = tpu.memref_squeeze %dma_start3A_53 : memref<1x128x32xf32, #tpu.memory_space<vmem>> -> memref<128x32xf32, #tpu.memory_space<vmem>>
    tpu.enqueue_dma source(%dma_start3A_54 : memref<128x32xf32, #tpu.memory_space<vmem>>) target(%dma_start3A_50 : memref<128x32xf32, #tpu.memory_space<vmem_shared>>) target_semaphore(%dma_start3A_48 : memref<!tpu.dma_semaphore, #tpu.memory_space<semaphore_mem>>)
    %mul3A_55 = arith.constant 632 : i32
    %mul3A_56 = arith.muli %arg1, %mul3A_55 : i32
    %add3A_57 = arith.constant 128 : i32
    %add3A_58 = arith.addi %mul3A_56, %add3A_57 : i32
    %dma_start3A_59 = arith.constant 0 : i32
    %dma_start3A_60 = arith.constant 1 : i32
    %dma_start3A_61 = arith.constant 0 : i32
    %dma_start3A_62 = arith.constant 0 : i32
    %dma_start3A_63 = tpu.memref_slice %arg8[%dma_start3A_59, %dma_start3A_61, %dma_start3A_62] : memref<10x128x32xf32, #tpu.memory_space<vmem>> -> memref<1x128x32xf32, #tpu.memory_space<vmem>>
    %dma_start3A_64 = tpu.memref_squeeze %dma_start3A_63 : memref<1x128x32xf32, #tpu.memory_space<vmem>> -> memref<128x32xf32, #tpu.memory_space<vmem>>
    %dma_start3A_65 = arith.constant 0 : i32
    %dma_start3A_66 = tpu.memref_slice %arg9[%add3A_58, %dma_start3A_65] : memref<10112x32xf32, #tpu.memory_space<vmem_shared>> -> memref<128x32xf32, #tpu.memory_space<vmem_shared>>
    %dma_start3A_67 = tpu.memref_slice %arg13[%dma_start3A_60] : memref<8x!tpu.dma_semaphore, #tpu.memory_space<semaphore_mem>> -> memref<1x!tpu.dma_semaphore, #tpu.memory_space<semaphore_mem>>
    %dma_start3A_68 = tpu.memref_squeeze %dma_start3A_67 : memref<1x!tpu.dma_semaphore, #tpu.memory_space<semaphore_mem>> -> memref<!tpu.dma_semaphore, #tpu.memory_space<semaphore_mem>>
    %dma_start3A_69 = arith.constant 0 : i32
    %dma_start3A_70 = tpu.memref_slice %arg9[%add3A_58, %dma_start3A_69] : memref<10112x32xf32, #tpu.memory_space<vmem_shared>> -> memref<128x32xf32, #tpu.memory_space<vmem_shared>>
    %dma_start3A_71 = arith.constant 0 : i32
    %dma_start3A_72 = arith.constant 0 : i32
    %dma_start3A_73 = tpu.memref_slice %arg8[%dma_start3A_59, %dma_start3A_71, %dma_start3A_72] : memref<10x128x32xf32, #tpu.memory_space<vmem>> -> memref<1x128x32xf32, #tpu.memory_space<vmem>>
    %dma_start3A_74 = tpu.memref_squeeze %dma_start3A_73 : memref<1x128x32xf32, #tpu.memory_space<vmem>> -> memref<128x32xf32, #tpu.memory_space<vmem>>
    tpu.enqueue_dma source(%dma_start3A_74 : memref<128x32xf32, #tpu.memory_space<vmem>>) target(%dma_start3A_70 : memref<128x32xf32, #tpu.memory_space<vmem_shared>>) target_semaphore(%dma_start3A_68 : memref<!tpu.dma_semaphore, #tpu.memory_space<semaphore_mem>>)
    %mul3A_75 = arith.constant 632 : i32
    %mul3A_76 = arith.muli %arg1, %mul3A_75 : i32
    %add3A_77 = arith.constant 256 : i32
    %add3A_78 = arith.addi %mul3A_76, %add3A_77 : i32
    %dma_start3A_79 = arith.constant 0 : i32
    %dma_start3A_80 = arith.constant 2 : i32
    %dma_start3A_81 = arith.constant 0 : i32
    %dma_start3A_82 = arith.constant 0 : i32
    %dma_start3A_83 = tpu.memref_slice %arg8[%dma_start3A_79, %dma_start3A_81, %dma_start3A_82] : memref<10x128x32xf32, #tpu.memory_space<vmem>> -> memref<1x128x32xf32, #tpu.memory_space<vmem>>
    %dma_start3A_84 = tpu.memref_squeeze %dma_start3A_83 : memref<1x128x32xf32, #tpu.memory_space<vmem>> -> memref<128x32xf32, #tpu.memory_space<vmem>>
    %dma_start3A_85 = arith.constant 0 : i32
    %dma_start3A_86 = tpu.memref_slice %arg9[%add3A_78, %dma_start3A_85] : memref<10112x32xf32, #tpu.memory_space<vmem_shared>> -> memref<128x32xf32, #tpu.memory_space<vmem_shared>>
    %dma_start3A_87 = tpu.memref_slice %arg13[%dma_start3A_80] : memref<8x!tpu.dma_semaphore, #tpu.memory_space<semaphore_mem>> -> memref<1x!tpu.dma_semaphore, #tpu.memory_space<semaphore_mem>>
    %dma_start3A_88 = tpu.memref_squeeze %dma_start3A_87 : memref<1x!tpu.dma_semaphore, #tpu.memory_space<semaphore_mem>> -> memref<!tpu.dma_semaphore, #tpu.memory_space<semaphore_mem>>
    %dma_start3A_89 = arith.constant 0 : i32
    %dma_start3A_90 = tpu.memref_slice %arg9[%add3A_78, %dma_start3A_89] : memref<10112x32xf32, #tpu.memory_space<vmem_shared>> -> memref<128x32xf32, #tpu.memory_space<vmem_shared>>
    %dma_start3A_91 = arith.constant 0 : i32
    %dma_start3A_92 = arith.constant 0 : i32
    %dma_start3A_93 = tpu.memref_slice %arg8[%dma_start3A_79, %dma_start3A_91, %dma_start3A_92] : memref<10x128x32xf32, #tpu.memory_space<vmem>> -> memref<1x128x32xf32, #tpu.memory_space<vmem>>
    %dma_start3A_94 = tpu.memref_squeeze %dma_start3A_93 : memref<1x128x32xf32, #tpu.memory_space<vmem>> -> memref<128x32xf32, #tpu.memory_space<vmem>>
    tpu.enqueue_dma source(%dma_start3A_94 : memref<128x32xf32, #tpu.memory_space<vmem>>) target(%dma_start3A_90 : memref<128x32xf32, #tpu.memory_space<vmem_shared>>) target_semaphore(%dma_start3A_88 : memref<!tpu.dma_semaphore, #tpu.memory_space<semaphore_mem>>)
    %mul3A_95 = arith.constant 632 : i32
    %mul3A_96 = arith.muli %arg1, %mul3A_95 : i32
    %add3A_97 = arith.constant 384 : i32
    %add3A_98 = arith.addi %mul3A_96, %add3A_97 : i32
    %dma_start3A_99 = arith.constant 0 : i32
    %dma_start3A_100 = arith.constant 3 : i32
    %dma_start3A_101 = arith.constant 0 : i32
    %dma_start3A_102 = arith.constant 0 : i32
    %dma_start3A_103 = tpu.memref_slice %arg8[%dma_start3A_99, %dma_start3A_101, %dma_start3A_102] : memref<10x128x32xf32, #tpu.memory_space<vmem>> -> memref<1x128x32xf32, #tpu.memory_space<vmem>>
    %dma_start3A_104 = tpu.memref_squeeze %dma_start3A_103 : memref<1x128x32xf32, #tpu.memory_space<vmem>> -> memref<128x32xf32, #tpu.memory_space<vmem>>
    %dma_start3A_105 = arith.constant 0 : i32
    %dma_start3A_106 = tpu.memref_slice %arg9[%add3A_98, %dma_start3A_105] : memref<10112x32xf32, #tpu.memory_space<vmem_shared>> -> memref<128x32xf32, #tpu.memory_space<vmem_shared>>
    %dma_start3A_107 = tpu.memref_slice %arg13[%dma_start3A_100] : memref<8x!tpu.dma_semaphore, #tpu.memory_space<semaphore_mem>> -> memref<1x!tpu.dma_semaphore, #tpu.memory_space<semaphore_mem>>
    %dma_start3A_108 = tpu.memref_squeeze %dma_start3A_107 : memref<1x!tpu.dma_semaphore, #tpu.memory_space<semaphore_mem>> -> memref<!tpu.dma_semaphore, #tpu.memory_space<semaphore_mem>>
    %dma_start3A_109 = arith.constant 0 : i32
    %dma_start3A_110 = tpu.memref_slice %arg9[%add3A_98, %dma_start3A_109] : memref<10112x32xf32, #tpu.memory_space<vmem_shared>> -> memref<128x32xf32, #tpu.memory_space<vmem_shared>>
    %dma_start3A_111 = arith.constant 0 : i32
    %dma_start3A_112 = arith.constant 0 : i32
    %dma_start3A_113 = tpu.memref_slice %arg8[%dma_start3A_99, %dma_start3A_111, %dma_start3A_112] : memref<10x128x32xf32, #tpu.memory_space<vmem>> -> memref<1x128x32xf32, #tpu.memory_space<vmem>>
    %dma_start3A_114 = tpu.memref_squeeze %dma_start3A_113 : memref<1x128x32xf32, #tpu.memory_space<vmem>> -> memref<128x32xf32, #tpu.memory_space<vmem>>
    tpu.enqueue_dma source(%dma_start3A_114 : memref<128x32xf32, #tpu.memory_space<vmem>>) target(%dma_start3A_110 : memref<128x32xf32, #tpu.memory_space<vmem_shared>>) target_semaphore(%dma_start3A_108 : memref<!tpu.dma_semaphore, #tpu.memory_space<semaphore_mem>>)
    %mul3A_115 = arith.constant 632 : i32
    %mul3A_116 = arith.muli %arg1, %mul3A_115 : i32
    %add3A_117 = arith.constant 512 : i32
    %add3A_118 = arith.addi %mul3A_116, %add3A_117 : i32
    %dma_start3A_119 = arith.constant 0 : i32
    %dma_start3A_120 = arith.constant 4 : i32
    %dma_start3A_121 = arith.constant 0 : i32
    %dma_start3A_122 = arith.constant 0 : i32
    %dma_start3A_123 = tpu.memref_slice %arg8[%dma_start3A_119, %dma_start3A_121, %dma_start3A_122] : memref<10x128x32xf32, #tpu.memory_space<vmem>> -> memref<1x128x32xf32, #tpu.memory_space<vmem>>
    %dma_start3A_124 = tpu.memref_squeeze %dma_start3A_123 : memref<1x128x32xf32, #tpu.memory_space<vmem>> -> memref<128x32xf32, #tpu.memory_space<vmem>>
    %dma_start3A_125 = arith.constant 0 : i32
    %dma_start3A_126 = arith.constant 0 : i32
    %dma_start3A_127 = tpu.memref_slice %dma_start3A_124[%dma_start3A_125, %dma_start3A_126] : memref<128x32xf32, #tpu.memory_space<vmem>> -> memref<120x32xf32, #tpu.memory_space<vmem>>
    %dma_start3A_128 = arith.constant 0 : i32
    %dma_start3A_129 = tpu.memref_slice %arg9[%add3A_118, %dma_start3A_128] : memref<10112x32xf32, #tpu.memory_space<vmem_shared>> -> memref<120x32xf32, #tpu.memory_space<vmem_shared>>
    %dma_start3A_130 = tpu.memref_slice %arg13[%dma_start3A_120] : memref<8x!tpu.dma_semaphore, #tpu.memory_space<semaphore_mem>> -> memref<1x!tpu.dma_semaphore, #tpu.memory_space<semaphore_mem>>
    %dma_start3A_131 = tpu.memref_squeeze %dma_start3A_130 : memref<1x!tpu.dma_semaphore, #tpu.memory_space<semaphore_mem>> -> memref<!tpu.dma_semaphore, #tpu.memory_space<semaphore_mem>>
    %dma_start3A_132 = arith.constant 0 : i32
    %dma_start3A_133 = tpu.memref_slice %arg9[%add3A_118, %dma_start3A_132] : memref<10112x32xf32, #tpu.memory_space<vmem_shared>> -> memref<120x32xf32, #tpu.memory_space<vmem_shared>>
    %dma_start3A_134 = arith.constant 0 : i32
    %dma_start3A_135 = arith.constant 0 : i32
    %dma_start3A_136 = tpu.memref_slice %arg8[%dma_start3A_119, %dma_start3A_134, %dma_start3A_135] : memref<10x128x32xf32, #tpu.memory_space<vmem>> -> memref<1x128x32xf32, #tpu.memory_space<vmem>>
    %dma_start3A_137 = tpu.memref_squeeze %dma_start3A_136 : memref<1x128x32xf32, #tpu.memory_space<vmem>> -> memref<128x32xf32, #tpu.memory_space<vmem>>
    %dma_start3A_138 = arith.constant 0 : i32
    %dma_start3A_139 = arith.constant 0 : i32
    %dma_start3A_140 = tpu.memref_slice %dma_start3A_137[%dma_start3A_138, %dma_start3A_139] : memref<128x32xf32, #tpu.memory_space<vmem>> -> memref<120x32xf32, #tpu.memory_space<vmem>>
    tpu.enqueue_dma source(%dma_start3A_140 : memref<120x32xf32, #tpu.memory_space<vmem>>) target(%dma_start3A_133 : memref<120x32xf32, #tpu.memory_space<vmem_shared>>) target_semaphore(%dma_start3A_131 : memref<!tpu.dma_semaphore, #tpu.memory_space<semaphore_mem>>)
    %mul3A_141 = arith.constant 632 : i32
    %mul3A_142 = arith.muli %arg1, %mul3A_141 : i32
    %add3A_143 = arith.constant 0 : i32
    %add3A_144 = arith.addi %mul3A_142, %add3A_143 : i32
    %dma_wait3A = arith.constant 0 : i32
    %dma_wait3A_145 = arith.constant 0 : i32
    %dma_wait3A_146 = arith.constant 0 : i32
    %dma_wait3A_147 = arith.constant 0 : i32
    %dma_wait3A_148 = tpu.memref_slice %arg8[%dma_wait3A, %dma_wait3A_146, %dma_wait3A_147] : memref<10x128x32xf32, #tpu.memory_space<vmem>> -> memref<1x128x32xf32, #tpu.memory_space<vmem>>
    %dma_wait3A_149 = tpu.memref_squeeze %dma_wait3A_148 : memref<1x128x32xf32, #tpu.memory_space<vmem>> -> memref<128x32xf32, #tpu.memory_space<vmem>>
    %dma_wait3A_150 = arith.constant 0 : i32
    %dma_wait3A_151 = tpu.memref_slice %arg9[%add3A_144, %dma_wait3A_150] : memref<10112x32xf32, #tpu.memory_space<vmem_shared>> -> memref<128x32xf32, #tpu.memory_space<vmem_shared>>
    %dma_wait3A_152 = tpu.memref_slice %arg13[%dma_wait3A_145] : memref<8x!tpu.dma_semaphore, #tpu.memory_space<semaphore_mem>> -> memref<1x!tpu.dma_semaphore, #tpu.memory_space<semaphore_mem>>
    %dma_wait3A_153 = tpu.memref_squeeze %dma_wait3A_152 : memref<1x!tpu.dma_semaphore, #tpu.memory_space<semaphore_mem>> -> memref<!tpu.dma_semaphore, #tpu.memory_space<semaphore_mem>>
    %dma_wait3A_154 = arith.constant 0 : i32
    %dma_wait3A_155 = tpu.memref_slice %arg9[%add3A_144, %dma_wait3A_154] : memref<10112x32xf32, #tpu.memory_space<vmem_shared>> -> memref<128x32xf32, #tpu.memory_space<vmem_shared>>
    %dma_wait3A_156 = arith.constant 0 : i32
    %dma_wait3A_157 = arith.constant 0 : i32
    %dma_wait3A_158 = tpu.memref_slice %arg8[%dma_wait3A, %dma_wait3A_156, %dma_wait3A_157] : memref<10x128x32xf32, #tpu.memory_space<vmem>> -> memref<1x128x32xf32, #tpu.memory_space<vmem>>
    %dma_wait3A_159 = tpu.memref_squeeze %dma_wait3A_158 : memref<1x128x32xf32, #tpu.memory_space<vmem>> -> memref<128x32xf32, #tpu.memory_space<vmem>>
    tpu.wait_dma2 semaphore(%dma_wait3A_153 : memref<!tpu.dma_semaphore, #tpu.memory_space<semaphore_mem>>) src(%dma_wait3A_159 : memref<128x32xf32, #tpu.memory_space<vmem>>) dst(%dma_wait3A_155 : memref<128x32xf32, #tpu.memory_space<vmem_shared>>)
    %mul3A_160 = arith.constant 632 : i32
    %mul3A_161 = arith.muli %arg1, %mul3A_160 : i32
    %add3A_162 = arith.constant 128 : i32
    %add3A_163 = arith.addi %mul3A_161, %add3A_162 : i32
    %dma_wait3A_164 = arith.constant 0 : i32
    %dma_wait3A_165 = arith.constant 1 : i32
    %dma_wait3A_166 = arith.constant 0 : i32
    %dma_wait3A_167 = arith.constant 0 : i32
    %dma_wait3A_168 = tpu.memref_slice %arg8[%dma_wait3A_164, %dma_wait3A_166, %dma_wait3A_167] : memref<10x128x32xf32, #tpu.memory_space<vmem>> -> memref<1x128x32xf32, #tpu.memory_space<vmem>>
    %dma_wait3A_169 = tpu.memref_squeeze %dma_wait3A_168 : memref<1x128x32xf32, #tpu.memory_space<vmem>> -> memref<128x32xf32, #tpu.memory_space<vmem>>
    %dma_wait3A_170 = arith.constant 0 : i32
    %dma_wait3A_171 = tpu.memref_slice %arg9[%add3A_163, %dma_wait3A_170] : memref<10112x32xf32, #tpu.memory_space<vmem_shared>> -> memref<128x32xf32, #tpu.memory_space<vmem_shared>>
    %dma_wait3A_172 = tpu.memref_slice %arg13[%dma_wait3A_165] : memref<8x!tpu.dma_semaphore, #tpu.memory_space<semaphore_mem>> -> memref<1x!tpu.dma_semaphore, #tpu.memory_space<semaphore_mem>>
    %dma_wait3A_173 = tpu.memref_squeeze %dma_wait3A_172 : memref<1x!tpu.dma_semaphore, #tpu.memory_space<semaphore_mem>> -> memref<!tpu.dma_semaphore, #tpu.memory_space<semaphore_mem>>
    %dma_wait3A_174 = arith.constant 0 : i32
    %dma_wait3A_175 = tpu.memref_slice %arg9[%add3A_163, %dma_wait3A_174] : memref<10112x32xf32, #tpu.memory_space<vmem_shared>> -> memref<128x32xf32, #tpu.memory_space<vmem_shared>>
    %dma_wait3A_176 = arith.constant 0 : i32
    %dma_wait3A_177 = arith.constant 0 : i32
    %dma_wait3A_178 = tpu.memref_slice %arg8[%dma_wait3A_164, %dma_wait3A_176, %dma_wait3A_177] : memref<10x128x32xf32, #tpu.memory_space<vmem>> -> memref<1x128x32xf32, #tpu.memory_space<vmem>>
    %dma_wait3A_179 = tpu.memref_squeeze %dma_wait3A_178 : memref<1x128x32xf32, #tpu.memory_space<vmem>> -> memref<128x32xf32, #tpu.memory_space<vmem>>
    tpu.wait_dma2 semaphore(%dma_wait3A_173 : memref<!tpu.dma_semaphore, #tpu.memory_space<semaphore_mem>>) src(%dma_wait3A_179 : memref<128x32xf32, #tpu.memory_space<vmem>>) dst(%dma_wait3A_175 : memref<128x32xf32, #tpu.memory_space<vmem_shared>>)
    %mul3A_180 = arith.constant 632 : i32
    %mul3A_181 = arith.muli %arg1, %mul3A_180 : i32
    %add3A_182 = arith.constant 256 : i32
    %add3A_183 = arith.addi %mul3A_181, %add3A_182 : i32
    %dma_wait3A_184 = arith.constant 0 : i32
    %dma_wait3A_185 = arith.constant 2 : i32
    %dma_wait3A_186 = arith.constant 0 : i32
    %dma_wait3A_187 = arith.constant 0 : i32
    %dma_wait3A_188 = tpu.memref_slice %arg8[%dma_wait3A_184, %dma_wait3A_186, %dma_wait3A_187] : memref<10x128x32xf32, #tpu.memory_space<vmem>> -> memref<1x128x32xf32, #tpu.memory_space<vmem>>
    %dma_wait3A_189 = tpu.memref_squeeze %dma_wait3A_188 : memref<1x128x32xf32, #tpu.memory_space<vmem>> -> memref<128x32xf32, #tpu.memory_space<vmem>>
    %dma_wait3A_190 = arith.constant 0 : i32
    %dma_wait3A_191 = tpu.memref_slice %arg9[%add3A_183, %dma_wait3A_190] : memref<10112x32xf32, #tpu.memory_space<vmem_shared>> -> memref<128x32xf32, #tpu.memory_space<vmem_shared>>
    %dma_wait3A_192 = tpu.memref_slice %arg13[%dma_wait3A_185] : memref<8x!tpu.dma_semaphore, #tpu.memory_space<semaphore_mem>> -> memref<1x!tpu.dma_semaphore, #tpu.memory_space<semaphore_mem>>
    %dma_wait3A_193 = tpu.memref_squeeze %dma_wait3A_192 : memref<1x!tpu.dma_semaphore, #tpu.memory_space<semaphore_mem>> -> memref<!tpu.dma_semaphore, #tpu.memory_space<semaphore_mem>>
    %dma_wait3A_194 = arith.constant 0 : i32
    %dma_wait3A_195 = tpu.memref_slice %arg9[%add3A_183, %dma_wait3A_194] : memref<10112x32xf32, #tpu.memory_space<vmem_shared>> -> memref<128x32xf32, #tpu.memory_space<vmem_shared>>
    %dma_wait3A_196 = arith.constant 0 : i32
    %dma_wait3A_197 = arith.constant 0 : i32
    %dma_wait3A_198 = tpu.memref_slice %arg8[%dma_wait3A_184, %dma_wait3A_196, %dma_wait3A_197] : memref<10x128x32xf32, #tpu.memory_space<vmem>> -> memref<1x128x32xf32, #tpu.memory_space<vmem>>
    %dma_wait3A_199 = tpu.memref_squeeze %dma_wait3A_198 : memref<1x128x32xf32, #tpu.memory_space<vmem>> -> memref<128x32xf32, #tpu.memory_space<vmem>>
    tpu.wait_dma2 semaphore(%dma_wait3A_193 : memref<!tpu.dma_semaphore, #tpu.memory_space<semaphore_mem>>) src(%dma_wait3A_199 : memref<128x32xf32, #tpu.memory_space<vmem>>) dst(%dma_wait3A_195 : memref<128x32xf32, #tpu.memory_space<vmem_shared>>)
    %mul3A_200 = arith.constant 632 : i32
    %mul3A_201 = arith.muli %arg1, %mul3A_200 : i32
    %add3A_202 = arith.constant 384 : i32
    %add3A_203 = arith.addi %mul3A_201, %add3A_202 : i32
    %dma_wait3A_204 = arith.constant 0 : i32
    %dma_wait3A_205 = arith.constant 3 : i32
    %dma_wait3A_206 = arith.constant 0 : i32
    %dma_wait3A_207 = arith.constant 0 : i32
    %dma_wait3A_208 = tpu.memref_slice %arg8[%dma_wait3A_204, %dma_wait3A_206, %dma_wait3A_207] : memref<10x128x32xf32, #tpu.memory_space<vmem>> -> memref<1x128x32xf32, #tpu.memory_space<vmem>>
    %dma_wait3A_209 = tpu.memref_squeeze %dma_wait3A_208 : memref<1x128x32xf32, #tpu.memory_space<vmem>> -> memref<128x32xf32, #tpu.memory_space<vmem>>
    %dma_wait3A_210 = arith.constant 0 : i32
    %dma_wait3A_211 = tpu.memref_slice %arg9[%add3A_203, %dma_wait3A_210] : memref<10112x32xf32, #tpu.memory_space<vmem_shared>> -> memref<128x32xf32, #tpu.memory_space<vmem_shared>>
    %dma_wait3A_212 = tpu.memref_slice %arg13[%dma_wait3A_205] : memref<8x!tpu.dma_semaphore, #tpu.memory_space<semaphore_mem>> -> memref<1x!tpu.dma_semaphore, #tpu.memory_space<semaphore_mem>>
    %dma_wait3A_213 = tpu.memref_squeeze %dma_wait3A_212 : memref<1x!tpu.dma_semaphore, #tpu.memory_space<semaphore_mem>> -> memref<!tpu.dma_semaphore, #tpu.memory_space<semaphore_mem>>
    %dma_wait3A_214 = arith.constant 0 : i32
    %dma_wait3A_215 = tpu.memref_slice %arg9[%add3A_203, %dma_wait3A_214] : memref<10112x32xf32, #tpu.memory_space<vmem_shared>> -> memref<128x32xf32, #tpu.memory_space<vmem_shared>>
    %dma_wait3A_216 = arith.constant 0 : i32
    %dma_wait3A_217 = arith.constant 0 : i32
    %dma_wait3A_218 = tpu.memref_slice %arg8[%dma_wait3A_204, %dma_wait3A_216, %dma_wait3A_217] : memref<10x128x32xf32, #tpu.memory_space<vmem>> -> memref<1x128x32xf32, #tpu.memory_space<vmem>>
    %dma_wait3A_219 = tpu.memref_squeeze %dma_wait3A_218 : memref<1x128x32xf32, #tpu.memory_space<vmem>> -> memref<128x32xf32, #tpu.memory_space<vmem>>
    tpu.wait_dma2 semaphore(%dma_wait3A_213 : memref<!tpu.dma_semaphore, #tpu.memory_space<semaphore_mem>>) src(%dma_wait3A_219 : memref<128x32xf32, #tpu.memory_space<vmem>>) dst(%dma_wait3A_215 : memref<128x32xf32, #tpu.memory_space<vmem_shared>>)
    %mul3A_220 = arith.constant 632 : i32
    %mul3A_221 = arith.muli %arg1, %mul3A_220 : i32
    %add3A_222 = arith.constant 512 : i32
    %add3A_223 = arith.addi %mul3A_221, %add3A_222 : i32
    %dma_wait3A_224 = arith.constant 0 : i32
    %dma_wait3A_225 = arith.constant 4 : i32
    %dma_wait3A_226 = arith.constant 0 : i32
    %dma_wait3A_227 = arith.constant 0 : i32
    %dma_wait3A_228 = tpu.memref_slice %arg8[%dma_wait3A_224, %dma_wait3A_226, %dma_wait3A_227] : memref<10x128x32xf32, #tpu.memory_space<vmem>> -> memref<1x128x32xf32, #tpu.memory_space<vmem>>
    %dma_wait3A_229 = tpu.memref_squeeze %dma_wait3A_228 : memref<1x128x32xf32, #tpu.memory_space<vmem>> -> memref<128x32xf32, #tpu.memory_space<vmem>>
    %dma_wait3A_230 = arith.constant 0 : i32
    %dma_wait3A_231 = arith.constant 0 : i32
    %dma_wait3A_232 = tpu.memref_slice %dma_wait3A_229[%dma_wait3A_230, %dma_wait3A_231] : memref<128x32xf32, #tpu.memory_space<vmem>> -> memref<120x32xf32, #tpu.memory_space<vmem>>
    %dma_wait3A_233 = arith.constant 0 : i32
    %dma_wait3A_234 = tpu.memref_slice %arg9[%add3A_223, %dma_wait3A_233] : memref<10112x32xf32, #tpu.memory_space<vmem_shared>> -> memref<120x32xf32, #tpu.memory_space<vmem_shared>>
    %dma_wait3A_235 = tpu.memref_slice %arg13[%dma_wait3A_225] : memref<8x!tpu.dma_semaphore, #tpu.memory_space<semaphore_mem>> -> memref<1x!tpu.dma_semaphore, #tpu.memory_space<semaphore_mem>>
    %dma_wait3A_236 = tpu.memref_squeeze %dma_wait3A_235 : memref<1x!tpu.dma_semaphore, #tpu.memory_space<semaphore_mem>> -> memref<!tpu.dma_semaphore, #tpu.memory_space<semaphore_mem>>
    %dma_wait3A_237 = arith.constant 0 : i32
    %dma_wait3A_238 = tpu.memref_slice %arg9[%add3A_223, %dma_wait3A_237] : memref<10112x32xf32, #tpu.memory_space<vmem_shared>> -> memref<120x32xf32, #tpu.memory_space<vmem_shared>>
    %dma_wait3A_239 = arith.constant 0 : i32
    %dma_wait3A_240 = arith.constant 0 : i32
    %dma_wait3A_241 = tpu.memref_slice %arg8[%dma_wait3A_224, %dma_wait3A_239, %dma_wait3A_240] : memref<10x128x32xf32, #tpu.memory_space<vmem>> -> memref<1x128x32xf32, #tpu.memory_space<vmem>>
    %dma_wait3A_242 = tpu.memref_squeeze %dma_wait3A_241 : memref<1x128x32xf32, #tpu.memory_space<vmem>> -> memref<128x32xf32, #tpu.memory_space<vmem>>
    %dma_wait3A_243 = arith.constant 0 : i32
    %dma_wait3A_244 = arith.constant 0 : i32
    %dma_wait3A_245 = tpu.memref_slice %dma_wait3A_242[%dma_wait3A_243, %dma_wait3A_244] : memref<128x32xf32, #tpu.memory_space<vmem>> -> memref<120x32xf32, #tpu.memory_space<vmem>>
    tpu.wait_dma2 semaphore(%dma_wait3A_236 : memref<!tpu.dma_semaphore, #tpu.memory_space<semaphore_mem>>) src(%dma_wait3A_245 : memref<120x32xf32, #tpu.memory_space<vmem>>) dst(%dma_wait3A_238 : memref<120x32xf32, #tpu.memory_space<vmem_shared>>)
    %dma_wait3A_246 = arith.constant 5 : i32
    %dma_wait3A_247 = tpu.memref_slice %arg13[%dma_wait3A_246] : memref<8x!tpu.dma_semaphore, #tpu.memory_space<semaphore_mem>> -> memref<1x!tpu.dma_semaphore, #tpu.memory_space<semaphore_mem>>
    %dma_wait3A_248 = tpu.memref_squeeze %dma_wait3A_247 : memref<1x!tpu.dma_semaphore, #tpu.memory_space<semaphore_mem>> -> memref<!tpu.dma_semaphore, #tpu.memory_space<semaphore_mem>>
    %dma_wait3A_249 = arith.constant 0 : i32
    %dma_wait3A_250 = tpu.memref_slice %arg10[%mul3A_21, %dma_wait3A_249] : memref<10000x32xf32, #tpu.memory_space<vmem_shared>> -> memref<625x32xf32, #tpu.memory_space<vmem_shared>>
    %dma_wait3A_251 = arith.constant 0 : i32
    %dma_wait3A_252 = tpu.memref_slice %arg4[%mul3A_19, %dma_wait3A_251] : memref<10000x32xf32, #tpu.memory_space<hbm>> -> memref<625x32xf32, #tpu.memory_space<hbm>>
    tpu.wait_dma2 semaphore(%dma_wait3A_248 : memref<!tpu.dma_semaphore, #tpu.memory_space<semaphore_mem>>) src(%dma_wait3A_252 : memref<625x32xf32, #tpu.memory_space<hbm>>) dst(%dma_wait3A_250 : memref<625x32xf32, #tpu.memory_space<vmem_shared>>)
    %dma_wait3A_253 = arith.constant 6 : i32
    %dma_wait3A_254 = arith.constant 0 : i32
    %dma_wait3A_255 = tpu.memref_slice %arg2[%mul3A_2, %dma_wait3A_254] : memref<2560x128xi32, #tpu.memory_space<hbm>> -> memref<80x128xi32, #tpu.memory_space<hbm>>
    %dma_wait3A_256 = tpu.memref_slice %arg13[%dma_wait3A_253] : memref<8x!tpu.dma_semaphore, #tpu.memory_space<semaphore_mem>> -> memref<1x!tpu.dma_semaphore, #tpu.memory_space<semaphore_mem>>
    %dma_wait3A_257 = tpu.memref_squeeze %dma_wait3A_256 : memref<1x!tpu.dma_semaphore, #tpu.memory_space<semaphore_mem>> -> memref<!tpu.dma_semaphore, #tpu.memory_space<semaphore_mem>>
    %dma_wait3A_258 = arith.constant 0 : i32
    %dma_wait3A_259 = tpu.memref_slice %arg2[%mul3A_2, %dma_wait3A_258] : memref<2560x128xi32, #tpu.memory_space<hbm>> -> memref<80x128xi32, #tpu.memory_space<hbm>>
    tpu.wait_dma2 semaphore(%dma_wait3A_257 : memref<!tpu.dma_semaphore, #tpu.memory_space<semaphore_mem>>) src(%dma_wait3A_259 : memref<80x128xi32, #tpu.memory_space<hbm>>) dst(%arg6 : memref<80x128xi32, #tpu.memory_space<vmem>>)
    %dma_wait3A_260 = arith.constant 7 : i32
    %dma_wait3A_261 = arith.constant 0 : i32
    %dma_wait3A_262 = tpu.memref_slice %arg3[%mul3A_10, %dma_wait3A_261] : memref<2560x128xi32, #tpu.memory_space<hbm>> -> memref<80x128xi32, #tpu.memory_space<hbm>>
    %dma_wait3A_263 = tpu.memref_slice %arg13[%dma_wait3A_260] : memref<8x!tpu.dma_semaphore, #tpu.memory_space<semaphore_mem>> -> memref<1x!tpu.dma_semaphore, #tpu.memory_space<semaphore_mem>>
    %dma_wait3A_264 = tpu.memref_squeeze %dma_wait3A_263 : memref<1x!tpu.dma_semaphore, #tpu.memory_space<semaphore_mem>> -> memref<!tpu.dma_semaphore, #tpu.memory_space<semaphore_mem>>
    %dma_wait3A_265 = arith.constant 0 : i32
    %dma_wait3A_266 = tpu.memref_slice %arg3[%mul3A_10, %dma_wait3A_265] : memref<2560x128xi32, #tpu.memory_space<hbm>> -> memref<80x128xi32, #tpu.memory_space<hbm>>
    tpu.wait_dma2 semaphore(%dma_wait3A_264 : memref<!tpu.dma_semaphore, #tpu.memory_space<semaphore_mem>>) src(%dma_wait3A_266 : memref<80x128xi32, #tpu.memory_space<hbm>>) dst(%arg7 : memref<80x128xi32, #tpu.memory_space<vmem>>)
    %barrier3A = arith.constant 0 : index
    tpu.barrier barrier_id(%barrier3A)
    %dma_start3A_267 = arith.constant 0 : i32
    %dma_start3A_268 = arith.constant 0 : i32
    %dma_start3A_269 = arith.constant 0 : i32
    %dma_start3A_270 = arith.constant 0 : i32
    %dma_start3A_271 = arith.constant 0 : i32
    %dma_start3A_272 = tpu.memref_slice %arg8[%dma_start3A_268, %dma_start3A_270, %dma_start3A_271] : memref<10x128x32xf32, #tpu.memory_space<vmem>> -> memref<1x128x32xf32, #tpu.memory_space<vmem>>
    %dma_start3A_273 = tpu.memref_squeeze %dma_start3A_272 : memref<1x128x32xf32, #tpu.memory_space<vmem>> -> memref<128x32xf32, #tpu.memory_space<vmem>>
    %dma_start3A_274 = arith.constant 0 : i32
    %dma_start3A_275 = tpu.memref_slice %arg6[%dma_start3A_267, %dma_start3A_274] : memref<80x128xi32, #tpu.memory_space<vmem>> -> memref<1x128xi32, #tpu.memory_space<vmem>>
    %dma_start3A_276 = tpu.memref_squeeze %dma_start3A_275 : memref<1x128xi32, #tpu.memory_space<vmem>> -> memref<128xi32, #tpu.memory_space<vmem>>
    %dma_start3A_277 = arith.constant 0 : i32
    %dma_start3A_278 = arith.constant 0 : i32
    %dma_start3A_279 = tpu.memref_slice %arg10[%dma_start3A_277, %dma_start3A_278] : memref<10000x32xf32, #tpu.memory_space<vmem_shared>> -> memref<10000x32xf32, #tpu.memory_space<vmem_shared>>
    %dma_start3A_280 = tpu.memref_slice %arg11[%dma_start3A_269] : memref<10x!tpu.dma_semaphore, #tpu.memory_space<semaphore_mem>> -> memref<1x!tpu.dma_semaphore, #tpu.memory_space<semaphore_mem>>
    %dma_start3A_281 = tpu.memref_squeeze %dma_start3A_280 : memref<1x!tpu.dma_semaphore, #tpu.memory_space<semaphore_mem>> -> memref<!tpu.dma_semaphore, #tpu.memory_space<semaphore_mem>>
    tpu.enqueue_indirect_dma source(%dma_start3A_279 : memref<10000x32xf32, #tpu.memory_space<vmem_shared>>) target(%dma_start3A_273 : memref<128x32xf32, #tpu.memory_space<vmem>>) offsets(%dma_start3A_276 : memref<128xi32, #tpu.memory_space<vmem>>) semaphore(%dma_start3A_281 : memref<!tpu.dma_semaphore, #tpu.memory_space<semaphore_mem>>)
    %dma_start3A_282 = arith.constant 1 : i32
    %dma_start3A_283 = arith.constant 1 : i32
    %dma_start3A_284 = arith.constant 1 : i32
    %dma_start3A_285 = arith.constant 0 : i32
    %dma_start3A_286 = arith.constant 0 : i32
    %dma_start3A_287 = tpu.memref_slice %arg8[%dma_start3A_283, %dma_start3A_285, %dma_start3A_286] : memref<10x128x32xf32, #tpu.memory_space<vmem>> -> memref<1x128x32xf32, #tpu.memory_space<vmem>>
    %dma_start3A_288 = tpu.memref_squeeze %dma_start3A_287 : memref<1x128x32xf32, #tpu.memory_space<vmem>> -> memref<128x32xf32, #tpu.memory_space<vmem>>
    %dma_start3A_289 = arith.constant 0 : i32
    %dma_start3A_290 = tpu.memref_slice %arg6[%dma_start3A_282, %dma_start3A_289] : memref<80x128xi32, #tpu.memory_space<vmem>> -> memref<1x128xi32, #tpu.memory_space<vmem>>
    %dma_start3A_291 = tpu.memref_squeeze %dma_start3A_290 : memref<1x128xi32, #tpu.memory_space<vmem>> -> memref<128xi32, #tpu.memory_space<vmem>>
    %dma_start3A_292 = arith.constant 0 : i32
    %dma_start3A_293 = arith.constant 0 : i32
    %dma_start3A_294 = tpu.memref_slice %arg10[%dma_start3A_292, %dma_start3A_293] : memref<10000x32xf32, #tpu.memory_space<vmem_shared>> -> memref<10000x32xf32, #tpu.memory_space<vmem_shared>>
    %dma_start3A_295 = tpu.memref_slice %arg11[%dma_start3A_284] : memref<10x!tpu.dma_semaphore, #tpu.memory_space<semaphore_mem>> -> memref<1x!tpu.dma_semaphore, #tpu.memory_space<semaphore_mem>>
    %dma_start3A_296 = tpu.memref_squeeze %dma_start3A_295 : memref<1x!tpu.dma_semaphore, #tpu.memory_space<semaphore_mem>> -> memref<!tpu.dma_semaphore, #tpu.memory_space<semaphore_mem>>
    tpu.enqueue_indirect_dma source(%dma_start3A_294 : memref<10000x32xf32, #tpu.memory_space<vmem_shared>>) target(%dma_start3A_288 : memref<128x32xf32, #tpu.memory_space<vmem>>) offsets(%dma_start3A_291 : memref<128xi32, #tpu.memory_space<vmem>>) semaphore(%dma_start3A_296 : memref<!tpu.dma_semaphore, #tpu.memory_space<semaphore_mem>>)
    %dma_start3A_297 = arith.constant 2 : i32
    %dma_start3A_298 = arith.constant 2 : i32
    %dma_start3A_299 = arith.constant 2 : i32
    %dma_start3A_300 = arith.constant 0 : i32
    %dma_start3A_301 = arith.constant 0 : i32
    %dma_start3A_302 = tpu.memref_slice %arg8[%dma_start3A_298, %dma_start3A_300, %dma_start3A_301] : memref<10x128x32xf32, #tpu.memory_space<vmem>> -> memref<1x128x32xf32, #tpu.memory_space<vmem>>
    %dma_start3A_303 = tpu.memref_squeeze %dma_start3A_302 : memref<1x128x32xf32, #tpu.memory_space<vmem>> -> memref<128x32xf32, #tpu.memory_space<vmem>>
    %dma_start3A_304 = arith.constant 0 : i32
    %dma_start3A_305 = tpu.memref_slice %arg6[%dma_start3A_297, %dma_start3A_304] : memref<80x128xi32, #tpu.memory_space<vmem>> -> memref<1x128xi32, #tpu.memory_space<vmem>>
    %dma_start3A_306 = tpu.memref_squeeze %dma_start3A_305 : memref<1x128xi32, #tpu.memory_space<vmem>> -> memref<128xi32, #tpu.memory_space<vmem>>
    %dma_start3A_307 = arith.constant 0 : i32
    %dma_start3A_308 = arith.constant 0 : i32
    %dma_start3A_309 = tpu.memref_slice %arg10[%dma_start3A_307, %dma_start3A_308] : memref<10000x32xf32, #tpu.memory_space<vmem_shared>> -> memref<10000x32xf32, #tpu.memory_space<vmem_shared>>
    %dma_start3A_310 = tpu.memref_slice %arg11[%dma_start3A_299] : memref<10x!tpu.dma_semaphore, #tpu.memory_space<semaphore_mem>> -> memref<1x!tpu.dma_semaphore, #tpu.memory_space<semaphore_mem>>
    %dma_start3A_311 = tpu.memref_squeeze %dma_start3A_310 : memref<1x!tpu.dma_semaphore, #tpu.memory_space<semaphore_mem>> -> memref<!tpu.dma_semaphore, #tpu.memory_space<semaphore_mem>>
    tpu.enqueue_indirect_dma source(%dma_start3A_309 : memref<10000x32xf32, #tpu.memory_space<vmem_shared>>) target(%dma_start3A_303 : memref<128x32xf32, #tpu.memory_space<vmem>>) offsets(%dma_start3A_306 : memref<128xi32, #tpu.memory_space<vmem>>) semaphore(%dma_start3A_311 : memref<!tpu.dma_semaphore, #tpu.memory_space<semaphore_mem>>)
    %dma_start3A_312 = arith.constant 3 : i32
    %dma_start3A_313 = arith.constant 3 : i32
    %dma_start3A_314 = arith.constant 3 : i32
    %dma_start3A_315 = arith.constant 0 : i32
    %dma_start3A_316 = arith.constant 0 : i32
    %dma_start3A_317 = tpu.memref_slice %arg8[%dma_start3A_313, %dma_start3A_315, %dma_start3A_316] : memref<10x128x32xf32, #tpu.memory_space<vmem>> -> memref<1x128x32xf32, #tpu.memory_space<vmem>>
    %dma_start3A_318 = tpu.memref_squeeze %dma_start3A_317 : memref<1x128x32xf32, #tpu.memory_space<vmem>> -> memref<128x32xf32, #tpu.memory_space<vmem>>
    %dma_start3A_319 = arith.constant 0 : i32
    %dma_start3A_320 = tpu.memref_slice %arg6[%dma_start3A_312, %dma_start3A_319] : memref<80x128xi32, #tpu.memory_space<vmem>> -> memref<1x128xi32, #tpu.memory_space<vmem>>
    %dma_start3A_321 = tpu.memref_squeeze %dma_start3A_320 : memref<1x128xi32, #tpu.memory_space<vmem>> -> memref<128xi32, #tpu.memory_space<vmem>>
    %dma_start3A_322 = arith.constant 0 : i32
    %dma_start3A_323 = arith.constant 0 : i32
    %dma_start3A_324 = tpu.memref_slice %arg10[%dma_start3A_322, %dma_start3A_323] : memref<10000x32xf32, #tpu.memory_space<vmem_shared>> -> memref<10000x32xf32, #tpu.memory_space<vmem_shared>>
    %dma_start3A_325 = tpu.memref_slice %arg11[%dma_start3A_314] : memref<10x!tpu.dma_semaphore, #tpu.memory_space<semaphore_mem>> -> memref<1x!tpu.dma_semaphore, #tpu.memory_space<semaphore_mem>>
    %dma_start3A_326 = tpu.memref_squeeze %dma_start3A_325 : memref<1x!tpu.dma_semaphore, #tpu.memory_space<semaphore_mem>> -> memref<!tpu.dma_semaphore, #tpu.memory_space<semaphore_mem>>
    tpu.enqueue_indirect_dma source(%dma_start3A_324 : memref<10000x32xf32, #tpu.memory_space<vmem_shared>>) target(%dma_start3A_318 : memref<128x32xf32, #tpu.memory_space<vmem>>) offsets(%dma_start3A_321 : memref<128xi32, #tpu.memory_space<vmem>>) semaphore(%dma_start3A_326 : memref<!tpu.dma_semaphore, #tpu.memory_space<semaphore_mem>>)
    %dma_start3A_327 = arith.constant 4 : i32
    %dma_start3A_328 = arith.constant 4 : i32
    %dma_start3A_329 = arith.constant 4 : i32
    %dma_start3A_330 = arith.constant 0 : i32
    %dma_start3A_331 = arith.constant 0 : i32
    %dma_start3A_332 = tpu.memref_slice %arg8[%dma_start3A_328, %dma_start3A_330, %dma_start3A_331] : memref<10x128x32xf32, #tpu.memory_space<vmem>> -> memref<1x128x32xf32, #tpu.memory_space<vmem>>
    %dma_start3A_333 = tpu.memref_squeeze %dma_start3A_332 : memref<1x128x32xf32, #tpu.memory_space<vmem>> -> memref<128x32xf32, #tpu.memory_space<vmem>>
    %dma_start3A_334 = arith.constant 0 : i32
    %dma_start3A_335 = tpu.memref_slice %arg6[%dma_start3A_327, %dma_start3A_334] : memref<80x128xi32, #tpu.memory_space<vmem>> -> memref<1x128xi32, #tpu.memory_space<vmem>>
    %dma_start3A_336 = tpu.memref_squeeze %dma_start3A_335 : memref<1x128xi32, #tpu.memory_space<vmem>> -> memref<128xi32, #tpu.memory_space<vmem>>
    %dma_start3A_337 = arith.constant 0 : i32
    %dma_start3A_338 = arith.constant 0 : i32
    %dma_start3A_339 = tpu.memref_slice %arg10[%dma_start3A_337, %dma_start3A_338] : memref<10000x32xf32, #tpu.memory_space<vmem_shared>> -> memref<10000x32xf32, #tpu.memory_space<vmem_shared>>
    %dma_start3A_340 = tpu.memref_slice %arg11[%dma_start3A_329] : memref<10x!tpu.dma_semaphore, #tpu.memory_space<semaphore_mem>> -> memref<1x!tpu.dma_semaphore, #tpu.memory_space<semaphore_mem>>
    %dma_start3A_341 = tpu.memref_squeeze %dma_start3A_340 : memref<1x!tpu.dma_semaphore, #tpu.memory_space<semaphore_mem>> -> memref<!tpu.dma_semaphore, #tpu.memory_space<semaphore_mem>>
    tpu.enqueue_indirect_dma source(%dma_start3A_339 : memref<10000x32xf32, #tpu.memory_space<vmem_shared>>) target(%dma_start3A_333 : memref<128x32xf32, #tpu.memory_space<vmem>>) offsets(%dma_start3A_336 : memref<128xi32, #tpu.memory_space<vmem>>) semaphore(%dma_start3A_341 : memref<!tpu.dma_semaphore, #tpu.memory_space<semaphore_mem>>)
    %scan3A_342 = arith.constant 0 : i32
    %scan3A_343 = arith.constant 8 : i32
    %scan3A_344 = arith.addi %scan3A_342, %scan3A_343 : i32
    %scan3A_345 = arith.constant 1 : i32
    scf.for %scan3A_502 = %scan3A_342 to %scan3A_344 step %scan3A_345  : i32 {
      %mul3A_503 = arith.constant 10 : i32
      %mul3A_504 = arith.muli %scan3A_502, %mul3A_503 : i32
      %add3A_505 = arith.constant 0 : i32
      %add3A_506 = arith.addi %add3A_505, %mul3A_504 : i32
      %add3A_507 = arith.constant 0 : i32
      %add3A_508 = arith.addi %add3A_506, %add3A_507 : i32
      %dma_wait3A_509 = arith.constant 0 : i32
      %dma_wait3A_510 = arith.constant 0 : i32
      %dma_wait3A_511 = arith.constant 0 : i32
      %dma_wait3A_512 = arith.constant 0 : i32
      %dma_wait3A_513 = tpu.memref_slice %arg8[%dma_wait3A_509, %dma_wait3A_511, %dma_wait3A_512] : memref<10x128x32xf32, #tpu.memory_space<vmem>> -> memref<1x128x32xf32, #tpu.memory_space<vmem>>
      %dma_wait3A_514 = tpu.memref_squeeze %dma_wait3A_513 : memref<1x128x32xf32, #tpu.memory_space<vmem>> -> memref<128x32xf32, #tpu.memory_space<vmem>>
      %dma_wait3A_515 = arith.constant 0 : i32
      %dma_wait3A_516 = tpu.memref_slice %arg6[%add3A_508, %dma_wait3A_515] : memref<80x128xi32, #tpu.memory_space<vmem>> -> memref<1x128xi32, #tpu.memory_space<vmem>>
      %dma_wait3A_517 = tpu.memref_squeeze %dma_wait3A_516 : memref<1x128xi32, #tpu.memory_space<vmem>> -> memref<128xi32, #tpu.memory_space<vmem>>
      %dma_wait3A_518 = arith.constant 0 : i32
      %dma_wait3A_519 = arith.constant 0 : i32
      %dma_wait3A_520 = tpu.memref_slice %arg10[%dma_wait3A_518, %dma_wait3A_519] : memref<10000x32xf32, #tpu.memory_space<vmem_shared>> -> memref<10000x32xf32, #tpu.memory_space<vmem_shared>>
      %dma_wait3A_521 = tpu.memref_slice %arg11[%dma_wait3A_510] : memref<10x!tpu.dma_semaphore, #tpu.memory_space<semaphore_mem>> -> memref<1x!tpu.dma_semaphore, #tpu.memory_space<semaphore_mem>>
      %dma_wait3A_522 = tpu.memref_squeeze %dma_wait3A_521 : memref<1x!tpu.dma_semaphore, #tpu.memory_space<semaphore_mem>> -> memref<!tpu.dma_semaphore, #tpu.memory_space<semaphore_mem>>
      tpu.wait_indirect_dma semaphore(%dma_wait3A_522 : memref<!tpu.dma_semaphore, #tpu.memory_space<semaphore_mem>>) src(%dma_wait3A_520 : memref<10000x32xf32, #tpu.memory_space<vmem_shared>>) dst(%dma_wait3A_514 : memref<128x32xf32, #tpu.memory_space<vmem>>)
      %dma_start3A_523 = arith.constant 0 : i32
      %dma_start3A_524 = arith.constant 0 : i32
      %dma_start3A_525 = arith.constant 0 : i32
      %dma_start3A_526 = arith.constant 0 : i32
      %dma_start3A_527 = tpu.memref_slice %arg8[%dma_start3A_523, %dma_start3A_525, %dma_start3A_526] : memref<10x128x32xf32, #tpu.memory_space<vmem>> -> memref<1x128x32xf32, #tpu.memory_space<vmem>>
      %dma_start3A_528 = tpu.memref_squeeze %dma_start3A_527 : memref<1x128x32xf32, #tpu.memory_space<vmem>> -> memref<128x32xf32, #tpu.memory_space<vmem>>
      %dma_start3A_529 = arith.constant 0 : i32
      %dma_start3A_530 = tpu.memref_slice %arg7[%add3A_508, %dma_start3A_529] : memref<80x128xi32, #tpu.memory_space<vmem>> -> memref<1x128xi32, #tpu.memory_space<vmem>>
      %dma_start3A_531 = tpu.memref_squeeze %dma_start3A_530 : memref<1x128xi32, #tpu.memory_space<vmem>> -> memref<128xi32, #tpu.memory_space<vmem>>
      %dma_start3A_532 = arith.constant 0 : i32
      %dma_start3A_533 = arith.constant 0 : i32
      %dma_start3A_534 = tpu.memref_slice %arg9[%dma_start3A_532, %dma_start3A_533] : memref<10112x32xf32, #tpu.memory_space<vmem_shared>> -> memref<10112x32xf32, #tpu.memory_space<vmem_shared>>
      %dma_start3A_535 = tpu.memref_slice %arg12[%dma_start3A_524] : memref<10x!tpu.dma_semaphore, #tpu.memory_space<semaphore_mem>> -> memref<1x!tpu.dma_semaphore, #tpu.memory_space<semaphore_mem>>
      %dma_start3A_536 = tpu.memref_squeeze %dma_start3A_535 : memref<1x!tpu.dma_semaphore, #tpu.memory_space<semaphore_mem>> -> memref<!tpu.dma_semaphore, #tpu.memory_space<semaphore_mem>>
      tpu.enqueue_indirect_dma source(%dma_start3A_528 : memref<128x32xf32, #tpu.memory_space<vmem>>) target(%dma_start3A_534 : memref<10112x32xf32, #tpu.memory_space<vmem_shared>>) offsets(%dma_start3A_531 : memref<128xi32, #tpu.memory_space<vmem>>) semaphore(%dma_start3A_536 : memref<!tpu.dma_semaphore, #tpu.memory_space<semaphore_mem>>) {add = true}
      %add3A_537 = arith.constant 5 : i32
      %add3A_538 = arith.addi %add3A_508, %add3A_537 : i32
      %lt3A = arith.constant 80 : i32
      %lt3A_539 = arith.cmpi slt, %add3A_538, %lt3A : i32
      %convert_element_type3A = arith.extui %lt3A_539 : i1 to i32
      %cond3A = arith.constant 0 : i32
      %cond3A_540 = arith.cmpi ne, %convert_element_type3A, %cond3A : i32
      scf.if %cond3A_540 {
        %ge3A = arith.constant 10 : i32
        %ge3A_874 = arith.cmpi sge, %add3A_538, %ge3A : i32
        %convert_element_type3A_875 = arith.extui %ge3A_874 : i1 to i32
        %cond3A_876 = arith.constant 0 : i32
        %cond3A_877 = arith.cmpi ne, %convert_element_type3A_875, %cond3A_876 : i32
        scf.if %cond3A_877 {
          %sub3A = arith.constant 10 : i32
          %sub3A_892 = arith.subi %add3A_538, %sub3A : i32
          %dma_wait3A_893 = arith.constant 5 : i32
          %dma_wait3A_894 = arith.constant 5 : i32
          %dma_wait3A_895 = arith.constant 0 : i32
          %dma_wait3A_896 = arith.constant 0 : i32
          %dma_wait3A_897 = tpu.memref_slice %arg8[%dma_wait3A_893, %dma_wait3A_895, %dma_wait3A_896] : memref<10x128x32xf32, #tpu.memory_space<vmem>> -> memref<1x128x32xf32, #tpu.memory_space<vmem>>
          %dma_wait3A_898 = tpu.memref_squeeze %dma_wait3A_897 : memref<1x128x32xf32, #tpu.memory_space<vmem>> -> memref<128x32xf32, #tpu.memory_space<vmem>>
          %dma_wait3A_899 = arith.constant 0 : i32
          %dma_wait3A_900 = tpu.memref_slice %arg7[%sub3A_892, %dma_wait3A_899] : memref<80x128xi32, #tpu.memory_space<vmem>> -> memref<1x128xi32, #tpu.memory_space<vmem>>
          %dma_wait3A_901 = tpu.memref_squeeze %dma_wait3A_900 : memref<1x128xi32, #tpu.memory_space<vmem>> -> memref<128xi32, #tpu.memory_space<vmem>>
          %dma_wait3A_902 = arith.constant 0 : i32
          %dma_wait3A_903 = arith.constant 0 : i32
          %dma_wait3A_904 = tpu.memref_slice %arg9[%dma_wait3A_902, %dma_wait3A_903] : memref<10112x32xf32, #tpu.memory_space<vmem_shared>> -> memref<10112x32xf32, #tpu.memory_space<vmem_shared>>
          %dma_wait3A_905 = tpu.memref_slice %arg12[%dma_wait3A_894] : memref<10x!tpu.dma_semaphore, #tpu.memory_space<semaphore_mem>> -> memref<1x!tpu.dma_semaphore, #tpu.memory_space<semaphore_mem>>
          %dma_wait3A_906 = tpu.memref_squeeze %dma_wait3A_905 : memref<1x!tpu.dma_semaphore, #tpu.memory_space<semaphore_mem>> -> memref<!tpu.dma_semaphore, #tpu.memory_space<semaphore_mem>>
          tpu.wait_indirect_dma semaphore(%dma_wait3A_906 : memref<!tpu.dma_semaphore, #tpu.memory_space<semaphore_mem>>) src(%dma_wait3A_898 : memref<128x32xf32, #tpu.memory_space<vmem>>) dst(%dma_wait3A_904 : memref<10112x32xf32, #tpu.memory_space<vmem_shared>>)
        } else {
        }
        %dma_start3A_878 = arith.constant 5 : i32
        %dma_start3A_879 = arith.constant 5 : i32
        %dma_start3A_880 = arith.constant 0 : i32
        %dma_start3A_881 = arith.constant 0 : i32
        %dma_start3A_882 = tpu.memref_slice %arg8[%dma_start3A_878, %dma_start3A_880, %dma_start3A_881] : memref<10x128x32xf32, #tpu.memory_space<vmem>> -> memref<1x128x32xf32, #tpu.memory_space<vmem>>
        %dma_start3A_883 = tpu.memref_squeeze %dma_start3A_882 : memref<1x128x32xf32, #tpu.memory_space<vmem>> -> memref<128x32xf32, #tpu.memory_space<vmem>>
        %dma_start3A_884 = arith.constant 0 : i32
        %dma_start3A_885 = tpu.memref_slice %arg6[%add3A_538, %dma_start3A_884] : memref<80x128xi32, #tpu.memory_space<vmem>> -> memref<1x128xi32, #tpu.memory_space<vmem>>
        %dma_start3A_886 = tpu.memref_squeeze %dma_start3A_885 : memref<1x128xi32, #tpu.memory_space<vmem>> -> memref<128xi32, #tpu.memory_space<vmem>>
        %dma_start3A_887 = arith.constant 0 : i32
        %dma_start3A_888 = arith.constant 0 : i32
        %dma_start3A_889 = tpu.memref_slice %arg10[%dma_start3A_887, %dma_start3A_888] : memref<10000x32xf32, #tpu.memory_space<vmem_shared>> -> memref<10000x32xf32, #tpu.memory_space<vmem_shared>>
        %dma_start3A_890 = tpu.memref_slice %arg11[%dma_start3A_879] : memref<10x!tpu.dma_semaphore, #tpu.memory_space<semaphore_mem>> -> memref<1x!tpu.dma_semaphore, #tpu.memory_space<semaphore_mem>>
        %dma_start3A_891 = tpu.memref_squeeze %dma_start3A_890 : memref<1x!tpu.dma_semaphore, #tpu.memory_space<semaphore_mem>> -> memref<!tpu.dma_semaphore, #tpu.memory_space<semaphore_mem>>
        tpu.enqueue_indirect_dma source(%dma_start3A_889 : memref<10000x32xf32, #tpu.memory_space<vmem_shared>>) target(%dma_start3A_883 : memref<128x32xf32, #tpu.memory_space<vmem>>) offsets(%dma_start3A_886 : memref<128xi32, #tpu.memory_space<vmem>>) semaphore(%dma_start3A_891 : memref<!tpu.dma_semaphore, #tpu.memory_space<semaphore_mem>>)
      } else {
      }
      %add3A_541 = arith.constant 1 : i32
      %add3A_542 = arith.addi %add3A_506, %add3A_541 : i32
      %dma_wait3A_543 = arith.constant 1 : i32
      %dma_wait3A_544 = arith.constant 1 : i32
      %dma_wait3A_545 = arith.constant 0 : i32
      %dma_wait3A_546 = arith.constant 0 : i32
      %dma_wait3A_547 = tpu.memref_slice %arg8[%dma_wait3A_543, %dma_wait3A_545, %dma_wait3A_546] : memref<10x128x32xf32, #tpu.memory_space<vmem>> -> memref<1x128x32xf32, #tpu.memory_space<vmem>>
      %dma_wait3A_548 = tpu.memref_squeeze %dma_wait3A_547 : memref<1x128x32xf32, #tpu.memory_space<vmem>> -> memref<128x32xf32, #tpu.memory_space<vmem>>
      %dma_wait3A_549 = arith.constant 0 : i32
      %dma_wait3A_550 = tpu.memref_slice %arg6[%add3A_542, %dma_wait3A_549] : memref<80x128xi32, #tpu.memory_space<vmem>> -> memref<1x128xi32, #tpu.memory_space<vmem>>
      %dma_wait3A_551 = tpu.memref_squeeze %dma_wait3A_550 : memref<1x128xi32, #tpu.memory_space<vmem>> -> memref<128xi32, #tpu.memory_space<vmem>>
      %dma_wait3A_552 = arith.constant 0 : i32
      %dma_wait3A_553 = arith.constant 0 : i32
      %dma_wait3A_554 = tpu.memref_slice %arg10[%dma_wait3A_552, %dma_wait3A_553] : memref<10000x32xf32, #tpu.memory_space<vmem_shared>> -> memref<10000x32xf32, #tpu.memory_space<vmem_shared>>
      %dma_wait3A_555 = tpu.memref_slice %arg11[%dma_wait3A_544] : memref<10x!tpu.dma_semaphore, #tpu.memory_space<semaphore_mem>> -> memref<1x!tpu.dma_semaphore, #tpu.memory_space<semaphore_mem>>
      %dma_wait3A_556 = tpu.memref_squeeze %dma_wait3A_555 : memref<1x!tpu.dma_semaphore, #tpu.memory_space<semaphore_mem>> -> memref<!tpu.dma_semaphore, #tpu.memory_space<semaphore_mem>>
      tpu.wait_indirect_dma semaphore(%dma_wait3A_556 : memref<!tpu.dma_semaphore, #tpu.memory_space<semaphore_mem>>) src(%dma_wait3A_554 : memref<10000x32xf32, #tpu.memory_space<vmem_shared>>) dst(%dma_wait3A_548 : memref<128x32xf32, #tpu.memory_space<vmem>>)
      %dma_start3A_557 = arith.constant 1 : i32
      %dma_start3A_558 = arith.constant 1 : i32
      %dma_start3A_559 = arith.constant 0 : i32
      %dma_start3A_560 = arith.constant 0 : i32
      %dma_start3A_561 = tpu.memref_slice %arg8[%dma_start3A_557, %dma_start3A_559, %dma_start3A_560] : memref<10x128x32xf32, #tpu.memory_space<vmem>> -> memref<1x128x32xf32, #tpu.memory_space<vmem>>
      %dma_start3A_562 = tpu.memref_squeeze %dma_start3A_561 : memref<1x128x32xf32, #tpu.memory_space<vmem>> -> memref<128x32xf32, #tpu.memory_space<vmem>>
      %dma_start3A_563 = arith.constant 0 : i32
      %dma_start3A_564 = tpu.memref_slice %arg7[%add3A_542, %dma_start3A_563] : memref<80x128xi32, #tpu.memory_space<vmem>> -> memref<1x128xi32, #tpu.memory_space<vmem>>
      %dma_start3A_565 = tpu.memref_squeeze %dma_start3A_564 : memref<1x128xi32, #tpu.memory_space<vmem>> -> memref<128xi32, #tpu.memory_space<vmem>>
      %dma_start3A_566 = arith.constant 0 : i32
      %dma_start3A_567 = arith.constant 0 : i32
      %dma_start3A_568 = tpu.memref_slice %arg9[%dma_start3A_566, %dma_start3A_567] : memref<10112x32xf32, #tpu.memory_space<vmem_shared>> -> memref<10112x32xf32, #tpu.memory_space<vmem_shared>>
      %dma_start3A_569 = tpu.memref_slice %arg12[%dma_start3A_558] : memref<10x!tpu.dma_semaphore, #tpu.memory_space<semaphore_mem>> -> memref<1x!tpu.dma_semaphore, #tpu.memory_space<semaphore_mem>>
      %dma_start3A_570 = tpu.memref_squeeze %dma_start3A_569 : memref<1x!tpu.dma_semaphore, #tpu.memory_space<semaphore_mem>> -> memref<!tpu.dma_semaphore, #tpu.memory_space<semaphore_mem>>
      tpu.enqueue_indirect_dma source(%dma_start3A_562 : memref<128x32xf32, #tpu.memory_space<vmem>>) target(%dma_start3A_568 : memref<10112x32xf32, #tpu.memory_space<vmem_shared>>) offsets(%dma_start3A_565 : memref<128xi32, #tpu.memory_space<vmem>>) semaphore(%dma_start3A_570 : memref<!tpu.dma_semaphore, #tpu.memory_space<semaphore_mem>>) {add = true}
      %add3A_571 = arith.constant 5 : i32
      %add3A_572 = arith.addi %add3A_542, %add3A_571 : i32
      %lt3A_573 = arith.constant 80 : i32
      %lt3A_574 = arith.cmpi slt, %add3A_572, %lt3A_573 : i32
      %convert_element_type3A_575 = arith.extui %lt3A_574 : i1 to i32
      %cond3A_576 = arith.constant 0 : i32
      %cond3A_577 = arith.cmpi ne, %convert_element_type3A_575, %cond3A_576 : i32
      scf.if %cond3A_577 {
        %ge3A = arith.constant 10 : i32
        %ge3A_874 = arith.cmpi sge, %add3A_572, %ge3A : i32
        %convert_element_type3A_875 = arith.extui %ge3A_874 : i1 to i32
        %cond3A_876 = arith.constant 0 : i32
        %cond3A_877 = arith.cmpi ne, %convert_element_type3A_875, %cond3A_876 : i32
        scf.if %cond3A_877 {
          %sub3A = arith.constant 10 : i32
          %sub3A_892 = arith.subi %add3A_572, %sub3A : i32
          %dma_wait3A_893 = arith.constant 6 : i32
          %dma_wait3A_894 = arith.constant 6 : i32
          %dma_wait3A_895 = arith.constant 0 : i32
          %dma_wait3A_896 = arith.constant 0 : i32
          %dma_wait3A_897 = tpu.memref_slice %arg8[%dma_wait3A_893, %dma_wait3A_895, %dma_wait3A_896] : memref<10x128x32xf32, #tpu.memory_space<vmem>> -> memref<1x128x32xf32, #tpu.memory_space<vmem>>
          %dma_wait3A_898 = tpu.memref_squeeze %dma_wait3A_897 : memref<1x128x32xf32, #tpu.memory_space<vmem>> -> memref<128x32xf32, #tpu.memory_space<vmem>>
          %dma_wait3A_899 = arith.constant 0 : i32
          %dma_wait3A_900 = tpu.memref_slice %arg7[%sub3A_892, %dma_wait3A_899] : memref<80x128xi32, #tpu.memory_space<vmem>> -> memref<1x128xi32, #tpu.memory_space<vmem>>
          %dma_wait3A_901 = tpu.memref_squeeze %dma_wait3A_900 : memref<1x128xi32, #tpu.memory_space<vmem>> -> memref<128xi32, #tpu.memory_space<vmem>>
          %dma_wait3A_902 = arith.constant 0 : i32
          %dma_wait3A_903 = arith.constant 0 : i32
          %dma_wait3A_904 = tpu.memref_slice %arg9[%dma_wait3A_902, %dma_wait3A_903] : memref<10112x32xf32, #tpu.memory_space<vmem_shared>> -> memref<10112x32xf32, #tpu.memory_space<vmem_shared>>
          %dma_wait3A_905 = tpu.memref_slice %arg12[%dma_wait3A_894] : memref<10x!tpu.dma_semaphore, #tpu.memory_space<semaphore_mem>> -> memref<1x!tpu.dma_semaphore, #tpu.memory_space<semaphore_mem>>
          %dma_wait3A_906 = tpu.memref_squeeze %dma_wait3A_905 : memref<1x!tpu.dma_semaphore, #tpu.memory_space<semaphore_mem>> -> memref<!tpu.dma_semaphore, #tpu.memory_space<semaphore_mem>>
          tpu.wait_indirect_dma semaphore(%dma_wait3A_906 : memref<!tpu.dma_semaphore, #tpu.memory_space<semaphore_mem>>) src(%dma_wait3A_898 : memref<128x32xf32, #tpu.memory_space<vmem>>) dst(%dma_wait3A_904 : memref<10112x32xf32, #tpu.memory_space<vmem_shared>>)
        } else {
        }
        %dma_start3A_878 = arith.constant 6 : i32
        %dma_start3A_879 = arith.constant 6 : i32
        %dma_start3A_880 = arith.constant 0 : i32
        %dma_start3A_881 = arith.constant 0 : i32
        %dma_start3A_882 = tpu.memref_slice %arg8[%dma_start3A_878, %dma_start3A_880, %dma_start3A_881] : memref<10x128x32xf32, #tpu.memory_space<vmem>> -> memref<1x128x32xf32, #tpu.memory_space<vmem>>
        %dma_start3A_883 = tpu.memref_squeeze %dma_start3A_882 : memref<1x128x32xf32, #tpu.memory_space<vmem>> -> memref<128x32xf32, #tpu.memory_space<vmem>>
        %dma_start3A_884 = arith.constant 0 : i32
        %dma_start3A_885 = tpu.memref_slice %arg6[%add3A_572, %dma_start3A_884] : memref<80x128xi32, #tpu.memory_space<vmem>> -> memref<1x128xi32, #tpu.memory_space<vmem>>
        %dma_start3A_886 = tpu.memref_squeeze %dma_start3A_885 : memref<1x128xi32, #tpu.memory_space<vmem>> -> memref<128xi32, #tpu.memory_space<vmem>>
        %dma_start3A_887 = arith.constant 0 : i32
        %dma_start3A_888 = arith.constant 0 : i32
        %dma_start3A_889 = tpu.memref_slice %arg10[%dma_start3A_887, %dma_start3A_888] : memref<10000x32xf32, #tpu.memory_space<vmem_shared>> -> memref<10000x32xf32, #tpu.memory_space<vmem_shared>>
        %dma_start3A_890 = tpu.memref_slice %arg11[%dma_start3A_879] : memref<10x!tpu.dma_semaphore, #tpu.memory_space<semaphore_mem>> -> memref<1x!tpu.dma_semaphore, #tpu.memory_space<semaphore_mem>>
        %dma_start3A_891 = tpu.memref_squeeze %dma_start3A_890 : memref<1x!tpu.dma_semaphore, #tpu.memory_space<semaphore_mem>> -> memref<!tpu.dma_semaphore, #tpu.memory_space<semaphore_mem>>
        tpu.enqueue_indirect_dma source(%dma_start3A_889 : memref<10000x32xf32, #tpu.memory_space<vmem_shared>>) target(%dma_start3A_883 : memref<128x32xf32, #tpu.memory_space<vmem>>) offsets(%dma_start3A_886 : memref<128xi32, #tpu.memory_space<vmem>>) semaphore(%dma_start3A_891 : memref<!tpu.dma_semaphore, #tpu.memory_space<semaphore_mem>>)
      } else {
      }
      %add3A_578 = arith.constant 2 : i32
      %add3A_579 = arith.addi %add3A_506, %add3A_578 : i32
      %dma_wait3A_580 = arith.constant 2 : i32
      %dma_wait3A_581 = arith.constant 2 : i32
      %dma_wait3A_582 = arith.constant 0 : i32
      %dma_wait3A_583 = arith.constant 0 : i32
      %dma_wait3A_584 = tpu.memref_slice %arg8[%dma_wait3A_580, %dma_wait3A_582, %dma_wait3A_583] : memref<10x128x32xf32, #tpu.memory_space<vmem>> -> memref<1x128x32xf32, #tpu.memory_space<vmem>>
      %dma_wait3A_585 = tpu.memref_squeeze %dma_wait3A_584 : memref<1x128x32xf32, #tpu.memory_space<vmem>> -> memref<128x32xf32, #tpu.memory_space<vmem>>
      %dma_wait3A_586 = arith.constant 0 : i32
      %dma_wait3A_587 = tpu.memref_slice %arg6[%add3A_579, %dma_wait3A_586] : memref<80x128xi32, #tpu.memory_space<vmem>> -> memref<1x128xi32, #tpu.memory_space<vmem>>
      %dma_wait3A_588 = tpu.memref_squeeze %dma_wait3A_587 : memref<1x128xi32, #tpu.memory_space<vmem>> -> memref<128xi32, #tpu.memory_space<vmem>>
      %dma_wait3A_589 = arith.constant 0 : i32
      %dma_wait3A_590 = arith.constant 0 : i32
      %dma_wait3A_591 = tpu.memref_slice %arg10[%dma_wait3A_589, %dma_wait3A_590] : memref<10000x32xf32, #tpu.memory_space<vmem_shared>> -> memref<10000x32xf32, #tpu.memory_space<vmem_shared>>
      %dma_wait3A_592 = tpu.memref_slice %arg11[%dma_wait3A_581] : memref<10x!tpu.dma_semaphore, #tpu.memory_space<semaphore_mem>> -> memref<1x!tpu.dma_semaphore, #tpu.memory_space<semaphore_mem>>
      %dma_wait3A_593 = tpu.memref_squeeze %dma_wait3A_592 : memref<1x!tpu.dma_semaphore, #tpu.memory_space<semaphore_mem>> -> memref<!tpu.dma_semaphore, #tpu.memory_space<semaphore_mem>>
      tpu.wait_indirect_dma semaphore(%dma_wait3A_593 : memref<!tpu.dma_semaphore, #tpu.memory_space<semaphore_mem>>) src(%dma_wait3A_591 : memref<10000x32xf32, #tpu.memory_space<vmem_shared>>) dst(%dma_wait3A_585 : memref<128x32xf32, #tpu.memory_space<vmem>>)
      %dma_start3A_594 = arith.constant 2 : i32
      %dma_start3A_595 = arith.constant 2 : i32
      %dma_start3A_596 = arith.constant 0 : i32
      %dma_start3A_597 = arith.constant 0 : i32
      %dma_start3A_598 = tpu.memref_slice %arg8[%dma_start3A_594, %dma_start3A_596, %dma_start3A_597] : memref<10x128x32xf32, #tpu.memory_space<vmem>> -> memref<1x128x32xf32, #tpu.memory_space<vmem>>
      %dma_start3A_599 = tpu.memref_squeeze %dma_start3A_598 : memref<1x128x32xf32, #tpu.memory_space<vmem>> -> memref<128x32xf32, #tpu.memory_space<vmem>>
      %dma_start3A_600 = arith.constant 0 : i32
      %dma_start3A_601 = tpu.memref_slice %arg7[%add3A_579, %dma_start3A_600] : memref<80x128xi32, #tpu.memory_space<vmem>> -> memref<1x128xi32, #tpu.memory_space<vmem>>
      %dma_start3A_602 = tpu.memref_squeeze %dma_start3A_601 : memref<1x128xi32, #tpu.memory_space<vmem>> -> memref<128xi32, #tpu.memory_space<vmem>>
      %dma_start3A_603 = arith.constant 0 : i32
      %dma_start3A_604 = arith.constant 0 : i32
      %dma_start3A_605 = tpu.memref_slice %arg9[%dma_start3A_603, %dma_start3A_604] : memref<10112x32xf32, #tpu.memory_space<vmem_shared>> -> memref<10112x32xf32, #tpu.memory_space<vmem_shared>>
      %dma_start3A_606 = tpu.memref_slice %arg12[%dma_start3A_595] : memref<10x!tpu.dma_semaphore, #tpu.memory_space<semaphore_mem>> -> memref<1x!tpu.dma_semaphore, #tpu.memory_space<semaphore_mem>>
      %dma_start3A_607 = tpu.memref_squeeze %dma_start3A_606 : memref<1x!tpu.dma_semaphore, #tpu.memory_space<semaphore_mem>> -> memref<!tpu.dma_semaphore, #tpu.memory_space<semaphore_mem>>
      tpu.enqueue_indirect_dma source(%dma_start3A_599 : memref<128x32xf32, #tpu.memory_space<vmem>>) target(%dma_start3A_605 : memref<10112x32xf32, #tpu.memory_space<vmem_shared>>) offsets(%dma_start3A_602 : memref<128xi32, #tpu.memory_space<vmem>>) semaphore(%dma_start3A_607 : memref<!tpu.dma_semaphore, #tpu.memory_space<semaphore_mem>>) {add = true}
      %add3A_608 = arith.constant 5 : i32
      %add3A_609 = arith.addi %add3A_579, %add3A_608 : i32
      %lt3A_610 = arith.constant 80 : i32
      %lt3A_611 = arith.cmpi slt, %add3A_609, %lt3A_610 : i32
      %convert_element_type3A_612 = arith.extui %lt3A_611 : i1 to i32
      %cond3A_613 = arith.constant 0 : i32
      %cond3A_614 = arith.cmpi ne, %convert_element_type3A_612, %cond3A_613 : i32
      scf.if %cond3A_614 {
        %ge3A = arith.constant 10 : i32
        %ge3A_874 = arith.cmpi sge, %add3A_609, %ge3A : i32
        %convert_element_type3A_875 = arith.extui %ge3A_874 : i1 to i32
        %cond3A_876 = arith.constant 0 : i32
        %cond3A_877 = arith.cmpi ne, %convert_element_type3A_875, %cond3A_876 : i32
        scf.if %cond3A_877 {
          %sub3A = arith.constant 10 : i32
          %sub3A_892 = arith.subi %add3A_609, %sub3A : i32
          %dma_wait3A_893 = arith.constant 7 : i32
          %dma_wait3A_894 = arith.constant 7 : i32
          %dma_wait3A_895 = arith.constant 0 : i32
          %dma_wait3A_896 = arith.constant 0 : i32
          %dma_wait3A_897 = tpu.memref_slice %arg8[%dma_wait3A_893, %dma_wait3A_895, %dma_wait3A_896] : memref<10x128x32xf32, #tpu.memory_space<vmem>> -> memref<1x128x32xf32, #tpu.memory_space<vmem>>
          %dma_wait3A_898 = tpu.memref_squeeze %dma_wait3A_897 : memref<1x128x32xf32, #tpu.memory_space<vmem>> -> memref<128x32xf32, #tpu.memory_space<vmem>>
          %dma_wait3A_899 = arith.constant 0 : i32
          %dma_wait3A_900 = tpu.memref_slice %arg7[%sub3A_892, %dma_wait3A_899] : memref<80x128xi32, #tpu.memory_space<vmem>> -> memref<1x128xi32, #tpu.memory_space<vmem>>
          %dma_wait3A_901 = tpu.memref_squeeze %dma_wait3A_900 : memref<1x128xi32, #tpu.memory_space<vmem>> -> memref<128xi32, #tpu.memory_space<vmem>>
          %dma_wait3A_902 = arith.constant 0 : i32
          %dma_wait3A_903 = arith.constant 0 : i32
          %dma_wait3A_904 = tpu.memref_slice %arg9[%dma_wait3A_902, %dma_wait3A_903] : memref<10112x32xf32, #tpu.memory_space<vmem_shared>> -> memref<10112x32xf32, #tpu.memory_space<vmem_shared>>
          %dma_wait3A_905 = tpu.memref_slice %arg12[%dma_wait3A_894] : memref<10x!tpu.dma_semaphore, #tpu.memory_space<semaphore_mem>> -> memref<1x!tpu.dma_semaphore, #tpu.memory_space<semaphore_mem>>
          %dma_wait3A_906 = tpu.memref_squeeze %dma_wait3A_905 : memref<1x!tpu.dma_semaphore, #tpu.memory_space<semaphore_mem>> -> memref<!tpu.dma_semaphore, #tpu.memory_space<semaphore_mem>>
          tpu.wait_indirect_dma semaphore(%dma_wait3A_906 : memref<!tpu.dma_semaphore, #tpu.memory_space<semaphore_mem>>) src(%dma_wait3A_898 : memref<128x32xf32, #tpu.memory_space<vmem>>) dst(%dma_wait3A_904 : memref<10112x32xf32, #tpu.memory_space<vmem_shared>>)
        } else {
        }
        %dma_start3A_878 = arith.constant 7 : i32
        %dma_start3A_879 = arith.constant 7 : i32
        %dma_start3A_880 = arith.constant 0 : i32
        %dma_start3A_881 = arith.constant 0 : i32
        %dma_start3A_882 = tpu.memref_slice %arg8[%dma_start3A_878, %dma_start3A_880, %dma_start3A_881] : memref<10x128x32xf32, #tpu.memory_space<vmem>> -> memref<1x128x32xf32, #tpu.memory_space<vmem>>
        %dma_start3A_883 = tpu.memref_squeeze %dma_start3A_882 : memref<1x128x32xf32, #tpu.memory_space<vmem>> -> memref<128x32xf32, #tpu.memory_space<vmem>>
        %dma_start3A_884 = arith.constant 0 : i32
        %dma_start3A_885 = tpu.memref_slice %arg6[%add3A_609, %dma_start3A_884] : memref<80x128xi32, #tpu.memory_space<vmem>> -> memref<1x128xi32, #tpu.memory_space<vmem>>
        %dma_start3A_886 = tpu.memref_squeeze %dma_start3A_885 : memref<1x128xi32, #tpu.memory_space<vmem>> -> memref<128xi32, #tpu.memory_space<vmem>>
        %dma_start3A_887 = arith.constant 0 : i32
        %dma_start3A_888 = arith.constant 0 : i32
        %dma_start3A_889 = tpu.memref_slice %arg10[%dma_start3A_887, %dma_start3A_888] : memref<10000x32xf32, #tpu.memory_space<vmem_shared>> -> memref<10000x32xf32, #tpu.memory_space<vmem_shared>>
        %dma_start3A_890 = tpu.memref_slice %arg11[%dma_start3A_879] : memref<10x!tpu.dma_semaphore, #tpu.memory_space<semaphore_mem>> -> memref<1x!tpu.dma_semaphore, #tpu.memory_space<semaphore_mem>>
        %dma_start3A_891 = tpu.memref_squeeze %dma_start3A_890 : memref<1x!tpu.dma_semaphore, #tpu.memory_space<semaphore_mem>> -> memref<!tpu.dma_semaphore, #tpu.memory_space<semaphore_mem>>
        tpu.enqueue_indirect_dma source(%dma_start3A_889 : memref<10000x32xf32, #tpu.memory_space<vmem_shared>>) target(%dma_start3A_883 : memref<128x32xf32, #tpu.memory_space<vmem>>) offsets(%dma_start3A_886 : memref<128xi32, #tpu.memory_space<vmem>>) semaphore(%dma_start3A_891 : memref<!tpu.dma_semaphore, #tpu.memory_space<semaphore_mem>>)
      } else {
      }
      %add3A_615 = arith.constant 3 : i32
      %add3A_616 = arith.addi %add3A_506, %add3A_615 : i32
      %dma_wait3A_617 = arith.constant 3 : i32
      %dma_wait3A_618 = arith.constant 3 : i32
      %dma_wait3A_619 = arith.constant 0 : i32
      %dma_wait3A_620 = arith.constant 0 : i32
      %dma_wait3A_621 = tpu.memref_slice %arg8[%dma_wait3A_617, %dma_wait3A_619, %dma_wait3A_620] : memref<10x128x32xf32, #tpu.memory_space<vmem>> -> memref<1x128x32xf32, #tpu.memory_space<vmem>>
      %dma_wait3A_622 = tpu.memref_squeeze %dma_wait3A_621 : memref<1x128x32xf32, #tpu.memory_space<vmem>> -> memref<128x32xf32, #tpu.memory_space<vmem>>
      %dma_wait3A_623 = arith.constant 0 : i32
      %dma_wait3A_624 = tpu.memref_slice %arg6[%add3A_616, %dma_wait3A_623] : memref<80x128xi32, #tpu.memory_space<vmem>> -> memref<1x128xi32, #tpu.memory_space<vmem>>
      %dma_wait3A_625 = tpu.memref_squeeze %dma_wait3A_624 : memref<1x128xi32, #tpu.memory_space<vmem>> -> memref<128xi32, #tpu.memory_space<vmem>>
      %dma_wait3A_626 = arith.constant 0 : i32
      %dma_wait3A_627 = arith.constant 0 : i32
      %dma_wait3A_628 = tpu.memref_slice %arg10[%dma_wait3A_626, %dma_wait3A_627] : memref<10000x32xf32, #tpu.memory_space<vmem_shared>> -> memref<10000x32xf32, #tpu.memory_space<vmem_shared>>
      %dma_wait3A_629 = tpu.memref_slice %arg11[%dma_wait3A_618] : memref<10x!tpu.dma_semaphore, #tpu.memory_space<semaphore_mem>> -> memref<1x!tpu.dma_semaphore, #tpu.memory_space<semaphore_mem>>
      %dma_wait3A_630 = tpu.memref_squeeze %dma_wait3A_629 : memref<1x!tpu.dma_semaphore, #tpu.memory_space<semaphore_mem>> -> memref<!tpu.dma_semaphore, #tpu.memory_space<semaphore_mem>>
      tpu.wait_indirect_dma semaphore(%dma_wait3A_630 : memref<!tpu.dma_semaphore, #tpu.memory_space<semaphore_mem>>) src(%dma_wait3A_628 : memref<10000x32xf32, #tpu.memory_space<vmem_shared>>) dst(%dma_wait3A_622 : memref<128x32xf32, #tpu.memory_space<vmem>>)
      %dma_start3A_631 = arith.constant 3 : i32
      %dma_start3A_632 = arith.constant 3 : i32
      %dma_start3A_633 = arith.constant 0 : i32
      %dma_start3A_634 = arith.constant 0 : i32
      %dma_start3A_635 = tpu.memref_slice %arg8[%dma_start3A_631, %dma_start3A_633, %dma_start3A_634] : memref<10x128x32xf32, #tpu.memory_space<vmem>> -> memref<1x128x32xf32, #tpu.memory_space<vmem>>
      %dma_start3A_636 = tpu.memref_squeeze %dma_start3A_635 : memref<1x128x32xf32, #tpu.memory_space<vmem>> -> memref<128x32xf32, #tpu.memory_space<vmem>>
      %dma_start3A_637 = arith.constant 0 : i32
      %dma_start3A_638 = tpu.memref_slice %arg7[%add3A_616, %dma_start3A_637] : memref<80x128xi32, #tpu.memory_space<vmem>> -> memref<1x128xi32, #tpu.memory_space<vmem>>
      %dma_start3A_639 = tpu.memref_squeeze %dma_start3A_638 : memref<1x128xi32, #tpu.memory_space<vmem>> -> memref<128xi32, #tpu.memory_space<vmem>>
      %dma_start3A_640 = arith.constant 0 : i32
      %dma_start3A_641 = arith.constant 0 : i32
      %dma_start3A_642 = tpu.memref_slice %arg9[%dma_start3A_640, %dma_start3A_641] : memref<10112x32xf32, #tpu.memory_space<vmem_shared>> -> memref<10112x32xf32, #tpu.memory_space<vmem_shared>>
      %dma_start3A_643 = tpu.memref_slice %arg12[%dma_start3A_632] : memref<10x!tpu.dma_semaphore, #tpu.memory_space<semaphore_mem>> -> memref<1x!tpu.dma_semaphore, #tpu.memory_space<semaphore_mem>>
      %dma_start3A_644 = tpu.memref_squeeze %dma_start3A_643 : memref<1x!tpu.dma_semaphore, #tpu.memory_space<semaphore_mem>> -> memref<!tpu.dma_semaphore, #tpu.memory_space<semaphore_mem>>
      tpu.enqueue_indirect_dma source(%dma_start3A_636 : memref<128x32xf32, #tpu.memory_space<vmem>>) target(%dma_start3A_642 : memref<10112x32xf32, #tpu.memory_space<vmem_shared>>) offsets(%dma_start3A_639 : memref<128xi32, #tpu.memory_space<vmem>>) semaphore(%dma_start3A_644 : memref<!tpu.dma_semaphore, #tpu.memory_space<semaphore_mem>>) {add = true}
      %add3A_645 = arith.constant 5 : i32
      %add3A_646 = arith.addi %add3A_616, %add3A_645 : i32
      %lt3A_647 = arith.constant 80 : i32
      %lt3A_648 = arith.cmpi slt, %add3A_646, %lt3A_647 : i32
      %convert_element_type3A_649 = arith.extui %lt3A_648 : i1 to i32
      %cond3A_650 = arith.constant 0 : i32
      %cond3A_651 = arith.cmpi ne, %convert_element_type3A_649, %cond3A_650 : i32
      scf.if %cond3A_651 {
        %ge3A = arith.constant 10 : i32
        %ge3A_874 = arith.cmpi sge, %add3A_646, %ge3A : i32
        %convert_element_type3A_875 = arith.extui %ge3A_874 : i1 to i32
        %cond3A_876 = arith.constant 0 : i32
        %cond3A_877 = arith.cmpi ne, %convert_element_type3A_875, %cond3A_876 : i32
        scf.if %cond3A_877 {
          %sub3A = arith.constant 10 : i32
          %sub3A_892 = arith.subi %add3A_646, %sub3A : i32
          %dma_wait3A_893 = arith.constant 8 : i32
          %dma_wait3A_894 = arith.constant 8 : i32
          %dma_wait3A_895 = arith.constant 0 : i32
          %dma_wait3A_896 = arith.constant 0 : i32
          %dma_wait3A_897 = tpu.memref_slice %arg8[%dma_wait3A_893, %dma_wait3A_895, %dma_wait3A_896] : memref<10x128x32xf32, #tpu.memory_space<vmem>> -> memref<1x128x32xf32, #tpu.memory_space<vmem>>
          %dma_wait3A_898 = tpu.memref_squeeze %dma_wait3A_897 : memref<1x128x32xf32, #tpu.memory_space<vmem>> -> memref<128x32xf32, #tpu.memory_space<vmem>>
          %dma_wait3A_899 = arith.constant 0 : i32
          %dma_wait3A_900 = tpu.memref_slice %arg7[%sub3A_892, %dma_wait3A_899] : memref<80x128xi32, #tpu.memory_space<vmem>> -> memref<1x128xi32, #tpu.memory_space<vmem>>
          %dma_wait3A_901 = tpu.memref_squeeze %dma_wait3A_900 : memref<1x128xi32, #tpu.memory_space<vmem>> -> memref<128xi32, #tpu.memory_space<vmem>>
          %dma_wait3A_902 = arith.constant 0 : i32
          %dma_wait3A_903 = arith.constant 0 : i32
          %dma_wait3A_904 = tpu.memref_slice %arg9[%dma_wait3A_902, %dma_wait3A_903] : memref<10112x32xf32, #tpu.memory_space<vmem_shared>> -> memref<10112x32xf32, #tpu.memory_space<vmem_shared>>
          %dma_wait3A_905 = tpu.memref_slice %arg12[%dma_wait3A_894] : memref<10x!tpu.dma_semaphore, #tpu.memory_space<semaphore_mem>> -> memref<1x!tpu.dma_semaphore, #tpu.memory_space<semaphore_mem>>
          %dma_wait3A_906 = tpu.memref_squeeze %dma_wait3A_905 : memref<1x!tpu.dma_semaphore, #tpu.memory_space<semaphore_mem>> -> memref<!tpu.dma_semaphore, #tpu.memory_space<semaphore_mem>>
          tpu.wait_indirect_dma semaphore(%dma_wait3A_906 : memref<!tpu.dma_semaphore, #tpu.memory_space<semaphore_mem>>) src(%dma_wait3A_898 : memref<128x32xf32, #tpu.memory_space<vmem>>) dst(%dma_wait3A_904 : memref<10112x32xf32, #tpu.memory_space<vmem_shared>>)
        } else {
        }
        %dma_start3A_878 = arith.constant 8 : i32
        %dma_start3A_879 = arith.constant 8 : i32
        %dma_start3A_880 = arith.constant 0 : i32
        %dma_start3A_881 = arith.constant 0 : i32
        %dma_start3A_882 = tpu.memref_slice %arg8[%dma_start3A_878, %dma_start3A_880, %dma_start3A_881] : memref<10x128x32xf32, #tpu.memory_space<vmem>> -> memref<1x128x32xf32, #tpu.memory_space<vmem>>
        %dma_start3A_883 = tpu.memref_squeeze %dma_start3A_882 : memref<1x128x32xf32, #tpu.memory_space<vmem>> -> memref<128x32xf32, #tpu.memory_space<vmem>>
        %dma_start3A_884 = arith.constant 0 : i32
        %dma_start3A_885 = tpu.memref_slice %arg6[%add3A_646, %dma_start3A_884] : memref<80x128xi32, #tpu.memory_space<vmem>> -> memref<1x128xi32, #tpu.memory_space<vmem>>
        %dma_start3A_886 = tpu.memref_squeeze %dma_start3A_885 : memref<1x128xi32, #tpu.memory_space<vmem>> -> memref<128xi32, #tpu.memory_space<vmem>>
        %dma_start3A_887 = arith.constant 0 : i32
        %dma_start3A_888 = arith.constant 0 : i32
        %dma_start3A_889 = tpu.memref_slice %arg10[%dma_start3A_887, %dma_start3A_888] : memref<10000x32xf32, #tpu.memory_space<vmem_shared>> -> memref<10000x32xf32, #tpu.memory_space<vmem_shared>>
        %dma_start3A_890 = tpu.memref_slice %arg11[%dma_start3A_879] : memref<10x!tpu.dma_semaphore, #tpu.memory_space<semaphore_mem>> -> memref<1x!tpu.dma_semaphore, #tpu.memory_space<semaphore_mem>>
        %dma_start3A_891 = tpu.memref_squeeze %dma_start3A_890 : memref<1x!tpu.dma_semaphore, #tpu.memory_space<semaphore_mem>> -> memref<!tpu.dma_semaphore, #tpu.memory_space<semaphore_mem>>
        tpu.enqueue_indirect_dma source(%dma_start3A_889 : memref<10000x32xf32, #tpu.memory_space<vmem_shared>>) target(%dma_start3A_883 : memref<128x32xf32, #tpu.memory_space<vmem>>) offsets(%dma_start3A_886 : memref<128xi32, #tpu.memory_space<vmem>>) semaphore(%dma_start3A_891 : memref<!tpu.dma_semaphore, #tpu.memory_space<semaphore_mem>>)
      } else {
      }
      %add3A_652 = arith.constant 4 : i32
      %add3A_653 = arith.addi %add3A_506, %add3A_652 : i32
      %dma_wait3A_654 = arith.constant 4 : i32
      %dma_wait3A_655 = arith.constant 4 : i32
      %dma_wait3A_656 = arith.constant 0 : i32
      %dma_wait3A_657 = arith.constant 0 : i32
      %dma_wait3A_658 = tpu.memref_slice %arg8[%dma_wait3A_654, %dma_wait3A_656, %dma_wait3A_657] : memref<10x128x32xf32, #tpu.memory_space<vmem>> -> memref<1x128x32xf32, #tpu.memory_space<vmem>>
      %dma_wait3A_659 = tpu.memref_squeeze %dma_wait3A_658 : memref<1x128x32xf32, #tpu.memory_space<vmem>> -> memref<128x32xf32, #tpu.memory_space<vmem>>
      %dma_wait3A_660 = arith.constant 0 : i32
      %dma_wait3A_661 = tpu.memref_slice %arg6[%add3A_653, %dma_wait3A_660] : memref<80x128xi32, #tpu.memory_space<vmem>> -> memref<1x128xi32, #tpu.memory_space<vmem>>
      %dma_wait3A_662 = tpu.memref_squeeze %dma_wait3A_661 : memref<1x128xi32, #tpu.memory_space<vmem>> -> memref<128xi32, #tpu.memory_space<vmem>>
      %dma_wait3A_663 = arith.constant 0 : i32
      %dma_wait3A_664 = arith.constant 0 : i32
      %dma_wait3A_665 = tpu.memref_slice %arg10[%dma_wait3A_663, %dma_wait3A_664] : memref<10000x32xf32, #tpu.memory_space<vmem_shared>> -> memref<10000x32xf32, #tpu.memory_space<vmem_shared>>
      %dma_wait3A_666 = tpu.memref_slice %arg11[%dma_wait3A_655] : memref<10x!tpu.dma_semaphore, #tpu.memory_space<semaphore_mem>> -> memref<1x!tpu.dma_semaphore, #tpu.memory_space<semaphore_mem>>
      %dma_wait3A_667 = tpu.memref_squeeze %dma_wait3A_666 : memref<1x!tpu.dma_semaphore, #tpu.memory_space<semaphore_mem>> -> memref<!tpu.dma_semaphore, #tpu.memory_space<semaphore_mem>>
      tpu.wait_indirect_dma semaphore(%dma_wait3A_667 : memref<!tpu.dma_semaphore, #tpu.memory_space<semaphore_mem>>) src(%dma_wait3A_665 : memref<10000x32xf32, #tpu.memory_space<vmem_shared>>) dst(%dma_wait3A_659 : memref<128x32xf32, #tpu.memory_space<vmem>>)
      %dma_start3A_668 = arith.constant 4 : i32
      %dma_start3A_669 = arith.constant 4 : i32
      %dma_start3A_670 = arith.constant 0 : i32
      %dma_start3A_671 = arith.constant 0 : i32
      %dma_start3A_672 = tpu.memref_slice %arg8[%dma_start3A_668, %dma_start3A_670, %dma_start3A_671] : memref<10x128x32xf32, #tpu.memory_space<vmem>> -> memref<1x128x32xf32, #tpu.memory_space<vmem>>
      %dma_start3A_673 = tpu.memref_squeeze %dma_start3A_672 : memref<1x128x32xf32, #tpu.memory_space<vmem>> -> memref<128x32xf32, #tpu.memory_space<vmem>>
      %dma_start3A_674 = arith.constant 0 : i32
      %dma_start3A_675 = tpu.memref_slice %arg7[%add3A_653, %dma_start3A_674] : memref<80x128xi32, #tpu.memory_space<vmem>> -> memref<1x128xi32, #tpu.memory_space<vmem>>
      %dma_start3A_676 = tpu.memref_squeeze %dma_start3A_675 : memref<1x128xi32, #tpu.memory_space<vmem>> -> memref<128xi32, #tpu.memory_space<vmem>>
      %dma_start3A_677 = arith.constant 0 : i32
      %dma_start3A_678 = arith.constant 0 : i32
      %dma_start3A_679 = tpu.memref_slice %arg9[%dma_start3A_677, %dma_start3A_678] : memref<10112x32xf32, #tpu.memory_space<vmem_shared>> -> memref<10112x32xf32, #tpu.memory_space<vmem_shared>>
      %dma_start3A_680 = tpu.memref_slice %arg12[%dma_start3A_669] : memref<10x!tpu.dma_semaphore, #tpu.memory_space<semaphore_mem>> -> memref<1x!tpu.dma_semaphore, #tpu.memory_space<semaphore_mem>>
      %dma_start3A_681 = tpu.memref_squeeze %dma_start3A_680 : memref<1x!tpu.dma_semaphore, #tpu.memory_space<semaphore_mem>> -> memref<!tpu.dma_semaphore, #tpu.memory_space<semaphore_mem>>
      tpu.enqueue_indirect_dma source(%dma_start3A_673 : memref<128x32xf32, #tpu.memory_space<vmem>>) target(%dma_start3A_679 : memref<10112x32xf32, #tpu.memory_space<vmem_shared>>) offsets(%dma_start3A_676 : memref<128xi32, #tpu.memory_space<vmem>>) semaphore(%dma_start3A_681 : memref<!tpu.dma_semaphore, #tpu.memory_space<semaphore_mem>>) {add = true}
      %add3A_682 = arith.constant 5 : i32
      %add3A_683 = arith.addi %add3A_653, %add3A_682 : i32
      %lt3A_684 = arith.constant 80 : i32
      %lt3A_685 = arith.cmpi slt, %add3A_683, %lt3A_684 : i32
      %convert_element_type3A_686 = arith.extui %lt3A_685 : i1 to i32
      %cond3A_687 = arith.constant 0 : i32
      %cond3A_688 = arith.cmpi ne, %convert_element_type3A_686, %cond3A_687 : i32
      scf.if %cond3A_688 {
        %ge3A = arith.constant 10 : i32
        %ge3A_874 = arith.cmpi sge, %add3A_683, %ge3A : i32
        %convert_element_type3A_875 = arith.extui %ge3A_874 : i1 to i32
        %cond3A_876 = arith.constant 0 : i32
        %cond3A_877 = arith.cmpi ne, %convert_element_type3A_875, %cond3A_876 : i32
        scf.if %cond3A_877 {
          %sub3A = arith.constant 10 : i32
          %sub3A_892 = arith.subi %add3A_683, %sub3A : i32
          %dma_wait3A_893 = arith.constant 9 : i32
          %dma_wait3A_894 = arith.constant 9 : i32
          %dma_wait3A_895 = arith.constant 0 : i32
          %dma_wait3A_896 = arith.constant 0 : i32
          %dma_wait3A_897 = tpu.memref_slice %arg8[%dma_wait3A_893, %dma_wait3A_895, %dma_wait3A_896] : memref<10x128x32xf32, #tpu.memory_space<vmem>> -> memref<1x128x32xf32, #tpu.memory_space<vmem>>
          %dma_wait3A_898 = tpu.memref_squeeze %dma_wait3A_897 : memref<1x128x32xf32, #tpu.memory_space<vmem>> -> memref<128x32xf32, #tpu.memory_space<vmem>>
          %dma_wait3A_899 = arith.constant 0 : i32
          %dma_wait3A_900 = tpu.memref_slice %arg7[%sub3A_892, %dma_wait3A_899] : memref<80x128xi32, #tpu.memory_space<vmem>> -> memref<1x128xi32, #tpu.memory_space<vmem>>
          %dma_wait3A_901 = tpu.memref_squeeze %dma_wait3A_900 : memref<1x128xi32, #tpu.memory_space<vmem>> -> memref<128xi32, #tpu.memory_space<vmem>>
          %dma_wait3A_902 = arith.constant 0 : i32
          %dma_wait3A_903 = arith.constant 0 : i32
          %dma_wait3A_904 = tpu.memref_slice %arg9[%dma_wait3A_902, %dma_wait3A_903] : memref<10112x32xf32, #tpu.memory_space<vmem_shared>> -> memref<10112x32xf32, #tpu.memory_space<vmem_shared>>
          %dma_wait3A_905 = tpu.memref_slice %arg12[%dma_wait3A_894] : memref<10x!tpu.dma_semaphore, #tpu.memory_space<semaphore_mem>> -> memref<1x!tpu.dma_semaphore, #tpu.memory_space<semaphore_mem>>
          %dma_wait3A_906 = tpu.memref_squeeze %dma_wait3A_905 : memref<1x!tpu.dma_semaphore, #tpu.memory_space<semaphore_mem>> -> memref<!tpu.dma_semaphore, #tpu.memory_space<semaphore_mem>>
          tpu.wait_indirect_dma semaphore(%dma_wait3A_906 : memref<!tpu.dma_semaphore, #tpu.memory_space<semaphore_mem>>) src(%dma_wait3A_898 : memref<128x32xf32, #tpu.memory_space<vmem>>) dst(%dma_wait3A_904 : memref<10112x32xf32, #tpu.memory_space<vmem_shared>>)
        } else {
        }
        %dma_start3A_878 = arith.constant 9 : i32
        %dma_start3A_879 = arith.constant 9 : i32
        %dma_start3A_880 = arith.constant 0 : i32
        %dma_start3A_881 = arith.constant 0 : i32
        %dma_start3A_882 = tpu.memref_slice %arg8[%dma_start3A_878, %dma_start3A_880, %dma_start3A_881] : memref<10x128x32xf32, #tpu.memory_space<vmem>> -> memref<1x128x32xf32, #tpu.memory_space<vmem>>
        %dma_start3A_883 = tpu.memref_squeeze %dma_start3A_882 : memref<1x128x32xf32, #tpu.memory_space<vmem>> -> memref<128x32xf32, #tpu.memory_space<vmem>>
        %dma_start3A_884 = arith.constant 0 : i32
        %dma_start3A_885 = tpu.memref_slice %arg6[%add3A_683, %dma_start3A_884] : memref<80x128xi32, #tpu.memory_space<vmem>> -> memref<1x128xi32, #tpu.memory_space<vmem>>
        %dma_start3A_886 = tpu.memref_squeeze %dma_start3A_885 : memref<1x128xi32, #tpu.memory_space<vmem>> -> memref<128xi32, #tpu.memory_space<vmem>>
        %dma_start3A_887 = arith.constant 0 : i32
        %dma_start3A_888 = arith.constant 0 : i32
        %dma_start3A_889 = tpu.memref_slice %arg10[%dma_start3A_887, %dma_start3A_888] : memref<10000x32xf32, #tpu.memory_space<vmem_shared>> -> memref<10000x32xf32, #tpu.memory_space<vmem_shared>>
        %dma_start3A_890 = tpu.memref_slice %arg11[%dma_start3A_879] : memref<10x!tpu.dma_semaphore, #tpu.memory_space<semaphore_mem>> -> memref<1x!tpu.dma_semaphore, #tpu.memory_space<semaphore_mem>>
        %dma_start3A_891 = tpu.memref_squeeze %dma_start3A_890 : memref<1x!tpu.dma_semaphore, #tpu.memory_space<semaphore_mem>> -> memref<!tpu.dma_semaphore, #tpu.memory_space<semaphore_mem>>
        tpu.enqueue_indirect_dma source(%dma_start3A_889 : memref<10000x32xf32, #tpu.memory_space<vmem_shared>>) target(%dma_start3A_883 : memref<128x32xf32, #tpu.memory_space<vmem>>) offsets(%dma_start3A_886 : memref<128xi32, #tpu.memory_space<vmem>>) semaphore(%dma_start3A_891 : memref<!tpu.dma_semaphore, #tpu.memory_space<semaphore_mem>>)
      } else {
      }
      %add3A_689 = arith.constant 5 : i32
      %add3A_690 = arith.addi %add3A_506, %add3A_689 : i32
      %dma_wait3A_691 = arith.constant 5 : i32
      %dma_wait3A_692 = arith.constant 5 : i32
      %dma_wait3A_693 = arith.constant 0 : i32
      %dma_wait3A_694 = arith.constant 0 : i32
      %dma_wait3A_695 = tpu.memref_slice %arg8[%dma_wait3A_691, %dma_wait3A_693, %dma_wait3A_694] : memref<10x128x32xf32, #tpu.memory_space<vmem>> -> memref<1x128x32xf32, #tpu.memory_space<vmem>>
      %dma_wait3A_696 = tpu.memref_squeeze %dma_wait3A_695 : memref<1x128x32xf32, #tpu.memory_space<vmem>> -> memref<128x32xf32, #tpu.memory_space<vmem>>
      %dma_wait3A_697 = arith.constant 0 : i32
      %dma_wait3A_698 = tpu.memref_slice %arg6[%add3A_690, %dma_wait3A_697] : memref<80x128xi32, #tpu.memory_space<vmem>> -> memref<1x128xi32, #tpu.memory_space<vmem>>
      %dma_wait3A_699 = tpu.memref_squeeze %dma_wait3A_698 : memref<1x128xi32, #tpu.memory_space<vmem>> -> memref<128xi32, #tpu.memory_space<vmem>>
      %dma_wait3A_700 = arith.constant 0 : i32
      %dma_wait3A_701 = arith.constant 0 : i32
      %dma_wait3A_702 = tpu.memref_slice %arg10[%dma_wait3A_700, %dma_wait3A_701] : memref<10000x32xf32, #tpu.memory_space<vmem_shared>> -> memref<10000x32xf32, #tpu.memory_space<vmem_shared>>
      %dma_wait3A_703 = tpu.memref_slice %arg11[%dma_wait3A_692] : memref<10x!tpu.dma_semaphore, #tpu.memory_space<semaphore_mem>> -> memref<1x!tpu.dma_semaphore, #tpu.memory_space<semaphore_mem>>
      %dma_wait3A_704 = tpu.memref_squeeze %dma_wait3A_703 : memref<1x!tpu.dma_semaphore, #tpu.memory_space<semaphore_mem>> -> memref<!tpu.dma_semaphore, #tpu.memory_space<semaphore_mem>>
      tpu.wait_indirect_dma semaphore(%dma_wait3A_704 : memref<!tpu.dma_semaphore, #tpu.memory_space<semaphore_mem>>) src(%dma_wait3A_702 : memref<10000x32xf32, #tpu.memory_space<vmem_shared>>) dst(%dma_wait3A_696 : memref<128x32xf32, #tpu.memory_space<vmem>>)
      %dma_start3A_705 = arith.constant 5 : i32
      %dma_start3A_706 = arith.constant 5 : i32
      %dma_start3A_707 = arith.constant 0 : i32
      %dma_start3A_708 = arith.constant 0 : i32
      %dma_start3A_709 = tpu.memref_slice %arg8[%dma_start3A_705, %dma_start3A_707, %dma_start3A_708] : memref<10x128x32xf32, #tpu.memory_space<vmem>> -> memref<1x128x32xf32, #tpu.memory_space<vmem>>
      %dma_start3A_710 = tpu.memref_squeeze %dma_start3A_709 : memref<1x128x32xf32, #tpu.memory_space<vmem>> -> memref<128x32xf32, #tpu.memory_space<vmem>>
      %dma_start3A_711 = arith.constant 0 : i32
      %dma_start3A_712 = tpu.memref_slice %arg7[%add3A_690, %dma_start3A_711] : memref<80x128xi32, #tpu.memory_space<vmem>> -> memref<1x128xi32, #tpu.memory_space<vmem>>
      %dma_start3A_713 = tpu.memref_squeeze %dma_start3A_712 : memref<1x128xi32, #tpu.memory_space<vmem>> -> memref<128xi32, #tpu.memory_space<vmem>>
      %dma_start3A_714 = arith.constant 0 : i32
      %dma_start3A_715 = arith.constant 0 : i32
      %dma_start3A_716 = tpu.memref_slice %arg9[%dma_start3A_714, %dma_start3A_715] : memref<10112x32xf32, #tpu.memory_space<vmem_shared>> -> memref<10112x32xf32, #tpu.memory_space<vmem_shared>>
      %dma_start3A_717 = tpu.memref_slice %arg12[%dma_start3A_706] : memref<10x!tpu.dma_semaphore, #tpu.memory_space<semaphore_mem>> -> memref<1x!tpu.dma_semaphore, #tpu.memory_space<semaphore_mem>>
      %dma_start3A_718 = tpu.memref_squeeze %dma_start3A_717 : memref<1x!tpu.dma_semaphore, #tpu.memory_space<semaphore_mem>> -> memref<!tpu.dma_semaphore, #tpu.memory_space<semaphore_mem>>
      tpu.enqueue_indirect_dma source(%dma_start3A_710 : memref<128x32xf32, #tpu.memory_space<vmem>>) target(%dma_start3A_716 : memref<10112x32xf32, #tpu.memory_space<vmem_shared>>) offsets(%dma_start3A_713 : memref<128xi32, #tpu.memory_space<vmem>>) semaphore(%dma_start3A_718 : memref<!tpu.dma_semaphore, #tpu.memory_space<semaphore_mem>>) {add = true}
      %add3A_719 = arith.constant 5 : i32
      %add3A_720 = arith.addi %add3A_690, %add3A_719 : i32
      %lt3A_721 = arith.constant 80 : i32
      %lt3A_722 = arith.cmpi slt, %add3A_720, %lt3A_721 : i32
      %convert_element_type3A_723 = arith.extui %lt3A_722 : i1 to i32
      %cond3A_724 = arith.constant 0 : i32
      %cond3A_725 = arith.cmpi ne, %convert_element_type3A_723, %cond3A_724 : i32
      scf.if %cond3A_725 {
        %ge3A = arith.constant 10 : i32
        %ge3A_874 = arith.cmpi sge, %add3A_720, %ge3A : i32
        %convert_element_type3A_875 = arith.extui %ge3A_874 : i1 to i32
        %cond3A_876 = arith.constant 0 : i32
        %cond3A_877 = arith.cmpi ne, %convert_element_type3A_875, %cond3A_876 : i32
        scf.if %cond3A_877 {
          %sub3A = arith.constant 10 : i32
          %sub3A_892 = arith.subi %add3A_720, %sub3A : i32
          %dma_wait3A_893 = arith.constant 0 : i32
          %dma_wait3A_894 = arith.constant 0 : i32
          %dma_wait3A_895 = arith.constant 0 : i32
          %dma_wait3A_896 = arith.constant 0 : i32
          %dma_wait3A_897 = tpu.memref_slice %arg8[%dma_wait3A_893, %dma_wait3A_895, %dma_wait3A_896] : memref<10x128x32xf32, #tpu.memory_space<vmem>> -> memref<1x128x32xf32, #tpu.memory_space<vmem>>
          %dma_wait3A_898 = tpu.memref_squeeze %dma_wait3A_897 : memref<1x128x32xf32, #tpu.memory_space<vmem>> -> memref<128x32xf32, #tpu.memory_space<vmem>>
          %dma_wait3A_899 = arith.constant 0 : i32
          %dma_wait3A_900 = tpu.memref_slice %arg7[%sub3A_892, %dma_wait3A_899] : memref<80x128xi32, #tpu.memory_space<vmem>> -> memref<1x128xi32, #tpu.memory_space<vmem>>
          %dma_wait3A_901 = tpu.memref_squeeze %dma_wait3A_900 : memref<1x128xi32, #tpu.memory_space<vmem>> -> memref<128xi32, #tpu.memory_space<vmem>>
          %dma_wait3A_902 = arith.constant 0 : i32
          %dma_wait3A_903 = arith.constant 0 : i32
          %dma_wait3A_904 = tpu.memref_slice %arg9[%dma_wait3A_902, %dma_wait3A_903] : memref<10112x32xf32, #tpu.memory_space<vmem_shared>> -> memref<10112x32xf32, #tpu.memory_space<vmem_shared>>
          %dma_wait3A_905 = tpu.memref_slice %arg12[%dma_wait3A_894] : memref<10x!tpu.dma_semaphore, #tpu.memory_space<semaphore_mem>> -> memref<1x!tpu.dma_semaphore, #tpu.memory_space<semaphore_mem>>
          %dma_wait3A_906 = tpu.memref_squeeze %dma_wait3A_905 : memref<1x!tpu.dma_semaphore, #tpu.memory_space<semaphore_mem>> -> memref<!tpu.dma_semaphore, #tpu.memory_space<semaphore_mem>>
          tpu.wait_indirect_dma semaphore(%dma_wait3A_906 : memref<!tpu.dma_semaphore, #tpu.memory_space<semaphore_mem>>) src(%dma_wait3A_898 : memref<128x32xf32, #tpu.memory_space<vmem>>) dst(%dma_wait3A_904 : memref<10112x32xf32, #tpu.memory_space<vmem_shared>>)
        } else {
        }
        %dma_start3A_878 = arith.constant 0 : i32
        %dma_start3A_879 = arith.constant 0 : i32
        %dma_start3A_880 = arith.constant 0 : i32
        %dma_start3A_881 = arith.constant 0 : i32
        %dma_start3A_882 = tpu.memref_slice %arg8[%dma_start3A_878, %dma_start3A_880, %dma_start3A_881] : memref<10x128x32xf32, #tpu.memory_space<vmem>> -> memref<1x128x32xf32, #tpu.memory_space<vmem>>
        %dma_start3A_883 = tpu.memref_squeeze %dma_start3A_882 : memref<1x128x32xf32, #tpu.memory_space<vmem>> -> memref<128x32xf32, #tpu.memory_space<vmem>>
        %dma_start3A_884 = arith.constant 0 : i32
        %dma_start3A_885 = tpu.memref_slice %arg6[%add3A_720, %dma_start3A_884] : memref<80x128xi32, #tpu.memory_space<vmem>> -> memref<1x128xi32, #tpu.memory_space<vmem>>
        %dma_start3A_886 = tpu.memref_squeeze %dma_start3A_885 : memref<1x128xi32, #tpu.memory_space<vmem>> -> memref<128xi32, #tpu.memory_space<vmem>>
        %dma_start3A_887 = arith.constant 0 : i32
        %dma_start3A_888 = arith.constant 0 : i32
        %dma_start3A_889 = tpu.memref_slice %arg10[%dma_start3A_887, %dma_start3A_888] : memref<10000x32xf32, #tpu.memory_space<vmem_shared>> -> memref<10000x32xf32, #tpu.memory_space<vmem_shared>>
        %dma_start3A_890 = tpu.memref_slice %arg11[%dma_start3A_879] : memref<10x!tpu.dma_semaphore, #tpu.memory_space<semaphore_mem>> -> memref<1x!tpu.dma_semaphore, #tpu.memory_space<semaphore_mem>>
        %dma_start3A_891 = tpu.memref_squeeze %dma_start3A_890 : memref<1x!tpu.dma_semaphore, #tpu.memory_space<semaphore_mem>> -> memref<!tpu.dma_semaphore, #tpu.memory_space<semaphore_mem>>
        tpu.enqueue_indirect_dma source(%dma_start3A_889 : memref<10000x32xf32, #tpu.memory_space<vmem_shared>>) target(%dma_start3A_883 : memref<128x32xf32, #tpu.memory_space<vmem>>) offsets(%dma_start3A_886 : memref<128xi32, #tpu.memory_space<vmem>>) semaphore(%dma_start3A_891 : memref<!tpu.dma_semaphore, #tpu.memory_space<semaphore_mem>>)
      } else {
      }
      %add3A_726 = arith.constant 6 : i32
      %add3A_727 = arith.addi %add3A_506, %add3A_726 : i32
      %dma_wait3A_728 = arith.constant 6 : i32
      %dma_wait3A_729 = arith.constant 6 : i32
      %dma_wait3A_730 = arith.constant 0 : i32
      %dma_wait3A_731 = arith.constant 0 : i32
      %dma_wait3A_732 = tpu.memref_slice %arg8[%dma_wait3A_728, %dma_wait3A_730, %dma_wait3A_731] : memref<10x128x32xf32, #tpu.memory_space<vmem>> -> memref<1x128x32xf32, #tpu.memory_space<vmem>>
      %dma_wait3A_733 = tpu.memref_squeeze %dma_wait3A_732 : memref<1x128x32xf32, #tpu.memory_space<vmem>> -> memref<128x32xf32, #tpu.memory_space<vmem>>
      %dma_wait3A_734 = arith.constant 0 : i32
      %dma_wait3A_735 = tpu.memref_slice %arg6[%add3A_727, %dma_wait3A_734] : memref<80x128xi32, #tpu.memory_space<vmem>> -> memref<1x128xi32, #tpu.memory_space<vmem>>
      %dma_wait3A_736 = tpu.memref_squeeze %dma_wait3A_735 : memref<1x128xi32, #tpu.memory_space<vmem>> -> memref<128xi32, #tpu.memory_space<vmem>>
      %dma_wait3A_737 = arith.constant 0 : i32
      %dma_wait3A_738 = arith.constant 0 : i32
      %dma_wait3A_739 = tpu.memref_slice %arg10[%dma_wait3A_737, %dma_wait3A_738] : memref<10000x32xf32, #tpu.memory_space<vmem_shared>> -> memref<10000x32xf32, #tpu.memory_space<vmem_shared>>
      %dma_wait3A_740 = tpu.memref_slice %arg11[%dma_wait3A_729] : memref<10x!tpu.dma_semaphore, #tpu.memory_space<semaphore_mem>> -> memref<1x!tpu.dma_semaphore, #tpu.memory_space<semaphore_mem>>
      %dma_wait3A_741 = tpu.memref_squeeze %dma_wait3A_740 : memref<1x!tpu.dma_semaphore, #tpu.memory_space<semaphore_mem>> -> memref<!tpu.dma_semaphore, #tpu.memory_space<semaphore_mem>>
      tpu.wait_indirect_dma semaphore(%dma_wait3A_741 : memref<!tpu.dma_semaphore, #tpu.memory_space<semaphore_mem>>) src(%dma_wait3A_739 : memref<10000x32xf32, #tpu.memory_space<vmem_shared>>) dst(%dma_wait3A_733 : memref<128x32xf32, #tpu.memory_space<vmem>>)
      %dma_start3A_742 = arith.constant 6 : i32
      %dma_start3A_743 = arith.constant 6 : i32
      %dma_start3A_744 = arith.constant 0 : i32
      %dma_start3A_745 = arith.constant 0 : i32
      %dma_start3A_746 = tpu.memref_slice %arg8[%dma_start3A_742, %dma_start3A_744, %dma_start3A_745] : memref<10x128x32xf32, #tpu.memory_space<vmem>> -> memref<1x128x32xf32, #tpu.memory_space<vmem>>
      %dma_start3A_747 = tpu.memref_squeeze %dma_start3A_746 : memref<1x128x32xf32, #tpu.memory_space<vmem>> -> memref<128x32xf32, #tpu.memory_space<vmem>>
      %dma_start3A_748 = arith.constant 0 : i32
      %dma_start3A_749 = tpu.memref_slice %arg7[%add3A_727, %dma_start3A_748] : memref<80x128xi32, #tpu.memory_space<vmem>> -> memref<1x128xi32, #tpu.memory_space<vmem>>
      %dma_start3A_750 = tpu.memref_squeeze %dma_start3A_749 : memref<1x128xi32, #tpu.memory_space<vmem>> -> memref<128xi32, #tpu.memory_space<vmem>>
      %dma_start3A_751 = arith.constant 0 : i32
      %dma_start3A_752 = arith.constant 0 : i32
      %dma_start3A_753 = tpu.memref_slice %arg9[%dma_start3A_751, %dma_start3A_752] : memref<10112x32xf32, #tpu.memory_space<vmem_shared>> -> memref<10112x32xf32, #tpu.memory_space<vmem_shared>>
      %dma_start3A_754 = tpu.memref_slice %arg12[%dma_start3A_743] : memref<10x!tpu.dma_semaphore, #tpu.memory_space<semaphore_mem>> -> memref<1x!tpu.dma_semaphore, #tpu.memory_space<semaphore_mem>>
      %dma_start3A_755 = tpu.memref_squeeze %dma_start3A_754 : memref<1x!tpu.dma_semaphore, #tpu.memory_space<semaphore_mem>> -> memref<!tpu.dma_semaphore, #tpu.memory_space<semaphore_mem>>
      tpu.enqueue_indirect_dma source(%dma_start3A_747 : memref<128x32xf32, #tpu.memory_space<vmem>>) target(%dma_start3A_753 : memref<10112x32xf32, #tpu.memory_space<vmem_shared>>) offsets(%dma_start3A_750 : memref<128xi32, #tpu.memory_space<vmem>>) semaphore(%dma_start3A_755 : memref<!tpu.dma_semaphore, #tpu.memory_space<semaphore_mem>>) {add = true}
      %add3A_756 = arith.constant 5 : i32
      %add3A_757 = arith.addi %add3A_727, %add3A_756 : i32
      %lt3A_758 = arith.constant 80 : i32
      %lt3A_759 = arith.cmpi slt, %add3A_757, %lt3A_758 : i32
      %convert_element_type3A_760 = arith.extui %lt3A_759 : i1 to i32
      %cond3A_761 = arith.constant 0 : i32
      %cond3A_762 = arith.cmpi ne, %convert_element_type3A_760, %cond3A_761 : i32
      scf.if %cond3A_762 {
        %ge3A = arith.constant 10 : i32
        %ge3A_874 = arith.cmpi sge, %add3A_757, %ge3A : i32
        %convert_element_type3A_875 = arith.extui %ge3A_874 : i1 to i32
        %cond3A_876 = arith.constant 0 : i32
        %cond3A_877 = arith.cmpi ne, %convert_element_type3A_875, %cond3A_876 : i32
        scf.if %cond3A_877 {
          %sub3A = arith.constant 10 : i32
          %sub3A_892 = arith.subi %add3A_757, %sub3A : i32
          %dma_wait3A_893 = arith.constant 1 : i32
          %dma_wait3A_894 = arith.constant 1 : i32
          %dma_wait3A_895 = arith.constant 0 : i32
          %dma_wait3A_896 = arith.constant 0 : i32
          %dma_wait3A_897 = tpu.memref_slice %arg8[%dma_wait3A_893, %dma_wait3A_895, %dma_wait3A_896] : memref<10x128x32xf32, #tpu.memory_space<vmem>> -> memref<1x128x32xf32, #tpu.memory_space<vmem>>
          %dma_wait3A_898 = tpu.memref_squeeze %dma_wait3A_897 : memref<1x128x32xf32, #tpu.memory_space<vmem>> -> memref<128x32xf32, #tpu.memory_space<vmem>>
          %dma_wait3A_899 = arith.constant 0 : i32
          %dma_wait3A_900 = tpu.memref_slice %arg7[%sub3A_892, %dma_wait3A_899] : memref<80x128xi32, #tpu.memory_space<vmem>> -> memref<1x128xi32, #tpu.memory_space<vmem>>
          %dma_wait3A_901 = tpu.memref_squeeze %dma_wait3A_900 : memref<1x128xi32, #tpu.memory_space<vmem>> -> memref<128xi32, #tpu.memory_space<vmem>>
          %dma_wait3A_902 = arith.constant 0 : i32
          %dma_wait3A_903 = arith.constant 0 : i32
          %dma_wait3A_904 = tpu.memref_slice %arg9[%dma_wait3A_902, %dma_wait3A_903] : memref<10112x32xf32, #tpu.memory_space<vmem_shared>> -> memref<10112x32xf32, #tpu.memory_space<vmem_shared>>
          %dma_wait3A_905 = tpu.memref_slice %arg12[%dma_wait3A_894] : memref<10x!tpu.dma_semaphore, #tpu.memory_space<semaphore_mem>> -> memref<1x!tpu.dma_semaphore, #tpu.memory_space<semaphore_mem>>
          %dma_wait3A_906 = tpu.memref_squeeze %dma_wait3A_905 : memref<1x!tpu.dma_semaphore, #tpu.memory_space<semaphore_mem>> -> memref<!tpu.dma_semaphore, #tpu.memory_space<semaphore_mem>>
          tpu.wait_indirect_dma semaphore(%dma_wait3A_906 : memref<!tpu.dma_semaphore, #tpu.memory_space<semaphore_mem>>) src(%dma_wait3A_898 : memref<128x32xf32, #tpu.memory_space<vmem>>) dst(%dma_wait3A_904 : memref<10112x32xf32, #tpu.memory_space<vmem_shared>>)
        } else {
        }
        %dma_start3A_878 = arith.constant 1 : i32
        %dma_start3A_879 = arith.constant 1 : i32
        %dma_start3A_880 = arith.constant 0 : i32
        %dma_start3A_881 = arith.constant 0 : i32
        %dma_start3A_882 = tpu.memref_slice %arg8[%dma_start3A_878, %dma_start3A_880, %dma_start3A_881] : memref<10x128x32xf32, #tpu.memory_space<vmem>> -> memref<1x128x32xf32, #tpu.memory_space<vmem>>
        %dma_start3A_883 = tpu.memref_squeeze %dma_start3A_882 : memref<1x128x32xf32, #tpu.memory_space<vmem>> -> memref<128x32xf32, #tpu.memory_space<vmem>>
        %dma_start3A_884 = arith.constant 0 : i32
        %dma_start3A_885 = tpu.memref_slice %arg6[%add3A_757, %dma_start3A_884] : memref<80x128xi32, #tpu.memory_space<vmem>> -> memref<1x128xi32, #tpu.memory_space<vmem>>
        %dma_start3A_886 = tpu.memref_squeeze %dma_start3A_885 : memref<1x128xi32, #tpu.memory_space<vmem>> -> memref<128xi32, #tpu.memory_space<vmem>>
        %dma_start3A_887 = arith.constant 0 : i32
        %dma_start3A_888 = arith.constant 0 : i32
        %dma_start3A_889 = tpu.memref_slice %arg10[%dma_start3A_887, %dma_start3A_888] : memref<10000x32xf32, #tpu.memory_space<vmem_shared>> -> memref<10000x32xf32, #tpu.memory_space<vmem_shared>>
        %dma_start3A_890 = tpu.memref_slice %arg11[%dma_start3A_879] : memref<10x!tpu.dma_semaphore, #tpu.memory_space<semaphore_mem>> -> memref<1x!tpu.dma_semaphore, #tpu.memory_space<semaphore_mem>>
        %dma_start3A_891 = tpu.memref_squeeze %dma_start3A_890 : memref<1x!tpu.dma_semaphore, #tpu.memory_space<semaphore_mem>> -> memref<!tpu.dma_semaphore, #tpu.memory_space<semaphore_mem>>
        tpu.enqueue_indirect_dma source(%dma_start3A_889 : memref<10000x32xf32, #tpu.memory_space<vmem_shared>>) target(%dma_start3A_883 : memref<128x32xf32, #tpu.memory_space<vmem>>) offsets(%dma_start3A_886 : memref<128xi32, #tpu.memory_space<vmem>>) semaphore(%dma_start3A_891 : memref<!tpu.dma_semaphore, #tpu.memory_space<semaphore_mem>>)
      } else {
      }
      %add3A_763 = arith.constant 7 : i32
      %add3A_764 = arith.addi %add3A_506, %add3A_763 : i32
      %dma_wait3A_765 = arith.constant 7 : i32
      %dma_wait3A_766 = arith.constant 7 : i32
      %dma_wait3A_767 = arith.constant 0 : i32
      %dma_wait3A_768 = arith.constant 0 : i32
      %dma_wait3A_769 = tpu.memref_slice %arg8[%dma_wait3A_765, %dma_wait3A_767, %dma_wait3A_768] : memref<10x128x32xf32, #tpu.memory_space<vmem>> -> memref<1x128x32xf32, #tpu.memory_space<vmem>>
      %dma_wait3A_770 = tpu.memref_squeeze %dma_wait3A_769 : memref<1x128x32xf32, #tpu.memory_space<vmem>> -> memref<128x32xf32, #tpu.memory_space<vmem>>
      %dma_wait3A_771 = arith.constant 0 : i32
      %dma_wait3A_772 = tpu.memref_slice %arg6[%add3A_764, %dma_wait3A_771] : memref<80x128xi32, #tpu.memory_space<vmem>> -> memref<1x128xi32, #tpu.memory_space<vmem>>
      %dma_wait3A_773 = tpu.memref_squeeze %dma_wait3A_772 : memref<1x128xi32, #tpu.memory_space<vmem>> -> memref<128xi32, #tpu.memory_space<vmem>>
      %dma_wait3A_774 = arith.constant 0 : i32
      %dma_wait3A_775 = arith.constant 0 : i32
      %dma_wait3A_776 = tpu.memref_slice %arg10[%dma_wait3A_774, %dma_wait3A_775] : memref<10000x32xf32, #tpu.memory_space<vmem_shared>> -> memref<10000x32xf32, #tpu.memory_space<vmem_shared>>
      %dma_wait3A_777 = tpu.memref_slice %arg11[%dma_wait3A_766] : memref<10x!tpu.dma_semaphore, #tpu.memory_space<semaphore_mem>> -> memref<1x!tpu.dma_semaphore, #tpu.memory_space<semaphore_mem>>
      %dma_wait3A_778 = tpu.memref_squeeze %dma_wait3A_777 : memref<1x!tpu.dma_semaphore, #tpu.memory_space<semaphore_mem>> -> memref<!tpu.dma_semaphore, #tpu.memory_space<semaphore_mem>>
      tpu.wait_indirect_dma semaphore(%dma_wait3A_778 : memref<!tpu.dma_semaphore, #tpu.memory_space<semaphore_mem>>) src(%dma_wait3A_776 : memref<10000x32xf32, #tpu.memory_space<vmem_shared>>) dst(%dma_wait3A_770 : memref<128x32xf32, #tpu.memory_space<vmem>>)
      %dma_start3A_779 = arith.constant 7 : i32
      %dma_start3A_780 = arith.constant 7 : i32
      %dma_start3A_781 = arith.constant 0 : i32
      %dma_start3A_782 = arith.constant 0 : i32
      %dma_start3A_783 = tpu.memref_slice %arg8[%dma_start3A_779, %dma_start3A_781, %dma_start3A_782] : memref<10x128x32xf32, #tpu.memory_space<vmem>> -> memref<1x128x32xf32, #tpu.memory_space<vmem>>
      %dma_start3A_784 = tpu.memref_squeeze %dma_start3A_783 : memref<1x128x32xf32, #tpu.memory_space<vmem>> -> memref<128x32xf32, #tpu.memory_space<vmem>>
      %dma_start3A_785 = arith.constant 0 : i32
      %dma_start3A_786 = tpu.memref_slice %arg7[%add3A_764, %dma_start3A_785] : memref<80x128xi32, #tpu.memory_space<vmem>> -> memref<1x128xi32, #tpu.memory_space<vmem>>
      %dma_start3A_787 = tpu.memref_squeeze %dma_start3A_786 : memref<1x128xi32, #tpu.memory_space<vmem>> -> memref<128xi32, #tpu.memory_space<vmem>>
      %dma_start3A_788 = arith.constant 0 : i32
      %dma_start3A_789 = arith.constant 0 : i32
      %dma_start3A_790 = tpu.memref_slice %arg9[%dma_start3A_788, %dma_start3A_789] : memref<10112x32xf32, #tpu.memory_space<vmem_shared>> -> memref<10112x32xf32, #tpu.memory_space<vmem_shared>>
      %dma_start3A_791 = tpu.memref_slice %arg12[%dma_start3A_780] : memref<10x!tpu.dma_semaphore, #tpu.memory_space<semaphore_mem>> -> memref<1x!tpu.dma_semaphore, #tpu.memory_space<semaphore_mem>>
      %dma_start3A_792 = tpu.memref_squeeze %dma_start3A_791 : memref<1x!tpu.dma_semaphore, #tpu.memory_space<semaphore_mem>> -> memref<!tpu.dma_semaphore, #tpu.memory_space<semaphore_mem>>
      tpu.enqueue_indirect_dma source(%dma_start3A_784 : memref<128x32xf32, #tpu.memory_space<vmem>>) target(%dma_start3A_790 : memref<10112x32xf32, #tpu.memory_space<vmem_shared>>) offsets(%dma_start3A_787 : memref<128xi32, #tpu.memory_space<vmem>>) semaphore(%dma_start3A_792 : memref<!tpu.dma_semaphore, #tpu.memory_space<semaphore_mem>>) {add = true}
      %add3A_793 = arith.constant 5 : i32
      %add3A_794 = arith.addi %add3A_764, %add3A_793 : i32
      %lt3A_795 = arith.constant 80 : i32
      %lt3A_796 = arith.cmpi slt, %add3A_794, %lt3A_795 : i32
      %convert_element_type3A_797 = arith.extui %lt3A_796 : i1 to i32
      %cond3A_798 = arith.constant 0 : i32
      %cond3A_799 = arith.cmpi ne, %convert_element_type3A_797, %cond3A_798 : i32
      scf.if %cond3A_799 {
        %ge3A = arith.constant 10 : i32
        %ge3A_874 = arith.cmpi sge, %add3A_794, %ge3A : i32
        %convert_element_type3A_875 = arith.extui %ge3A_874 : i1 to i32
        %cond3A_876 = arith.constant 0 : i32
        %cond3A_877 = arith.cmpi ne, %convert_element_type3A_875, %cond3A_876 : i32
        scf.if %cond3A_877 {
          %sub3A = arith.constant 10 : i32
          %sub3A_892 = arith.subi %add3A_794, %sub3A : i32
          %dma_wait3A_893 = arith.constant 2 : i32
          %dma_wait3A_894 = arith.constant 2 : i32
          %dma_wait3A_895 = arith.constant 0 : i32
          %dma_wait3A_896 = arith.constant 0 : i32
          %dma_wait3A_897 = tpu.memref_slice %arg8[%dma_wait3A_893, %dma_wait3A_895, %dma_wait3A_896] : memref<10x128x32xf32, #tpu.memory_space<vmem>> -> memref<1x128x32xf32, #tpu.memory_space<vmem>>
          %dma_wait3A_898 = tpu.memref_squeeze %dma_wait3A_897 : memref<1x128x32xf32, #tpu.memory_space<vmem>> -> memref<128x32xf32, #tpu.memory_space<vmem>>
          %dma_wait3A_899 = arith.constant 0 : i32
          %dma_wait3A_900 = tpu.memref_slice %arg7[%sub3A_892, %dma_wait3A_899] : memref<80x128xi32, #tpu.memory_space<vmem>> -> memref<1x128xi32, #tpu.memory_space<vmem>>
          %dma_wait3A_901 = tpu.memref_squeeze %dma_wait3A_900 : memref<1x128xi32, #tpu.memory_space<vmem>> -> memref<128xi32, #tpu.memory_space<vmem>>
          %dma_wait3A_902 = arith.constant 0 : i32
          %dma_wait3A_903 = arith.constant 0 : i32
          %dma_wait3A_904 = tpu.memref_slice %arg9[%dma_wait3A_902, %dma_wait3A_903] : memref<10112x32xf32, #tpu.memory_space<vmem_shared>> -> memref<10112x32xf32, #tpu.memory_space<vmem_shared>>
          %dma_wait3A_905 = tpu.memref_slice %arg12[%dma_wait3A_894] : memref<10x!tpu.dma_semaphore, #tpu.memory_space<semaphore_mem>> -> memref<1x!tpu.dma_semaphore, #tpu.memory_space<semaphore_mem>>
          %dma_wait3A_906 = tpu.memref_squeeze %dma_wait3A_905 : memref<1x!tpu.dma_semaphore, #tpu.memory_space<semaphore_mem>> -> memref<!tpu.dma_semaphore, #tpu.memory_space<semaphore_mem>>
          tpu.wait_indirect_dma semaphore(%dma_wait3A_906 : memref<!tpu.dma_semaphore, #tpu.memory_space<semaphore_mem>>) src(%dma_wait3A_898 : memref<128x32xf32, #tpu.memory_space<vmem>>) dst(%dma_wait3A_904 : memref<10112x32xf32, #tpu.memory_space<vmem_shared>>)
        } else {
        }
        %dma_start3A_878 = arith.constant 2 : i32
        %dma_start3A_879 = arith.constant 2 : i32
        %dma_start3A_880 = arith.constant 0 : i32
        %dma_start3A_881 = arith.constant 0 : i32
        %dma_start3A_882 = tpu.memref_slice %arg8[%dma_start3A_878, %dma_start3A_880, %dma_start3A_881] : memref<10x128x32xf32, #tpu.memory_space<vmem>> -> memref<1x128x32xf32, #tpu.memory_space<vmem>>
        %dma_start3A_883 = tpu.memref_squeeze %dma_start3A_882 : memref<1x128x32xf32, #tpu.memory_space<vmem>> -> memref<128x32xf32, #tpu.memory_space<vmem>>
        %dma_start3A_884 = arith.constant 0 : i32
        %dma_start3A_885 = tpu.memref_slice %arg6[%add3A_794, %dma_start3A_884] : memref<80x128xi32, #tpu.memory_space<vmem>> -> memref<1x128xi32, #tpu.memory_space<vmem>>
        %dma_start3A_886 = tpu.memref_squeeze %dma_start3A_885 : memref<1x128xi32, #tpu.memory_space<vmem>> -> memref<128xi32, #tpu.memory_space<vmem>>
        %dma_start3A_887 = arith.constant 0 : i32
        %dma_start3A_888 = arith.constant 0 : i32
        %dma_start3A_889 = tpu.memref_slice %arg10[%dma_start3A_887, %dma_start3A_888] : memref<10000x32xf32, #tpu.memory_space<vmem_shared>> -> memref<10000x32xf32, #tpu.memory_space<vmem_shared>>
        %dma_start3A_890 = tpu.memref_slice %arg11[%dma_start3A_879] : memref<10x!tpu.dma_semaphore, #tpu.memory_space<semaphore_mem>> -> memref<1x!tpu.dma_semaphore, #tpu.memory_space<semaphore_mem>>
        %dma_start3A_891 = tpu.memref_squeeze %dma_start3A_890 : memref<1x!tpu.dma_semaphore, #tpu.memory_space<semaphore_mem>> -> memref<!tpu.dma_semaphore, #tpu.memory_space<semaphore_mem>>
        tpu.enqueue_indirect_dma source(%dma_start3A_889 : memref<10000x32xf32, #tpu.memory_space<vmem_shared>>) target(%dma_start3A_883 : memref<128x32xf32, #tpu.memory_space<vmem>>) offsets(%dma_start3A_886 : memref<128xi32, #tpu.memory_space<vmem>>) semaphore(%dma_start3A_891 : memref<!tpu.dma_semaphore, #tpu.memory_space<semaphore_mem>>)
      } else {
      }
      %add3A_800 = arith.constant 8 : i32
      %add3A_801 = arith.addi %add3A_506, %add3A_800 : i32
      %dma_wait3A_802 = arith.constant 8 : i32
      %dma_wait3A_803 = arith.constant 8 : i32
      %dma_wait3A_804 = arith.constant 0 : i32
      %dma_wait3A_805 = arith.constant 0 : i32
      %dma_wait3A_806 = tpu.memref_slice %arg8[%dma_wait3A_802, %dma_wait3A_804, %dma_wait3A_805] : memref<10x128x32xf32, #tpu.memory_space<vmem>> -> memref<1x128x32xf32, #tpu.memory_space<vmem>>
      %dma_wait3A_807 = tpu.memref_squeeze %dma_wait3A_806 : memref<1x128x32xf32, #tpu.memory_space<vmem>> -> memref<128x32xf32, #tpu.memory_space<vmem>>
      %dma_wait3A_808 = arith.constant 0 : i32
      %dma_wait3A_809 = tpu.memref_slice %arg6[%add3A_801, %dma_wait3A_808] : memref<80x128xi32, #tpu.memory_space<vmem>> -> memref<1x128xi32, #tpu.memory_space<vmem>>
      %dma_wait3A_810 = tpu.memref_squeeze %dma_wait3A_809 : memref<1x128xi32, #tpu.memory_space<vmem>> -> memref<128xi32, #tpu.memory_space<vmem>>
      %dma_wait3A_811 = arith.constant 0 : i32
      %dma_wait3A_812 = arith.constant 0 : i32
      %dma_wait3A_813 = tpu.memref_slice %arg10[%dma_wait3A_811, %dma_wait3A_812] : memref<10000x32xf32, #tpu.memory_space<vmem_shared>> -> memref<10000x32xf32, #tpu.memory_space<vmem_shared>>
      %dma_wait3A_814 = tpu.memref_slice %arg11[%dma_wait3A_803] : memref<10x!tpu.dma_semaphore, #tpu.memory_space<semaphore_mem>> -> memref<1x!tpu.dma_semaphore, #tpu.memory_space<semaphore_mem>>
      %dma_wait3A_815 = tpu.memref_squeeze %dma_wait3A_814 : memref<1x!tpu.dma_semaphore, #tpu.memory_space<semaphore_mem>> -> memref<!tpu.dma_semaphore, #tpu.memory_space<semaphore_mem>>
      tpu.wait_indirect_dma semaphore(%dma_wait3A_815 : memref<!tpu.dma_semaphore, #tpu.memory_space<semaphore_mem>>) src(%dma_wait3A_813 : memref<10000x32xf32, #tpu.memory_space<vmem_shared>>) dst(%dma_wait3A_807 : memref<128x32xf32, #tpu.memory_space<vmem>>)
      %dma_start3A_816 = arith.constant 8 : i32
      %dma_start3A_817 = arith.constant 8 : i32
      %dma_start3A_818 = arith.constant 0 : i32
      %dma_start3A_819 = arith.constant 0 : i32
      %dma_start3A_820 = tpu.memref_slice %arg8[%dma_start3A_816, %dma_start3A_818, %dma_start3A_819] : memref<10x128x32xf32, #tpu.memory_space<vmem>> -> memref<1x128x32xf32, #tpu.memory_space<vmem>>
      %dma_start3A_821 = tpu.memref_squeeze %dma_start3A_820 : memref<1x128x32xf32, #tpu.memory_space<vmem>> -> memref<128x32xf32, #tpu.memory_space<vmem>>
      %dma_start3A_822 = arith.constant 0 : i32
      %dma_start3A_823 = tpu.memref_slice %arg7[%add3A_801, %dma_start3A_822] : memref<80x128xi32, #tpu.memory_space<vmem>> -> memref<1x128xi32, #tpu.memory_space<vmem>>
      %dma_start3A_824 = tpu.memref_squeeze %dma_start3A_823 : memref<1x128xi32, #tpu.memory_space<vmem>> -> memref<128xi32, #tpu.memory_space<vmem>>
      %dma_start3A_825 = arith.constant 0 : i32
      %dma_start3A_826 = arith.constant 0 : i32
      %dma_start3A_827 = tpu.memref_slice %arg9[%dma_start3A_825, %dma_start3A_826] : memref<10112x32xf32, #tpu.memory_space<vmem_shared>> -> memref<10112x32xf32, #tpu.memory_space<vmem_shared>>
      %dma_start3A_828 = tpu.memref_slice %arg12[%dma_start3A_817] : memref<10x!tpu.dma_semaphore, #tpu.memory_space<semaphore_mem>> -> memref<1x!tpu.dma_semaphore, #tpu.memory_space<semaphore_mem>>
      %dma_start3A_829 = tpu.memref_squeeze %dma_start3A_828 : memref<1x!tpu.dma_semaphore, #tpu.memory_space<semaphore_mem>> -> memref<!tpu.dma_semaphore, #tpu.memory_space<semaphore_mem>>
      tpu.enqueue_indirect_dma source(%dma_start3A_821 : memref<128x32xf32, #tpu.memory_space<vmem>>) target(%dma_start3A_827 : memref<10112x32xf32, #tpu.memory_space<vmem_shared>>) offsets(%dma_start3A_824 : memref<128xi32, #tpu.memory_space<vmem>>) semaphore(%dma_start3A_829 : memref<!tpu.dma_semaphore, #tpu.memory_space<semaphore_mem>>) {add = true}
      %add3A_830 = arith.constant 5 : i32
      %add3A_831 = arith.addi %add3A_801, %add3A_830 : i32
      %lt3A_832 = arith.constant 80 : i32
      %lt3A_833 = arith.cmpi slt, %add3A_831, %lt3A_832 : i32
      %convert_element_type3A_834 = arith.extui %lt3A_833 : i1 to i32
      %cond3A_835 = arith.constant 0 : i32
      %cond3A_836 = arith.cmpi ne, %convert_element_type3A_834, %cond3A_835 : i32
      scf.if %cond3A_836 {
        %ge3A = arith.constant 10 : i32
        %ge3A_874 = arith.cmpi sge, %add3A_831, %ge3A : i32
        %convert_element_type3A_875 = arith.extui %ge3A_874 : i1 to i32
        %cond3A_876 = arith.constant 0 : i32
        %cond3A_877 = arith.cmpi ne, %convert_element_type3A_875, %cond3A_876 : i32
        scf.if %cond3A_877 {
          %sub3A = arith.constant 10 : i32
          %sub3A_892 = arith.subi %add3A_831, %sub3A : i32
          %dma_wait3A_893 = arith.constant 3 : i32
          %dma_wait3A_894 = arith.constant 3 : i32
          %dma_wait3A_895 = arith.constant 0 : i32
          %dma_wait3A_896 = arith.constant 0 : i32
          %dma_wait3A_897 = tpu.memref_slice %arg8[%dma_wait3A_893, %dma_wait3A_895, %dma_wait3A_896] : memref<10x128x32xf32, #tpu.memory_space<vmem>> -> memref<1x128x32xf32, #tpu.memory_space<vmem>>
          %dma_wait3A_898 = tpu.memref_squeeze %dma_wait3A_897 : memref<1x128x32xf32, #tpu.memory_space<vmem>> -> memref<128x32xf32, #tpu.memory_space<vmem>>
          %dma_wait3A_899 = arith.constant 0 : i32
          %dma_wait3A_900 = tpu.memref_slice %arg7[%sub3A_892, %dma_wait3A_899] : memref<80x128xi32, #tpu.memory_space<vmem>> -> memref<1x128xi32, #tpu.memory_space<vmem>>
          %dma_wait3A_901 = tpu.memref_squeeze %dma_wait3A_900 : memref<1x128xi32, #tpu.memory_space<vmem>> -> memref<128xi32, #tpu.memory_space<vmem>>
          %dma_wait3A_902 = arith.constant 0 : i32
          %dma_wait3A_903 = arith.constant 0 : i32
          %dma_wait3A_904 = tpu.memref_slice %arg9[%dma_wait3A_902, %dma_wait3A_903] : memref<10112x32xf32, #tpu.memory_space<vmem_shared>> -> memref<10112x32xf32, #tpu.memory_space<vmem_shared>>
          %dma_wait3A_905 = tpu.memref_slice %arg12[%dma_wait3A_894] : memref<10x!tpu.dma_semaphore, #tpu.memory_space<semaphore_mem>> -> memref<1x!tpu.dma_semaphore, #tpu.memory_space<semaphore_mem>>
          %dma_wait3A_906 = tpu.memref_squeeze %dma_wait3A_905 : memref<1x!tpu.dma_semaphore, #tpu.memory_space<semaphore_mem>> -> memref<!tpu.dma_semaphore, #tpu.memory_space<semaphore_mem>>
          tpu.wait_indirect_dma semaphore(%dma_wait3A_906 : memref<!tpu.dma_semaphore, #tpu.memory_space<semaphore_mem>>) src(%dma_wait3A_898 : memref<128x32xf32, #tpu.memory_space<vmem>>) dst(%dma_wait3A_904 : memref<10112x32xf32, #tpu.memory_space<vmem_shared>>)
        } else {
        }
        %dma_start3A_878 = arith.constant 3 : i32
        %dma_start3A_879 = arith.constant 3 : i32
        %dma_start3A_880 = arith.constant 0 : i32
        %dma_start3A_881 = arith.constant 0 : i32
        %dma_start3A_882 = tpu.memref_slice %arg8[%dma_start3A_878, %dma_start3A_880, %dma_start3A_881] : memref<10x128x32xf32, #tpu.memory_space<vmem>> -> memref<1x128x32xf32, #tpu.memory_space<vmem>>
        %dma_start3A_883 = tpu.memref_squeeze %dma_start3A_882 : memref<1x128x32xf32, #tpu.memory_space<vmem>> -> memref<128x32xf32, #tpu.memory_space<vmem>>
        %dma_start3A_884 = arith.constant 0 : i32
        %dma_start3A_885 = tpu.memref_slice %arg6[%add3A_831, %dma_start3A_884] : memref<80x128xi32, #tpu.memory_space<vmem>> -> memref<1x128xi32, #tpu.memory_space<vmem>>
        %dma_start3A_886 = tpu.memref_squeeze %dma_start3A_885 : memref<1x128xi32, #tpu.memory_space<vmem>> -> memref<128xi32, #tpu.memory_space<vmem>>
        %dma_start3A_887 = arith.constant 0 : i32
        %dma_start3A_888 = arith.constant 0 : i32
        %dma_start3A_889 = tpu.memref_slice %arg10[%dma_start3A_887, %dma_start3A_888] : memref<10000x32xf32, #tpu.memory_space<vmem_shared>> -> memref<10000x32xf32, #tpu.memory_space<vmem_shared>>
        %dma_start3A_890 = tpu.memref_slice %arg11[%dma_start3A_879] : memref<10x!tpu.dma_semaphore, #tpu.memory_space<semaphore_mem>> -> memref<1x!tpu.dma_semaphore, #tpu.memory_space<semaphore_mem>>
        %dma_start3A_891 = tpu.memref_squeeze %dma_start3A_890 : memref<1x!tpu.dma_semaphore, #tpu.memory_space<semaphore_mem>> -> memref<!tpu.dma_semaphore, #tpu.memory_space<semaphore_mem>>
        tpu.enqueue_indirect_dma source(%dma_start3A_889 : memref<10000x32xf32, #tpu.memory_space<vmem_shared>>) target(%dma_start3A_883 : memref<128x32xf32, #tpu.memory_space<vmem>>) offsets(%dma_start3A_886 : memref<128xi32, #tpu.memory_space<vmem>>) semaphore(%dma_start3A_891 : memref<!tpu.dma_semaphore, #tpu.memory_space<semaphore_mem>>)
      } else {
      }
      %add3A_837 = arith.constant 9 : i32
      %add3A_838 = arith.addi %add3A_506, %add3A_837 : i32
      %dma_wait3A_839 = arith.constant 9 : i32
      %dma_wait3A_840 = arith.constant 9 : i32
      %dma_wait3A_841 = arith.constant 0 : i32
      %dma_wait3A_842 = arith.constant 0 : i32
      %dma_wait3A_843 = tpu.memref_slice %arg8[%dma_wait3A_839, %dma_wait3A_841, %dma_wait3A_842] : memref<10x128x32xf32, #tpu.memory_space<vmem>> -> memref<1x128x32xf32, #tpu.memory_space<vmem>>
      %dma_wait3A_844 = tpu.memref_squeeze %dma_wait3A_843 : memref<1x128x32xf32, #tpu.memory_space<vmem>> -> memref<128x32xf32, #tpu.memory_space<vmem>>
      %dma_wait3A_845 = arith.constant 0 : i32
      %dma_wait3A_846 = tpu.memref_slice %arg6[%add3A_838, %dma_wait3A_845] : memref<80x128xi32, #tpu.memory_space<vmem>> -> memref<1x128xi32, #tpu.memory_space<vmem>>
      %dma_wait3A_847 = tpu.memref_squeeze %dma_wait3A_846 : memref<1x128xi32, #tpu.memory_space<vmem>> -> memref<128xi32, #tpu.memory_space<vmem>>
      %dma_wait3A_848 = arith.constant 0 : i32
      %dma_wait3A_849 = arith.constant 0 : i32
      %dma_wait3A_850 = tpu.memref_slice %arg10[%dma_wait3A_848, %dma_wait3A_849] : memref<10000x32xf32, #tpu.memory_space<vmem_shared>> -> memref<10000x32xf32, #tpu.memory_space<vmem_shared>>
      %dma_wait3A_851 = tpu.memref_slice %arg11[%dma_wait3A_840] : memref<10x!tpu.dma_semaphore, #tpu.memory_space<semaphore_mem>> -> memref<1x!tpu.dma_semaphore, #tpu.memory_space<semaphore_mem>>
      %dma_wait3A_852 = tpu.memref_squeeze %dma_wait3A_851 : memref<1x!tpu.dma_semaphore, #tpu.memory_space<semaphore_mem>> -> memref<!tpu.dma_semaphore, #tpu.memory_space<semaphore_mem>>
      tpu.wait_indirect_dma semaphore(%dma_wait3A_852 : memref<!tpu.dma_semaphore, #tpu.memory_space<semaphore_mem>>) src(%dma_wait3A_850 : memref<10000x32xf32, #tpu.memory_space<vmem_shared>>) dst(%dma_wait3A_844 : memref<128x32xf32, #tpu.memory_space<vmem>>)
      %dma_start3A_853 = arith.constant 9 : i32
      %dma_start3A_854 = arith.constant 9 : i32
      %dma_start3A_855 = arith.constant 0 : i32
      %dma_start3A_856 = arith.constant 0 : i32
      %dma_start3A_857 = tpu.memref_slice %arg8[%dma_start3A_853, %dma_start3A_855, %dma_start3A_856] : memref<10x128x32xf32, #tpu.memory_space<vmem>> -> memref<1x128x32xf32, #tpu.memory_space<vmem>>
      %dma_start3A_858 = tpu.memref_squeeze %dma_start3A_857 : memref<1x128x32xf32, #tpu.memory_space<vmem>> -> memref<128x32xf32, #tpu.memory_space<vmem>>
      %dma_start3A_859 = arith.constant 0 : i32
      %dma_start3A_860 = tpu.memref_slice %arg7[%add3A_838, %dma_start3A_859] : memref<80x128xi32, #tpu.memory_space<vmem>> -> memref<1x128xi32, #tpu.memory_space<vmem>>
      %dma_start3A_861 = tpu.memref_squeeze %dma_start3A_860 : memref<1x128xi32, #tpu.memory_space<vmem>> -> memref<128xi32, #tpu.memory_space<vmem>>
      %dma_start3A_862 = arith.constant 0 : i32
      %dma_start3A_863 = arith.constant 0 : i32
      %dma_start3A_864 = tpu.memref_slice %arg9[%dma_start3A_862, %dma_start3A_863] : memref<10112x32xf32, #tpu.memory_space<vmem_shared>> -> memref<10112x32xf32, #tpu.memory_space<vmem_shared>>
      %dma_start3A_865 = tpu.memref_slice %arg12[%dma_start3A_854] : memref<10x!tpu.dma_semaphore, #tpu.memory_space<semaphore_mem>> -> memref<1x!tpu.dma_semaphore, #tpu.memory_space<semaphore_mem>>
      %dma_start3A_866 = tpu.memref_squeeze %dma_start3A_865 : memref<1x!tpu.dma_semaphore, #tpu.memory_space<semaphore_mem>> -> memref<!tpu.dma_semaphore, #tpu.memory_space<semaphore_mem>>
      tpu.enqueue_indirect_dma source(%dma_start3A_858 : memref<128x32xf32, #tpu.memory_space<vmem>>) target(%dma_start3A_864 : memref<10112x32xf32, #tpu.memory_space<vmem_shared>>) offsets(%dma_start3A_861 : memref<128xi32, #tpu.memory_space<vmem>>) semaphore(%dma_start3A_866 : memref<!tpu.dma_semaphore, #tpu.memory_space<semaphore_mem>>) {add = true}
      %add3A_867 = arith.constant 5 : i32
      %add3A_868 = arith.addi %add3A_838, %add3A_867 : i32
      %lt3A_869 = arith.constant 80 : i32
      %lt3A_870 = arith.cmpi slt, %add3A_868, %lt3A_869 : i32
      %convert_element_type3A_871 = arith.extui %lt3A_870 : i1 to i32
      %cond3A_872 = arith.constant 0 : i32
      %cond3A_873 = arith.cmpi ne, %convert_element_type3A_871, %cond3A_872 : i32
      scf.if %cond3A_873 {
        %ge3A = arith.constant 10 : i32
        %ge3A_874 = arith.cmpi sge, %add3A_868, %ge3A : i32
        %convert_element_type3A_875 = arith.extui %ge3A_874 : i1 to i32
        %cond3A_876 = arith.constant 0 : i32
        %cond3A_877 = arith.cmpi ne, %convert_element_type3A_875, %cond3A_876 : i32
        scf.if %cond3A_877 {
          %sub3A = arith.constant 10 : i32
          %sub3A_892 = arith.subi %add3A_868, %sub3A : i32
          %dma_wait3A_893 = arith.constant 4 : i32
          %dma_wait3A_894 = arith.constant 4 : i32
          %dma_wait3A_895 = arith.constant 0 : i32
          %dma_wait3A_896 = arith.constant 0 : i32
          %dma_wait3A_897 = tpu.memref_slice %arg8[%dma_wait3A_893, %dma_wait3A_895, %dma_wait3A_896] : memref<10x128x32xf32, #tpu.memory_space<vmem>> -> memref<1x128x32xf32, #tpu.memory_space<vmem>>
          %dma_wait3A_898 = tpu.memref_squeeze %dma_wait3A_897 : memref<1x128x32xf32, #tpu.memory_space<vmem>> -> memref<128x32xf32, #tpu.memory_space<vmem>>
          %dma_wait3A_899 = arith.constant 0 : i32
          %dma_wait3A_900 = tpu.memref_slice %arg7[%sub3A_892, %dma_wait3A_899] : memref<80x128xi32, #tpu.memory_space<vmem>> -> memref<1x128xi32, #tpu.memory_space<vmem>>
          %dma_wait3A_901 = tpu.memref_squeeze %dma_wait3A_900 : memref<1x128xi32, #tpu.memory_space<vmem>> -> memref<128xi32, #tpu.memory_space<vmem>>
          %dma_wait3A_902 = arith.constant 0 : i32
          %dma_wait3A_903 = arith.constant 0 : i32
          %dma_wait3A_904 = tpu.memref_slice %arg9[%dma_wait3A_902, %dma_wait3A_903] : memref<10112x32xf32, #tpu.memory_space<vmem_shared>> -> memref<10112x32xf32, #tpu.memory_space<vmem_shared>>
          %dma_wait3A_905 = tpu.memref_slice %arg12[%dma_wait3A_894] : memref<10x!tpu.dma_semaphore, #tpu.memory_space<semaphore_mem>> -> memref<1x!tpu.dma_semaphore, #tpu.memory_space<semaphore_mem>>
          %dma_wait3A_906 = tpu.memref_squeeze %dma_wait3A_905 : memref<1x!tpu.dma_semaphore, #tpu.memory_space<semaphore_mem>> -> memref<!tpu.dma_semaphore, #tpu.memory_space<semaphore_mem>>
          tpu.wait_indirect_dma semaphore(%dma_wait3A_906 : memref<!tpu.dma_semaphore, #tpu.memory_space<semaphore_mem>>) src(%dma_wait3A_898 : memref<128x32xf32, #tpu.memory_space<vmem>>) dst(%dma_wait3A_904 : memref<10112x32xf32, #tpu.memory_space<vmem_shared>>)
        } else {
        }
        %dma_start3A_878 = arith.constant 4 : i32
        %dma_start3A_879 = arith.constant 4 : i32
        %dma_start3A_880 = arith.constant 0 : i32
        %dma_start3A_881 = arith.constant 0 : i32
        %dma_start3A_882 = tpu.memref_slice %arg8[%dma_start3A_878, %dma_start3A_880, %dma_start3A_881] : memref<10x128x32xf32, #tpu.memory_space<vmem>> -> memref<1x128x32xf32, #tpu.memory_space<vmem>>
        %dma_start3A_883 = tpu.memref_squeeze %dma_start3A_882 : memref<1x128x32xf32, #tpu.memory_space<vmem>> -> memref<128x32xf32, #tpu.memory_space<vmem>>
        %dma_start3A_884 = arith.constant 0 : i32
        %dma_start3A_885 = tpu.memref_slice %arg6[%add3A_868, %dma_start3A_884] : memref<80x128xi32, #tpu.memory_space<vmem>> -> memref<1x128xi32, #tpu.memory_space<vmem>>
        %dma_start3A_886 = tpu.memref_squeeze %dma_start3A_885 : memref<1x128xi32, #tpu.memory_space<vmem>> -> memref<128xi32, #tpu.memory_space<vmem>>
        %dma_start3A_887 = arith.constant 0 : i32
        %dma_start3A_888 = arith.constant 0 : i32
        %dma_start3A_889 = tpu.memref_slice %arg10[%dma_start3A_887, %dma_start3A_888] : memref<10000x32xf32, #tpu.memory_space<vmem_shared>> -> memref<10000x32xf32, #tpu.memory_space<vmem_shared>>
        %dma_start3A_890 = tpu.memref_slice %arg11[%dma_start3A_879] : memref<10x!tpu.dma_semaphore, #tpu.memory_space<semaphore_mem>> -> memref<1x!tpu.dma_semaphore, #tpu.memory_space<semaphore_mem>>
        %dma_start3A_891 = tpu.memref_squeeze %dma_start3A_890 : memref<1x!tpu.dma_semaphore, #tpu.memory_space<semaphore_mem>> -> memref<!tpu.dma_semaphore, #tpu.memory_space<semaphore_mem>>
        tpu.enqueue_indirect_dma source(%dma_start3A_889 : memref<10000x32xf32, #tpu.memory_space<vmem_shared>>) target(%dma_start3A_883 : memref<128x32xf32, #tpu.memory_space<vmem>>) offsets(%dma_start3A_886 : memref<128xi32, #tpu.memory_space<vmem>>) semaphore(%dma_start3A_891 : memref<!tpu.dma_semaphore, #tpu.memory_space<semaphore_mem>>)
      } else {
      }
    }
    %scan3A_346 = arith.constant 8 : i32
    %dma_wait3A_347 = arith.constant 0 : i32
    %dma_wait3A_348 = arith.constant 70 : i32
    %dma_wait3A_349 = arith.constant 0 : i32
    %dma_wait3A_350 = arith.constant 0 : i32
    %dma_wait3A_351 = arith.constant 0 : i32
    %dma_wait3A_352 = tpu.memref_slice %arg8[%dma_wait3A_347, %dma_wait3A_350, %dma_wait3A_351] : memref<10x128x32xf32, #tpu.memory_space<vmem>> -> memref<1x128x32xf32, #tpu.memory_space<vmem>>
    %dma_wait3A_353 = tpu.memref_squeeze %dma_wait3A_352 : memref<1x128x32xf32, #tpu.memory_space<vmem>> -> memref<128x32xf32, #tpu.memory_space<vmem>>
    %dma_wait3A_354 = arith.constant 0 : i32
    %dma_wait3A_355 = tpu.memref_slice %arg7[%dma_wait3A_348, %dma_wait3A_354] : memref<80x128xi32, #tpu.memory_space<vmem>> -> memref<1x128xi32, #tpu.memory_space<vmem>>
    %dma_wait3A_356 = tpu.memref_squeeze %dma_wait3A_355 : memref<1x128xi32, #tpu.memory_space<vmem>> -> memref<128xi32, #tpu.memory_space<vmem>>
    %dma_wait3A_357 = arith.constant 0 : i32
    %dma_wait3A_358 = arith.constant 0 : i32
    %dma_wait3A_359 = tpu.memref_slice %arg9[%dma_wait3A_357, %dma_wait3A_358] : memref<10112x32xf32, #tpu.memory_space<vmem_shared>> -> memref<10112x32xf32, #tpu.memory_space<vmem_shared>>
    %dma_wait3A_360 = tpu.memref_slice %arg12[%dma_wait3A_349] : memref<10x!tpu.dma_semaphore, #tpu.memory_space<semaphore_mem>> -> memref<1x!tpu.dma_semaphore, #tpu.memory_space<semaphore_mem>>
    %dma_wait3A_361 = tpu.memref_squeeze %dma_wait3A_360 : memref<1x!tpu.dma_semaphore, #tpu.memory_space<semaphore_mem>> -> memref<!tpu.dma_semaphore, #tpu.memory_space<semaphore_mem>>
    tpu.wait_indirect_dma semaphore(%dma_wait3A_361 : memref<!tpu.dma_semaphore, #tpu.memory_space<semaphore_mem>>) src(%dma_wait3A_353 : memref<128x32xf32, #tpu.memory_space<vmem>>) dst(%dma_wait3A_359 : memref<10112x32xf32, #tpu.memory_space<vmem_shared>>)
    %dma_wait3A_362 = arith.constant 1 : i32
    %dma_wait3A_363 = arith.constant 71 : i32
    %dma_wait3A_364 = arith.constant 1 : i32
    %dma_wait3A_365 = arith.constant 0 : i32
    %dma_wait3A_366 = arith.constant 0 : i32
    %dma_wait3A_367 = tpu.memref_slice %arg8[%dma_wait3A_362, %dma_wait3A_365, %dma_wait3A_366] : memref<10x128x32xf32, #tpu.memory_space<vmem>> -> memref<1x128x32xf32, #tpu.memory_space<vmem>>
    %dma_wait3A_368 = tpu.memref_squeeze %dma_wait3A_367 : memref<1x128x32xf32, #tpu.memory_space<vmem>> -> memref<128x32xf32, #tpu.memory_space<vmem>>
    %dma_wait3A_369 = arith.constant 0 : i32
    %dma_wait3A_370 = tpu.memref_slice %arg7[%dma_wait3A_363, %dma_wait3A_369] : memref<80x128xi32, #tpu.memory_space<vmem>> -> memref<1x128xi32, #tpu.memory_space<vmem>>
    %dma_wait3A_371 = tpu.memref_squeeze %dma_wait3A_370 : memref<1x128xi32, #tpu.memory_space<vmem>> -> memref<128xi32, #tpu.memory_space<vmem>>
    %dma_wait3A_372 = arith.constant 0 : i32
    %dma_wait3A_373 = arith.constant 0 : i32
    %dma_wait3A_374 = tpu.memref_slice %arg9[%dma_wait3A_372, %dma_wait3A_373] : memref<10112x32xf32, #tpu.memory_space<vmem_shared>> -> memref<10112x32xf32, #tpu.memory_space<vmem_shared>>
    %dma_wait3A_375 = tpu.memref_slice %arg12[%dma_wait3A_364] : memref<10x!tpu.dma_semaphore, #tpu.memory_space<semaphore_mem>> -> memref<1x!tpu.dma_semaphore, #tpu.memory_space<semaphore_mem>>
    %dma_wait3A_376 = tpu.memref_squeeze %dma_wait3A_375 : memref<1x!tpu.dma_semaphore, #tpu.memory_space<semaphore_mem>> -> memref<!tpu.dma_semaphore, #tpu.memory_space<semaphore_mem>>
    tpu.wait_indirect_dma semaphore(%dma_wait3A_376 : memref<!tpu.dma_semaphore, #tpu.memory_space<semaphore_mem>>) src(%dma_wait3A_368 : memref<128x32xf32, #tpu.memory_space<vmem>>) dst(%dma_wait3A_374 : memref<10112x32xf32, #tpu.memory_space<vmem_shared>>)
    %dma_wait3A_377 = arith.constant 2 : i32
    %dma_wait3A_378 = arith.constant 72 : i32
    %dma_wait3A_379 = arith.constant 2 : i32
    %dma_wait3A_380 = arith.constant 0 : i32
    %dma_wait3A_381 = arith.constant 0 : i32
    %dma_wait3A_382 = tpu.memref_slice %arg8[%dma_wait3A_377, %dma_wait3A_380, %dma_wait3A_381] : memref<10x128x32xf32, #tpu.memory_space<vmem>> -> memref<1x128x32xf32, #tpu.memory_space<vmem>>
    %dma_wait3A_383 = tpu.memref_squeeze %dma_wait3A_382 : memref<1x128x32xf32, #tpu.memory_space<vmem>> -> memref<128x32xf32, #tpu.memory_space<vmem>>
    %dma_wait3A_384 = arith.constant 0 : i32
    %dma_wait3A_385 = tpu.memref_slice %arg7[%dma_wait3A_378, %dma_wait3A_384] : memref<80x128xi32, #tpu.memory_space<vmem>> -> memref<1x128xi32, #tpu.memory_space<vmem>>
    %dma_wait3A_386 = tpu.memref_squeeze %dma_wait3A_385 : memref<1x128xi32, #tpu.memory_space<vmem>> -> memref<128xi32, #tpu.memory_space<vmem>>
    %dma_wait3A_387 = arith.constant 0 : i32
    %dma_wait3A_388 = arith.constant 0 : i32
    %dma_wait3A_389 = tpu.memref_slice %arg9[%dma_wait3A_387, %dma_wait3A_388] : memref<10112x32xf32, #tpu.memory_space<vmem_shared>> -> memref<10112x32xf32, #tpu.memory_space<vmem_shared>>
    %dma_wait3A_390 = tpu.memref_slice %arg12[%dma_wait3A_379] : memref<10x!tpu.dma_semaphore, #tpu.memory_space<semaphore_mem>> -> memref<1x!tpu.dma_semaphore, #tpu.memory_space<semaphore_mem>>
    %dma_wait3A_391 = tpu.memref_squeeze %dma_wait3A_390 : memref<1x!tpu.dma_semaphore, #tpu.memory_space<semaphore_mem>> -> memref<!tpu.dma_semaphore, #tpu.memory_space<semaphore_mem>>
    tpu.wait_indirect_dma semaphore(%dma_wait3A_391 : memref<!tpu.dma_semaphore, #tpu.memory_space<semaphore_mem>>) src(%dma_wait3A_383 : memref<128x32xf32, #tpu.memory_space<vmem>>) dst(%dma_wait3A_389 : memref<10112x32xf32, #tpu.memory_space<vmem_shared>>)
    %dma_wait3A_392 = arith.constant 3 : i32
    %dma_wait3A_393 = arith.constant 73 : i32
    %dma_wait3A_394 = arith.constant 3 : i32
    %dma_wait3A_395 = arith.constant 0 : i32
    %dma_wait3A_396 = arith.constant 0 : i32
    %dma_wait3A_397 = tpu.memref_slice %arg8[%dma_wait3A_392, %dma_wait3A_395, %dma_wait3A_396] : memref<10x128x32xf32, #tpu.memory_space<vmem>> -> memref<1x128x32xf32, #tpu.memory_space<vmem>>
    %dma_wait3A_398 = tpu.memref_squeeze %dma_wait3A_397 : memref<1x128x32xf32, #tpu.memory_space<vmem>> -> memref<128x32xf32, #tpu.memory_space<vmem>>
    %dma_wait3A_399 = arith.constant 0 : i32
    %dma_wait3A_400 = tpu.memref_slice %arg7[%dma_wait3A_393, %dma_wait3A_399] : memref<80x128xi32, #tpu.memory_space<vmem>> -> memref<1x128xi32, #tpu.memory_space<vmem>>
    %dma_wait3A_401 = tpu.memref_squeeze %dma_wait3A_400 : memref<1x128xi32, #tpu.memory_space<vmem>> -> memref<128xi32, #tpu.memory_space<vmem>>
    %dma_wait3A_402 = arith.constant 0 : i32
    %dma_wait3A_403 = arith.constant 0 : i32
    %dma_wait3A_404 = tpu.memref_slice %arg9[%dma_wait3A_402, %dma_wait3A_403] : memref<10112x32xf32, #tpu.memory_space<vmem_shared>> -> memref<10112x32xf32, #tpu.memory_space<vmem_shared>>
    %dma_wait3A_405 = tpu.memref_slice %arg12[%dma_wait3A_394] : memref<10x!tpu.dma_semaphore, #tpu.memory_space<semaphore_mem>> -> memref<1x!tpu.dma_semaphore, #tpu.memory_space<semaphore_mem>>
    %dma_wait3A_406 = tpu.memref_squeeze %dma_wait3A_405 : memref<1x!tpu.dma_semaphore, #tpu.memory_space<semaphore_mem>> -> memref<!tpu.dma_semaphore, #tpu.memory_space<semaphore_mem>>
    tpu.wait_indirect_dma semaphore(%dma_wait3A_406 : memref<!tpu.dma_semaphore, #tpu.memory_space<semaphore_mem>>) src(%dma_wait3A_398 : memref<128x32xf32, #tpu.memory_space<vmem>>) dst(%dma_wait3A_404 : memref<10112x32xf32, #tpu.memory_space<vmem_shared>>)
    %dma_wait3A_407 = arith.constant 4 : i32
    %dma_wait3A_408 = arith.constant 74 : i32
    %dma_wait3A_409 = arith.constant 4 : i32
    %dma_wait3A_410 = arith.constant 0 : i32
    %dma_wait3A_411 = arith.constant 0 : i32
    %dma_wait3A_412 = tpu.memref_slice %arg8[%dma_wait3A_407, %dma_wait3A_410, %dma_wait3A_411] : memref<10x128x32xf32, #tpu.memory_space<vmem>> -> memref<1x128x32xf32, #tpu.memory_space<vmem>>
    %dma_wait3A_413 = tpu.memref_squeeze %dma_wait3A_412 : memref<1x128x32xf32, #tpu.memory_space<vmem>> -> memref<128x32xf32, #tpu.memory_space<vmem>>
    %dma_wait3A_414 = arith.constant 0 : i32
    %dma_wait3A_415 = tpu.memref_slice %arg7[%dma_wait3A_408, %dma_wait3A_414] : memref<80x128xi32, #tpu.memory_space<vmem>> -> memref<1x128xi32, #tpu.memory_space<vmem>>
    %dma_wait3A_416 = tpu.memref_squeeze %dma_wait3A_415 : memref<1x128xi32, #tpu.memory_space<vmem>> -> memref<128xi32, #tpu.memory_space<vmem>>
    %dma_wait3A_417 = arith.constant 0 : i32
    %dma_wait3A_418 = arith.constant 0 : i32
    %dma_wait3A_419 = tpu.memref_slice %arg9[%dma_wait3A_417, %dma_wait3A_418] : memref<10112x32xf32, #tpu.memory_space<vmem_shared>> -> memref<10112x32xf32, #tpu.memory_space<vmem_shared>>
    %dma_wait3A_420 = tpu.memref_slice %arg12[%dma_wait3A_409] : memref<10x!tpu.dma_semaphore, #tpu.memory_space<semaphore_mem>> -> memref<1x!tpu.dma_semaphore, #tpu.memory_space<semaphore_mem>>
    %dma_wait3A_421 = tpu.memref_squeeze %dma_wait3A_420 : memref<1x!tpu.dma_semaphore, #tpu.memory_space<semaphore_mem>> -> memref<!tpu.dma_semaphore, #tpu.memory_space<semaphore_mem>>
    tpu.wait_indirect_dma semaphore(%dma_wait3A_421 : memref<!tpu.dma_semaphore, #tpu.memory_space<semaphore_mem>>) src(%dma_wait3A_413 : memref<128x32xf32, #tpu.memory_space<vmem>>) dst(%dma_wait3A_419 : memref<10112x32xf32, #tpu.memory_space<vmem_shared>>)
    %dma_wait3A_422 = arith.constant 5 : i32
    %dma_wait3A_423 = arith.constant 75 : i32
    %dma_wait3A_424 = arith.constant 5 : i32
    %dma_wait3A_425 = arith.constant 0 : i32
    %dma_wait3A_426 = arith.constant 0 : i32
    %dma_wait3A_427 = tpu.memref_slice %arg8[%dma_wait3A_422, %dma_wait3A_425, %dma_wait3A_426] : memref<10x128x32xf32, #tpu.memory_space<vmem>> -> memref<1x128x32xf32, #tpu.memory_space<vmem>>
    %dma_wait3A_428 = tpu.memref_squeeze %dma_wait3A_427 : memref<1x128x32xf32, #tpu.memory_space<vmem>> -> memref<128x32xf32, #tpu.memory_space<vmem>>
    %dma_wait3A_429 = arith.constant 0 : i32
    %dma_wait3A_430 = tpu.memref_slice %arg7[%dma_wait3A_423, %dma_wait3A_429] : memref<80x128xi32, #tpu.memory_space<vmem>> -> memref<1x128xi32, #tpu.memory_space<vmem>>
    %dma_wait3A_431 = tpu.memref_squeeze %dma_wait3A_430 : memref<1x128xi32, #tpu.memory_space<vmem>> -> memref<128xi32, #tpu.memory_space<vmem>>
    %dma_wait3A_432 = arith.constant 0 : i32
    %dma_wait3A_433 = arith.constant 0 : i32
    %dma_wait3A_434 = tpu.memref_slice %arg9[%dma_wait3A_432, %dma_wait3A_433] : memref<10112x32xf32, #tpu.memory_space<vmem_shared>> -> memref<10112x32xf32, #tpu.memory_space<vmem_shared>>
    %dma_wait3A_435 = tpu.memref_slice %arg12[%dma_wait3A_424] : memref<10x!tpu.dma_semaphore, #tpu.memory_space<semaphore_mem>> -> memref<1x!tpu.dma_semaphore, #tpu.memory_space<semaphore_mem>>
    %dma_wait3A_436 = tpu.memref_squeeze %dma_wait3A_435 : memref<1x!tpu.dma_semaphore, #tpu.memory_space<semaphore_mem>> -> memref<!tpu.dma_semaphore, #tpu.memory_space<semaphore_mem>>
    tpu.wait_indirect_dma semaphore(%dma_wait3A_436 : memref<!tpu.dma_semaphore, #tpu.memory_space<semaphore_mem>>) src(%dma_wait3A_428 : memref<128x32xf32, #tpu.memory_space<vmem>>) dst(%dma_wait3A_434 : memref<10112x32xf32, #tpu.memory_space<vmem_shared>>)
    %dma_wait3A_437 = arith.constant 6 : i32
    %dma_wait3A_438 = arith.constant 76 : i32
    %dma_wait3A_439 = arith.constant 6 : i32
    %dma_wait3A_440 = arith.constant 0 : i32
    %dma_wait3A_441 = arith.constant 0 : i32
    %dma_wait3A_442 = tpu.memref_slice %arg8[%dma_wait3A_437, %dma_wait3A_440, %dma_wait3A_441] : memref<10x128x32xf32, #tpu.memory_space<vmem>> -> memref<1x128x32xf32, #tpu.memory_space<vmem>>
    %dma_wait3A_443 = tpu.memref_squeeze %dma_wait3A_442 : memref<1x128x32xf32, #tpu.memory_space<vmem>> -> memref<128x32xf32, #tpu.memory_space<vmem>>
    %dma_wait3A_444 = arith.constant 0 : i32
    %dma_wait3A_445 = tpu.memref_slice %arg7[%dma_wait3A_438, %dma_wait3A_444] : memref<80x128xi32, #tpu.memory_space<vmem>> -> memref<1x128xi32, #tpu.memory_space<vmem>>
    %dma_wait3A_446 = tpu.memref_squeeze %dma_wait3A_445 : memref<1x128xi32, #tpu.memory_space<vmem>> -> memref<128xi32, #tpu.memory_space<vmem>>
    %dma_wait3A_447 = arith.constant 0 : i32
    %dma_wait3A_448 = arith.constant 0 : i32
    %dma_wait3A_449 = tpu.memref_slice %arg9[%dma_wait3A_447, %dma_wait3A_448] : memref<10112x32xf32, #tpu.memory_space<vmem_shared>> -> memref<10112x32xf32, #tpu.memory_space<vmem_shared>>
    %dma_wait3A_450 = tpu.memref_slice %arg12[%dma_wait3A_439] : memref<10x!tpu.dma_semaphore, #tpu.memory_space<semaphore_mem>> -> memref<1x!tpu.dma_semaphore, #tpu.memory_space<semaphore_mem>>
    %dma_wait3A_451 = tpu.memref_squeeze %dma_wait3A_450 : memref<1x!tpu.dma_semaphore, #tpu.memory_space<semaphore_mem>> -> memref<!tpu.dma_semaphore, #tpu.memory_space<semaphore_mem>>
    tpu.wait_indirect_dma semaphore(%dma_wait3A_451 : memref<!tpu.dma_semaphore, #tpu.memory_space<semaphore_mem>>) src(%dma_wait3A_443 : memref<128x32xf32, #tpu.memory_space<vmem>>) dst(%dma_wait3A_449 : memref<10112x32xf32, #tpu.memory_space<vmem_shared>>)
    %dma_wait3A_452 = arith.constant 7 : i32
    %dma_wait3A_453 = arith.constant 77 : i32
    %dma_wait3A_454 = arith.constant 7 : i32
    %dma_wait3A_455 = arith.constant 0 : i32
    %dma_wait3A_456 = arith.constant 0 : i32
    %dma_wait3A_457 = tpu.memref_slice %arg8[%dma_wait3A_452, %dma_wait3A_455, %dma_wait3A_456] : memref<10x128x32xf32, #tpu.memory_space<vmem>> -> memref<1x128x32xf32, #tpu.memory_space<vmem>>
    %dma_wait3A_458 = tpu.memref_squeeze %dma_wait3A_457 : memref<1x128x32xf32, #tpu.memory_space<vmem>> -> memref<128x32xf32, #tpu.memory_space<vmem>>
    %dma_wait3A_459 = arith.constant 0 : i32
    %dma_wait3A_460 = tpu.memref_slice %arg7[%dma_wait3A_453, %dma_wait3A_459] : memref<80x128xi32, #tpu.memory_space<vmem>> -> memref<1x128xi32, #tpu.memory_space<vmem>>
    %dma_wait3A_461 = tpu.memref_squeeze %dma_wait3A_460 : memref<1x128xi32, #tpu.memory_space<vmem>> -> memref<128xi32, #tpu.memory_space<vmem>>
    %dma_wait3A_462 = arith.constant 0 : i32
    %dma_wait3A_463 = arith.constant 0 : i32
    %dma_wait3A_464 = tpu.memref_slice %arg9[%dma_wait3A_462, %dma_wait3A_463] : memref<10112x32xf32, #tpu.memory_space<vmem_shared>> -> memref<10112x32xf32, #tpu.memory_space<vmem_shared>>
    %dma_wait3A_465 = tpu.memref_slice %arg12[%dma_wait3A_454] : memref<10x!tpu.dma_semaphore, #tpu.memory_space<semaphore_mem>> -> memref<1x!tpu.dma_semaphore, #tpu.memory_space<semaphore_mem>>
    %dma_wait3A_466 = tpu.memref_squeeze %dma_wait3A_465 : memref<1x!tpu.dma_semaphore, #tpu.memory_space<semaphore_mem>> -> memref<!tpu.dma_semaphore, #tpu.memory_space<semaphore_mem>>
    tpu.wait_indirect_dma semaphore(%dma_wait3A_466 : memref<!tpu.dma_semaphore, #tpu.memory_space<semaphore_mem>>) src(%dma_wait3A_458 : memref<128x32xf32, #tpu.memory_space<vmem>>) dst(%dma_wait3A_464 : memref<10112x32xf32, #tpu.memory_space<vmem_shared>>)
    %dma_wait3A_467 = arith.constant 8 : i32
    %dma_wait3A_468 = arith.constant 78 : i32
    %dma_wait3A_469 = arith.constant 8 : i32
    %dma_wait3A_470 = arith.constant 0 : i32
    %dma_wait3A_471 = arith.constant 0 : i32
    %dma_wait3A_472 = tpu.memref_slice %arg8[%dma_wait3A_467, %dma_wait3A_470, %dma_wait3A_471] : memref<10x128x32xf32, #tpu.memory_space<vmem>> -> memref<1x128x32xf32, #tpu.memory_space<vmem>>
    %dma_wait3A_473 = tpu.memref_squeeze %dma_wait3A_472 : memref<1x128x32xf32, #tpu.memory_space<vmem>> -> memref<128x32xf32, #tpu.memory_space<vmem>>
    %dma_wait3A_474 = arith.constant 0 : i32
    %dma_wait3A_475 = tpu.memref_slice %arg7[%dma_wait3A_468, %dma_wait3A_474] : memref<80x128xi32, #tpu.memory_space<vmem>> -> memref<1x128xi32, #tpu.memory_space<vmem>>
    %dma_wait3A_476 = tpu.memref_squeeze %dma_wait3A_475 : memref<1x128xi32, #tpu.memory_space<vmem>> -> memref<128xi32, #tpu.memory_space<vmem>>
    %dma_wait3A_477 = arith.constant 0 : i32
    %dma_wait3A_478 = arith.constant 0 : i32
    %dma_wait3A_479 = tpu.memref_slice %arg9[%dma_wait3A_477, %dma_wait3A_478] : memref<10112x32xf32, #tpu.memory_space<vmem_shared>> -> memref<10112x32xf32, #tpu.memory_space<vmem_shared>>
    %dma_wait3A_480 = tpu.memref_slice %arg12[%dma_wait3A_469] : memref<10x!tpu.dma_semaphore, #tpu.memory_space<semaphore_mem>> -> memref<1x!tpu.dma_semaphore, #tpu.memory_space<semaphore_mem>>
    %dma_wait3A_481 = tpu.memref_squeeze %dma_wait3A_480 : memref<1x!tpu.dma_semaphore, #tpu.memory_space<semaphore_mem>> -> memref<!tpu.dma_semaphore, #tpu.memory_space<semaphore_mem>>
    tpu.wait_indirect_dma semaphore(%dma_wait3A_481 : memref<!tpu.dma_semaphore, #tpu.memory_space<semaphore_mem>>) src(%dma_wait3A_473 : memref<128x32xf32, #tpu.memory_space<vmem>>) dst(%dma_wait3A_479 : memref<10112x32xf32, #tpu.memory_space<vmem_shared>>)
    %dma_wait3A_482 = arith.constant 9 : i32
    %dma_wait3A_483 = arith.constant 79 : i32
    %dma_wait3A_484 = arith.constant 9 : i32
    %dma_wait3A_485 = arith.constant 0 : i32
    %dma_wait3A_486 = arith.constant 0 : i32
    %dma_wait3A_487 = tpu.memref_slice %arg8[%dma_wait3A_482, %dma_wait3A_485, %dma_wait3A_486] : memref<10x128x32xf32, #tpu.memory_space<vmem>> -> memref<1x128x32xf32, #tpu.memory_space<vmem>>
    %dma_wait3A_488 = tpu.memref_squeeze %dma_wait3A_487 : memref<1x128x32xf32, #tpu.memory_space<vmem>> -> memref<128x32xf32, #tpu.memory_space<vmem>>
    %dma_wait3A_489 = arith.constant 0 : i32
    %dma_wait3A_490 = tpu.memref_slice %arg7[%dma_wait3A_483, %dma_wait3A_489] : memref<80x128xi32, #tpu.memory_space<vmem>> -> memref<1x128xi32, #tpu.memory_space<vmem>>
    %dma_wait3A_491 = tpu.memref_squeeze %dma_wait3A_490 : memref<1x128xi32, #tpu.memory_space<vmem>> -> memref<128xi32, #tpu.memory_space<vmem>>
    %dma_wait3A_492 = arith.constant 0 : i32
    %dma_wait3A_493 = arith.constant 0 : i32
    %dma_wait3A_494 = tpu.memref_slice %arg9[%dma_wait3A_492, %dma_wait3A_493] : memref<10112x32xf32, #tpu.memory_space<vmem_shared>> -> memref<10112x32xf32, #tpu.memory_space<vmem_shared>>
    %dma_wait3A_495 = tpu.memref_slice %arg12[%dma_wait3A_484] : memref<10x!tpu.dma_semaphore, #tpu.memory_space<semaphore_mem>> -> memref<1x!tpu.dma_semaphore, #tpu.memory_space<semaphore_mem>>
    %dma_wait3A_496 = tpu.memref_squeeze %dma_wait3A_495 : memref<1x!tpu.dma_semaphore, #tpu.memory_space<semaphore_mem>> -> memref<!tpu.dma_semaphore, #tpu.memory_space<semaphore_mem>>
    tpu.wait_indirect_dma semaphore(%dma_wait3A_496 : memref<!tpu.dma_semaphore, #tpu.memory_space<semaphore_mem>>) src(%dma_wait3A_488 : memref<128x32xf32, #tpu.memory_space<vmem>>) dst(%dma_wait3A_494 : memref<10112x32xf32, #tpu.memory_space<vmem_shared>>)
    %barrier3A_497 = arith.constant 0 : index
    tpu.barrier barrier_id(%barrier3A_497)
    %mul3A_498 = arith.constant 632 : i32
    %mul3A_499 = arith.muli %arg1, %mul3A_498 : i32
    %mul3A_500 = arith.constant 632 : i32
    %mul3A_501 = arith.muli %arg1, %mul3A_500 : i32
    "tpu.region"() ({
      %run_scoped3A = tpu.sem_alloc : memref<!tpu.dma_semaphore, #tpu.memory_space<semaphore_mem>>
      %dma_start3A_502 = arith.constant 0 : i32
      %dma_start3A_503 = tpu.memref_slice %arg5[%arg0, %mul3A_501, %dma_start3A_502] : memref<2x10112x32xf32, #tpu.memory_space<hbm>> -> memref<1x632x32xf32, #tpu.memory_space<hbm>>
      %dma_start3A_504 = tpu.memref_squeeze %dma_start3A_503 : memref<1x632x32xf32, #tpu.memory_space<hbm>> -> memref<632x32xf32, #tpu.memory_space<hbm>>
      %dma_start3A_505 = arith.constant 0 : i32
      %dma_start3A_506 = tpu.memref_slice %arg9[%mul3A_499, %dma_start3A_505] : memref<10112x32xf32, #tpu.memory_space<vmem_shared>> -> memref<632x32xf32, #tpu.memory_space<vmem_shared>>
      tpu.enqueue_dma source(%dma_start3A_506 : memref<632x32xf32, #tpu.memory_space<vmem_shared>>) target(%dma_start3A_504 : memref<632x32xf32, #tpu.memory_space<hbm>>) target_semaphore(%run_scoped3A : memref<!tpu.dma_semaphore, #tpu.memory_space<semaphore_mem>>)
      %dma_wait3A_507 = arith.constant 0 : i32
      %dma_wait3A_508 = tpu.memref_slice %arg5[%arg0, %mul3A_501, %dma_wait3A_507] : memref<2x10112x32xf32, #tpu.memory_space<hbm>> -> memref<1x632x32xf32, #tpu.memory_space<hbm>>
      %dma_wait3A_509 = tpu.memref_squeeze %dma_wait3A_508 : memref<1x632x32xf32, #tpu.memory_space<hbm>> -> memref<632x32xf32, #tpu.memory_space<hbm>>
      %dma_wait3A_510 = arith.constant 0 : i32
      %dma_wait3A_511 = tpu.memref_slice %arg9[%mul3A_499, %dma_wait3A_510] : memref<10112x32xf32, #tpu.memory_space<vmem_shared>> -> memref<632x32xf32, #tpu.memory_space<vmem_shared>>
      tpu.wait_dma2 semaphore(%run_scoped3A : memref<!tpu.dma_semaphore, #tpu.memory_space<semaphore_mem>>) src(%dma_wait3A_511 : memref<632x32xf32, #tpu.memory_space<vmem_shared>>) dst(%dma_wait3A_509 : memref<632x32xf32, #tpu.memory_space<hbm>>)
      tpu.yield
    }) : () -> ()
    return
  }
}

module attributes {stable_mosaic.version = 14 : i64} {
  func.func @_tc_a_body(%arg0: memref<10000x128xf32, #tpu.memory_space<vmem>>, %arg1: memref<128x32xf32, #tpu.memory_space<vmem>>, %arg2: memref<2x10112x16xf32, #tpu.memory_space<vmem>>, %arg3: memref<10000x32xf32, #tpu.memory_space<vmem>>, %arg4: memref<10000x1xf32, #tpu.memory_space<vmem>>) attributes {dimension_semantics = [], scalar_prefetch = 0 : i64, scratch_operands = 0 : i64, tpu.core_type = #tpu.core_type<tc>} {
    %get3A = arith.constant 0 : index
    %get3A_0 = arith.constant 0 : index
    %get3A_1 = arith.constant 0 : index
    %get3A_2 = vector.load %arg2[%get3A, %get3A_0, %get3A_1] : memref<2x10112x16xf32, #tpu.memory_space<vmem>>, vector<1x10000x1xf32>
    %get3A_3 = vector.shape_cast %get3A_2 : vector<1x10000x1xf32> to vector<10000x1xf32>
    %get3A_4 = arith.constant 1 : index
    %get3A_5 = arith.constant 0 : index
    %get3A_6 = arith.constant 0 : index
    %get3A_7 = vector.load %arg2[%get3A_4, %get3A_5, %get3A_6] : memref<2x10112x16xf32, #tpu.memory_space<vmem>>, vector<1x10000x1xf32>
    %get3A_8 = vector.shape_cast %get3A_7 : vector<1x10000x1xf32> to vector<10000x1xf32>
    %add3A = arith.addf %get3A_3, %get3A_8 : vector<10000x1xf32>
    %add3A_9 = arith.constant 1.000000e+00 : f32
    %add3A_10 = vector.broadcast %add3A_9 : f32 to vector<10000x1xf32>
    %add3A_11 = arith.addf %add3A, %add3A_10 : vector<10000x1xf32>
    %rsqrt3A = math.rsqrt %add3A_11 : vector<10000x1xf32>
    %get3A_12 = arith.constant 0 : index
    %get3A_13 = arith.constant 0 : index
    %get3A_14 = vector.load %arg0[%get3A_12, %get3A_13] : memref<10000x128xf32, #tpu.memory_space<vmem>>, vector<10000x128xf32>
    %get3A_15 = arith.constant 0 : index
    %get3A_16 = arith.constant 0 : index
    %get3A_17 = vector.load %arg1[%get3A_15, %get3A_16] : memref<128x32xf32, #tpu.memory_space<vmem>>, vector<128x32xf32>
    %dot_general3A = arith.constant dense<0.000000e+00> : vector<10000x32xf32>
    %dot_general3A_18 = tpu.matmul %get3A_14, %get3A_17, %dot_general3A {dimension_numbers = #tpu.dot_dimension_numbers<[1], [0], [0], [1], [0, 0, 1, 1], [], []>, transpose_lhs_hint = false} : vector<10000x128xf32>, vector<128x32xf32>, vector<10000x32xf32> -> vector<10000x32xf32>
    %mul3A = vector.broadcast %rsqrt3A : vector<10000x1xf32> to vector<10000x32xf32>
    %mul3A_19 = arith.mulf %dot_general3A_18, %mul3A : vector<10000x32xf32>
    %swap3A = arith.constant 0 : index
    %swap3A_20 = arith.constant 0 : index
    %swap3A_21 = vector.load %arg3[%swap3A, %swap3A_20] : memref<10000x32xf32, #tpu.memory_space<vmem>>, vector<10000x32xf32>
    tpu.vector_store %arg3[%swap3A, %swap3A_20], %mul3A_19 {strides = array<i32>} : memref<10000x32xf32, #tpu.memory_space<vmem>>, vector<10000x32xf32>,
    %swap3A_22 = arith.constant 0 : index
    %swap3A_23 = arith.constant 0 : index
    %swap3A_24 = vector.load %arg4[%swap3A_22, %swap3A_23] : memref<10000x1xf32, #tpu.memory_space<vmem>>, vector<10000x1xf32>
    tpu.vector_store %arg4[%swap3A_22, %swap3A_23], %rsqrt3A {strides = array<i32>} : memref<10000x1xf32, #tpu.memory_space<vmem>>, vector<10000x1xf32>,
    return
  }
}

module attributes {stable_mosaic.version = 14 : i64} {
  func.func @_tc_b_body(%arg0: memref<2x10112x32xf32, #tpu.memory_space<vmem>>, %arg1: memref<10000x32xf32, #tpu.memory_space<vmem>>, %arg2: memref<10000x1xf32, #tpu.memory_space<vmem>>, %arg3: memref<1x32xf32, #tpu.memory_space<vmem>>, %arg4: memref<32x16xf32, #tpu.memory_space<vmem>>, %arg5: memref<10000x16xf32, #tpu.memory_space<vmem>>) attributes {dimension_semantics = [], scalar_prefetch = 0 : i64, scratch_operands = 0 : i64, tpu.core_type = #tpu.core_type<tc>} {
    %get3A = arith.constant 0 : index
    %get3A_0 = arith.constant 0 : index
    %get3A_1 = vector.load %arg2[%get3A, %get3A_0] : memref<10000x1xf32, #tpu.memory_space<vmem>>, vector<10000x1xf32>
    %get3A_2 = arith.constant 0 : index
    %get3A_3 = arith.constant 0 : index
    %get3A_4 = arith.constant 0 : index
    %get3A_5 = vector.load %arg0[%get3A_2, %get3A_3, %get3A_4] : memref<2x10112x32xf32, #tpu.memory_space<vmem>>, vector<1x10000x32xf32>
    %get3A_6 = vector.shape_cast %get3A_5 : vector<1x10000x32xf32> to vector<10000x32xf32>
    %get3A_7 = arith.constant 1 : index
    %get3A_8 = arith.constant 0 : index
    %get3A_9 = arith.constant 0 : index
    %get3A_10 = vector.load %arg0[%get3A_7, %get3A_8, %get3A_9] : memref<2x10112x32xf32, #tpu.memory_space<vmem>>, vector<1x10000x32xf32>
    %get3A_11 = vector.shape_cast %get3A_10 : vector<1x10000x32xf32> to vector<10000x32xf32>
    %add3A = arith.addf %get3A_6, %get3A_11 : vector<10000x32xf32>
    %get3A_12 = arith.constant 0 : index
    %get3A_13 = arith.constant 0 : index
    %get3A_14 = vector.load %arg1[%get3A_12, %get3A_13] : memref<10000x32xf32, #tpu.memory_space<vmem>>, vector<10000x32xf32>
    %add3A_15 = arith.addf %add3A, %get3A_14 : vector<10000x32xf32>
    %mul3A = vector.broadcast %get3A_1 : vector<10000x1xf32> to vector<10000x32xf32>
    %mul3A_16 = arith.mulf %mul3A, %add3A_15 : vector<10000x32xf32>
    %get3A_17 = arith.constant 0 : index
    %get3A_18 = arith.constant 0 : index
    %get3A_19 = vector.load %arg3[%get3A_17, %get3A_18] : memref<1x32xf32, #tpu.memory_space<vmem>>, vector<1x32xf32>
    %add3A_20 = vector.broadcast %get3A_19 : vector<1x32xf32> to vector<10000x32xf32>
    %add3A_21 = arith.addf %mul3A_16, %add3A_20 : vector<10000x32xf32>
    %max3A = arith.constant 0.000000e+00 : f32
    %max3A_22 = vector.broadcast %max3A : f32 to vector<10000x32xf32>
    %max3A_23 = arith.maximumf %add3A_21, %max3A_22 : vector<10000x32xf32>
    %get3A_24 = arith.constant 0 : index
    %get3A_25 = arith.constant 0 : index
    %get3A_26 = vector.load %arg4[%get3A_24, %get3A_25] : memref<32x16xf32, #tpu.memory_space<vmem>>, vector<32x16xf32>
    %dot_general3A = arith.constant dense<0.000000e+00> : vector<10000x16xf32>
    %dot_general3A_27 = tpu.matmul %max3A_23, %get3A_26, %dot_general3A {dimension_numbers = #tpu.dot_dimension_numbers<[1], [0], [0], [1], [0, 0, 1, 1], [], []>, transpose_lhs_hint = false} : vector<10000x32xf32>, vector<32x16xf32>, vector<10000x16xf32> -> vector<10000x16xf32>
    %mul3A_28 = vector.broadcast %get3A_1 : vector<10000x1xf32> to vector<10000x16xf32>
    %mul3A_29 = arith.mulf %dot_general3A_27, %mul3A_28 : vector<10000x16xf32>
    %swap3A = arith.constant 0 : index
    %swap3A_30 = arith.constant 0 : index
    %swap3A_31 = vector.load %arg5[%swap3A, %swap3A_30] : memref<10000x16xf32, #tpu.memory_space<vmem>>, vector<10000x16xf32>
    tpu.vector_store %arg5[%swap3A, %swap3A_30], %mul3A_29 {strides = array<i32>} : memref<10000x16xf32, #tpu.memory_space<vmem>>, vector<10000x16xf32>,
    return
  }
}

module attributes {stable_mosaic.version = 14 : i64} {
  func.func @_tc_c_body(%arg0: memref<2x10112x16xf32, #tpu.memory_space<vmem>>, %arg1: memref<10000x16xf32, #tpu.memory_space<vmem>>, %arg2: memref<10000x1xf32, #tpu.memory_space<vmem>>, %arg3: memref<1x16xf32, #tpu.memory_space<vmem>>, %arg4: memref<10000x16xf32, #tpu.memory_space<vmem>>) attributes {dimension_semantics = [], scalar_prefetch = 0 : i64, scratch_operands = 0 : i64, tpu.core_type = #tpu.core_type<tc>} {
    %get3A = arith.constant 0 : index
    %get3A_0 = arith.constant 0 : index
    %get3A_1 = vector.load %arg2[%get3A, %get3A_0] : memref<10000x1xf32, #tpu.memory_space<vmem>>, vector<10000x1xf32>
    %get3A_2 = arith.constant 0 : index
    %get3A_3 = arith.constant 0 : index
    %get3A_4 = arith.constant 0 : index
    %get3A_5 = vector.load %arg0[%get3A_2, %get3A_3, %get3A_4] : memref<2x10112x16xf32, #tpu.memory_space<vmem>>, vector<1x10000x16xf32>
    %get3A_6 = vector.shape_cast %get3A_5 : vector<1x10000x16xf32> to vector<10000x16xf32>
    %get3A_7 = arith.constant 1 : index
    %get3A_8 = arith.constant 0 : index
    %get3A_9 = arith.constant 0 : index
    %get3A_10 = vector.load %arg0[%get3A_7, %get3A_8, %get3A_9] : memref<2x10112x16xf32, #tpu.memory_space<vmem>>, vector<1x10000x16xf32>
    %get3A_11 = vector.shape_cast %get3A_10 : vector<1x10000x16xf32> to vector<10000x16xf32>
    %add3A = arith.addf %get3A_6, %get3A_11 : vector<10000x16xf32>
    %get3A_12 = arith.constant 0 : index
    %get3A_13 = arith.constant 0 : index
    %get3A_14 = vector.load %arg1[%get3A_12, %get3A_13] : memref<10000x16xf32, #tpu.memory_space<vmem>>, vector<10000x16xf32>
    %add3A_15 = arith.addf %add3A, %get3A_14 : vector<10000x16xf32>
    %mul3A = vector.broadcast %get3A_1 : vector<10000x1xf32> to vector<10000x16xf32>
    %mul3A_16 = arith.mulf %mul3A, %add3A_15 : vector<10000x16xf32>
    %get3A_17 = arith.constant 0 : index
    %get3A_18 = arith.constant 0 : index
    %get3A_19 = vector.load %arg3[%get3A_17, %get3A_18] : memref<1x16xf32, #tpu.memory_space<vmem>>, vector<1x16xf32>
    %add3A_20 = vector.broadcast %get3A_19 : vector<1x16xf32> to vector<10000x16xf32>
    %add3A_21 = arith.addf %mul3A_16, %add3A_20 : vector<10000x16xf32>
    %swap3A = arith.constant 0 : index
    %swap3A_22 = arith.constant 0 : index
    %swap3A_23 = vector.load %arg4[%swap3A, %swap3A_22] : memref<10000x16xf32, #tpu.memory_space<vmem>>, vector<10000x16xf32>
    tpu.vector_store %arg4[%swap3A, %swap3A_22], %add3A_21 {strides = array<i32>} : memref<10000x16xf32, #tpu.memory_space<vmem>>, vector<10000x16xf32>,
    return
  }
}

</mosaic_0001>

<sc_bundles>
// kernel: kernel.11.cloned.1.call-start
scs
__scs_entry_jumppad:
0x0: {  	(pc) =	sbr.rel $0x88, $3  }
0x1: {  	(tag) =	ssettag $0x0;
	lr =	simm.s32 $0x1  }
0x2: {  	[smem:$0x3F9B] =	sst lr;
	_ =	strace $0xD0000000  }
0x3: {  	_ = 	snop  }
0x4: {  	_ = 	snop  }
0x5: {  	_ = 	snop  }
0x6: {  	_ = 	snop  }
0x7: {  	_ = 	snop  }
__scs_overlays_trampoline_lowered:
0x8: {  	[smem:$0x3FAA] =	sst s0  }
0x9: {  	[smem:$0x3FAB] =	sst s1  }
0xa: {  	[smem:$0x3FAC] =	sst s2  }
0xb: {  	[smem:$0x3FAD] =	sst s3  }
0xc: {  	[smem:$0x3FAE] =	sst s4  }
0xd: {  	[smem:$0x3FAF] =	sst s5  }
0xe: {  	[smem:$0x3FB0] =	sst s6  }
0xf: {  	[smem:$0x3FB1] =	sst s7  }
0x10: {  	[smem:$0x3FB2] =	sst s8  }
0x11: {  	[smem:$0x3FB3] =	sst s9;
	s0 =	simm.s32 @!p0 $0x0  }
0x12: {  	s1 =	sld [smem:$0x3F99];
	s0 =	simm.s32 @p0 $0x1  }
0x13: {  	[smem:$0x3FB4] =	sst s0;
	s0 =	simm.s32 @!p1 $0x0  }
0x14: {  	s2 =	sld [smem:$0x3F98];
	s0 =	simm.s32 @p1 $0x1  }
0x15: {  	[smem:$0x3FB5] =	sst s0;
	s0 =	simm.s32 @!p2 $0x0  }
0x16: {  	s3 =	sld [smem:$0x3FDB];
	s0 =	simm.s32 @p2 $0x1  }
0x17: {  	s4 =	simm.s32 $0x1BF5;
	[smem:$0x3FB7] =	sst s0  }
0x18: {  	s0 =	sld [smem:$0x3F9A];
	_ =	swait.ge [sflag:s4], $0x0  }
0x19: {  	s7 =	sld [smem:$0x3F9B]  }
0x1a: {  	s8 =	sadd.s32 $0xFFFFE003, lr  }
0x1b: {  	s9 =	sadd.s32 $0xFFFFFEF7, lr;
	s5 =	simm.s32 $0xFFFFFFFF;
	p2 =	slt.u32 s8, $0xFFFFF086  }
0x1c: {  	p1 =	slt.u32 s9, $0xF7A;
	s5 =	simm.s32 @!p2 $0x0  }
0x1d: {  	s5 =	simm.s32 @p1 $0x1;
	p0 =	seq.s32 s7, s2  }
0x1e: {  	s7 =	smul.u32 @!p0 $0xF7A, s2;
	p2 =	seq.s32 @!p0 s5, $0x0  }
0x1f: {  	s9 =	smul.u32 $0xF7A, s1;
	s8 =	simm.s32 @!p0 $0x1BF5;
	p2 =	por !p2, p0  }
0x20: {  	[sflag:s8] =	ssyncset.s32 @!p0 $0xFFFFF086;
	s6 =	sadd.s32 @!p0 s3, s7;
	s7 =	simm.s32 @!p0 $0x108  }
0x21: {  	s3 =	sadd.s32 s3, s9;
	s6 =	sadd.s32 @!p0 $0x88, s6;
	s7 =	simm.s32 @p2 $0x1082  }
0x22: {  	[simem:s7], [sflag:s8] =	dma.local @!p0 [hbm:s6], $0xF7A  }
0x23: {  	s9 =	sor.u32 $0xD0000000, s2;
	s6 =	simm.s32 $0x108;
	_ =	swait.ge @!p0 [sflag:s8], $0x0  }
0x24: {  	s3 =	sadd.s32 $0x88, s3;
	s6 =	simm.s32 @!p1 $0x1082;
	[sflag:s4] =	ssyncset.s32 $0xFFFFF086  }
0x25: {  	[simem:s6], [sflag:s4] =	dma.local [hbm:s3], $0xF7A  }
0x26: {  	[smem:$0x3F9B] =	sst s1;
	(tag) =	ssettag s2;
	_ =	strace s9  }
0x27: {  	s1 =	sld [smem:$0x3FAB]  }
0x28: {  	s2 =	sld [smem:$0x3FAC]  }
0x29: {  	s4 =	sld [smem:$0x3FAE]  }
0x2a: {  	p0 =	seq.s32 s5, $0x0;
	s5 =	sld [smem:$0x3FAF]  }
0x2b: {  	s6 =	sld [smem:$0x3FB0]  }
0x2c: {  	s7 =	sld [smem:$0x3FB1]  }
0x2d: {  	s3 =	simm.s32 $0x108;
	s8 =	sld [smem:$0x3FB2]  }
0x2e: {  	s3 =	simm.s32 @!p0 $0x1082;
	s9 =	sld [smem:$0x3FB3]  }
0x2f: {  	lr =	sadd.s32 s0, s3;
	s0 =	sld [smem:$0x3FAA]  }
0x30: {  	s3 =	sld [smem:$0x3FAD]  }
0x31: {  	[smem:$0x3FB6] =	sst s10  }
0x32: {  	s10 =	sld [smem:$0x3FB4];
	_ =	sdelay $0x3  }
0x33: {  	p0 =	seq.s32 s10, $0x1;
	s10 =	sld [smem:$0x3FB6];
	_ =	sdelay $0x3  }
0x34: {  	[smem:$0x3FB6] =	sst s10  }
0x35: {  	s10 =	sld [smem:$0x3FB5];
	_ =	sdelay $0x3  }
0x36: {  	p1 =	seq.s32 s10, $0x1;
	s10 =	sld [smem:$0x3FB6];
	_ =	sdelay $0x3  }
0x37: {  	[smem:$0x3FB6] =	sst s10  }
0x38: {  	s10 =	sld [smem:$0x3FB7]  }
0x39: {  	_ = 	snop;
	(pc) =	sbr.ind lr, $3  }
0x3a: {  	_ = 	snop  }
0x3b: {  	_ = 	snop  }
0x3c: {  	p2 =	seq.s32 s10, $0x1;
	s10 =	sld [smem:$0x3FB6]  }
0x3d: {  	_ =	shalt  }
0x3e: {  	_ =	shalt  }
0x3f: {  	_ =	shalt  }
0x40: {  	_ =	shalt  }
0x41: {  	_ =	shalt  }
0x42: {  	_ =	shalt  }
0x43: {  	_ =	shalt  }
0x44: {  	_ =	shalt  }
0x45: {  	_ =	shalt  }
0x46: {  	_ =	shalt  }
0x47: {  	_ =	shalt  }
0x48: {  	_ =	shalt  }
0x49: {  	_ =	shalt  }
0x4a: {  	_ =	shalt  }
0x4b: {  	_ =	shalt  }
0x4c: {  	_ =	shalt  }
0x4d: {  	_ =	shalt  }
0x4e: {  	_ =	shalt  }
0x4f: {  	_ =	shalt  }
0x50: {  	_ =	shalt  }
0x51: {  	_ =	shalt  }
0x52: {  	_ =	shalt  }
0x53: {  	_ =	shalt  }
0x54: {  	_ =	shalt  }
0x55: {  	_ =	shalt  }
0x56: {  	_ =	shalt  }
0x57: {  	_ =	shalt  }
0x58: {  	_ =	shalt  }
0x59: {  	_ =	shalt  }
0x5a: {  	_ =	shalt  }
0x5b: {  	_ =	shalt  }
0x5c: {  	_ =	shalt  }
0x5d: {  	_ =	shalt  }
0x5e: {  	_ =	shalt  }
0x5f: {  	_ =	shalt  }
0x60: {  	_ =	shalt  }
0x61: {  	_ =	shalt  }
0x62: {  	_ =	shalt  }
0x63: {  	_ =	shalt  }
0x64: {  	_ =	shalt  }
0x65: {  	_ =	shalt  }
0x66: {  	_ =	shalt  }
0x67: {  	_ =	shalt  }
0x68: {  	_ =	shalt  }
0x69: {  	_ =	shalt  }
0x6a: {  	_ =	shalt  }
0x6b: {  	_ =	shalt  }
0x6c: {  	_ =	shalt  }
0x6d: {  	_ =	shalt  }
0x6e: {  	_ =	shalt  }
0x6f: {  	_ =	shalt  }
0x70: {  	_ =	shalt  }
0x71: {  	_ =	shalt  }
0x72: {  	_ =	shalt  }
0x73: {  	_ =	shalt  }
0x74: {  	_ =	shalt  }
0x75: {  	_ =	shalt  }
0x76: {  	_ =	shalt  }
0x77: {  	_ =	shalt  }
0x78: {  	_ =	shalt  }
0x79: {  	_ =	shalt  }
0x7a: {  	_ =	shalt  }
0x7b: {  	_ =	shalt  }
0x7c: {  	_ =	shalt  }
0x7d: {  	_ =	shalt  }
0x7e: {  	_ =	shalt  }
0x7f: {  	_ =	shalt  }
0x80: {  	_ =	shalt  }
0x81: {  	_ =	shalt  }
0x82: {  	_ =	shalt  }
0x83: {  	_ =	shalt  }
0x84: {  	_ =	shalt  }
0x85: {  	_ =	shalt  }
0x86: {  	_ =	shalt  }
0x87: {  	_ =	shalt  }
.Lfunc_end0:
.L_simem_size_0:
called_computation.1_lowered:
.L_overlay_start_0:
0x88: {  	s2 =	sld [smem:$0x3FD9]  }
0x89: {  	s3 =	sld [smem:$0x3FFE];
	_ =	sdelay $0x1  }
0x8a: {  	s1 =	srdreg.scid  }
0x8b: {  	s0 =	sand.u32 $0x1, s1  }
0x8c: {  	s16 =	sshll.u32 s0, $0xA;
	s2 =	sadd.s32 s3, s2  }
0x8d: {  	s2 =	sadd.s32 s2, s16  }
0x8e: {  	[smem:$0x3FC2] =	sst s2  }
0x8f: {  	_ = 	snop  }
0x90: {  	(tm) =	ssettm $0x1  }
0x91: {  	s17 =	sld [smem:$0x3FFB];
	_ =	sdelay $0x3  }
0x92: {  	_ =	strace s17  }
0x93: {  	s2 =	sld [smem:$0x3FFC];
	_ =	sdelay $0x3  }
0x94: {  	_ =	strace s2  }
0x95: {  	s2 =	sld [smem:$0x3FFD];
	_ =	sdelay $0x3  }
0x96: {  	_ =	strace s2  }
0x97: {  	_ =	strace $0x8FFFFFFF  }
0x98: {  	s18 =	sld [smem:$0x3FDB];
	_ =	sdelay $0x1  }
0x99: {  	s19 =	simm.s32 $_scs_section_size  }
0x9a: {  	s4 =	simm.s32 $_size__tile_overlayer_lowered;
	s5 =	simm.s32 $_tile_overlayer_lowered  }
0x9b: {  	s22 =	simm.s32 $0x1BFF;
	s21 =	sshll.u32 s5, $0x1;
	s2 =	sadd.s32 s19, s18  }
0x9c: {  	s6 =	simm.s32 $0x0;
	s20 =	sshll.u32 s4, $0x1;
	s4 =	sadd.s32 s21, s2  }
0x9d: {  	[timem:s6], [sflag:s22] =	dma.local [hbm:s4], s20  }
0x9e: {  	_ =	swait.ge [sflag:s22], s20  }
0x9f: {  	s3 =	ssub.s32 $0x0, s20;
	[sflag:s22] =	ssyncset.done $0x0  }
0xa0: {  	[sflag:s22] =	ssyncadd.s32 s3;
	_ =	sdelay $0x1  }
0xa1: {  	s23 =	simm.s32 $0x1B8B  }
0xa2: {  	_ =	swait.ge [sflag:s23], $0x1  }
0xa3: {  	[sflag:s23] =	ssyncset.done $0x0  }
0xa4: {  	s25 =	simm.s32 $0x1B8E;
	s24 =	sld [smem:$0x3FFE];
	[sflag:s23] =	ssyncadd.s32 $0xFFFFFFFF  }
0xa5: {  	s26 =	simm.s32 $execute0_lowered;
	[smem:$0x3FD2] =	sst s25  }
0xa6: {  	s4 =	sshll.u32 s26, $0x1;
	_ =	strace $0x80000049;
	[dreg:$0x1] =	wrdreg $0xFFFFFFFF  }
0xa7: {  	s28 =	simm.s32 $_size_execute0_lowered;
	s2 =	sadd.s32 s2, s4;
	[dreg:$0x0] =	wrdreg $0x0  }
0xa8: {  	s4 =	sshll.u32 s28, $0x1;
	[dreg:$0x2] =	wrdreg s2  }
0xa9: {  	[dreg:$0x3] =	wrdreg s4  }
0xaa: {  	[dreg:$0x4] =	wrdreg $0xC0  }
0xab: {  	_ =	task [dreg:s6], $0x5FFFF  }
0xac: {  	[dreg:$0x1] =	wrdreg $0xFFFFFFFF  }
0xad: {  	[dreg:$0x0] =	wrdreg $0x60  }
0xae: {  	[dreg:$0x2] =	wrdreg s24  }
0xaf: {  	[dreg:$0x3] =	wrdreg $0x13F000  }
0xb0: {  	[dreg:$0x4] =	wrdreg $0xF0000  }
0xb1: {  	[dreg:$0x5] =	wrdreg $0x9  }
0xb2: {  	_ =	task.clear_ibuf [dreg:s6], $0x6FFFF;
	_ =	strace $0x90000049  }
0xb3: {  	s29 =	simm.s32 $0x9;
	_ =	strace $0x8000004B  }
0xb4: {  	_ =	swait.ge [sflag:s29], $0x1  }
0xb5: {  	[sflag:s29] =	ssyncadd.s32 $0xFFFFFFFF  }
0xb6: {  	_ =	strace $0x9000004B  }
0xb7: {  	_ =	sfence  }
0xb8: {  	s30 =	sld [smem:$0x0];
	_ =	sdelay $0x2  }
0xb9: {  	s31 =	sshll.u32 s1, $0xD;
	s1 =	sshrl.u32 s1, $0x2  }
0xba: {  	s3 =	sand.u32 $0x4000, s31;
	s1 =	sadd.s32 s1, s30  }
0xbb: {  	s0 =	sor.u32 s3, s0;
	s1 =	sshll.u32 s1, $0x11  }
0xbc: {  	s0 =	sor.u32 s1, s0  }
0xbd: {  	s0 =	sadd.s32 $0x8F2B, s0  }
0xbe: {  	[sflag:s0] =	ssyncadd.remote.s32 $0x1  }
0xbf: {  	_ =	sfence.sel $0xFFFF  }
0xc0: {  	[dreg:$0x0] =	wrdreg $0xFFFFFFFF;
	(pc) =	sbr.abs _section_cstart, $3  }
0xc1: {  	[dreg:$0x1] =	wrdreg $0xFFFFFFFF  }
0xc2: {  	_ =	task.clear_ibuf [dreg:s6], $0x2FFFF;
	_ =	strace $0x9FFFFFFF  }
0xc3: {  	(tm) =	ssettm $0x7FFFFFFF  }
tec
execute0_lowered:
.L_overlay_start_1:
0x0: {  	(tag) =	ssettag $0x1  }
0x1: {  	s0 =	srdreg.scid;
	s4 =	rddreg [dreg:$0x0]  }
0x2: {  	s10 =	stileid.u32;
	s2 =	rddreg [dreg:$0x1]  }
0x3: {  	s3 =	rddreg [dreg:$0x2];
	s7 =	simm.s32 $0x0;
	s29 =	simm.s32 $0x80  }
0x4: {  	s30 =	simm.s32 $0x6000;
	s17 =	simm.s32 $0x8000;
	s31 =	simm.s32 $0x1  }
0x5: {  	s11 =	simm.s32 $0x4;
	s12 =	simm.s32 $0xD000;
	s13 =	simm.s32 $0x5  }
0x6: {  	s14 =	simm.s32 $0xE000;
	s15 =	simm.s32 $0x8;
	s5 =	smul.u32 $0x4E20, s10  }
0x7: {  	s16 =	simm.s32 $0xA;
	s0 =	sand.u32 $0x1, s0;
	s6 =	smul.u32 $0x4F00, s10  }
0x8: {  	[smem:$0x7FF] =	sst s7;
	s9 =	smul.u32 $0x13C00, s10;
	s22 =	sshll.u32 s10, $0x6  }
0x9: {  	s1 =	sshll.u32 s0, $0x4;
	s18 =	smul.u32 $0x4F000, s0;
	_ =	strace $0x8000004A  }
0xa: {  	s0 =	ssub.s32 $0x2, s0;
	[dreg:$0x6] =	wrdreg s22;
	s1 =	sor.u32 s10, s1  }
0xb: {  	s8 =	sshrl.u32 s5, $0x3;
	s19 =	sshrl.u32 s0, $0x1;
	s21 =	sadd.s32 s5, s2  }
0xc: {  	s23 =	sshrl.u32 s9, $0x2;
	s9 =	simm.s32 $0xC000;
	s1 =	smul.u32 $0x500, s1  }
0xd: {  	s7 =	sadd.s32 s6, s18;
	s8 =	sadd.s32 s8, s4;
	s0 =	ssub.s32 s0, s19  }
0xe: {  	s5 =	sadd.s32 s23, s3;
	s28 =	sshrl.u32 s21, $0x3;
	s19 =	simm.s32 $0x5000  }
0xf: {  	s23 =	simm.s32 $0xF;
	s8 =	sadd.s32 $0x2200, s8;
	[dreg:$0x10] =	wrdreg s28  }
0x10: {  	s21 =	simm.s32 $0x0;
	s24 =	sadd.s32 $0x1000, s5;
	[dreg:$0x7] =	wrdreg s8  }
0x11: {  	s7 =	sshrl.u32 s7, $0x3;
	s25 =	sadd.s32 $0x2000, s5;
	[dreg:$0xa] =	wrdreg s24  }
0x12: {  	s26 =	sadd.s32 $0x3000, s5;
	s5 =	sadd.s32 $0x4000, s5;
	[dreg:$0xb] =	wrdreg s25  }
0x13: {  	s0 =	smax.u32 s0, $0x1;
	s1 =	sadd.s32 s1, s4;
	[dreg:$0xc] =	wrdreg s26  }
0x14: {  	s4 =	sadd.s32 s7, s4;
	s7 =	sor.u32 $0x1C1A, s22;
	[dreg:$0xd] =	wrdreg s5  }
0x15: {  	[dreg:$0xf] =	wrdreg s0;
	s0 =	simm.s32 $0x9000;
	s5 =	simm.s32 $0x2  }
.Ltmp0:
0x16: {  	s20 =	sadd.s32 $0x1FA00, s1;
	[dreg:$0x8] =	wrdreg s7;
	(pc) =	sbr.rel .LBB2_1-.Ltmp0, $4  }
0x17: {  	s8 =	simm.s32 $0x3;
	s1 =	sadd.s32 $0x29A00, s1;
	[dreg:$0x4] =	wrdreg s20  }
0x18: {  	s4 =	sadd.s32 $0x33A00, s4;
	s7 =	simm.s32 $0x6;
	[dreg:$0x5] =	wrdreg s1  }
0x19: {  	s20 =	sadd.s32 s6, s3;
	[dreg:$0xe] =	wrdreg s4;
	s1 =	simm.s32 $0x7000  }
0x1a: {  	v0 =	vimm.f32 $0.0e+00;
	s4 =	simm.s32 $0xA000;
	s6 =	simm.s32 $0xB000;
	[dreg:$0x9] =	wrdreg s20  }
.LBB2_6:
0x1b: {  	s10 =	simm.s32 $0xB  }
0x1c: {  	_ =	swait.ge [sflag:s10], $0x1000  }
0x1d: {  	[sflag:s10] =	ssyncset.done $0x0  }
0x1e: {  	s24 =	simm.s32 $0xC;
	[sflag:s10] =	ssyncadd.s32 $0xFFFFF000  }
0x1f: {  	_ =	swait.ge [sflag:s24], $0x1000  }
0x20: {  	[sflag:s24] =	ssyncset.done $0x0  }
0x21: {  	s25 =	simm.s32 $0xD;
	[sflag:s24] =	ssyncadd.s32 $0xFFFFF000  }
0x22: {  	_ =	swait.ge [sflag:s25], $0x1000  }
0x23: {  	[sflag:s25] =	ssyncset.done $0x0  }
0x24: {  	s26 =	simm.s32 $0xE;
	[sflag:s25] =	ssyncadd.s32 $0xFFFFF000  }
0x25: {  	_ =	swait.ge [sflag:s26], $0x1000  }
0x26: {  	[sflag:s26] =	ssyncset.done $0x0  }
0x27: {  	[sflag:s26] =	ssyncadd.s32 $0xFFFFF000  }
0x28: {  	_ =	swait.ge [sflag:s23], $0x1000  }
0x29: {  	[sflag:s23] =	ssyncset.done $0x0  }
0x2a: {  	s28 =	simm.s32 $0x10;
	[sflag:s23] =	ssyncadd.s32 $0xFFFFF000  }
0x2b: {  	_ =	swait.ge [sflag:s28], $0x1000  }
0x2c: {  	[sflag:s28] =	ssyncset.done $0x0  }
0x2d: {  	s18 =	simm.s32 $0x11;
	[sflag:s28] =	ssyncadd.s32 $0xFFFFF000  }
0x2e: {  	_ =	swait.ge [sflag:s18], $0x1000  }
0x2f: {  	[sflag:s18] =	ssyncset.done $0x0  }
0x30: {  	s20 =	simm.s32 $0x12;
	[sflag:s18] =	ssyncadd.s32 $0xFFFFF000  }
0x31: {  	_ =	swait.ge [sflag:s20], $0x1000  }
0x32: {  	[sflag:s20] =	ssyncset.done $0x0  }
0x33: {  	s22 =	simm.s32 $0x13;
	[sflag:s20] =	ssyncadd.s32 $0xFFFFF000  }
0x34: {  	_ =	swait.ge [sflag:s22], $0x1000  }
0x35: {  	[sflag:s22] =	ssyncset.done $0x0  }
0x36: {  	s24 =	simm.s32 $0x14;
	[sflag:s22] =	ssyncadd.s32 $0xFFFFF000  }
0x37: {  	_ =	swait.ge [sflag:s24], $0x1000  }
0x38: {  	[sflag:s24] =	ssyncset.done $0x0  }
0x39: {  	[sflag:s24] =	ssyncadd.s32 $0xFFFFF000  }
0x3a: {  	[bflag:$0x0] =	sbarrier.arrive $0xFFFF  }
0x3b: {  	s25 =	rddreg [dreg:$0x6]  }
0x3c: {  	s26 =	simm.s32 $0x1D;
	s20 =	rddreg [dreg:$0x9]  }
0x3d: {  	s22 =	rddreg [dreg:$0xe];
	s10 =	sor.u32 $0x1C1D, s25;
	s18 =	sshrl.u32 s20, $0x3  }
0x3e: {  	[hbm:s22], [sflag:s10] =	dma.local [spmem:s18], $0x9E0  }
0x3f: {  	_ =	swait.ge [sflag:s26], $0x9E0  }
0x40: {  	s21 =	sadd.s32 $0x1, s21;
	s28 =	rddreg [dreg:$0xf]  }
0x41: {  	p0 =	sne.s32 s21, s28  }
.Ltmp1:
0x42: {  	_ = 	snop;
	(pc) =	sbr.rel @!p0 .LBB2_7-.Ltmp1, $3  }
0x43: {  	_ =	sdelay $0x1  }
0x44: {  	[sflag:s26] =	ssyncset.done $0x0  }
0x45: {  	[sflag:s26] =	ssyncadd.s32 $0xFFFFF620  }
.LBB2_1:
0x46: {  	s18 =	rddreg [dreg:$0x4]  }
0x47: {  	s24 =	rddreg [dreg:$0x5]  }
0x48: {  	s10 =	simm.s32 $0x0;
	s25 =	rddreg [dreg:$0x7]  }
0x49: {  	[tilespmem:s10], [sflag:$0x1B] =	stream.linear.gather [hbm4b:s18+s10], $0x2800, $0x38;
	[tilespmem:$0x18D20] =	vst v63  }
0x4a: {  	s22 =	simm.s32 $0x2800;
	s26 =	rddreg [dreg:$0x8]  }
0x4b: {  	[tilespmem:s22], [sflag:$0x1C] =	stream.linear.gather [hbm4b:s24+s10], $0x2800, $0x38;
	[tilespmem:$0x18D20] =	vst v63  }
0x4c: {  	s28 =	rddreg [dreg:$0x10];
	s22 =	simm.s32 $0x80;
	s24 =	simm.s32 $0x0  }
0x4d: {  	[spmem:s28], [sflag:s26] =	dma.local [hbm:s25], $0x9C4  }
.LBB2_2:
0x4e: {  	p0 =	sne.s32 s22, $0x3F80;
	[tilespmem:s24+$0x5000] =	vst v0;
	s25 =	smov.u32 s22;
	s22 =	sadd.s32 $0x80, s22  }
.Ltmp2:
0x4f: {  	[tilespmem:s24+$0x5010] =	vst v0;
	(pc) =	sbr.rel @p0 .LBB2_2-.Ltmp2, $2  }
0x50: {  	_ =	sdelay $0x2  }
0x51: {  	s24 =	sshra.s32 s25, $0x2  }
0x52: {  	[tilespmem:s24+$0x5000] =	vst v0  }
0x53: {  	[tilespmem:s24+$0x5010] =	vst v0  }
0x54: {  	[spmem:s20] =	stream.linear.scatter [tilespmem:s19], [sflag:$0x15], $0x1000, $0x38;
	[tilespmem:$0x18D20] =	vst v63  }
0x55: {  	s10 =	rddreg [dreg:$0xa]  }
0x56: {  	[spmem:s10] =	stream.linear.scatter [tilespmem:s19], [sflag:$0x16], $0x1000, $0x38;
	[tilespmem:$0x18D20] =	vst v63  }
0x57: {  	s18 =	rddreg [dreg:$0xb]  }
0x58: {  	[spmem:s18] =	stream.linear.scatter [tilespmem:s19], [sflag:$0x17], $0x1000, $0x38;
	[tilespmem:$0x18D20] =	vst v63  }
0x59: {  	s20 =	rddreg [dreg:$0xc]  }
0x5a: {  	[spmem:s20] =	stream.linear.scatter [tilespmem:s19], [sflag:$0x18], $0x1000, $0x38;
	[tilespmem:$0x18D20] =	vst v63  }
0x5b: {  	s22 =	rddreg [dreg:$0xd];
	s24 =	simm.s32 $0x15  }
0x5c: {  	[spmem:s22] =	stream.linear.scatter [tilespmem:s19], [sflag:$0x19], $0xF00, $0x38;
	[tilespmem:$0x18D20] =	vst v63  }
0x5d: {  	_ =	swait.ge [sflag:s24], $0x1000  }
0x5e: {  	[sflag:s24] =	ssyncset.done $0x0  }
0x5f: {  	s25 =	simm.s32 $0x16;
	[sflag:s24] =	ssyncadd.s32 $0xFFFFF000  }
0x60: {  	_ =	swait.ge [sflag:s25], $0x1000  }
0x61: {  	[sflag:s25] =	ssyncset.done $0x0  }
0x62: {  	s26 =	simm.s32 $0x17;
	[sflag:s25] =	ssyncadd.s32 $0xFFFFF000  }
0x63: {  	_ =	swait.ge [sflag:s26], $0x1000  }
0x64: {  	[sflag:s26] =	ssyncset.done $0x0  }
0x65: {  	s28 =	simm.s32 $0x18;
	[sflag:s26] =	ssyncadd.s32 $0xFFFFF000  }
0x66: {  	_ =	swait.ge [sflag:s28], $0x1000  }
0x67: {  	[sflag:s28] =	ssyncset.done $0x0  }
0x68: {  	s18 =	simm.s32 $0x19;
	[sflag:s28] =	ssyncadd.s32 $0xFFFFF000  }
0x69: {  	_ =	swait.ge [sflag:s18], $0xF00  }
0x6a: {  	[sflag:s18] =	ssyncset.done $0x0  }
0x6b: {  	s20 =	simm.s32 $0x1A;
	[sflag:s18] =	ssyncadd.s32 $0xFFFFF100  }
0x6c: {  	_ =	swait.ge [sflag:s20], $0x9C4  }
0x6d: {  	[sflag:s20] =	ssyncset.done $0x0  }
0x6e: {  	s22 =	simm.s32 $0x1B;
	[sflag:s20] =	ssyncadd.s32 $0xFFFFF63C  }
0x6f: {  	_ =	swait.ge [sflag:s22], $0x2800  }
0x70: {  	[sflag:s22] =	ssyncset.done $0x0  }
0x71: {  	s24 =	simm.s32 $0x1C;
	[sflag:s22] =	ssyncadd.s32 $0xFFFFD800  }
0x72: {  	_ =	swait.ge [sflag:s24], $0x2800  }
0x73: {  	[sflag:s24] =	ssyncset.done $0x0  }
0x74: {  	[sflag:s24] =	ssyncadd.s32 $0xFFFFD800  }
0x75: {  	s22 =	simm.s32 $0x0;
	[bflag:$0x0] =	sbarrier.arrive $0xFFFF  }
0x76: {  	[tilespmem:s19], [sflag:$0x1] =	stream.indirect.gather [spmem:s2], $0x20, s22, s29, $0xb8;
	[tilespmem:$0x18D20] =	vst v63  }
0x77: {  	_ = 	snop  }
0x78: {  	[tilespmem:s30], [sflag:$0x2] =	stream.indirect.gather [spmem:s2], $0x20, s29, s29, $0xb8;
	[tilespmem:$0x18D20] =	vst v63  }
0x79: {  	s25 =	simm.s32 $0x100  }
0x7a: {  	[tilespmem:s1], [sflag:$0x3] =	stream.indirect.gather [spmem:s2], $0x20, s25, s29, $0xb8;
	[tilespmem:$0x18D20] =	vst v63  }
0x7b: {  	s26 =	simm.s32 $0x180  }
0x7c: {  	[tilespmem:s17], [sflag:$0x4] =	stream.indirect.gather [spmem:s2], $0x20, s26, s29, $0xb8;
	[tilespmem:$0x18D20] =	vst v63  }
0x7d: {  	s28 =	simm.s32 $0x200  }
0x7e: {  	[tilespmem:s0], [sflag:$0x5] =	stream.indirect.gather [spmem:s2], $0x20, s28, s29, $0xb8;
	[tilespmem:$0x18D20] =	vst v63  }
.LBB2_4:
0x7f: {  	_ =	swait.ge [sflag:s31], $0x1000  }
0x80: {  	s24 =	sshra.s32 s22, $0x2;
	[sflag:s31] =	ssyncset.done $0x0  }
0x81: {  	p0 =	seq.s32 s22, $0x0;
	s25 =	sadd.s32 $0x2800, s24;
	[sflag:s31] =	ssyncadd.s32 $0xFFFFF000  }
0x82: {  	[spmem:s3] =	stream.indirect.scatter.add.f32 [tilespmem:s19], [sflag:$0xB], $0x20, s25, s29, $0xb8;
	[tilespmem:$0x18D20] =	vst v63  }
0x83: {  	s25 =	simm.s32 @!p0 $0x10  }
0x84: {  	_ =	swait.ge @!p0 [sflag:s25], $0x1000  }
0x85: {  	[sflag:s25] =	ssyncset.done @!p0 $0x0  }
0x86: {  	s26 =	sadd.s32 $0x280, s24;
	[sflag:s25] =	ssyncadd.s32 @!p0 $0xFFFFF000  }
0x87: {  	[tilespmem:s4], [sflag:$0x6] =	stream.indirect.gather [spmem:s2], $0x20, s26, s29, $0xb8;
	[tilespmem:$0x18D20] =	vst v63  }
0x88: {  	_ =	swait.ge [sflag:s5], $0x1000  }
0x89: {  	[sflag:s5] =	ssyncset.done $0x0  }
0x8a: {  	s28 =	sadd.s32 $0x2880, s24;
	s25 =	simm.s32 @!p0 $0x11;
	[sflag:s5] =	ssyncadd.s32 $0xFFFFF000  }
0x8b: {  	[spmem:s3] =	stream.indirect.scatter.add.f32 [tilespmem:s30], [sflag:$0xC], $0x20, s28, s29, $0xb8;
	[tilespmem:$0x18D20] =	vst v63  }
0x8c: {  	_ =	swait.ge @!p0 [sflag:s25], $0x1000  }
0x8d: {  	[sflag:s25] =	ssyncset.done @!p0 $0x0  }
0x8e: {  	s10 =	sadd.s32 $0x300, s24;
	[sflag:s25] =	ssyncadd.s32 @!p0 $0xFFFFF000  }
0x8f: {  	[tilespmem:s6], [sflag:$0x7] =	stream.indirect.gather [spmem:s2], $0x20, s10, s29, $0xb8;
	[tilespmem:$0x18D20] =	vst v63  }
0x90: {  	_ =	swait.ge [sflag:s8], $0x1000  }
0x91: {  	[sflag:s8] =	ssyncset.done $0x0  }
0x92: {  	s18 =	sadd.s32 $0x2900, s24;
	s25 =	simm.s32 @!p0 $0x12;
	[sflag:s8] =	ssyncadd.s32 $0xFFFFF000  }
0x93: {  	[spmem:s3] =	stream.indirect.scatter.add.f32 [tilespmem:s1], [sflag:$0xD], $0x20, s18, s29, $0xb8;
	[tilespmem:$0x18D20] =	vst v63  }
0x94: {  	_ =	swait.ge @!p0 [sflag:s25], $0x1000  }
0x95: {  	[sflag:s25] =	ssyncset.done @!p0 $0x0  }
0x96: {  	s20 =	sadd.s32 $0x380, s24;
	[sflag:s25] =	ssyncadd.s32 @!p0 $0xFFFFF000  }
0x97: {  	[tilespmem:s9], [sflag:$0x8] =	stream.indirect.gather [spmem:s2], $0x20, s20, s29, $0xb8;
	[tilespmem:$0x18D20] =	vst v63  }
0x98: {  	_ =	swait.ge [sflag:s11], $0x1000  }
0x99: {  	[sflag:s11] =	ssyncset.done $0x0  }
0x9a: {  	s26 =	sadd.s32 $0x2980, s24;
	s25 =	simm.s32 @!p0 $0x13;
	[sflag:s11] =	ssyncadd.s32 $0xFFFFF000  }
0x9b: {  	[spmem:s3] =	stream.indirect.scatter.add.f32 [tilespmem:s17], [sflag:$0xE], $0x20, s26, s29, $0xb8;
	[tilespmem:$0x18D20] =	vst v63  }
0x9c: {  	_ =	swait.ge @!p0 [sflag:s25], $0x1000  }
0x9d: {  	[sflag:s25] =	ssyncset.done @!p0 $0x0  }
0x9e: {  	s28 =	sadd.s32 $0x400, s24;
	[sflag:s25] =	ssyncadd.s32 @!p0 $0xFFFFF000  }
0x9f: {  	[tilespmem:s12], [sflag:$0x9] =	stream.indirect.gather [spmem:s2], $0x20, s28, s29, $0xb8;
	[tilespmem:$0x18D20] =	vst v63  }
0xa0: {  	_ =	swait.ge [sflag:s13], $0x1000  }
0xa1: {  	[sflag:s13] =	ssyncset.done $0x0  }
0xa2: {  	s10 =	sadd.s32 $0x2A00, s24;
	s25 =	simm.s32 @!p0 $0x14;
	[sflag:s13] =	ssyncadd.s32 $0xFFFFF000  }
0xa3: {  	[spmem:s3] =	stream.indirect.scatter.add.f32 [tilespmem:s0], [sflag:$0xF], $0x20, s10, s29, $0xb8;
	[tilespmem:$0x18D20] =	vst v63  }
0xa4: {  	_ =	swait.ge @!p0 [sflag:s25], $0x1000  }
0xa5: {  	[sflag:s25] =	ssyncset.done @!p0 $0x0  }
0xa6: {  	s18 =	sadd.s32 $0x480, s24;
	[sflag:s25] =	ssyncadd.s32 @!p0 $0xFFFFF000  }
0xa7: {  	[tilespmem:s14], [sflag:$0xA] =	stream.indirect.gather [spmem:s2], $0x20, s18, s29, $0xb8;
	[tilespmem:$0x18D20] =	vst v63  }
0xa8: {  	_ =	swait.ge [sflag:s7], $0x1000  }
0xa9: {  	p0 =	seq.s32 s22, $0x8C00;
	[sflag:s7] =	ssyncset.done $0x0  }
0xaa: {  	s20 =	sadd.s32 $0x2A80, s24;
	s25 =	simm.s32 @p0 $0x7;
	[sflag:s7] =	ssyncadd.s32 $0xFFFFF000  }
0xab: {  	[spmem:s3] =	stream.indirect.scatter.add.f32 [tilespmem:s4], [sflag:$0x10], $0x20, s20, s29, $0xb8;
	[tilespmem:$0x18D20] =	vst v63  }
0xac: {  	_ =	swait.ge @p0 [sflag:s25], $0x1000  }
0xad: {  	[sflag:s25] =	ssyncset.done @p0 $0x0  }
0xae: {  	[sflag:s25] =	ssyncadd.s32 @p0 $0xFFFFF000;
	s25 =	sshra.s32 @p0 s22, $0x2  }
0xaf: {  	s28 =	simm.s32 @p0 $0x80;
	s18 =	simm.s32 @p0 $0xB000;
	s26 =	sadd.s32 @p0 $0x2B00, s25  }
0xb0: {  	[spmem:s3] =	stream.indirect.scatter.add.f32 @p0 [tilespmem:s18], [sflag:$0x11], $0x20, s26, s28, $0xb8;
	[tilespmem:$0x18D20] =	vst v63  }
0xb1: {  	s18 =	simm.s32 @!p0 $0xB  }
0xb2: {  	_ =	swait.ge @!p0 [sflag:s18], $0x1000  }
0xb3: {  	[sflag:s18] =	ssyncset.done @!p0 $0x0  }
0xb4: {  	[sflag:s18] =	ssyncadd.s32 @!p0 $0xFFFFF000;
	s18 =	sshra.s32 @!p0 s22, $0x2  }
0xb5: {  	s10 =	simm.s32 @!p0 $0x5000;
	s20 =	simm.s32 @!p0 $0x80;
	s26 =	sadd.s32 @!p0 $0x500, s18  }
0xb6: {  	[tilespmem:s10], [sflag:$0x1] =	stream.indirect.gather @!p0 [spmem:s2], $0x20, s26, s20, $0xb8;
	[tilespmem:$0x18D20] =	vst v63  }
0xb7: {  	s10 =	simm.s32 @!p0 $0x7  }
0xb8: {  	_ =	swait.ge @!p0 [sflag:s10], $0x1000  }
0xb9: {  	[sflag:s10] =	ssyncset.done @!p0 $0x0  }
0xba: {  	s26 =	simm.s32 @!p0 $0xB000;
	[sflag:s10] =	ssyncadd.s32 @!p0 $0xFFFFF000;
	s10 =	sadd.s32 @!p0 $0x2B00, s18  }
0xbb: {  	[spmem:s3] =	stream.indirect.scatter.add.f32 @!p0 [tilespmem:s26], [sflag:$0x11], $0x20, s10, s20, $0xb8;
	[tilespmem:$0x18D20] =	vst v63  }
0xbc: {  	s10 =	simm.s32 @!p0 $0xC  }
0xbd: {  	_ =	swait.ge @!p0 [sflag:s10], $0x1000  }
0xbe: {  	[sflag:s10] =	ssyncset.done @!p0 $0x0  }
0xbf: {  	s26 =	simm.s32 @!p0 $0x6000;
	[sflag:s10] =	ssyncadd.s32 @!p0 $0xFFFFF000;
	s10 =	sadd.s32 @!p0 $0x580, s18  }
0xc0: {  	[tilespmem:s26], [sflag:$0x2] =	stream.indirect.gather @!p0 [spmem:s2], $0x20, s10, s20, $0xb8;
	[tilespmem:$0x18D20] =	vst v63  }
0xc1: {  	_ =	swait.ge [sflag:s15], $0x1000  }
0xc2: {  	[sflag:s15] =	ssyncset.done $0x0  }
0xc3: {  	s26 =	sadd.s32 $0x2B80, s24;
	s10 =	simm.s32 @p0 $0x9;
	[sflag:s15] =	ssyncadd.s32 $0xFFFFF000  }
0xc4: {  	[spmem:s3] =	stream.indirect.scatter.add.f32 [tilespmem:s9], [sflag:$0x12], $0x20, s26, s29, $0xb8;
	[tilespmem:$0x18D20] =	vst v63  }
0xc5: {  	_ =	swait.ge @p0 [sflag:s10], $0x1000  }
0xc6: {  	[sflag:s10] =	ssyncset.done @p0 $0x0  }
0xc7: {  	[sflag:s10] =	ssyncadd.s32 @p0 $0xFFFFF000;
	s10 =	sadd.s32 @p0 $0x2C00, s25;
	s25 =	simm.s32 @p0 $0xD000  }
0xc8: {  	[spmem:s3] =	stream.indirect.scatter.add.f32 @p0 [tilespmem:s25], [sflag:$0x13], $0x20, s10, s28, $0xb8;
	[tilespmem:$0x18D20] =	vst v63  }
0xc9: {  	s10 =	simm.s32 @!p0 $0xD  }
0xca: {  	_ =	swait.ge @!p0 [sflag:s10], $0x1000  }
0xcb: {  	[sflag:s10] =	ssyncset.done @!p0 $0x0  }
0xcc: {  	s25 =	simm.s32 @!p0 $0x7000;
	[sflag:s10] =	ssyncadd.s32 @!p0 $0xFFFFF000;
	s10 =	sadd.s32 @!p0 $0x600, s18  }
0xcd: {  	[tilespmem:s25], [sflag:$0x3] =	stream.indirect.gather @!p0 [spmem:s2], $0x20, s10, s20, $0xb8;
	[tilespmem:$0x18D20] =	vst v63  }
0xce: {  	s10 =	simm.s32 @!p0 $0x9  }
0xcf: {  	_ =	swait.ge @!p0 [sflag:s10], $0x1000  }
0xd0: {  	[sflag:s10] =	ssyncset.done @!p0 $0x0  }
0xd1: {  	s25 =	simm.s32 @!p0 $0xD000;
	[sflag:s10] =	ssyncadd.s32 @!p0 $0xFFFFF000;
	s10 =	sadd.s32 @!p0 $0x2C00, s18  }
0xd2: {  	[spmem:s3] =	stream.indirect.scatter.add.f32 @!p0 [tilespmem:s25], [sflag:$0x13], $0x20, s10, s20, $0xb8;
	[tilespmem:$0x18D20] =	vst v63  }
0xd3: {  	s10 =	simm.s32 @!p0 $0xE  }
0xd4: {  	_ =	swait.ge @!p0 [sflag:s10], $0x1000  }
0xd5: {  	[sflag:s10] =	ssyncset.done @!p0 $0x0  }
0xd6: {  	[sflag:s10] =	ssyncadd.s32 @!p0 $0xFFFFF000;
	s10 =	sadd.s32 @!p0 $0x680, s18;
	s18 =	simm.s32 @!p0 $0x8000  }
0xd7: {  	[tilespmem:s18], [sflag:$0x4] =	stream.indirect.gather @!p0 [spmem:s2], $0x20, s10, s20, $0xb8;
	[tilespmem:$0x18D20] =	vst v63  }
.Ltmp3:
0xd8: {  	_ = 	snop;
	(pc) =	sbr.rel @p0 .LBB2_6-.Ltmp3, $4  }
0xd9: {  	_ =	swait.ge [sflag:s16], $0x1000  }
0xda: {  	[sflag:s16] =	ssyncset.done $0x0  }
0xdb: {  	s28 =	sadd.s32 $0x2C80, s24;
	[sflag:s16] =	ssyncadd.s32 $0xFFFFF000  }
0xdc: {  	[spmem:s3] =	stream.indirect.scatter.add.f32 [tilespmem:s14], [sflag:$0x14], $0x20, s28, s29, $0xb8;
	[tilespmem:$0x18D20] =	vst v63  }
.Ltmp4:
0xdd: {  	(pc) =	sbr.rel .LBB2_4-.Ltmp4, $4  }
0xde: {  	_ =	swait.ge [sflag:s23], $0x1000  }
0xdf: {  	[sflag:s23] =	ssyncset.done $0x0  }
0xe0: {  	s10 =	sadd.s32 $0x700, s24;
	s22 =	sadd.s32 $0x1400, s22;
	[sflag:s23] =	ssyncadd.s32 $0xFFFFF000  }
0xe1: {  	[tilespmem:s0], [sflag:$0x5] =	stream.indirect.gather [spmem:s2], $0x20, s10, s29, $0xb8;
	[tilespmem:$0x18D20] =	vst v63  }
.LBB2_7:
0xe2: {  	_ =	sfence.sel $0x180000  }
0xe3: {  	[bflag:$0x0] =	sbarrier.arrive $0xFFFF  }
0xe4: {  	_ =	strace $0x9000004A  }
0xe5: {  	s0 =	stileid.u32;
	[bflag:$0x2] =	sbarrier.arrive $0xFFFF  }
0xe6: {  	p0 =	sne.s32 s0, $0x0;
	s0 =	rddreg [dreg:$0x3]  }
0xe7: {  	s0 =	sadd.s32 @!p0 $0x100000, s0  }
0xe8: {  	[sflag:s0] =	ssyncadd.tile.s32 @!p0 $0x1;
	_ =	shalt  }
.Lfunc_end2:
_tile_overlayer_lowered:
.L_overlay_start_2:
0xe9: {  	(tag) =	ssettag $0x2  }
0xea: {  	s0 =	rddreg [dreg:$0x0];
	s2 =	stileid.u32  }
0xeb: {  	s1 =	rddreg [dreg:$0x1];
	p0 =	sne.s32 s2, $0x0  }
0xec: {  	s3 =	rddreg [dreg:$0x2];
	[bflag:$0x3] =	sbarrier.arrive $0xFFFF;
	s2 =	simm.s32 @!p0 $0x1C1D  }
0xed: {  	[timem:s3], [sflag:s2] =	dma.local @!p0 [hbm:s0], s1  }
0xee: {  	s0 =	simm.s32 @!p0 $0x1D  }
0xef: {  	_ =	swait.ge @!p0 [sflag:s0], s1  }
0xf0: {  	s1 =	ssub.s32 @!p0 $0x0, s1;
	[sflag:s0] =	ssyncset.done @!p0 $0x0  }
0xf1: {  	[sflag:s0] =	ssyncadd.s32 @!p0 s1  }
0xf2: {  	[bflag:$0x3] =	sbarrier.arrive $0xFFFF  }
0xf3: {  	_ =	shalt  }

// kernel: kernel.14.cloned.1.call-start
scs
__scs_entry_jumppad:
0x0: {  	(pc) =	sbr.rel $0x88, $3  }
0x1: {  	(tag) =	ssettag $0x0;
	lr =	simm.s32 $0x1  }
0x2: {  	[smem:$0x3F9B] =	sst lr;
	_ =	strace $0xD0000000  }
0x3: {  	_ = 	snop  }
0x4: {  	_ = 	snop  }
0x5: {  	_ = 	snop  }
0x6: {  	_ = 	snop  }
0x7: {  	_ = 	snop  }
__scs_overlays_trampoline_lowered:
0x8: {  	[smem:$0x3FAA] =	sst s0  }
0x9: {  	[smem:$0x3FAB] =	sst s1  }
0xa: {  	[smem:$0x3FAC] =	sst s2  }
0xb: {  	[smem:$0x3FAD] =	sst s3  }
0xc: {  	[smem:$0x3FAE] =	sst s4  }
0xd: {  	[smem:$0x3FAF] =	sst s5  }
0xe: {  	[smem:$0x3FB0] =	sst s6  }
0xf: {  	[smem:$0x3FB1] =	sst s7  }
0x10: {  	[smem:$0x3FB2] =	sst s8  }
0x11: {  	[smem:$0x3FB3] =	sst s9;
	s0 =	simm.s32 @!p0 $0x0  }
0x12: {  	s1 =	sld [smem:$0x3F99];
	s0 =	simm.s32 @p0 $0x1  }
0x13: {  	[smem:$0x3FB4] =	sst s0;
	s0 =	simm.s32 @!p1 $0x0  }
0x14: {  	s2 =	sld [smem:$0x3F98];
	s0 =	simm.s32 @p1 $0x1  }
0x15: {  	[smem:$0x3FB5] =	sst s0;
	s0 =	simm.s32 @!p2 $0x0  }
0x16: {  	s3 =	sld [smem:$0x3FDB];
	s0 =	simm.s32 @p2 $0x1  }
0x17: {  	s4 =	simm.s32 $0x1BF5;
	[smem:$0x3FB7] =	sst s0  }
0x18: {  	s0 =	sld [smem:$0x3F9A];
	_ =	swait.ge [sflag:s4], $0x0  }
0x19: {  	s7 =	sld [smem:$0x3F9B]  }
0x1a: {  	s8 =	sadd.s32 $0xFFFFE003, lr  }
0x1b: {  	s9 =	sadd.s32 $0xFFFFFEF7, lr;
	s5 =	simm.s32 $0xFFFFFFFF;
	p2 =	slt.u32 s8, $0xFFFFF086  }
0x1c: {  	p1 =	slt.u32 s9, $0xF7A;
	s5 =	simm.s32 @!p2 $0x0  }
0x1d: {  	s5 =	simm.s32 @p1 $0x1;
	p0 =	seq.s32 s7, s2  }
0x1e: {  	s7 =	smul.u32 @!p0 $0xF7A, s2;
	p2 =	seq.s32 @!p0 s5, $0x0  }
0x1f: {  	s9 =	smul.u32 $0xF7A, s1;
	s8 =	simm.s32 @!p0 $0x1BF5;
	p2 =	por !p2, p0  }
0x20: {  	[sflag:s8] =	ssyncset.s32 @!p0 $0xFFFFF086;
	s6 =	sadd.s32 @!p0 s3, s7;
	s7 =	simm.s32 @!p0 $0x108  }
0x21: {  	s3 =	sadd.s32 s3, s9;
	s6 =	sadd.s32 @!p0 $0x88, s6;
	s7 =	simm.s32 @p2 $0x1082  }
0x22: {  	[simem:s7], [sflag:s8] =	dma.local @!p0 [hbm:s6], $0xF7A  }
0x23: {  	s9 =	sor.u32 $0xD0000000, s2;
	s6 =	simm.s32 $0x108;
	_ =	swait.ge @!p0 [sflag:s8], $0x0  }
0x24: {  	s3 =	sadd.s32 $0x88, s3;
	s6 =	simm.s32 @!p1 $0x1082;
	[sflag:s4] =	ssyncset.s32 $0xFFFFF086  }
0x25: {  	[simem:s6], [sflag:s4] =	dma.local [hbm:s3], $0xF7A  }
0x26: {  	[smem:$0x3F9B] =	sst s1;
	(tag) =	ssettag s2;
	_ =	strace s9  }
0x27: {  	s1 =	sld [smem:$0x3FAB]  }
0x28: {  	s2 =	sld [smem:$0x3FAC]  }
0x29: {  	s4 =	sld [smem:$0x3FAE]  }
0x2a: {  	p0 =	seq.s32 s5, $0x0;
	s5 =	sld [smem:$0x3FAF]  }
0x2b: {  	s6 =	sld [smem:$0x3FB0]  }
0x2c: {  	s7 =	sld [smem:$0x3FB1]  }
0x2d: {  	s3 =	simm.s32 $0x108;
	s8 =	sld [smem:$0x3FB2]  }
0x2e: {  	s3 =	simm.s32 @!p0 $0x1082;
	s9 =	sld [smem:$0x3FB3]  }
0x2f: {  	lr =	sadd.s32 s0, s3;
	s0 =	sld [smem:$0x3FAA]  }
0x30: {  	s3 =	sld [smem:$0x3FAD]  }
0x31: {  	[smem:$0x3FB6] =	sst s10  }
0x32: {  	s10 =	sld [smem:$0x3FB4];
	_ =	sdelay $0x3  }
0x33: {  	p0 =	seq.s32 s10, $0x1;
	s10 =	sld [smem:$0x3FB6];
	_ =	sdelay $0x3  }
0x34: {  	[smem:$0x3FB6] =	sst s10  }
0x35: {  	s10 =	sld [smem:$0x3FB5];
	_ =	sdelay $0x3  }
0x36: {  	p1 =	seq.s32 s10, $0x1;
	s10 =	sld [smem:$0x3FB6];
	_ =	sdelay $0x3  }
0x37: {  	[smem:$0x3FB6] =	sst s10  }
0x38: {  	s10 =	sld [smem:$0x3FB7]  }
0x39: {  	_ = 	snop;
	(pc) =	sbr.ind lr, $3  }
0x3a: {  	_ = 	snop  }
0x3b: {  	_ = 	snop  }
0x3c: {  	p2 =	seq.s32 s10, $0x1;
	s10 =	sld [smem:$0x3FB6]  }
0x3d: {  	_ =	shalt  }
0x3e: {  	_ =	shalt  }
0x3f: {  	_ =	shalt  }
0x40: {  	_ =	shalt  }
0x41: {  	_ =	shalt  }
0x42: {  	_ =	shalt  }
0x43: {  	_ =	shalt  }
0x44: {  	_ =	shalt  }
0x45: {  	_ =	shalt  }
0x46: {  	_ =	shalt  }
0x47: {  	_ =	shalt  }
0x48: {  	_ =	shalt  }
0x49: {  	_ =	shalt  }
0x4a: {  	_ =	shalt  }
0x4b: {  	_ =	shalt  }
0x4c: {  	_ =	shalt  }
0x4d: {  	_ =	shalt  }
0x4e: {  	_ =	shalt  }
0x4f: {  	_ =	shalt  }
0x50: {  	_ =	shalt  }
0x51: {  	_ =	shalt  }
0x52: {  	_ =	shalt  }
0x53: {  	_ =	shalt  }
0x54: {  	_ =	shalt  }
0x55: {  	_ =	shalt  }
0x56: {  	_ =	shalt  }
0x57: {  	_ =	shalt  }
0x58: {  	_ =	shalt  }
0x59: {  	_ =	shalt  }
0x5a: {  	_ =	shalt  }
0x5b: {  	_ =	shalt  }
0x5c: {  	_ =	shalt  }
0x5d: {  	_ =	shalt  }
0x5e: {  	_ =	shalt  }
0x5f: {  	_ =	shalt  }
0x60: {  	_ =	shalt  }
0x61: {  	_ =	shalt  }
0x62: {  	_ =	shalt  }
0x63: {  	_ =	shalt  }
0x64: {  	_ =	shalt  }
0x65: {  	_ =	shalt  }
0x66: {  	_ =	shalt  }
0x67: {  	_ =	shalt  }
0x68: {  	_ =	shalt  }
0x69: {  	_ =	shalt  }
0x6a: {  	_ =	shalt  }
0x6b: {  	_ =	shalt  }
0x6c: {  	_ =	shalt  }
0x6d: {  	_ =	shalt  }
0x6e: {  	_ =	shalt  }
0x6f: {  	_ =	shalt  }
0x70: {  	_ =	shalt  }
0x71: {  	_ =	shalt  }
0x72: {  	_ =	shalt  }
0x73: {  	_ =	shalt  }
0x74: {  	_ =	shalt  }
0x75: {  	_ =	shalt  }
0x76: {  	_ =	shalt  }
0x77: {  	_ =	shalt  }
0x78: {  	_ =	shalt  }
0x79: {  	_ =	shalt  }
0x7a: {  	_ =	shalt  }
0x7b: {  	_ =	shalt  }
0x7c: {  	_ =	shalt  }
0x7d: {  	_ =	shalt  }
0x7e: {  	_ =	shalt  }
0x7f: {  	_ =	shalt  }
0x80: {  	_ =	shalt  }
0x81: {  	_ =	shalt  }
0x82: {  	_ =	shalt  }
0x83: {  	_ =	shalt  }
0x84: {  	_ =	shalt  }
0x85: {  	_ =	shalt  }
0x86: {  	_ =	shalt  }
0x87: {  	_ =	shalt  }
.Lfunc_end0:
.L_simem_size_0:
called_computation.2_lowered:
.L_overlay_start_0:
0x88: {  	s2 =	sld [smem:$0x3FD9]  }
0x89: {  	s3 =	sld [smem:$0x3FFE];
	_ =	sdelay $0x1  }
0x8a: {  	s1 =	srdreg.scid  }
0x8b: {  	s0 =	sand.u32 $0x1, s1  }
0x8c: {  	s17 =	sshll.u32 s0, $0xA;
	s2 =	sadd.s32 s3, s2  }
0x8d: {  	s2 =	sadd.s32 s2, s17  }
0x8e: {  	[smem:$0x3FC2] =	sst s2  }
0x8f: {  	_ = 	snop  }
0x90: {  	s2 =	sld [smem:$0x3FD0];
	(tm) =	ssettm $0x1  }
0x91: {  	s18 =	sld [smem:$0x3FFB];
	_ =	sdelay $0x3  }
0x92: {  	_ =	strace s18  }
0x93: {  	s3 =	sld [smem:$0x3FFC];
	_ =	sdelay $0x3  }
0x94: {  	_ =	strace s3  }
0x95: {  	s3 =	sld [smem:$0x3FFD];
	_ =	sdelay $0x3  }
0x96: {  	_ =	strace s3  }
0x97: {  	_ =	strace $0x8FFFFFFF  }
0x98: {  	s19 =	sld [smem:$0x3FDB];
	_ =	sdelay $0x1  }
0x99: {  	s4 =	simm.s32 $_scs_section_size  }
0x9a: {  	s5 =	simm.s32 $_size__tile_overlayer_lowered;
	s6 =	simm.s32 $_tile_overlayer_lowered  }
0x9b: {  	s22 =	simm.s32 $0x1BFF;
	s21 =	sshll.u32 s6, $0x1;
	s3 =	sadd.s32 s4, s19  }
0x9c: {  	s7 =	simm.s32 $0x0;
	s20 =	sshll.u32 s5, $0x1;
	s5 =	sadd.s32 s21, s3  }
0x9d: {  	[timem:s7], [sflag:s22] =	dma.local [hbm:s5], s20  }
0x9e: {  	_ =	swait.ge [sflag:s22], s20  }
0x9f: {  	s4 =	ssub.s32 $0x0, s20;
	[sflag:s22] =	ssyncset.done $0x0  }
0xa0: {  	[sflag:s22] =	ssyncadd.s32 s4;
	_ =	sdelay $0x1  }
0xa1: {  	s23 =	simm.s32 $0x1B8B  }
0xa2: {  	_ =	swait.ge [sflag:s23], $0x1  }
0xa3: {  	[sflag:s23] =	ssyncset.done $0x0  }
0xa4: {  	s25 =	simm.s32 $0x1B8E;
	s24 =	sld [smem:$0x3FFE];
	[sflag:s23] =	ssyncadd.s32 $0xFFFFFFFF  }
0xa5: {  	s26 =	simm.s32 $execute0_lowered;
	[smem:$0x3FD2] =	sst s25  }
0xa6: {  	s5 =	sshll.u32 s26, $0x1;
	_ =	strace $0x8000004C;
	[dreg:$0x1] =	wrdreg $0xFFFFFFFF  }
0xa7: {  	s28 =	simm.s32 $_size_execute0_lowered;
	s3 =	sadd.s32 s3, s5;
	[dreg:$0x0] =	wrdreg $0x0  }
0xa8: {  	s5 =	sshll.u32 s28, $0x1;
	[dreg:$0x2] =	wrdreg s3  }
0xa9: {  	[dreg:$0x3] =	wrdreg s5  }
0xaa: {  	[dreg:$0x4] =	wrdreg $0xC0  }
0xab: {  	_ =	task [dreg:s7], $0x5FFFF  }
0xac: {  	[dreg:$0x1] =	wrdreg $0xFFFFFFFF  }
0xad: {  	[dreg:$0x0] =	wrdreg $0x60  }
0xae: {  	[dreg:$0x2] =	wrdreg s24  }
0xaf: {  	[dreg:$0x3] =	wrdreg s2  }
0xb0: {  	[dreg:$0x4] =	wrdreg $0xC7800  }
0xb1: {  	[dreg:$0x5] =	wrdreg $0xA0000  }
0xb2: {  	[dreg:$0x6] =	wrdreg $0x9  }
0xb3: {  	_ =	task.clear_ibuf [dreg:s7], $0x7FFFF;
	_ =	strace $0x9000004C  }
0xb4: {  	s29 =	simm.s32 $0x9;
	_ =	strace $0x8000004E  }
0xb5: {  	_ =	swait.ge [sflag:s29], $0x1  }
0xb6: {  	[sflag:s29] =	ssyncadd.s32 $0xFFFFFFFF  }
0xb7: {  	_ =	strace $0x9000004E  }
0xb8: {  	_ =	sfence  }
0xb9: {  	s30 =	sld [smem:$0x0];
	_ =	sdelay $0x2  }
0xba: {  	s31 =	sshll.u32 s1, $0xD;
	s1 =	sshrl.u32 s1, $0x2  }
0xbb: {  	s3 =	sand.u32 $0x4000, s31;
	s1 =	sadd.s32 s1, s30  }
0xbc: {  	s0 =	sor.u32 s3, s0;
	s1 =	sshll.u32 s1, $0x11  }
0xbd: {  	s0 =	sor.u32 s1, s0  }
0xbe: {  	s0 =	sadd.s32 $0x8F2B, s0  }
0xbf: {  	[sflag:s0] =	ssyncadd.remote.s32 $0x1  }
0xc0: {  	_ =	sfence.sel $0xFFFF  }
0xc1: {  	[dreg:$0x0] =	wrdreg $0xFFFFFFFF;
	(pc) =	sbr.abs _section_cstart, $3  }
0xc2: {  	[dreg:$0x1] =	wrdreg $0xFFFFFFFF  }
0xc3: {  	_ =	task.clear_ibuf [dreg:s7], $0x2FFFF;
	_ =	strace $0x9FFFFFFF  }
0xc4: {  	(tm) =	ssettm $0x7FFFFFFF  }
0xc5: {  	_ =	shalt  }
tec
execute0_lowered:
.L_overlay_start_1:
0x0: {  	(tag) =	ssettag $0x1  }
0x1: {  	s0 =	srdreg.scid;
	s1 =	rddreg [dreg:$0x0]  }
0x2: {  	s4 =	rddreg [dreg:$0x1];
	s10 =	stileid.u32  }
0x3: {  	s2 =	rddreg [dreg:$0x2];
	s7 =	simm.s32 $0x0;
	s29 =	simm.s32 $0x80  }
0x4: {  	s30 =	simm.s32 $0x5800;
	s31 =	simm.s32 $0x1;
	s11 =	simm.s32 $0x4  }
0x5: {  	s12 =	simm.s32 $0x9000;
	s13 =	simm.s32 $0x5;
	s6 =	smul.u32 $0x2780, s10  }
0x6: {  	s14 =	simm.s32 $0x9800;
	s15 =	simm.s32 $0x8;
	s9 =	smul.u32 $0x2710, s10  }
0x7: {  	s0 =	sand.u32 $0x1, s0;
	[smem:$0x7FF] =	sst s7;
	s17 =	smul.u32 $0x9E00, s10  }
0x8: {  	s21 =	sshll.u32 s10, $0x6;
	s3 =	sshll.u32 s0, $0x4;
	s16 =	smul.u32 $0x27800, s0  }
0x9: {  	s0 =	ssub.s32 $0x2, s0;
	s22 =	sor.u32 $0x1C1A, s21;
	s5 =	sor.u32 s10, s3  }
0xa: {  	s3 =	rddreg [dreg:$0x3];
	_ =	strace $0x8000004D;
	s8 =	sshrl.u32 s0, $0x1  }
0xb: {  	s19 =	sadd.s32 s9, s2;
	s20 =	sshrl.u32 s9, $0x3;
	[dreg:$0x7] =	wrdreg s21  }
0xc: {  	[dreg:$0x9] =	wrdreg s22;
	s9 =	simm.s32 $0x8800;
	s21 =	simm.s32 $0x0  }
0xd: {  	s5 =	smul.u32 $0x500, s5;
	s7 =	sadd.s32 s6, s16;
	s0 =	ssub.s32 s0, s8  }
0xe: {  	s4 =	sadd.s32 s4, s20;
	s20 =	sadd.s32 s6, s3;
	s28 =	sshrl.u32 s19, $0x3  }
0xf: {  	s19 =	simm.s32 $0x5000;
	s6 =	simm.s32 $0x8000;
	[dreg:$0x8] =	wrdreg s4  }
0x10: {  	s8 =	simm.s32 $0x3;
	s16 =	simm.s32 $0xA;
	[dreg:$0x11] =	wrdreg s28  }
0x11: {  	s7 =	sshrl.u32 s7, $0x3;
	s0 =	smax.u32 s0, $0x1;
	[dreg:$0xa] =	wrdreg s20  }
0x12: {  	s5 =	sadd.s32 s5, s1;
	s1 =	sadd.s32 s7, s1;
	s7 =	sshrl.u32 s17, $0x2  }
0x13: {  	[dreg:$0x10] =	wrdreg s0;
	s17 =	simm.s32 $0x6800;
	s18 =	sadd.s32 $0x1FA00, s5  }
0x14: {  	s0 =	simm.s32 $0x7000;
	s5 =	sadd.s32 $0x29A00, s5;
	[dreg:$0x5] =	wrdreg s18  }
0x15: {  	s23 =	sadd.s32 s7, s3;
	s1 =	sadd.s32 $0x2200, s1;
	[dreg:$0x6] =	wrdreg s5  }
.Ltmp0:
0x16: {  	s24 =	sadd.s32 $0x800, s23;
	[dreg:$0xf] =	wrdreg s1;
	(pc) =	sbr.rel .LBB2_1-.Ltmp0, $4  }
0x17: {  	s7 =	simm.s32 $0x6;
	s25 =	sadd.s32 $0x1000, s23;
	[dreg:$0xb] =	wrdreg s24  }
0x18: {  	s26 =	sadd.s32 $0x1800, s23;
	s4 =	sadd.s32 $0x2000, s23;
	[dreg:$0xc] =	wrdreg s25  }
0x19: {  	s1 =	simm.s32 $0x6000;
	s5 =	simm.s32 $0x2;
	[dreg:$0xd] =	wrdreg s26  }
0x1a: {  	v0 =	vimm.f32 $0.0e+00;
	s23 =	simm.s32 $0xF;
	[dreg:$0xe] =	wrdreg s4;
	s4 =	simm.s32 $0x7800  }
.LBB2_6:
0x1b: {  	s10 =	simm.s32 $0xB  }
0x1c: {  	_ =	swait.ge [sflag:s10], $0x800  }
0x1d: {  	[sflag:s10] =	ssyncset.done $0x0  }
0x1e: {  	s24 =	simm.s32 $0xC;
	[sflag:s10] =	ssyncadd.s32 $0xFFFFF800  }
0x1f: {  	_ =	swait.ge [sflag:s24], $0x800  }
0x20: {  	[sflag:s24] =	ssyncset.done $0x0  }
0x21: {  	s25 =	simm.s32 $0xD;
	[sflag:s24] =	ssyncadd.s32 $0xFFFFF800  }
0x22: {  	_ =	swait.ge [sflag:s25], $0x800  }
0x23: {  	[sflag:s25] =	ssyncset.done $0x0  }
0x24: {  	s26 =	simm.s32 $0xE;
	[sflag:s25] =	ssyncadd.s32 $0xFFFFF800  }
0x25: {  	_ =	swait.ge [sflag:s26], $0x800  }
0x26: {  	[sflag:s26] =	ssyncset.done $0x0  }
0x27: {  	[sflag:s26] =	ssyncadd.s32 $0xFFFFF800  }
0x28: {  	_ =	swait.ge [sflag:s23], $0x800  }
0x29: {  	[sflag:s23] =	ssyncset.done $0x0  }
0x2a: {  	s28 =	simm.s32 $0x10;
	[sflag:s23] =	ssyncadd.s32 $0xFFFFF800  }
0x2b: {  	_ =	swait.ge [sflag:s28], $0x800  }
0x2c: {  	[sflag:s28] =	ssyncset.done $0x0  }
0x2d: {  	s18 =	simm.s32 $0x11;
	[sflag:s28] =	ssyncadd.s32 $0xFFFFF800  }
0x2e: {  	_ =	swait.ge [sflag:s18], $0x800  }
0x2f: {  	[sflag:s18] =	ssyncset.done $0x0  }
0x30: {  	s20 =	simm.s32 $0x12;
	[sflag:s18] =	ssyncadd.s32 $0xFFFFF800  }
0x31: {  	_ =	swait.ge [sflag:s20], $0x800  }
0x32: {  	[sflag:s20] =	ssyncset.done $0x0  }
0x33: {  	s22 =	simm.s32 $0x13;
	[sflag:s20] =	ssyncadd.s32 $0xFFFFF800  }
0x34: {  	_ =	swait.ge [sflag:s22], $0x800  }
0x35: {  	[sflag:s22] =	ssyncset.done $0x0  }
0x36: {  	s24 =	simm.s32 $0x14;
	[sflag:s22] =	ssyncadd.s32 $0xFFFFF800  }
0x37: {  	_ =	swait.ge [sflag:s24], $0x800  }
0x38: {  	[sflag:s24] =	ssyncset.done $0x0  }
0x39: {  	[sflag:s24] =	ssyncadd.s32 $0xFFFFF800  }
0x3a: {  	[bflag:$0x0] =	sbarrier.arrive $0xFFFF  }
0x3b: {  	s25 =	rddreg [dreg:$0x7]  }
0x3c: {  	s26 =	simm.s32 $0x1D;
	s20 =	rddreg [dreg:$0xa]  }
0x3d: {  	s22 =	rddreg [dreg:$0xf];
	s10 =	sor.u32 $0x1C1D, s25;
	s18 =	sshrl.u32 s20, $0x3  }
0x3e: {  	[hbm:s22], [sflag:s10] =	dma.local [spmem:s18], $0x4F0  }
0x3f: {  	_ =	swait.ge [sflag:s26], $0x4F0  }
0x40: {  	s21 =	sadd.s32 $0x1, s21;
	s28 =	rddreg [dreg:$0x10]  }
0x41: {  	p0 =	sne.s32 s21, s28  }
.Ltmp1:
0x42: {  	_ = 	snop;
	(pc) =	sbr.rel @!p0 .LBB2_7-.Ltmp1, $3  }
0x43: {  	_ =	sdelay $0x1  }
0x44: {  	[sflag:s26] =	ssyncset.done $0x0  }
0x45: {  	[sflag:s26] =	ssyncadd.s32 $0xFFFFFB10  }
.LBB2_1:
0x46: {  	s18 =	rddreg [dreg:$0x5]  }
0x47: {  	s24 =	rddreg [dreg:$0x6]  }
0x48: {  	s10 =	simm.s32 $0x0;
	s25 =	rddreg [dreg:$0x8]  }
0x49: {  	[tilespmem:s10], [sflag:$0x1B] =	stream.linear.gather [hbm4b:s18+s10], $0x2800, $0x38;
	[tilespmem:$0xEE90] =	vst v63  }
0x4a: {  	s22 =	simm.s32 $0x2800;
	s26 =	rddreg [dreg:$0x9]  }
0x4b: {  	[tilespmem:s22], [sflag:$0x1C] =	stream.linear.gather [hbm4b:s24+s10], $0x2800, $0x38;
	[tilespmem:$0xEE90] =	vst v63  }
0x4c: {  	s28 =	rddreg [dreg:$0x11];
	s22 =	simm.s32 $0x40;
	s24 =	simm.s32 $0x0  }
0x4d: {  	[spmem:s28], [sflag:s26] =	dma.local [hbm:s25], $0x4E2  }
.LBB2_2:
0x4e: {  	p0 =	sne.s32 s22, $0x1FC0;
	[tilespmem:s24+$0x5000] =	vst v0;
	s24 =	smov.u32 s22;
	s22 =	sadd.s32 $0x40, s22  }
.Ltmp2:
0x4f: {  	(pc) =	sbr.rel @p0 .LBB2_2-.Ltmp2, $2  }
0x50: {  	_ =	sdelay $0x2  }
0x51: {  	s24 =	sshra.s32 s24, $0x2  }
0x52: {  	[tilespmem:s24+$0x5000] =	vst v0  }
0x53: {  	[spmem:s20] =	stream.linear.scatter [tilespmem:s19], [sflag:$0x15], $0x800, $0x38;
	[tilespmem:$0xEE90] =	vst v63  }
0x54: {  	s10 =	rddreg [dreg:$0xb]  }
0x55: {  	[spmem:s10] =	stream.linear.scatter [tilespmem:s19], [sflag:$0x16], $0x800, $0x38;
	[tilespmem:$0xEE90] =	vst v63  }
0x56: {  	s18 =	rddreg [dreg:$0xc]  }
0x57: {  	[spmem:s18] =	stream.linear.scatter [tilespmem:s19], [sflag:$0x17], $0x800, $0x38;
	[tilespmem:$0xEE90] =	vst v63  }
0x58: {  	s20 =	rddreg [dreg:$0xd]  }
0x59: {  	[spmem:s20] =	stream.linear.scatter [tilespmem:s19], [sflag:$0x18], $0x800, $0x38;
	[tilespmem:$0xEE90] =	vst v63  }
0x5a: {  	s22 =	rddreg [dreg:$0xe];
	s24 =	simm.s32 $0x15  }
0x5b: {  	[spmem:s22] =	stream.linear.scatter [tilespmem:s19], [sflag:$0x19], $0x780, $0x38;
	[tilespmem:$0xEE90] =	vst v63  }
0x5c: {  	_ =	swait.ge [sflag:s24], $0x800  }
0x5d: {  	[sflag:s24] =	ssyncset.done $0x0  }
0x5e: {  	s25 =	simm.s32 $0x16;
	[sflag:s24] =	ssyncadd.s32 $0xFFFFF800  }
0x5f: {  	_ =	swait.ge [sflag:s25], $0x800  }
0x60: {  	[sflag:s25] =	ssyncset.done $0x0  }
0x61: {  	s26 =	simm.s32 $0x17;
	[sflag:s25] =	ssyncadd.s32 $0xFFFFF800  }
0x62: {  	_ =	swait.ge [sflag:s26], $0x800  }
0x63: {  	[sflag:s26] =	ssyncset.done $0x0  }
0x64: {  	s28 =	simm.s32 $0x18;
	[sflag:s26] =	ssyncadd.s32 $0xFFFFF800  }
0x65: {  	_ =	swait.ge [sflag:s28], $0x800  }
0x66: {  	[sflag:s28] =	ssyncset.done $0x0  }
0x67: {  	s18 =	simm.s32 $0x19;
	[sflag:s28] =	ssyncadd.s32 $0xFFFFF800  }
0x68: {  	_ =	swait.ge [sflag:s18], $0x780  }
0x69: {  	[sflag:s18] =	ssyncset.done $0x0  }
0x6a: {  	s20 =	simm.s32 $0x1A;
	[sflag:s18] =	ssyncadd.s32 $0xFFFFF880  }
0x6b: {  	_ =	swait.ge [sflag:s20], $0x4E2  }
0x6c: {  	[sflag:s20] =	ssyncset.done $0x0  }
0x6d: {  	s22 =	simm.s32 $0x1B;
	[sflag:s20] =	ssyncadd.s32 $0xFFFFFB1E  }
0x6e: {  	_ =	swait.ge [sflag:s22], $0x2800  }
0x6f: {  	[sflag:s22] =	ssyncset.done $0x0  }
0x70: {  	s24 =	simm.s32 $0x1C;
	[sflag:s22] =	ssyncadd.s32 $0xFFFFD800  }
0x71: {  	_ =	swait.ge [sflag:s24], $0x2800  }
0x72: {  	[sflag:s24] =	ssyncset.done $0x0  }
0x73: {  	[sflag:s24] =	ssyncadd.s32 $0xFFFFD800  }
0x74: {  	s22 =	simm.s32 $0x0;
	[bflag:$0x0] =	sbarrier.arrive $0xFFFF  }
0x75: {  	[tilespmem:s19], [sflag:$0x1] =	stream.indirect.gather [spmem:s2], $0x10, s22, s29, $0xb8;
	[tilespmem:$0xEE90] =	vst v63  }
0x76: {  	_ = 	snop  }
0x77: {  	[tilespmem:s30], [sflag:$0x2] =	stream.indirect.gather [spmem:s2], $0x10, s29, s29, $0xb8;
	[tilespmem:$0xEE90] =	vst v63  }
0x78: {  	s25 =	simm.s32 $0x100  }
0x79: {  	[tilespmem:s1], [sflag:$0x3] =	stream.indirect.gather [spmem:s2], $0x10, s25, s29, $0xb8;
	[tilespmem:$0xEE90] =	vst v63  }
0x7a: {  	s26 =	simm.s32 $0x180  }
0x7b: {  	[tilespmem:s17], [sflag:$0x4] =	stream.indirect.gather [spmem:s2], $0x10, s26, s29, $0xb8;
	[tilespmem:$0xEE90] =	vst v63  }
0x7c: {  	s28 =	simm.s32 $0x200  }
0x7d: {  	[tilespmem:s0], [sflag:$0x5] =	stream.indirect.gather [spmem:s2], $0x10, s28, s29, $0xb8;
	[tilespmem:$0xEE90] =	vst v63  }
.LBB2_4:
0x7e: {  	_ =	swait.ge [sflag:s31], $0x800  }
0x7f: {  	s24 =	sshra.s32 s22, $0x2;
	[sflag:s31] =	ssyncset.done $0x0  }
0x80: {  	p0 =	seq.s32 s22, $0x0;
	s25 =	sadd.s32 $0x2800, s24;
	[sflag:s31] =	ssyncadd.s32 $0xFFFFF800  }
0x81: {  	[spmem:s3] =	stream.indirect.scatter.add.f32 [tilespmem:s19], [sflag:$0xB], $0x10, s25, s29, $0xb8;
	[tilespmem:$0xEE90] =	vst v63  }
0x82: {  	s25 =	simm.s32 @!p0 $0x10  }
0x83: {  	_ =	swait.ge @!p0 [sflag:s25], $0x800  }
0x84: {  	[sflag:s25] =	ssyncset.done @!p0 $0x0  }
0x85: {  	s26 =	sadd.s32 $0x280, s24;
	[sflag:s25] =	ssyncadd.s32 @!p0 $0xFFFFF800  }
0x86: {  	[tilespmem:s4], [sflag:$0x6] =	stream.indirect.gather [spmem:s2], $0x10, s26, s29, $0xb8;
	[tilespmem:$0xEE90] =	vst v63  }
0x87: {  	_ =	swait.ge [sflag:s5], $0x800  }
0x88: {  	[sflag:s5] =	ssyncset.done $0x0  }
0x89: {  	s28 =	sadd.s32 $0x2880, s24;
	s25 =	simm.s32 @!p0 $0x11;
	[sflag:s5] =	ssyncadd.s32 $0xFFFFF800  }
0x8a: {  	[spmem:s3] =	stream.indirect.scatter.add.f32 [tilespmem:s30], [sflag:$0xC], $0x10, s28, s29, $0xb8;
	[tilespmem:$0xEE90] =	vst v63  }
0x8b: {  	_ =	swait.ge @!p0 [sflag:s25], $0x800  }
0x8c: {  	[sflag:s25] =	ssyncset.done @!p0 $0x0  }
0x8d: {  	s10 =	sadd.s32 $0x300, s24;
	[sflag:s25] =	ssyncadd.s32 @!p0 $0xFFFFF800  }
0x8e: {  	[tilespmem:s6], [sflag:$0x7] =	stream.indirect.gather [spmem:s2], $0x10, s10, s29, $0xb8;
	[tilespmem:$0xEE90] =	vst v63  }
0x8f: {  	_ =	swait.ge [sflag:s8], $0x800  }
0x90: {  	[sflag:s8] =	ssyncset.done $0x0  }
0x91: {  	s18 =	sadd.s32 $0x2900, s24;
	s25 =	simm.s32 @!p0 $0x12;
	[sflag:s8] =	ssyncadd.s32 $0xFFFFF800  }
0x92: {  	[spmem:s3] =	stream.indirect.scatter.add.f32 [tilespmem:s1], [sflag:$0xD], $0x10, s18, s29, $0xb8;
	[tilespmem:$0xEE90] =	vst v63  }
0x93: {  	_ =	swait.ge @!p0 [sflag:s25], $0x800  }
0x94: {  	[sflag:s25] =	ssyncset.done @!p0 $0x0  }
0x95: {  	s20 =	sadd.s32 $0x380, s24;
	[sflag:s25] =	ssyncadd.s32 @!p0 $0xFFFFF800  }
0x96: {  	[tilespmem:s9], [sflag:$0x8] =	stream.indirect.gather [spmem:s2], $0x10, s20, s29, $0xb8;
	[tilespmem:$0xEE90] =	vst v63  }
0x97: {  	_ =	swait.ge [sflag:s11], $0x800  }
0x98: {  	[sflag:s11] =	ssyncset.done $0x0  }
0x99: {  	s26 =	sadd.s32 $0x2980, s24;
	s25 =	simm.s32 @!p0 $0x13;
	[sflag:s11] =	ssyncadd.s32 $0xFFFFF800  }
0x9a: {  	[spmem:s3] =	stream.indirect.scatter.add.f32 [tilespmem:s17], [sflag:$0xE], $0x10, s26, s29, $0xb8;
	[tilespmem:$0xEE90] =	vst v63  }
0x9b: {  	_ =	swait.ge @!p0 [sflag:s25], $0x800  }
0x9c: {  	[sflag:s25] =	ssyncset.done @!p0 $0x0  }
0x9d: {  	s28 =	sadd.s32 $0x400, s24;
	[sflag:s25] =	ssyncadd.s32 @!p0 $0xFFFFF800  }
0x9e: {  	[tilespmem:s12], [sflag:$0x9] =	stream.indirect.gather [spmem:s2], $0x10, s28, s29, $0xb8;
	[tilespmem:$0xEE90] =	vst v63  }
0x9f: {  	_ =	swait.ge [sflag:s13], $0x800  }
0xa0: {  	[sflag:s13] =	ssyncset.done $0x0  }
0xa1: {  	s10 =	sadd.s32 $0x2A00, s24;
	s25 =	simm.s32 @!p0 $0x14;
	[sflag:s13] =	ssyncadd.s32 $0xFFFFF800  }
0xa2: {  	[spmem:s3] =	stream.indirect.scatter.add.f32 [tilespmem:s0], [sflag:$0xF], $0x10, s10, s29, $0xb8;
	[tilespmem:$0xEE90] =	vst v63  }
0xa3: {  	_ =	swait.ge @!p0 [sflag:s25], $0x800  }
0xa4: {  	[sflag:s25] =	ssyncset.done @!p0 $0x0  }
0xa5: {  	s18 =	sadd.s32 $0x480, s24;
	[sflag:s25] =	ssyncadd.s32 @!p0 $0xFFFFF800  }
0xa6: {  	[tilespmem:s14], [sflag:$0xA] =	stream.indirect.gather [spmem:s2], $0x10, s18, s29, $0xb8;
	[tilespmem:$0xEE90] =	vst v63  }
0xa7: {  	_ =	swait.ge [sflag:s7], $0x800  }
0xa8: {  	p0 =	seq.s32 s22, $0x8C00;
	[sflag:s7] =	ssyncset.done $0x0  }
0xa9: {  	s20 =	sadd.s32 $0x2A80, s24;
	s25 =	simm.s32 @p0 $0x7;
	[sflag:s7] =	ssyncadd.s32 $0xFFFFF800  }
0xaa: {  	[spmem:s3] =	stream.indirect.scatter.add.f32 [tilespmem:s4], [sflag:$0x10], $0x10, s20, s29, $0xb8;
	[tilespmem:$0xEE90] =	vst v63  }
0xab: {  	_ =	swait.ge @p0 [sflag:s25], $0x800  }
0xac: {  	[sflag:s25] =	ssyncset.done @p0 $0x0  }
0xad: {  	[sflag:s25] =	ssyncadd.s32 @p0 $0xFFFFF800;
	s25 =	sshra.s32 @p0 s22, $0x2  }
0xae: {  	s28 =	simm.s32 @p0 $0x80;
	s18 =	simm.s32 @p0 $0x8000;
	s26 =	sadd.s32 @p0 $0x2B00, s25  }
0xaf: {  	[spmem:s3] =	stream.indirect.scatter.add.f32 @p0 [tilespmem:s18], [sflag:$0x11], $0x10, s26, s28, $0xb8;
	[tilespmem:$0xEE90] =	vst v63  }
0xb0: {  	s18 =	simm.s32 @!p0 $0xB  }
0xb1: {  	_ =	swait.ge @!p0 [sflag:s18], $0x800  }
0xb2: {  	[sflag:s18] =	ssyncset.done @!p0 $0x0  }
0xb3: {  	[sflag:s18] =	ssyncadd.s32 @!p0 $0xFFFFF800;
	s18 =	sshra.s32 @!p0 s22, $0x2  }
0xb4: {  	s10 =	simm.s32 @!p0 $0x5000;
	s20 =	simm.s32 @!p0 $0x80;
	s26 =	sadd.s32 @!p0 $0x500, s18  }
0xb5: {  	[tilespmem:s10], [sflag:$0x1] =	stream.indirect.gather @!p0 [spmem:s2], $0x10, s26, s20, $0xb8;
	[tilespmem:$0xEE90] =	vst v63  }
0xb6: {  	s10 =	simm.s32 @!p0 $0x7  }
0xb7: {  	_ =	swait.ge @!p0 [sflag:s10], $0x800  }
0xb8: {  	[sflag:s10] =	ssyncset.done @!p0 $0x0  }
0xb9: {  	s26 =	simm.s32 @!p0 $0x8000;
	[sflag:s10] =	ssyncadd.s32 @!p0 $0xFFFFF800;
	s10 =	sadd.s32 @!p0 $0x2B00, s18  }
0xba: {  	[spmem:s3] =	stream.indirect.scatter.add.f32 @!p0 [tilespmem:s26], [sflag:$0x11], $0x10, s10, s20, $0xb8;
	[tilespmem:$0xEE90] =	vst v63  }
0xbb: {  	s10 =	simm.s32 @!p0 $0xC  }
0xbc: {  	_ =	swait.ge @!p0 [sflag:s10], $0x800  }
0xbd: {  	[sflag:s10] =	ssyncset.done @!p0 $0x0  }
0xbe: {  	s26 =	simm.s32 @!p0 $0x5800;
	[sflag:s10] =	ssyncadd.s32 @!p0 $0xFFFFF800;
	s10 =	sadd.s32 @!p0 $0x580, s18  }
0xbf: {  	[tilespmem:s26], [sflag:$0x2] =	stream.indirect.gather @!p0 [spmem:s2], $0x10, s10, s20, $0xb8;
	[tilespmem:$0xEE90] =	vst v63  }
0xc0: {  	_ =	swait.ge [sflag:s15], $0x800  }
0xc1: {  	[sflag:s15] =	ssyncset.done $0x0  }
0xc2: {  	s26 =	sadd.s32 $0x2B80, s24;
	s10 =	simm.s32 @p0 $0x9;
	[sflag:s15] =	ssyncadd.s32 $0xFFFFF800  }
0xc3: {  	[spmem:s3] =	stream.indirect.scatter.add.f32 [tilespmem:s9], [sflag:$0x12], $0x10, s26, s29, $0xb8;
	[tilespmem:$0xEE90] =	vst v63  }
0xc4: {  	_ =	swait.ge @p0 [sflag:s10], $0x800  }
0xc5: {  	[sflag:s10] =	ssyncset.done @p0 $0x0  }
0xc6: {  	[sflag:s10] =	ssyncadd.s32 @p0 $0xFFFFF800;
	s10 =	sadd.s32 @p0 $0x2C00, s25;
	s25 =	simm.s32 @p0 $0x9000  }
0xc7: {  	[spmem:s3] =	stream.indirect.scatter.add.f32 @p0 [tilespmem:s25], [sflag:$0x13], $0x10, s10, s28, $0xb8;
	[tilespmem:$0xEE90] =	vst v63  }
0xc8: {  	s10 =	simm.s32 @!p0 $0xD  }
0xc9: {  	_ =	swait.ge @!p0 [sflag:s10], $0x800  }
0xca: {  	[sflag:s10] =	ssyncset.done @!p0 $0x0  }
0xcb: {  	s25 =	simm.s32 @!p0 $0x6000;
	[sflag:s10] =	ssyncadd.s32 @!p0 $0xFFFFF800;
	s10 =	sadd.s32 @!p0 $0x600, s18  }
0xcc: {  	[tilespmem:s25], [sflag:$0x3] =	stream.indirect.gather @!p0 [spmem:s2], $0x10, s10, s20, $0xb8;
	[tilespmem:$0xEE90] =	vst v63  }
0xcd: {  	s10 =	simm.s32 @!p0 $0x9  }
0xce: {  	_ =	swait.ge @!p0 [sflag:s10], $0x800  }
0xcf: {  	[sflag:s10] =	ssyncset.done @!p0 $0x0  }
0xd0: {  	s25 =	simm.s32 @!p0 $0x9000;
	[sflag:s10] =	ssyncadd.s32 @!p0 $0xFFFFF800;
	s10 =	sadd.s32 @!p0 $0x2C00, s18  }
0xd1: {  	[spmem:s3] =	stream.indirect.scatter.add.f32 @!p0 [tilespmem:s25], [sflag:$0x13], $0x10, s10, s20, $0xb8;
	[tilespmem:$0xEE90] =	vst v63  }
0xd2: {  	s10 =	simm.s32 @!p0 $0xE  }
0xd3: {  	_ =	swait.ge @!p0 [sflag:s10], $0x800  }
0xd4: {  	[sflag:s10] =	ssyncset.done @!p0 $0x0  }
0xd5: {  	[sflag:s10] =	ssyncadd.s32 @!p0 $0xFFFFF800;
	s10 =	sadd.s32 @!p0 $0x680, s18;
	s18 =	simm.s32 @!p0 $0x6800  }
0xd6: {  	[tilespmem:s18], [sflag:$0x4] =	stream.indirect.gather @!p0 [spmem:s2], $0x10, s10, s20, $0xb8;
	[tilespmem:$0xEE90] =	vst v63  }
.Ltmp3:
0xd7: {  	_ = 	snop;
	(pc) =	sbr.rel @p0 .LBB2_6-.Ltmp3, $4  }
0xd8: {  	_ =	swait.ge [sflag:s16], $0x800  }
0xd9: {  	[sflag:s16] =	ssyncset.done $0x0  }
0xda: {  	s28 =	sadd.s32 $0x2C80, s24;
	[sflag:s16] =	ssyncadd.s32 $0xFFFFF800  }
0xdb: {  	[spmem:s3] =	stream.indirect.scatter.add.f32 [tilespmem:s14], [sflag:$0x14], $0x10, s28, s29, $0xb8;
	[tilespmem:$0xEE90] =	vst v63  }
.Ltmp4:
0xdc: {  	(pc) =	sbr.rel .LBB2_4-.Ltmp4, $4  }
0xdd: {  	_ =	swait.ge [sflag:s23], $0x800  }
0xde: {  	[sflag:s23] =	ssyncset.done $0x0  }
0xdf: {  	s10 =	sadd.s32 $0x700, s24;
	s22 =	sadd.s32 $0x1400, s22;
	[sflag:s23] =	ssyncadd.s32 $0xFFFFF800  }
0xe0: {  	[tilespmem:s0], [sflag:$0x5] =	stream.indirect.gather [spmem:s2], $0x10, s10, s29, $0xb8;
	[tilespmem:$0xEE90] =	vst v63  }
.LBB2_7:
0xe1: {  	_ =	sfence.sel $0x180000  }
0xe2: {  	[bflag:$0x0] =	sbarrier.arrive $0xFFFF  }
0xe3: {  	_ =	strace $0x9000004D  }
0xe4: {  	s0 =	stileid.u32;
	[bflag:$0x2] =	sbarrier.arrive $0xFFFF  }
0xe5: {  	p0 =	sne.s32 s0, $0x0;
	s0 =	rddreg [dreg:$0x4]  }
0xe6: {  	s0 =	sadd.s32 @!p0 $0x100000, s0  }
0xe7: {  	[sflag:s0] =	ssyncadd.tile.s32 @!p0 $0x1;
	_ =	shalt  }
.Lfunc_end2:
_tile_overlayer_lowered:
.L_overlay_start_2:
0xe8: {  	(tag) =	ssettag $0x2  }
0xe9: {  	s0 =	rddreg [dreg:$0x0];
	s2 =	stileid.u32  }
0xea: {  	s1 =	rddreg [dreg:$0x1];
	p0 =	sne.s32 s2, $0x0  }
0xeb: {  	s3 =	rddreg [dreg:$0x2];
	[bflag:$0x3] =	sbarrier.arrive $0xFFFF;
	s2 =	simm.s32 @!p0 $0x1C1D  }
0xec: {  	[timem:s3], [sflag:s2] =	dma.local @!p0 [hbm:s0], s1  }
0xed: {  	s0 =	simm.s32 @!p0 $0x1D  }
0xee: {  	_ =	swait.ge @!p0 [sflag:s0], s1  }
0xef: {  	s1 =	ssub.s32 @!p0 $0x0, s1;
	[sflag:s0] =	ssyncset.done @!p0 $0x0  }
0xf0: {  	[sflag:s0] =	ssyncadd.s32 @!p0 s1  }
0xf1: {  	[bflag:$0x3] =	sbarrier.arrive $0xFFFF  }
0xf2: {  	_ =	shalt  }

// kernel: kernel.8.cloned.1.call-start
scs
__scs_entry_jumppad:
0x0: {  	(pc) =	sbr.rel $0x88, $3  }
0x1: {  	(tag) =	ssettag $0x0;
	lr =	simm.s32 $0x1  }
0x2: {  	[smem:$0x3F9B] =	sst lr;
	_ =	strace $0xD0000000  }
0x3: {  	_ = 	snop  }
0x4: {  	_ = 	snop  }
0x5: {  	_ = 	snop  }
0x6: {  	_ = 	snop  }
0x7: {  	_ = 	snop  }
__scs_overlays_trampoline_lowered:
0x8: {  	[smem:$0x3FAA] =	sst s0  }
0x9: {  	[smem:$0x3FAB] =	sst s1  }
0xa: {  	[smem:$0x3FAC] =	sst s2  }
0xb: {  	[smem:$0x3FAD] =	sst s3  }
0xc: {  	[smem:$0x3FAE] =	sst s4  }
0xd: {  	[smem:$0x3FAF] =	sst s5  }
0xe: {  	[smem:$0x3FB0] =	sst s6  }
0xf: {  	[smem:$0x3FB1] =	sst s7  }
0x10: {  	[smem:$0x3FB2] =	sst s8  }
0x11: {  	[smem:$0x3FB3] =	sst s9;
	s0 =	simm.s32 @!p0 $0x0  }
0x12: {  	s1 =	sld [smem:$0x3F99];
	s0 =	simm.s32 @p0 $0x1  }
0x13: {  	[smem:$0x3FB4] =	sst s0;
	s0 =	simm.s32 @!p1 $0x0  }
0x14: {  	s2 =	sld [smem:$0x3F98];
	s0 =	simm.s32 @p1 $0x1  }
0x15: {  	[smem:$0x3FB5] =	sst s0;
	s0 =	simm.s32 @!p2 $0x0  }
0x16: {  	s3 =	sld [smem:$0x3FDB];
	s0 =	simm.s32 @p2 $0x1  }
0x17: {  	s4 =	simm.s32 $0x1BF5;
	[smem:$0x3FB7] =	sst s0  }
0x18: {  	s0 =	sld [smem:$0x3F9A];
	_ =	swait.ge [sflag:s4], $0x0  }
0x19: {  	s7 =	sld [smem:$0x3F9B]  }
0x1a: {  	s8 =	sadd.s32 $0xFFFFE003, lr  }
0x1b: {  	s9 =	sadd.s32 $0xFFFFFEF7, lr;
	s5 =	simm.s32 $0xFFFFFFFF;
	p2 =	slt.u32 s8, $0xFFFFF086  }
0x1c: {  	p1 =	slt.u32 s9, $0xF7A;
	s5 =	simm.s32 @!p2 $0x0  }
0x1d: {  	s5 =	simm.s32 @p1 $0x1;
	p0 =	seq.s32 s7, s2  }
0x1e: {  	s7 =	smul.u32 @!p0 $0xF7A, s2;
	p2 =	seq.s32 @!p0 s5, $0x0  }
0x1f: {  	s9 =	smul.u32 $0xF7A, s1;
	s8 =	simm.s32 @!p0 $0x1BF5;
	p2 =	por !p2, p0  }
0x20: {  	[sflag:s8] =	ssyncset.s32 @!p0 $0xFFFFF086;
	s6 =	sadd.s32 @!p0 s3, s7;
	s7 =	simm.s32 @!p0 $0x108  }
0x21: {  	s3 =	sadd.s32 s3, s9;
	s6 =	sadd.s32 @!p0 $0x88, s6;
	s7 =	simm.s32 @p2 $0x1082  }
0x22: {  	[simem:s7], [sflag:s8] =	dma.local @!p0 [hbm:s6], $0xF7A  }
0x23: {  	s9 =	sor.u32 $0xD0000000, s2;
	s6 =	simm.s32 $0x108;
	_ =	swait.ge @!p0 [sflag:s8], $0x0  }
0x24: {  	s3 =	sadd.s32 $0x88, s3;
	s6 =	simm.s32 @!p1 $0x1082;
	[sflag:s4] =	ssyncset.s32 $0xFFFFF086  }
0x25: {  	[simem:s6], [sflag:s4] =	dma.local [hbm:s3], $0xF7A  }
0x26: {  	[smem:$0x3F9B] =	sst s1;
	(tag) =	ssettag s2;
	_ =	strace s9  }
0x27: {  	s1 =	sld [smem:$0x3FAB]  }
0x28: {  	s2 =	sld [smem:$0x3FAC]  }
0x29: {  	s4 =	sld [smem:$0x3FAE]  }
0x2a: {  	p0 =	seq.s32 s5, $0x0;
	s5 =	sld [smem:$0x3FAF]  }
0x2b: {  	s6 =	sld [smem:$0x3FB0]  }
0x2c: {  	s7 =	sld [smem:$0x3FB1]  }
0x2d: {  	s3 =	simm.s32 $0x108;
	s8 =	sld [smem:$0x3FB2]  }
0x2e: {  	s3 =	simm.s32 @!p0 $0x1082;
	s9 =	sld [smem:$0x3FB3]  }
0x2f: {  	lr =	sadd.s32 s0, s3;
	s0 =	sld [smem:$0x3FAA]  }
0x30: {  	s3 =	sld [smem:$0x3FAD]  }
0x31: {  	[smem:$0x3FB6] =	sst s10  }
0x32: {  	s10 =	sld [smem:$0x3FB4];
	_ =	sdelay $0x3  }
0x33: {  	p0 =	seq.s32 s10, $0x1;
	s10 =	sld [smem:$0x3FB6];
	_ =	sdelay $0x3  }
0x34: {  	[smem:$0x3FB6] =	sst s10  }
0x35: {  	s10 =	sld [smem:$0x3FB5];
	_ =	sdelay $0x3  }
0x36: {  	p1 =	seq.s32 s10, $0x1;
	s10 =	sld [smem:$0x3FB6];
	_ =	sdelay $0x3  }
0x37: {  	[smem:$0x3FB6] =	sst s10  }
0x38: {  	s10 =	sld [smem:$0x3FB7]  }
0x39: {  	_ = 	snop;
	(pc) =	sbr.ind lr, $3  }
0x3a: {  	_ = 	snop  }
0x3b: {  	_ = 	snop  }
0x3c: {  	p2 =	seq.s32 s10, $0x1;
	s10 =	sld [smem:$0x3FB6]  }
0x3d: {  	_ =	shalt  }
0x3e: {  	_ =	shalt  }
0x3f: {  	_ =	shalt  }
0x40: {  	_ =	shalt  }
0x41: {  	_ =	shalt  }
0x42: {  	_ =	shalt  }
0x43: {  	_ =	shalt  }
0x44: {  	_ =	shalt  }
0x45: {  	_ =	shalt  }
0x46: {  	_ =	shalt  }
0x47: {  	_ =	shalt  }
0x48: {  	_ =	shalt  }
0x49: {  	_ =	shalt  }
0x4a: {  	_ =	shalt  }
0x4b: {  	_ =	shalt  }
0x4c: {  	_ =	shalt  }
0x4d: {  	_ =	shalt  }
0x4e: {  	_ =	shalt  }
0x4f: {  	_ =	shalt  }
0x50: {  	_ =	shalt  }
0x51: {  	_ =	shalt  }
0x52: {  	_ =	shalt  }
0x53: {  	_ =	shalt  }
0x54: {  	_ =	shalt  }
0x55: {  	_ =	shalt  }
0x56: {  	_ =	shalt  }
0x57: {  	_ =	shalt  }
0x58: {  	_ =	shalt  }
0x59: {  	_ =	shalt  }
0x5a: {  	_ =	shalt  }
0x5b: {  	_ =	shalt  }
0x5c: {  	_ =	shalt  }
0x5d: {  	_ =	shalt  }
0x5e: {  	_ =	shalt  }
0x5f: {  	_ =	shalt  }
0x60: {  	_ =	shalt  }
0x61: {  	_ =	shalt  }
0x62: {  	_ =	shalt  }
0x63: {  	_ =	shalt  }
0x64: {  	_ =	shalt  }
0x65: {  	_ =	shalt  }
0x66: {  	_ =	shalt  }
0x67: {  	_ =	shalt  }
0x68: {  	_ =	shalt  }
0x69: {  	_ =	shalt  }
0x6a: {  	_ =	shalt  }
0x6b: {  	_ =	shalt  }
0x6c: {  	_ =	shalt  }
0x6d: {  	_ =	shalt  }
0x6e: {  	_ =	shalt  }
0x6f: {  	_ =	shalt  }
0x70: {  	_ =	shalt  }
0x71: {  	_ =	shalt  }
0x72: {  	_ =	shalt  }
0x73: {  	_ =	shalt  }
0x74: {  	_ =	shalt  }
0x75: {  	_ =	shalt  }
0x76: {  	_ =	shalt  }
0x77: {  	_ =	shalt  }
0x78: {  	_ =	shalt  }
0x79: {  	_ =	shalt  }
0x7a: {  	_ =	shalt  }
0x7b: {  	_ =	shalt  }
0x7c: {  	_ =	shalt  }
0x7d: {  	_ =	shalt  }
0x7e: {  	_ =	shalt  }
0x7f: {  	_ =	shalt  }
0x80: {  	_ =	shalt  }
0x81: {  	_ =	shalt  }
0x82: {  	_ =	shalt  }
0x83: {  	_ =	shalt  }
0x84: {  	_ =	shalt  }
0x85: {  	_ =	shalt  }
0x86: {  	_ =	shalt  }
0x87: {  	_ =	shalt  }
.Lfunc_end0:
.L_simem_size_0:
called_computation_lowered:
.L_overlay_start_0:
0x88: {  	s2 =	sld [smem:$0x3FD9]  }
0x89: {  	s3 =	sld [smem:$0x3FFE];
	_ =	sdelay $0x1  }
0x8a: {  	s1 =	srdreg.scid  }
0x8b: {  	s0 =	sand.u32 $0x1, s1  }
0x8c: {  	s16 =	sshll.u32 s0, $0xA;
	s2 =	sadd.s32 s3, s2  }
0x8d: {  	s2 =	sadd.s32 s2, s16  }
0x8e: {  	[smem:$0x3FC2] =	sst s2  }
0x8f: {  	_ = 	snop  }
0x90: {  	(tm) =	ssettm $0x1  }
0x91: {  	s17 =	sld [smem:$0x3FFB];
	_ =	sdelay $0x3  }
0x92: {  	_ =	strace s17  }
0x93: {  	s2 =	sld [smem:$0x3FFC];
	_ =	sdelay $0x3  }
0x94: {  	_ =	strace s2  }
0x95: {  	s2 =	sld [smem:$0x3FFD];
	_ =	sdelay $0x3  }
0x96: {  	_ =	strace s2  }
0x97: {  	_ =	strace $0x8FFFFFFF  }
0x98: {  	s18 =	sld [smem:$0x3FDB];
	_ =	sdelay $0x1  }
0x99: {  	s19 =	simm.s32 $_scs_section_size  }
0x9a: {  	s4 =	simm.s32 $_size__tile_overlayer_lowered;
	s5 =	simm.s32 $_tile_overlayer_lowered  }
0x9b: {  	s22 =	simm.s32 $0x1BFF;
	s21 =	sshll.u32 s5, $0x1;
	s2 =	sadd.s32 s19, s18  }
0x9c: {  	s6 =	simm.s32 $0x0;
	s20 =	sshll.u32 s4, $0x1;
	s4 =	sadd.s32 s21, s2  }
0x9d: {  	[timem:s6], [sflag:s22] =	dma.local [hbm:s4], s20  }
0x9e: {  	_ =	swait.ge [sflag:s22], s20  }
0x9f: {  	s3 =	ssub.s32 $0x0, s20;
	[sflag:s22] =	ssyncset.done $0x0  }
0xa0: {  	[sflag:s22] =	ssyncadd.s32 s3;
	_ =	sdelay $0x1  }
0xa1: {  	s23 =	simm.s32 $0x1B8B  }
0xa2: {  	_ =	swait.ge [sflag:s23], $0x1  }
0xa3: {  	[sflag:s23] =	ssyncset.done $0x0  }
0xa4: {  	s25 =	simm.s32 $0x1B8E;
	s24 =	sld [smem:$0x3FFE];
	[sflag:s23] =	ssyncadd.s32 $0xFFFFFFFF  }
0xa5: {  	s26 =	simm.s32 $execute0_lowered;
	[smem:$0x3FD2] =	sst s25  }
0xa6: {  	s4 =	sshll.u32 s26, $0x1;
	_ =	strace $0x80000046;
	[dreg:$0x1] =	wrdreg $0xFFFFFFFF  }
0xa7: {  	s28 =	simm.s32 $_size_execute0_lowered;
	s2 =	sadd.s32 s2, s4;
	[dreg:$0x0] =	wrdreg $0x0  }
0xa8: {  	s4 =	sshll.u32 s28, $0x1;
	[dreg:$0x2] =	wrdreg s2  }
0xa9: {  	[dreg:$0x3] =	wrdreg s4  }
0xaa: {  	[dreg:$0x4] =	wrdreg $0xC0  }
0xab: {  	_ =	task [dreg:s6], $0x5FFFF  }
0xac: {  	[dreg:$0x1] =	wrdreg $0xFFFFFFFF  }
0xad: {  	[dreg:$0x0] =	wrdreg $0x60  }
0xae: {  	[dreg:$0x2] =	wrdreg s24  }
0xaf: {  	[dreg:$0x3] =	wrdreg $0xAE200  }
0xb0: {  	[dreg:$0x4] =	wrdreg $0x9  }
0xb1: {  	_ =	task.clear_ibuf [dreg:s6], $0x5FFFF;
	_ =	strace $0x90000046  }
0xb2: {  	s29 =	simm.s32 $0x9;
	_ =	strace $0x80000048  }
0xb3: {  	_ =	swait.ge [sflag:s29], $0x1  }
0xb4: {  	[sflag:s29] =	ssyncadd.s32 $0xFFFFFFFF  }
0xb5: {  	_ =	strace $0x90000048  }
0xb6: {  	_ =	sfence  }
0xb7: {  	s30 =	sld [smem:$0x0];
	_ =	sdelay $0x2  }
0xb8: {  	s31 =	sshll.u32 s1, $0xD;
	s1 =	sshrl.u32 s1, $0x2  }
0xb9: {  	s3 =	sand.u32 $0x4000, s31;
	s1 =	sadd.s32 s1, s30  }
0xba: {  	s0 =	sor.u32 s3, s0;
	s1 =	sshll.u32 s1, $0x11  }
0xbb: {  	s0 =	sor.u32 s1, s0  }
0xbc: {  	s0 =	sadd.s32 $0x8F2B, s0  }
0xbd: {  	[sflag:s0] =	ssyncadd.remote.s32 $0x1  }
0xbe: {  	_ =	sfence.sel $0xFFFF  }
0xbf: {  	[dreg:$0x0] =	wrdreg $0xFFFFFFFF;
	(pc) =	sbr.abs _section_cstart, $3  }
0xc0: {  	[dreg:$0x1] =	wrdreg $0xFFFFFFFF  }
0xc1: {  	_ =	task.clear_ibuf [dreg:s6], $0x2FFFF;
	_ =	strace $0x9FFFFFFF  }
0xc2: {  	(tm) =	ssettm $0x7FFFFFFF  }
0xc3: {  	_ =	shalt  }
tec
execute0_lowered:
.L_overlay_start_1:
0x0: {  	(tag) =	ssettag $0x1  }
0x1: {  	s0 =	srdreg.scid;
	s4 =	rddreg [dreg:$0x0]  }
0x2: {  	s8 =	stileid.u32;
	s2 =	rddreg [dreg:$0x1]  }
0x3: {  	s3 =	simm.s32 $0x0;
	s16 =	simm.s32 $0xA620;
	s17 =	simm.s32 $0xC  }
0x4: {  	s18 =	simm.s32 $0xD;
	s20 =	simm.s32 $0x7620;
	s21 =	simm.s32 $0x6  }
0x5: {  	s22 =	simm.s32 $0x7;
	s23 =	simm.s32 $0x8;
	s28 =	simm.s32 $0x9E20  }
0x6: {  	s15 =	simm.s32 $0x1;
	s19 =	simm.s32 $0x2;
	s29 =	simm.s32 $0x4  }
0x7: {  	s30 =	simm.s32 $0x5;
	s0 =	sand.u32 $0x1, s0;
	s6 =	smul.u32 $0x2780, s8  }
0x8: {  	s31 =	simm.s32 $0xE;
	s1 =	sshll.u32 s0, $0x4;
	s7 =	smul.u32 $0x27800, s0  }
0x9: {  	[smem:$0x7FF] =	sst s3;
	s1 =	sor.u32 s8, s1;
	s8 =	smul.u32 $0x9E00, s8  }
0xa: {  	_ =	strace $0x80000047;
	s0 =	ssub.s32 $0x2, s0;
	s5 =	smul.u32 $0x2710, s1  }
0xb: {  	s9 =	sshrl.u32 s0, $0x1;
	s7 =	sadd.s32 s6, s7;
	s1 =	smul.u32 $0x500, s1  }
0xc: {  	s0 =	ssub.s32 s0, s9;
	s6 =	sadd.s32 s6, s2;
	s7 =	sshrl.u32 s7, $0x3  }
0xd: {  	s24 =	sshrl.u32 s8, $0x2;
	s14 =	smax.u32 s0, $0x1;
	s0 =	simm.s32 $0x3  }
0xe: {  	s5 =	sshrl.u32 s5, $0x3;
	s7 =	sadd.s32 s7, s4;
	s1 =	sadd.s32 s1, s4  }
0xf: {  	s5 =	sadd.s32 s5, s4;
	s4 =	sadd.s32 s24, s2;
	s11 =	sadd.s32 $0x1FA00, s1  }
0x10: {  	s12 =	sadd.s32 $0x29A00, s1;
	s13 =	sadd.s32 $0x15C00, s7;
	s24 =	simm.s32 $0x9  }
0x11: {  	s1 =	simm.s32 $0x0;
	s25 =	sadd.s32 $0x2200, s5;
	s5 =	sadd.s32 $0xBE40, s5  }
0x12: {  	s26 =	sadd.s32 $0x800, s4;
	s8 =	sadd.s32 $0x1000, s4;
	[dreg:$0x3] =	wrdreg s25  }
0x13: {  	v0 =	vimm.f32 $0.0e+00;
	s9 =	sadd.s32 $0x1800, s4;
	s10 =	sadd.s32 $0x2000, s4;
	[dreg:$0x4] =	wrdreg s5  }
0x14: {  	v1 =	vimm.f32 $1.000000000e+00;
	v2 =	vimm.s32 $0x0;
	v3 =	vimm.s32 $0x2710;
	[dreg:$0x5] =	wrdreg s26;
	s25 =	simm.s32 $0xA;
	s26 =	simm.s32 $0x80  }
.LBB2_1:
0x15: {  	s4 =	rddreg [dreg:$0x3]  }
0x16: {  	[tilespmem:s3], [sflag:$0xC] =	stream.linear.gather [hbm4b:s4+s3], $0x2710, $0x38;
	[tilespmem:$0xD5A0] =	vst v63  }
0x17: {  	s7 =	rddreg [dreg:$0x4];
	s5 =	simm.s32 $0x2710  }
0x18: {  	[tilespmem:s5], [sflag:$0xD] =	stream.linear.gather [hbm4b:s7+s3], $0x2710, $0x38;
	[tilespmem:$0xD5A0] =	vst v63  }
0x19: {  	s4 =	simm.s32 $0x40;
	s5 =	simm.s32 $0x0  }
.LBB2_2:
0x1a: {  	p0 =	sne.s32 s4, $0x1FC0;
	[tilespmem:s5+$0xA620] =	vst v0;
	s5 =	smov.u32 s4;
	s4 =	sadd.s32 $0x40, s4  }
.Ltmp0:
0x1b: {  	(pc) =	sbr.rel @p0 .LBB2_2-.Ltmp0, $2  }
0x1c: {  	_ =	sdelay $0x2  }
0x1d: {  	s5 =	sshra.s32 s5, $0x2  }
0x1e: {  	[tilespmem:s5+$0xA620] =	vst v0  }
0x1f: {  	[spmem:s6] =	stream.linear.scatter [tilespmem:s16], [sflag:$0x6], $0x800, $0x38;
	[tilespmem:$0xD5A0] =	vst v63  }
0x20: {  	s4 =	rddreg [dreg:$0x5]  }
0x21: {  	[spmem:s4] =	stream.linear.scatter [tilespmem:s16], [sflag:$0x7], $0x800, $0x38;
	[tilespmem:$0xD5A0] =	vst v63  }
0x22: {  	_ = 	snop  }
0x23: {  	[spmem:s8] =	stream.linear.scatter [tilespmem:s16], [sflag:$0x8], $0x800, $0x38;
	[tilespmem:$0xD5A0] =	vst v63  }
0x24: {  	_ = 	snop  }
0x25: {  	[spmem:s9] =	stream.linear.scatter [tilespmem:s16], [sflag:$0x9], $0x800, $0x38;
	[tilespmem:$0xD5A0] =	vst v63  }
0x26: {  	s5 =	simm.s32 $0x0;
	s4 =	simm.s32 $0x40  }
0x27: {  	[spmem:s10] =	stream.linear.scatter [tilespmem:s16], [sflag:$0xA], $0x780, $0x38;
	[tilespmem:$0xD5A0] =	vst v63  }
.LBB2_4:
0x28: {  	p0 =	sne.s32 s4, $0x1FC0;
	[tilespmem:s5+$0x9E20] =	vst v1;
	s5 =	smov.u32 s4;
	s4 =	sadd.s32 $0x40, s4  }
.Ltmp1:
0x29: {  	(pc) =	sbr.rel @p0 .LBB2_4-.Ltmp1, $2  }
0x2a: {  	_ =	sdelay $0x2  }
0x2b: {  	s5 =	sshra.s32 s5, $0x2  }
0x2c: {  	[tilespmem:s5+$0x9E20] =	vst v1  }
0x2d: {  	_ =	swait.ge [sflag:s17], $0x2710  }
0x2e: {  	[sflag:s17] =	ssyncset.done $0x0  }
0x2f: {  	[sflag:s17] =	ssyncadd.s32 $0xFFFFD8F0  }
0x30: {  	_ =	swait.ge [sflag:s18], $0x2710  }
0x31: {  	[sflag:s18] =	ssyncset.done $0x0  }
0x32: {  	s4 =	simm.s32 $0x0;
	[sflag:s18] =	ssyncadd.s32 $0xFFFFD8F0  }
0x33: {  	v4 =	vld [tilespmem:s4+$0x2780]  }
0x34: {  	v5 =	vld [tilespmem:s4+$0x0]  }
0x35: {  	v6 =	vld [tilespmem:s4+$0x2710]  }
0x36: {  	v7 =	vld [tilespmem:s4+$0x10]  }
0x37: {  	v8 =	vld [tilespmem:s4+$0x2720]  }
0x38: {  	v9 =	vld [tilespmem:s4+$0x20];
	[tilespmem:s4+$0x7690] =	vst v4  }
0x39: {  	[tilespmem:s4+$0x4E20] =	vst v5;
	v4 =	vld [tilespmem:s4+$0x2730]  }
0x3a: {  	[tilespmem:s4+$0x7620] =	vst v6;
	v5 =	vld [tilespmem:s4+$0x30]  }
0x3b: {  	[tilespmem:s4+$0x4E30] =	vst v7;
	v6 =	vld [tilespmem:s4+$0x2740]  }
0x3c: {  	[tilespmem:s4+$0x7630] =	vst v8;
	v7 =	vld [tilespmem:s4+$0x40]  }
0x3d: {  	[tilespmem:s4+$0x4E40] =	vst v9;
	v8 =	vld [tilespmem:s4+$0x2750]  }
0x3e: {  	[tilespmem:s4+$0x7640] =	vst v4;
	v4 =	vld [tilespmem:s4+$0x50]  }
0x3f: {  	[tilespmem:s4+$0x4E50] =	vst v5;
	v5 =	vld [tilespmem:s4+$0x2760]  }
0x40: {  	[tilespmem:s4+$0x7650] =	vst v6;
	v6 =	vld [tilespmem:s4+$0x60]  }
0x41: {  	[tilespmem:s4+$0x4E60] =	vst v7;
	v7 =	vld [tilespmem:s4+$0x2770]  }
0x42: {  	s5 =	simm.s32 $0x80;
	s7 =	simm.s32 $0x400;
	[tilespmem:s4+$0x7660] =	vst v8;
	v8 =	vld [tilespmem:s4+$0x70]  }
.LBB2_6:
0x43: {  	p0 =	sne.s32 s7, $0x9A00;
	v9 =	vld [tilespmem:s5+$0x2780];
	[tilespmem:s4+$0x4E70] =	vst v4  }
0x44: {  	v4 =	vld [tilespmem:s5+$0x0];
	[tilespmem:s4+$0x7670] =	vst v5  }
0x45: {  	v5 =	vld [tilespmem:s5+$0x2710];
	[tilespmem:s4+$0x4E80] =	vst v6  }
0x46: {  	v6 =	vld [tilespmem:s5+$0x10];
	[tilespmem:s4+$0x7680] =	vst v7  }
0x47: {  	v7 =	vld [tilespmem:s5+$0x2720];
	[tilespmem:s4+$0x4E90] =	vst v8;
	s4 =	smov.u32 s5  }
0x48: {  	v8 =	vld [tilespmem:s4+$0x20];
	[tilespmem:s4+$0x7690] =	vst v9  }
0x49: {  	[tilespmem:s4+$0x4E20] =	vst v4;
	v4 =	vld [tilespmem:s4+$0x2730]  }
0x4a: {  	[tilespmem:s4+$0x7620] =	vst v5;
	v5 =	vld [tilespmem:s4+$0x30]  }
0x4b: {  	[tilespmem:s4+$0x4E30] =	vst v6;
	v6 =	vld [tilespmem:s4+$0x2740]  }
0x4c: {  	[tilespmem:s4+$0x7630] =	vst v7;
	v7 =	vld [tilespmem:s4+$0x40]  }
0x4d: {  	[tilespmem:s4+$0x4E40] =	vst v8;
	v8 =	vld [tilespmem:s4+$0x2750]  }
.Ltmp2:
0x4e: {  	[tilespmem:s4+$0x7640] =	vst v4;
	v4 =	vld [tilespmem:s4+$0x50];
	(pc) =	sbr.rel @p0 .LBB2_6-.Ltmp2, $4  }
0x4f: {  	[tilespmem:s4+$0x4E50] =	vst v5;
	v5 =	vld [tilespmem:s4+$0x2760]  }
0x50: {  	[tilespmem:s4+$0x7650] =	vst v6;
	v6 =	vld [tilespmem:s4+$0x60]  }
0x51: {  	[tilespmem:s4+$0x4E60] =	vst v7;
	v7 =	vld [tilespmem:s4+$0x2770]  }
0x52: {  	s5 =	sshra.s32 s7, $0x2;
	s7 =	sadd.s32 $0x200, s7;
	[tilespmem:s4+$0x7660] =	vst v8;
	v8 =	vld [tilespmem:s4+$0x70]  }
0x53: {  	v9 =	vld [tilespmem:s5+$0x2780];
	[tilespmem:s4+$0x4E70] =	vst v4  }
0x54: {  	v4 =	vld [tilespmem:s5+$0x0];
	[tilespmem:s4+$0x7670] =	vst v5  }
0x55: {  	v5 =	vld [tilespmem:s5+$0x2710];
	[tilespmem:s4+$0x4E80] =	vst v6  }
0x56: {  	v6 =	vld [tilespmem:s5+$0x10];
	[tilespmem:s4+$0x7680] =	vst v7  }
0x57: {  	v7 =	vld [tilespmem:s5+$0x2720];
	[tilespmem:s4+$0x4E90] =	vst v8  }
0x58: {  	v8 =	vld [tilespmem:s5+$0x20];
	[tilespmem:s5+$0x7690] =	vst v9  }
0x59: {  	v58 =	vld [tilespmem:s5+$0x2740];
	[tilespmem:s5+$0x4E20] =	vst v4  }
0x5a: {  	v59 =	vld [tilespmem:s5+$0x40];
	[tilespmem:s5+$0x7620] =	vst v5  }
0x5b: {  	v60 =	vld [tilespmem:s5+$0x2750];
	[tilespmem:s5+$0x4E30] =	vst v6  }
0x5c: {  	v4 =	vld [tilespmem:s5+$0x2730];
	[tilespmem:s5+$0x7630] =	vst v7  }
0x5d: {  	v5 =	vld [tilespmem:s5+$0x30];
	[tilespmem:s5+$0x4E40] =	vst v8  }
0x5e: {  	v61 =	vld [tilespmem:s5+$0x60];
	[tilespmem:s5+$0x7650] =	vst v58  }
0x5f: {  	v62 =	vld [tilespmem:s5+$0x2770];
	[tilespmem:s5+$0x4E60] =	vst v59  }
0x60: {  	v63 =	vld [tilespmem:s5+$0x70];
	[tilespmem:s5+$0x7660] =	vst v60  }
0x61: {  	[tilespmem:s5+$0x7640] =	vst v4;
	v4 =	vld [tilespmem:s5+$0x50]  }
0x62: {  	[tilespmem:s5+$0x4E50] =	vst v5;
	v5 =	vld [tilespmem:s5+$0x2760]  }
0x63: {  	[tilespmem:s5+$0x4E80] =	vst v61  }
0x64: {  	[tilespmem:s5+$0x7680] =	vst v62  }
0x65: {  	[tilespmem:s5+$0x4E90] =	vst v63  }
0x66: {  	[tilespmem:s5+$0x4E70] =	vst v4  }
0x67: {  	[tilespmem:s5+$0x7670] =	vst v5  }
0x68: {  	[tilespmem:$0x7530] =	vst v2  }
0x69: {  	[tilespmem:$0x9D30] =	vst v3  }
0x6a: {  	[tilespmem:$0x7540] =	vst v2  }
0x6b: {  	[tilespmem:$0x9D40] =	vst v3  }
0x6c: {  	[tilespmem:$0x7550] =	vst v2  }
0x6d: {  	[tilespmem:$0x9D50] =	vst v3  }
0x6e: {  	[tilespmem:$0x7560] =	vst v2  }
0x6f: {  	[tilespmem:$0x9D60] =	vst v3  }
0x70: {  	[tilespmem:$0x7570] =	vst v2  }
0x71: {  	[tilespmem:$0x9D70] =	vst v3  }
0x72: {  	[tilespmem:$0x7580] =	vst v2  }
0x73: {  	[tilespmem:$0x9D80] =	vst v3  }
0x74: {  	[tilespmem:$0x7590] =	vst v2  }
0x75: {  	[tilespmem:$0x9D90] =	vst v3  }
0x76: {  	[tilespmem:$0x75A0] =	vst v2  }
0x77: {  	[tilespmem:$0x9DA0] =	vst v3  }
0x78: {  	[tilespmem:$0x75B0] =	vst v2  }
0x79: {  	[tilespmem:$0x9DB0] =	vst v3  }
0x7a: {  	[tilespmem:$0x75C0] =	vst v2  }
0x7b: {  	[tilespmem:$0x9DC0] =	vst v3  }
0x7c: {  	[tilespmem:$0x75D0] =	vst v2  }
0x7d: {  	[tilespmem:$0x9DD0] =	vst v3  }
0x7e: {  	[tilespmem:$0x75E0] =	vst v2  }
0x7f: {  	[tilespmem:$0x9DE0] =	vst v3  }
0x80: {  	[tilespmem:$0x75F0] =	vst v2  }
0x81: {  	v4 =	vld [tilespmem:$0x2700];
	[tilespmem:$0x9DF0] =	vst v3  }
0x82: {  	v5 =	vld [tilespmem:$0x4E10];
	[tilespmem:$0x7600] =	vst v2  }
0x83: {  	[tilespmem:$0x9E00] =	vst v3  }
0x84: {  	[tilespmem:$0x7610] =	vst v2  }
0x85: {  	[tilespmem:$0x9E10] =	vst v3  }
0x86: {  	[tilespmem:$0x7520] =	vst v4  }
0x87: {  	s7 =	simm.s32 $0x4E20;
	[tilespmem:$0x9D20] =	vst v5  }
0x88: {  	[hbm4b:s11+s3] =	stream.linear.scatter [tilespmem:s7], [sflag:$0xC], $0x2800, $0x38;
	[tilespmem:$0xD5A0] =	vst v63  }
0x89: {  	_ = 	snop  }
0x8a: {  	[hbm4b:s12+s3] =	stream.linear.scatter [tilespmem:s20], [sflag:$0xD], $0x2800, $0x38;
	[tilespmem:$0xD5A0] =	vst v63  }
0x8b: {  	_ =	swait.ge [sflag:s21], $0x800  }
0x8c: {  	[sflag:s21] =	ssyncset.done $0x0  }
0x8d: {  	[sflag:s21] =	ssyncadd.s32 $0xFFFFF800  }
0x8e: {  	_ =	swait.ge [sflag:s22], $0x800  }
0x8f: {  	[sflag:s22] =	ssyncset.done $0x0  }
0x90: {  	[sflag:s22] =	ssyncadd.s32 $0xFFFFF800  }
0x91: {  	_ =	swait.ge [sflag:s23], $0x800  }
0x92: {  	[sflag:s23] =	ssyncset.done $0x0  }
0x93: {  	[sflag:s23] =	ssyncadd.s32 $0xFFFFF800  }
0x94: {  	_ =	swait.ge [sflag:s24], $0x800  }
0x95: {  	[sflag:s24] =	ssyncset.done $0x0  }
0x96: {  	[sflag:s24] =	ssyncadd.s32 $0xFFFFF800  }
0x97: {  	_ =	swait.ge [sflag:s25], $0x780  }
0x98: {  	[sflag:s25] =	ssyncset.done $0x0  }
0x99: {  	[sflag:s25] =	ssyncadd.s32 $0xFFFFF880  }
0x9a: {  	_ =	swait.ge [sflag:s17], $0x2800  }
0x9b: {  	[sflag:s17] =	ssyncset.done $0x0  }
0x9c: {  	[sflag:s17] =	ssyncadd.s32 $0xFFFFD800  }
0x9d: {  	_ =	swait.ge [sflag:s18], $0x2800  }
0x9e: {  	[sflag:s18] =	ssyncset.done $0x0  }
0x9f: {  	[sflag:s18] =	ssyncadd.s32 $0xFFFFD800  }
0xa0: {  	[bflag:$0x0] =	sbarrier.arrive $0xFFFF  }
0xa1: {  	[spmem:s2] =	stream.indirect.scatter.add.f32 [tilespmem:s28], [sflag:$0x1], $0x10, s20, s26, $0xb8;
	[tilespmem:$0xD5A0] =	vst v63  }
0xa2: {  	s5 =	simm.s32 $0x76A0  }
0xa3: {  	[spmem:s2] =	stream.indirect.scatter.add.f32 [tilespmem:s28], [sflag:$0x2], $0x10, s5, s26, $0xb8;
	[tilespmem:$0xD5A0] =	vst v63  }
0xa4: {  	s7 =	simm.s32 $0x7720  }
0xa5: {  	[spmem:s2] =	stream.indirect.scatter.add.f32 [tilespmem:s28], [sflag:$0x3], $0x10, s7, s26, $0xb8;
	[tilespmem:$0xD5A0] =	vst v63  }
0xa6: {  	s5 =	simm.s32 $0x77A0  }
0xa7: {  	[spmem:s2] =	stream.indirect.scatter.add.f32 [tilespmem:s28], [sflag:$0x4], $0x10, s5, s26, $0xb8;
	[tilespmem:$0xD5A0] =	vst v63  }
0xa8: {  	s7 =	simm.s32 $0x7820  }
0xa9: {  	[spmem:s2] =	stream.indirect.scatter.add.f32 [tilespmem:s28], [sflag:$0x5], $0x10, s7, s26, $0xb8;
	[tilespmem:$0xD5A0] =	vst v63  }
0xaa: {  	_ =	swait.ge [sflag:s15], $0x800  }
0xab: {  	[sflag:s15] =	ssyncset.done $0x0  }
0xac: {  	s5 =	simm.s32 $0x78A0;
	[sflag:s15] =	ssyncadd.s32 $0xFFFFF800  }
0xad: {  	[spmem:s2] =	stream.indirect.scatter.add.f32 [tilespmem:s28], [sflag:$0x1], $0x10, s5, s26, $0xb8;
	[tilespmem:$0xD5A0] =	vst v63  }
0xae: {  	_ =	swait.ge [sflag:s19], $0x800  }
0xaf: {  	[sflag:s19] =	ssyncset.done $0x0  }
0xb0: {  	s7 =	simm.s32 $0x7920;
	[sflag:s19] =	ssyncadd.s32 $0xFFFFF800  }
0xb1: {  	[spmem:s2] =	stream.indirect.scatter.add.f32 [tilespmem:s28], [sflag:$0x2], $0x10, s7, s26, $0xb8;
	[tilespmem:$0xD5A0] =	vst v63  }
0xb2: {  	_ =	swait.ge [sflag:s0], $0x800  }
0xb3: {  	[sflag:s0] =	ssyncset.done $0x0  }
0xb4: {  	s5 =	simm.s32 $0x79A0;
	[sflag:s0] =	ssyncadd.s32 $0xFFFFF800  }
0xb5: {  	[spmem:s2] =	stream.indirect.scatter.add.f32 [tilespmem:s28], [sflag:$0x3], $0x10, s5, s26, $0xb8;
	[tilespmem:$0xD5A0] =	vst v63  }
0xb6: {  	_ =	swait.ge [sflag:s29], $0x800  }
0xb7: {  	[sflag:s29] =	ssyncset.done $0x0  }
0xb8: {  	s7 =	simm.s32 $0x7A20;
	[sflag:s29] =	ssyncadd.s32 $0xFFFFF800  }
0xb9: {  	[spmem:s2] =	stream.indirect.scatter.add.f32 [tilespmem:s28], [sflag:$0x4], $0x10, s7, s26, $0xb8;
	[tilespmem:$0xD5A0] =	vst v63  }
0xba: {  	_ =	swait.ge [sflag:s30], $0x800  }
0xbb: {  	[sflag:s30] =	ssyncset.done $0x0  }
0xbc: {  	s4 =	simm.s32 $0xFFFF7400;
	s5 =	simm.s32 $0x7AA0;
	[sflag:s30] =	ssyncadd.s32 $0xFFFFF800  }
.LBB2_8:
0xbd: {  	[spmem:s2] =	stream.indirect.scatter.add.f32 [tilespmem:s28], [sflag:$0x5], $0x10, s5, s26, $0xb8;
	[tilespmem:$0xD5A0] =	vst v63  }
0xbe: {  	s5 =	smov.u32 s4  }
0xbf: {  	p0 =	sne.s32 s4, $0xFFFFF600;
	s4 =	sadd.s32 $0xA00, s4;
	_ =	swait.ge [sflag:s15], $0x800  }
0xc0: {  	s5 =	sshra.s32 s5, $0x2;
	[sflag:s15] =	ssyncset.done $0x0  }
0xc1: {  	s7 =	sadd.s32 $0x9E20, s5;
	[sflag:s15] =	ssyncadd.s32 $0xFFFFF800  }
0xc2: {  	[spmem:s2] =	stream.indirect.scatter.add.f32 [tilespmem:s28], [sflag:$0x1], $0x10, s7, s26, $0xb8;
	[tilespmem:$0xD5A0] =	vst v63  }
0xc3: {  	_ =	swait.ge [sflag:s19], $0x800  }
0xc4: {  	[sflag:s19] =	ssyncset.done $0x0  }
0xc5: {  	s7 =	sadd.s32 $0x9EA0, s5;
	[sflag:s19] =	ssyncadd.s32 $0xFFFFF800  }
0xc6: {  	[spmem:s2] =	stream.indirect.scatter.add.f32 [tilespmem:s28], [sflag:$0x2], $0x10, s7, s26, $0xb8;
	[tilespmem:$0xD5A0] =	vst v63  }
0xc7: {  	_ =	swait.ge [sflag:s0], $0x800  }
0xc8: {  	[sflag:s0] =	ssyncset.done $0x0  }
0xc9: {  	s7 =	sadd.s32 $0x9F20, s5;
	[sflag:s0] =	ssyncadd.s32 $0xFFFFF800  }
0xca: {  	[spmem:s2] =	stream.indirect.scatter.add.f32 [tilespmem:s28], [sflag:$0x3], $0x10, s7, s26, $0xb8;
	[tilespmem:$0xD5A0] =	vst v63  }
0xcb: {  	_ =	swait.ge [sflag:s29], $0x800  }
0xcc: {  	[sflag:s29] =	ssyncset.done $0x0  }
.Ltmp3:
0xcd: {  	s7 =	sadd.s32 $0x9FA0, s5;
	[sflag:s29] =	ssyncadd.s32 $0xFFFFF800;
	(pc) =	sbr.rel @p0 .LBB2_8-.Ltmp3, $4  }
0xce: {  	[spmem:s2] =	stream.indirect.scatter.add.f32 [tilespmem:s28], [sflag:$0x4], $0x10, s7, s26, $0xb8;
	[tilespmem:$0xD5A0] =	vst v63  }
0xcf: {  	_ =	swait.ge [sflag:s30], $0x800  }
0xd0: {  	[sflag:s30] =	ssyncset.done $0x0  }
0xd1: {  	s5 =	sadd.s32 $0xA020, s5;
	[sflag:s30] =	ssyncadd.s32 $0xFFFFF800  }
0xd2: {  	[spmem:s2] =	stream.indirect.scatter.add.f32 [tilespmem:s28], [sflag:$0x5], $0x10, s5, s26, $0xb8;
	[tilespmem:$0xD5A0] =	vst v63  }
0xd3: {  	_ =	swait.ge [sflag:s15], $0x800  }
0xd4: {  	[sflag:s15] =	ssyncset.done $0x0  }
0xd5: {  	[sflag:s15] =	ssyncadd.s32 $0xFFFFF800  }
0xd6: {  	_ =	swait.ge [sflag:s19], $0x800  }
0xd7: {  	[sflag:s19] =	ssyncset.done $0x0  }
0xd8: {  	[sflag:s19] =	ssyncadd.s32 $0xFFFFF800  }
0xd9: {  	_ =	swait.ge [sflag:s0], $0x800  }
0xda: {  	[sflag:s0] =	ssyncset.done $0x0  }
0xdb: {  	[sflag:s0] =	ssyncadd.s32 $0xFFFFF800  }
0xdc: {  	_ =	swait.ge [sflag:s29], $0x800  }
0xdd: {  	[sflag:s29] =	ssyncset.done $0x0  }
0xde: {  	[sflag:s29] =	ssyncadd.s32 $0xFFFFF800  }
0xdf: {  	s4 =	stileid.u32;
	_ =	swait.ge [sflag:s30], $0x800  }
0xe0: {  	s7 =	sshrl.u32 s6, $0x3;
	s1 =	sadd.s32 $0x1, s1;
	[sflag:s30] =	ssyncset.done $0x0  }
0xe1: {  	s4 =	sshll.u32 s4, $0x6;
	p0 =	sne.s32 s1, s14;
	[sflag:s30] =	ssyncadd.s32 $0xFFFFF800  }
.Ltmp4:
0xe2: {  	s4 =	sor.u32 $0x1C0E, s4;
	[bflag:$0x0] =	sbarrier.arrive $0xFFFF;
	(pc) =	sbr.rel @p0 .LBB2_1-.Ltmp4, $4  }
0xe3: {  	[hbm:s13], [sflag:s4] =	dma.local [spmem:s7], $0x4F0  }
0xe4: {  	_ =	swait.ge [sflag:s31], $0x4F0  }
0xe5: {  	[sflag:s31] =	ssyncset.done $0x0  }
0xe6: {  	[sflag:s31] =	ssyncadd.s32 $0xFFFFFB10  }
0xe7: {  	_ =	sfence.sel $0x180000  }
0xe8: {  	[bflag:$0x0] =	sbarrier.arrive $0xFFFF  }
0xe9: {  	_ =	strace $0x90000047  }
0xea: {  	s0 =	stileid.u32;
	[bflag:$0x2] =	sbarrier.arrive $0xFFFF  }
0xeb: {  	p0 =	sne.s32 s0, $0x0;
	s0 =	rddreg [dreg:$0x2]  }
0xec: {  	s0 =	sadd.s32 @!p0 $0x100000, s0  }
0xed: {  	[sflag:s0] =	ssyncadd.tile.s32 @!p0 $0x1;
	_ =	shalt  }
.Lfunc_end2:
_tile_overlayer_lowered:
.L_overlay_start_2:
0xee: {  	(tag) =	ssettag $0x2  }
0xef: {  	s0 =	rddreg [dreg:$0x0];
	s2 =	stileid.u32  }
0xf0: {  	s1 =	rddreg [dreg:$0x1];
	p0 =	sne.s32 s2, $0x0  }
0xf1: {  	s3 =	rddreg [dreg:$0x2];
	[bflag:$0x3] =	sbarrier.arrive $0xFFFF;
	s2 =	simm.s32 @!p0 $0x1C0E  }
0xf2: {  	[timem:s3], [sflag:s2] =	dma.local @!p0 [hbm:s0], s1  }
0xf3: {  	s0 =	simm.s32 @!p0 $0xE  }
0xf4: {  	_ =	swait.ge @!p0 [sflag:s0], s1  }
0xf5: {  	s1 =	ssub.s32 @!p0 $0x0, s1;
	[sflag:s0] =	ssyncset.done @!p0 $0x0  }
0xf6: {  	[sflag:s0] =	ssyncadd.s32 @!p0 s1  }
0xf7: {  	[bflag:$0x3] =	sbarrier.arrive $0xFFFF  }
0xf8: {  	_ =	shalt  }

</sc_bundles>
